<compile_context>
chip_gen: v7x
topology: tpu7x:2x2x1
jax: 0.10.2.dev20260603
libtpu: 0.0.44.dev20260713+nightly
codegen_flags: <defaults>
</compile_context>

<pallas_src>
import functools

import jax
import jax.numpy as jnp
from jax import lax
from jax.experimental import pallas as pl
from jax.experimental.pallas import tpu as pltpu, tpu_sc as plsc

N = 10000
E = 160000
D = 16
ED = 16
KD = 64
L2 = D * D

NC = 2
NS = 16
NW = NC * NS
CH = 128
EPW = 5120
NCH = EPW // CH
E_PAD = NW * EPW
NSP = 10240
ROWS_PER_SUB = NSP // NS


@functools.cache
def _sc_gather_kernel():
    mesh = plsc.VectorSubcoreMesh(core_axis_name="c", subcore_axis_name="s")
    return functools.partial(
        pl.kernel,
        out_type=jax.ShapeDtypeStruct((E_PAD, D), jnp.float32),
        mesh=mesh,
        scratch_types=[
            pltpu.VMEM((NCH, CH), jnp.int32),
            pltpu.VMEM((EPW, D), jnp.float32),
            pltpu.VMEM_SHARED((N, D), jnp.float32),
            pltpu.SemaphoreType.DMA,
        ],
        compiler_params=pltpu.CompilerParams(use_tc_tiling_on_sc=False),
    )(_sc_gather_body)


def _sc_gather_body(x_hbm, src_hbm, out_hbm, idx_v, rows_v, x_shared, sem):
    cid = lax.axis_index("c")
    sid = lax.axis_index("s")
    wid = sid * NC + cid
    nrows = N // NS
    pltpu.sync_copy(
        x_hbm.at[pl.ds(sid * nrows, nrows)], x_shared.at[pl.ds(sid * nrows, nrows)]
    )
    pltpu.sync_copy(src_hbm.at[wid], idx_v)
    plsc.subcore_barrier()

    def chunk_group(g, carry):
        handles = []
        for b in range(8):
            j = g * 8 + b
            handles.append(
                pltpu.async_copy(
                    x_shared.at[idx_v.at[j]], rows_v.at[pl.ds(j * CH, CH)], sem
                )
            )
        for h in handles:
            h.wait()
        return carry

    lax.fori_loop(0, NCH // 8, chunk_group, 0)
    pltpu.sync_copy(rows_v, out_hbm.at[pl.ds(wid * EPW, EPW)])


@functools.cache
def _sc_scatter_kernel():
    mesh = plsc.VectorSubcoreMesh(core_axis_name="c", subcore_axis_name="s")
    return functools.partial(
        pl.kernel,
        out_type=jax.ShapeDtypeStruct((NC, NSP, D), jnp.float32),
        mesh=mesh,
        scratch_types=[
            pltpu.VMEM((NCH, CH), jnp.int32),
            pltpu.VMEM((EPW, D), jnp.float32),
            pltpu.VMEM((ROWS_PER_SUB, D), jnp.float32),
            pltpu.VMEM_SHARED((NSP, D), jnp.float32),
            pltpu.SemaphoreType.DMA,
        ],
        compiler_params=pltpu.CompilerParams(use_tc_tiling_on_sc=False),
    )(_sc_scatter_body)


def _sc_scatter_body(msg_hbm, dst_hbm, out_hbm, idx_v, msg_v, buf_v, acc_shared, sem):
    cid = lax.axis_index("c")
    sid = lax.axis_index("s")
    wid = sid * NC + cid

    zrow = jnp.zeros((D,), jnp.float32)

    def zbody(i, carry):
        buf_v[i, :] = zrow
        return carry

    lax.fori_loop(0, ROWS_PER_SUB, zbody, 0)
    pltpu.sync_copy(buf_v, acc_shared.at[pl.ds(sid * ROWS_PER_SUB, ROWS_PER_SUB)])
    plsc.subcore_barrier()

    pltpu.sync_copy(dst_hbm.at[wid], idx_v)
    pltpu.sync_copy(msg_hbm.at[pl.ds(wid * EPW, EPW)], msg_v)

    def chunk_group(g, carry):
        handles = []
        for b in range(8):
            j = g * 8 + b
            handles.append(
                pltpu.async_copy(
                    msg_v.at[pl.ds(j * CH, CH)],
                    acc_shared.at[idx_v.at[j]],
                    sem,
                    add=True,
                )
            )
        for h in handles:
            h.wait()
        return carry

    lax.fori_loop(0, NCH // 8, chunk_group, 0)
    plsc.subcore_barrier()

    pltpu.sync_copy(acc_shared.at[pl.ds(sid * ROWS_PER_SUB, ROWS_PER_SUB)], buf_v)
    pltpu.sync_copy(buf_v, out_hbm.at[cid, pl.ds(sid * ROWS_PER_SUB, ROWS_PER_SUB)])


_TE = 1280
_PK = 8
_TR = _TE // _PK
_ER = E * D // 128
_ER_PAD = E_PAD * D // 128


def _tc_msg_body(ea, xj, k1, b1, k2, b2, k3, b3, r, s, out):
    bf = jnp.bfloat16
    h = jnp.dot(ea[...].astype(bf), k1[...], preferred_element_type=jnp.float32)
    h = jnp.maximum(h + b1[...], 0.0)
    h = jnp.dot(h.astype(bf), k2[...], preferred_element_type=jnp.float32)
    h = jnp.maximum(h + b2[...], 0.0)
    w = jnp.dot(h.astype(bf), k3[...], preferred_element_type=jnp.float32) + b3[...]
    xe = jnp.dot(xj[...].astype(bf), r[...], preferred_element_type=jnp.float32)
    out[...] = jnp.dot((xe * w).astype(bf), s[...],
                       preferred_element_type=jnp.float32)


def _tc_msg(ea_p, xj_p, k1, b1, k2, b2, k3, b3, r, s):
    grid = E // _TE
    full = lambda shape: pl.BlockSpec(shape, lambda i: (0, 0))
    return pl.pallas_call(
        _tc_msg_body,
        grid=grid,
        in_specs=[
            pl.BlockSpec((_TR, 128), lambda i: (i, 0)),
            pl.BlockSpec((_TR, 128), lambda i: (i, 0)),
            full((_PK * ED, _PK * KD)),
            full((1, _PK * KD)),
            full((_PK * KD, _PK * KD)),
            full((1, _PK * KD)),
            full((_PK * KD, _PK * L2)),
            full((1, _PK * L2)),
            full((_PK * D, _PK * L2)),
            full((_PK * L2, _PK * D)),
        ],
        out_specs=pl.BlockSpec((_TR, 128), lambda i: (i, 0)),
        out_shape=jax.ShapeDtypeStruct((_ER_PAD, 128), jnp.float32),
        compiler_params=pltpu.CompilerParams(
            dimension_semantics=("arbitrary",),
        ),
    )(ea_p, xj_p, k1, b1, k2, b2, k3, b3, r, s)


def _tc_update_body(p, x, root, bias, out, *, apply_gelu):
    y = (
        p[0]
        + p[1]
        + jnp.dot(x[...], root[...], preferred_element_type=jnp.float32)
        + bias[...]
    )
    if apply_gelu:
        y = 0.5 * y * (1.0 + lax.erf(y * 0.7071067811865476))
    out[...] = y


def _tc_update(parts, x, root, bias, apply_gelu):
    return pl.pallas_call(
        functools.partial(_tc_update_body, apply_gelu=apply_gelu),
        grid=1,
        in_specs=[
            pl.BlockSpec((NC, N, D), lambda i: (0, 0, 0)),
            pl.BlockSpec((N, D), lambda i: (0, 0)),
            pl.BlockSpec((D, D), lambda i: (0, 0)),
            pl.BlockSpec((1, D), lambda i: (0, 0)),
        ],
        out_specs=pl.BlockSpec((N, D), lambda i: (0, 0)),
        out_shape=jax.ShapeDtypeStruct((N, D), jnp.float32),
    )(parts, x, root, bias)


def kernel(nodes, edge_index, edge_attr, KW1, Kb1, KW2, Kb2, KW3, Kb3,
           root0, bias0, root1, bias1):
    src = edge_index[0]
    dst = edge_index[1]
    pad = E_PAD - E
    src_c = jnp.concatenate([src, jnp.zeros((pad,), jnp.int32)]).reshape(NW, NCH, CH)
    dst_c = jnp.concatenate([dst, jnp.full((pad,), N, jnp.int32)]).reshape(NW, NCH, CH)

    m = jnp.arange(L2)
    r_mat = (jnp.arange(D)[:, None] == (m // D)[None, :]).astype(jnp.float32)
    s_mat = ((m % D)[:, None] == jnp.arange(D)[None, :]).astype(jnp.float32)

    bf = jnp.bfloat16
    eye8 = jnp.eye(_PK, dtype=jnp.float32)
    k1 = jnp.kron(eye8, KW1).astype(bf)
    k2 = jnp.kron(eye8, KW2).astype(bf)
    k3 = jnp.kron(eye8, KW3).astype(bf)
    r_p = jnp.kron(eye8, r_mat).astype(bf)
    s_p = jnp.kron(eye8, s_mat).astype(bf)
    b1_p = jnp.tile(Kb1, _PK).reshape(1, _PK * KD)
    b2_p = jnp.tile(Kb2, _PK).reshape(1, _PK * KD)
    b3_p = jnp.tile(Kb3, _PK).reshape(1, _PK * L2)
    b0 = bias0.reshape(1, D)
    b1 = bias1.reshape(1, D)

    ea_p = edge_attr.reshape(_ER, 128)

    x = nodes
    for root, bias, gelu in ((root0, b0, True), (root1, b1, False)):
        xj = _sc_gather_kernel()(x, src_c)
        msg_p = _tc_msg(ea_p, xj.reshape(_ER_PAD, 128),
                        k1, b1_p, k2, b2_p, k3, b3_p, r_p, s_p)
        parts = _sc_scatter_kernel()(msg_p.reshape(E_PAD, D), dst_c)
        x = _tc_update(parts, x, root, bias, gelu)
    return x

# --- scband reference (transcript-rebuilt; emitter-appended) ---
"""Pipeline reference for scband-gnoblock-30494267802182 (READ-ONLY COPY).

The authoritative reference and input builder live on the scoring server;
editing this copy changes nothing except your own understanding.
"""

import jax, jax.numpy as jnp
import numpy as np

N = 10000
E = 160000
D = 16          # in_dims = out_dims = latent_dims
ED = 16         # edge_dims
KD = 64         # kernel_dims
L2 = D * D      # latent_dims**2 = 256


def _uniform(key, shape, size):
    b = 1.0 / np.sqrt(size)
    return jax.random.uniform(key, shape, minval=-b, maxval=b, dtype=jnp.float32)


def setup_inputs(seed: int = 0) -> dict:
    key = jax.random.key(seed)
    ks = jax.random.split(key, 13)
    nodes = jax.random.normal(ks[0], (N, D), dtype=jnp.float32)
    edge_index = jax.random.randint(ks[1], (2, E), 0, N, dtype=jnp.int32)
    edge_attr = jax.random.uniform(ks[2], (E, ED), dtype=jnp.float32)
    # shared kernel DenseNet: [ED -> KD -> KD -> D*D]
    KW1 = _uniform(ks[3], (ED, KD), ED)
    Kb1 = _uniform(ks[4], (KD,), ED)
    KW2 = _uniform(ks[5], (KD, KD), KD)
    Kb2 = _uniform(ks[6], (KD,), KD)
    KW3 = _uniform(ks[7], (KD, L2), KD)
    Kb3 = _uniform(ks[8], (L2,), KD)
    # per-block root weights / biases (uniform(size=in_channels) as in NNConv.reset_parameters)
    root0 = _uniform(ks[9], (D, D), D)
    bias0 = _uniform(ks[10], (D,), D)
    root1 = _uniform(ks[11], (D, D), D)
    bias1 = _uniform(ks[12], (D,), D)
    return {"nodes": nodes, "edge_index": edge_index, "edge_attr": edge_attr,
            "KW1": KW1, "Kb1": Kb1, "KW2": KW2, "Kb2": Kb2, "KW3": KW3, "Kb3": Kb3,
            "root0": root0, "bias0": bias0, "root1": root1, "bias1": bias1}


def _kernel(pseudo, KW1, Kb1, KW2, Kb2, KW3, Kb3):
    h = jax.nn.relu(pseudo @ KW1 + Kb1)
    h = jax.nn.relu(h @ KW2 + Kb2)
    return h @ KW3 + Kb3


def reference(nodes, edge_index, edge_attr, KW1, Kb1, KW2, Kb2, KW3, Kb3, root0, bias0, root1, bias1):
    src = edge_index[0]
    dst = edge_index[1]
    # kernel is a single shared DenseNet instance across both NNConv blocks;
    # edge_attr is constant across passes, so per-edge weight matrices are identical each pass.
    w = _kernel(edge_attr, KW1, Kb1, KW2, Kb2, KW3, Kb3).reshape(-1, D, D)
    x = nodes
    # pass 1 (activation = gelu)
    xj = jnp.take(x, src, axis=0)
    msg = jnp.einsum('ei,eio->eo', xj, w)
    aggr = jax.ops.segment_sum(msg, dst, num_segments=N)
    x = jax.nn.gelu(aggr + x @ root0 + bias0, approximate=False)
    # pass 2 (last block: activation = identity)
    xj = jnp.take(x, src, axis=0)
    msg = jnp.einsum('ei,eio->eo', xj, w)
    aggr = jax.ops.segment_sum(msg, dst, num_segments=N)
    x = aggr + x @ root1 + bias1
    return x

if __name__ == "__main__":
    import jax
    _d = setup_inputs()
    print(jax.jit(kernel)(*tuple(_d.values())))

</pallas_src>

<mosaic_0001>
#map = affine_map<(d0, d1) -> (0, 0)>
#map1 = affine_map<(d0, d1) -> (0, 0, 0)>
module attributes {stable_mosaic.version = 14 : i64} {
  func.func @_sc_scatter_body(%arg0: i32, %arg1: i32, %arg2: memref<163840x16xf32, #tpu.memory_space<hbm>>, %arg3: memref<32x40x128xi32, #tpu.memory_space<hbm>>, %arg4: memref<2x10240x16xf32, #tpu.memory_space<hbm>>, %arg5: memref<40x128xi32, #tpu.memory_space<vmem>>, %arg6: memref<5120x16xf32, #tpu.memory_space<vmem>>, %arg7: memref<640x16xf32, #tpu.memory_space<vmem>>, %arg8: memref<10240x16xf32, #tpu.memory_space<vmem_shared>>, %arg9: memref<!tpu.dma_semaphore, #tpu.memory_space<semaphore_mem>>) attributes {dimension_semantics = [#tpu.dimension_semantics<core_parallel>, #tpu.dimension_semantics<subcore_parallel>], iteration_bounds = array<i64: 2, 16>, scalar_prefetch = 0 : i64, scratch_operands = 5 : i64, tpu.core_type = #tpu.core_type<sc_vector_subcore>, window_params = [{transform_indices = #map}, {transform_indices = #map1}, {transform_indices = #map1}]} {
    %mul3A = arith.constant 2 : i32
    %mul3A_0 = arith.muli %arg1, %mul3A : i32
    %add3A = arith.addi %mul3A_0, %arg0 : i32
    %broadcast_in_dim3A = arith.constant 0.000000e+00 : f32
    %broadcast_in_dim3A_1 = vector.broadcast %broadcast_in_dim3A : f32 to vector<16xf32>
    %scan3A = arith.constant 0 : i32
    %scan3A_2 = arith.constant 0 : i32
    %scan3A_3 = arith.constant 640 : i32
    %scan3A_4 = arith.addi %scan3A_2, %scan3A_3 : i32
    %scan3A_5 = arith.constant 1 : i32
    scf.for %scan3A_22 = %scan3A_2 to %scan3A_4 step %scan3A_5  : i32 {
      %swap3A = arith.index_cast %scan3A_22 : i32 to index
      %swap3A_23 = arith.constant 0 : index
      %swap3A_24 = tpu.vector_load %arg7[%swap3A, %swap3A_23] {strides = array<i32>} : memref<640x16xf32, #tpu.memory_space<vmem>>, vector<1x16xf32>,
      %swap3A_25 = vector.shape_cast %swap3A_24 : vector<1x16xf32> to vector<16xf32>
      %swap3A_26 = vector.shape_cast %broadcast_in_dim3A_1 : vector<16xf32> to vector<1x16xf32>
      tpu.vector_store %arg7[%swap3A, %swap3A_23], %swap3A_26 {strides = array<i32>} : memref<640x16xf32, #tpu.memory_space<vmem>>, vector<1x16xf32>,
    }
    %scan3A_6 = arith.constant 640 : i32
    %mul3A_7 = arith.constant 640 : i32
    %mul3A_8 = arith.muli %arg1, %mul3A_7 : i32
    "tpu.region"() ({
      %run_scoped3A = tpu.sem_alloc : memref<!tpu.dma_semaphore, #tpu.memory_space<semaphore_mem>>
      %dma_start3A = arith.constant 0 : i32
      %dma_start3A_22 = tpu.memref_slice %arg8[%mul3A_8, %dma_start3A] : memref<10240x16xf32, #tpu.memory_space<vmem_shared>> -> memref<640x16xf32, #tpu.memory_space<vmem_shared>>
      %dma_start3A_23 = arith.constant 0 : i32
      %dma_start3A_24 = tpu.memref_slice %arg8[%mul3A_8, %dma_start3A_23] : memref<10240x16xf32, #tpu.memory_space<vmem_shared>> -> memref<640x16xf32, #tpu.memory_space<vmem_shared>>
      tpu.enqueue_dma source(%arg7 : memref<640x16xf32, #tpu.memory_space<vmem>>) target(%dma_start3A_24 : memref<640x16xf32, #tpu.memory_space<vmem_shared>>) target_semaphore(%run_scoped3A : memref<!tpu.dma_semaphore, #tpu.memory_space<semaphore_mem>>)
      %dma_wait3A = arith.constant 0 : i32
      %dma_wait3A_25 = tpu.memref_slice %arg8[%mul3A_8, %dma_wait3A] : memref<10240x16xf32, #tpu.memory_space<vmem_shared>> -> memref<640x16xf32, #tpu.memory_space<vmem_shared>>
      %dma_wait3A_26 = arith.constant 0 : i32
      %dma_wait3A_27 = tpu.memref_slice %arg8[%mul3A_8, %dma_wait3A_26] : memref<10240x16xf32, #tpu.memory_space<vmem_shared>> -> memref<640x16xf32, #tpu.memory_space<vmem_shared>>
      tpu.wait_dma2 semaphore(%run_scoped3A : memref<!tpu.dma_semaphore, #tpu.memory_space<semaphore_mem>>) src(%arg7 : memref<640x16xf32, #tpu.memory_space<vmem>>) dst(%dma_wait3A_27 : memref<640x16xf32, #tpu.memory_space<vmem_shared>>)
      tpu.yield
    }) : () -> ()
    %barrier3A = arith.constant 0 : index
    tpu.barrier barrier_id(%barrier3A)
    "tpu.region"() ({
      %run_scoped3A = tpu.sem_alloc : memref<!tpu.dma_semaphore, #tpu.memory_space<semaphore_mem>>
      %dma_start3A = arith.constant 0 : i32
      %dma_start3A_22 = arith.constant 0 : i32
      %dma_start3A_23 = tpu.memref_slice %arg3[%add3A, %dma_start3A, %dma_start3A_22] : memref<32x40x128xi32, #tpu.memory_space<hbm>> -> memref<1x40x128xi32, #tpu.memory_space<hbm>>
      %dma_start3A_24 = tpu.memref_squeeze %dma_start3A_23 : memref<1x40x128xi32, #tpu.memory_space<hbm>> -> memref<40x128xi32, #tpu.memory_space<hbm>>
      %dma_start3A_25 = arith.constant 0 : i32
      %dma_start3A_26 = arith.constant 0 : i32
      %dma_start3A_27 = tpu.memref_slice %arg3[%add3A, %dma_start3A_25, %dma_start3A_26] : memref<32x40x128xi32, #tpu.memory_space<hbm>> -> memref<1x40x128xi32, #tpu.memory_space<hbm>>
      %dma_start3A_28 = tpu.memref_squeeze %dma_start3A_27 : memref<1x40x128xi32, #tpu.memory_space<hbm>> -> memref<40x128xi32, #tpu.memory_space<hbm>>
      tpu.enqueue_dma source(%dma_start3A_28 : memref<40x128xi32, #tpu.memory_space<hbm>>) target(%arg5 : memref<40x128xi32, #tpu.memory_space<vmem>>) target_semaphore(%run_scoped3A : memref<!tpu.dma_semaphore, #tpu.memory_space<semaphore_mem>>)
      %dma_wait3A = arith.constant 0 : i32
      %dma_wait3A_29 = arith.constant 0 : i32
      %dma_wait3A_30 = tpu.memref_slice %arg3[%add3A, %dma_wait3A, %dma_wait3A_29] : memref<32x40x128xi32, #tpu.memory_space<hbm>> -> memref<1x40x128xi32, #tpu.memory_space<hbm>>
      %dma_wait3A_31 = tpu.memref_squeeze %dma_wait3A_30 : memref<1x40x128xi32, #tpu.memory_space<hbm>> -> memref<40x128xi32, #tpu.memory_space<hbm>>
      %dma_wait3A_32 = arith.constant 0 : i32
      %dma_wait3A_33 = arith.constant 0 : i32
      %dma_wait3A_34 = tpu.memref_slice %arg3[%add3A, %dma_wait3A_32, %dma_wait3A_33] : memref<32x40x128xi32, #tpu.memory_space<hbm>> -> memref<1x40x128xi32, #tpu.memory_space<hbm>>
      %dma_wait3A_35 = tpu.memref_squeeze %dma_wait3A_34 : memref<1x40x128xi32, #tpu.memory_space<hbm>> -> memref<40x128xi32, #tpu.memory_space<hbm>>
      tpu.wait_dma2 semaphore(%run_scoped3A : memref<!tpu.dma_semaphore, #tpu.memory_space<semaphore_mem>>) src(%dma_wait3A_35 : memref<40x128xi32, #tpu.memory_space<hbm>>) dst(%arg5 : memref<40x128xi32, #tpu.memory_space<vmem>>)
      tpu.yield
    }) : () -> ()
    %mul3A_9 = arith.constant 5120 : i32
    %mul3A_10 = arith.muli %add3A, %mul3A_9 : i32
    "tpu.region"() ({
      %run_scoped3A = tpu.sem_alloc : memref<!tpu.dma_semaphore, #tpu.memory_space<semaphore_mem>>
      %dma_start3A = arith.constant 0 : i32
      %dma_start3A_22 = tpu.memref_slice %arg2[%mul3A_10, %dma_start3A] : memref<163840x16xf32, #tpu.memory_space<hbm>> -> memref<5120x16xf32, #tpu.memory_space<hbm>>
      %dma_start3A_23 = arith.constant 0 : i32
      %dma_start3A_24 = tpu.memref_slice %arg2[%mul3A_10, %dma_start3A_23] : memref<163840x16xf32, #tpu.memory_space<hbm>> -> memref<5120x16xf32, #tpu.memory_space<hbm>>
      tpu.enqueue_dma source(%dma_start3A_24 : memref<5120x16xf32, #tpu.memory_space<hbm>>) target(%arg6 : memref<5120x16xf32, #tpu.memory_space<vmem>>) target_semaphore(%run_scoped3A : memref<!tpu.dma_semaphore, #tpu.memory_space<semaphore_mem>>)
      %dma_wait3A = arith.constant 0 : i32
      %dma_wait3A_25 = tpu.memref_slice %arg2[%mul3A_10, %dma_wait3A] : memref<163840x16xf32, #tpu.memory_space<hbm>> -> memref<5120x16xf32, #tpu.memory_space<hbm>>
      %dma_wait3A_26 = arith.constant 0 : i32
      %dma_wait3A_27 = tpu.memref_slice %arg2[%mul3A_10, %dma_wait3A_26] : memref<163840x16xf32, #tpu.memory_space<hbm>> -> memref<5120x16xf32, #tpu.memory_space<hbm>>
      tpu.wait_dma2 semaphore(%run_scoped3A : memref<!tpu.dma_semaphore, #tpu.memory_space<semaphore_mem>>) src(%dma_wait3A_27 : memref<5120x16xf32, #tpu.memory_space<hbm>>) dst(%arg6 : memref<5120x16xf32, #tpu.memory_space<vmem>>)
      tpu.yield
    }) : () -> ()
    %scan3A_11 = arith.constant 0 : i32
    %scan3A_12 = arith.constant 0 : i32
    %scan3A_13 = arith.constant 5 : i32
    %scan3A_14 = arith.addi %scan3A_12, %scan3A_13 : i32
    %scan3A_15 = arith.constant 1 : i32
    scf.for %scan3A_22 = %scan3A_12 to %scan3A_14 step %scan3A_15  : i32 {
      %mul3A_23 = arith.constant 8 : i32
      %mul3A_24 = arith.muli %scan3A_22, %mul3A_23 : i32
      %add3A_25 = arith.constant 0 : i32
      %add3A_26 = arith.addi %mul3A_24, %add3A_25 : i32
      %mul3A_27 = arith.constant 128 : i32
      %mul3A_28 = arith.muli %add3A_26, %mul3A_27 : i32
      %dma_start3A = arith.constant 0 : i32
      %dma_start3A_29 = tpu.memref_slice %arg6[%mul3A_28, %dma_start3A] : memref<5120x16xf32, #tpu.memory_space<vmem>> -> memref<128x16xf32, #tpu.memory_space<vmem>>
      %dma_start3A_30 = arith.constant 0 : i32
      %dma_start3A_31 = tpu.memref_slice %arg5[%add3A_26, %dma_start3A_30] : memref<40x128xi32, #tpu.memory_space<vmem>> -> memref<1x128xi32, #tpu.memory_space<vmem>>
      %dma_start3A_32 = tpu.memref_squeeze %dma_start3A_31 : memref<1x128xi32, #tpu.memory_space<vmem>> -> memref<128xi32, #tpu.memory_space<vmem>>
      %dma_start3A_33 = arith.constant 0 : i32
      %dma_start3A_34 = arith.constant 0 : i32
      %dma_start3A_35 = tpu.memref_slice %arg8[%dma_start3A_33, %dma_start3A_34] : memref<10240x16xf32, #tpu.memory_space<vmem_shared>> -> memref<10240x16xf32, #tpu.memory_space<vmem_shared>>
      tpu.enqueue_indirect_dma source(%dma_start3A_29 : memref<128x16xf32, #tpu.memory_space<vmem>>) target(%dma_start3A_35 : memref<10240x16xf32, #tpu.memory_space<vmem_shared>>) offsets(%dma_start3A_32 : memref<128xi32, #tpu.memory_space<vmem>>) semaphore(%arg9 : memref<!tpu.dma_semaphore, #tpu.memory_space<semaphore_mem>>) {add = true}
      %mul3A_36 = arith.constant 8 : i32
      %mul3A_37 = arith.muli %scan3A_22, %mul3A_36 : i32
      %add3A_38 = arith.constant 1 : i32
      %add3A_39 = arith.addi %mul3A_37, %add3A_38 : i32
      %mul3A_40 = arith.constant 128 : i32
      %mul3A_41 = arith.muli %add3A_39, %mul3A_40 : i32
      %dma_start3A_42 = arith.constant 0 : i32
      %dma_start3A_43 = tpu.memref_slice %arg6[%mul3A_41, %dma_start3A_42] : memref<5120x16xf32, #tpu.memory_space<vmem>> -> memref<128x16xf32, #tpu.memory_space<vmem>>
      %dma_start3A_44 = arith.constant 0 : i32
      %dma_start3A_45 = tpu.memref_slice %arg5[%add3A_39, %dma_start3A_44] : memref<40x128xi32, #tpu.memory_space<vmem>> -> memref<1x128xi32, #tpu.memory_space<vmem>>
      %dma_start3A_46 = tpu.memref_squeeze %dma_start3A_45 : memref<1x128xi32, #tpu.memory_space<vmem>> -> memref<128xi32, #tpu.memory_space<vmem>>
      %dma_start3A_47 = arith.constant 0 : i32
      %dma_start3A_48 = arith.constant 0 : i32
      %dma_start3A_49 = tpu.memref_slice %arg8[%dma_start3A_47, %dma_start3A_48] : memref<10240x16xf32, #tpu.memory_space<vmem_shared>> -> memref<10240x16xf32, #tpu.memory_space<vmem_shared>>
      tpu.enqueue_indirect_dma source(%dma_start3A_43 : memref<128x16xf32, #tpu.memory_space<vmem>>) target(%dma_start3A_49 : memref<10240x16xf32, #tpu.memory_space<vmem_shared>>) offsets(%dma_start3A_46 : memref<128xi32, #tpu.memory_space<vmem>>) semaphore(%arg9 : memref<!tpu.dma_semaphore, #tpu.memory_space<semaphore_mem>>) {add = true}
      %mul3A_50 = arith.constant 8 : i32
      %mul3A_51 = arith.muli %scan3A_22, %mul3A_50 : i32
      %add3A_52 = arith.constant 2 : i32
      %add3A_53 = arith.addi %mul3A_51, %add3A_52 : i32
      %mul3A_54 = arith.constant 128 : i32
      %mul3A_55 = arith.muli %add3A_53, %mul3A_54 : i32
      %dma_start3A_56 = arith.constant 0 : i32
      %dma_start3A_57 = tpu.memref_slice %arg6[%mul3A_55, %dma_start3A_56] : memref<5120x16xf32, #tpu.memory_space<vmem>> -> memref<128x16xf32, #tpu.memory_space<vmem>>
      %dma_start3A_58 = arith.constant 0 : i32
      %dma_start3A_59 = tpu.memref_slice %arg5[%add3A_53, %dma_start3A_58] : memref<40x128xi32, #tpu.memory_space<vmem>> -> memref<1x128xi32, #tpu.memory_space<vmem>>
      %dma_start3A_60 = tpu.memref_squeeze %dma_start3A_59 : memref<1x128xi32, #tpu.memory_space<vmem>> -> memref<128xi32, #tpu.memory_space<vmem>>
      %dma_start3A_61 = arith.constant 0 : i32
      %dma_start3A_62 = arith.constant 0 : i32
      %dma_start3A_63 = tpu.memref_slice %arg8[%dma_start3A_61, %dma_start3A_62] : memref<10240x16xf32, #tpu.memory_space<vmem_shared>> -> memref<10240x16xf32, #tpu.memory_space<vmem_shared>>
      tpu.enqueue_indirect_dma source(%dma_start3A_57 : memref<128x16xf32, #tpu.memory_space<vmem>>) target(%dma_start3A_63 : memref<10240x16xf32, #tpu.memory_space<vmem_shared>>) offsets(%dma_start3A_60 : memref<128xi32, #tpu.memory_space<vmem>>) semaphore(%arg9 : memref<!tpu.dma_semaphore, #tpu.memory_space<semaphore_mem>>) {add = true}
      %mul3A_64 = arith.constant 8 : i32
      %mul3A_65 = arith.muli %scan3A_22, %mul3A_64 : i32
      %add3A_66 = arith.constant 3 : i32
      %add3A_67 = arith.addi %mul3A_65, %add3A_66 : i32
      %mul3A_68 = arith.constant 128 : i32
      %mul3A_69 = arith.muli %add3A_67, %mul3A_68 : i32
      %dma_start3A_70 = arith.constant 0 : i32
      %dma_start3A_71 = tpu.memref_slice %arg6[%mul3A_69, %dma_start3A_70] : memref<5120x16xf32, #tpu.memory_space<vmem>> -> memref<128x16xf32, #tpu.memory_space<vmem>>
      %dma_start3A_72 = arith.constant 0 : i32
      %dma_start3A_73 = tpu.memref_slice %arg5[%add3A_67, %dma_start3A_72] : memref<40x128xi32, #tpu.memory_space<vmem>> -> memref<1x128xi32, #tpu.memory_space<vmem>>
      %dma_start3A_74 = tpu.memref_squeeze %dma_start3A_73 : memref<1x128xi32, #tpu.memory_space<vmem>> -> memref<128xi32, #tpu.memory_space<vmem>>
      %dma_start3A_75 = arith.constant 0 : i32
      %dma_start3A_76 = arith.constant 0 : i32
      %dma_start3A_77 = tpu.memref_slice %arg8[%dma_start3A_75, %dma_start3A_76] : memref<10240x16xf32, #tpu.memory_space<vmem_shared>> -> memref<10240x16xf32, #tpu.memory_space<vmem_shared>>
      tpu.enqueue_indirect_dma source(%dma_start3A_71 : memref<128x16xf32, #tpu.memory_space<vmem>>) target(%dma_start3A_77 : memref<10240x16xf32, #tpu.memory_space<vmem_shared>>) offsets(%dma_start3A_74 : memref<128xi32, #tpu.memory_space<vmem>>) semaphore(%arg9 : memref<!tpu.dma_semaphore, #tpu.memory_space<semaphore_mem>>) {add = true}
      %mul3A_78 = arith.constant 8 : i32
      %mul3A_79 = arith.muli %scan3A_22, %mul3A_78 : i32
      %add3A_80 = arith.constant 4 : i32
      %add3A_81 = arith.addi %mul3A_79, %add3A_80 : i32
      %mul3A_82 = arith.constant 128 : i32
      %mul3A_83 = arith.muli %add3A_81, %mul3A_82 : i32
      %dma_start3A_84 = arith.constant 0 : i32
      %dma_start3A_85 = tpu.memref_slice %arg6[%mul3A_83, %dma_start3A_84] : memref<5120x16xf32, #tpu.memory_space<vmem>> -> memref<128x16xf32, #tpu.memory_space<vmem>>
      %dma_start3A_86 = arith.constant 0 : i32
      %dma_start3A_87 = tpu.memref_slice %arg5[%add3A_81, %dma_start3A_86] : memref<40x128xi32, #tpu.memory_space<vmem>> -> memref<1x128xi32, #tpu.memory_space<vmem>>
      %dma_start3A_88 = tpu.memref_squeeze %dma_start3A_87 : memref<1x128xi32, #tpu.memory_space<vmem>> -> memref<128xi32, #tpu.memory_space<vmem>>
      %dma_start3A_89 = arith.constant 0 : i32
      %dma_start3A_90 = arith.constant 0 : i32
      %dma_start3A_91 = tpu.memref_slice %arg8[%dma_start3A_89, %dma_start3A_90] : memref<10240x16xf32, #tpu.memory_space<vmem_shared>> -> memref<10240x16xf32, #tpu.memory_space<vmem_shared>>
      tpu.enqueue_indirect_dma source(%dma_start3A_85 : memref<128x16xf32, #tpu.memory_space<vmem>>) target(%dma_start3A_91 : memref<10240x16xf32, #tpu.memory_space<vmem_shared>>) offsets(%dma_start3A_88 : memref<128xi32, #tpu.memory_space<vmem>>) semaphore(%arg9 : memref<!tpu.dma_semaphore, #tpu.memory_space<semaphore_mem>>) {add = true}
      %mul3A_92 = arith.constant 8 : i32
      %mul3A_93 = arith.muli %scan3A_22, %mul3A_92 : i32
      %add3A_94 = arith.constant 5 : i32
      %add3A_95 = arith.addi %mul3A_93, %add3A_94 : i32
      %mul3A_96 = arith.constant 128 : i32
      %mul3A_97 = arith.muli %add3A_95, %mul3A_96 : i32
      %dma_start3A_98 = arith.constant 0 : i32
      %dma_start3A_99 = tpu.memref_slice %arg6[%mul3A_97, %dma_start3A_98] : memref<5120x16xf32, #tpu.memory_space<vmem>> -> memref<128x16xf32, #tpu.memory_space<vmem>>
      %dma_start3A_100 = arith.constant 0 : i32
      %dma_start3A_101 = tpu.memref_slice %arg5[%add3A_95, %dma_start3A_100] : memref<40x128xi32, #tpu.memory_space<vmem>> -> memref<1x128xi32, #tpu.memory_space<vmem>>
      %dma_start3A_102 = tpu.memref_squeeze %dma_start3A_101 : memref<1x128xi32, #tpu.memory_space<vmem>> -> memref<128xi32, #tpu.memory_space<vmem>>
      %dma_start3A_103 = arith.constant 0 : i32
      %dma_start3A_104 = arith.constant 0 : i32
      %dma_start3A_105 = tpu.memref_slice %arg8[%dma_start3A_103, %dma_start3A_104] : memref<10240x16xf32, #tpu.memory_space<vmem_shared>> -> memref<10240x16xf32, #tpu.memory_space<vmem_shared>>
      tpu.enqueue_indirect_dma source(%dma_start3A_99 : memref<128x16xf32, #tpu.memory_space<vmem>>) target(%dma_start3A_105 : memref<10240x16xf32, #tpu.memory_space<vmem_shared>>) offsets(%dma_start3A_102 : memref<128xi32, #tpu.memory_space<vmem>>) semaphore(%arg9 : memref<!tpu.dma_semaphore, #tpu.memory_space<semaphore_mem>>) {add = true}
      %mul3A_106 = arith.constant 8 : i32
      %mul3A_107 = arith.muli %scan3A_22, %mul3A_106 : i32
      %add3A_108 = arith.constant 6 : i32
      %add3A_109 = arith.addi %mul3A_107, %add3A_108 : i32
      %mul3A_110 = arith.constant 128 : i32
      %mul3A_111 = arith.muli %add3A_109, %mul3A_110 : i32
      %dma_start3A_112 = arith.constant 0 : i32
      %dma_start3A_113 = tpu.memref_slice %arg6[%mul3A_111, %dma_start3A_112] : memref<5120x16xf32, #tpu.memory_space<vmem>> -> memref<128x16xf32, #tpu.memory_space<vmem>>
      %dma_start3A_114 = arith.constant 0 : i32
      %dma_start3A_115 = tpu.memref_slice %arg5[%add3A_109, %dma_start3A_114] : memref<40x128xi32, #tpu.memory_space<vmem>> -> memref<1x128xi32, #tpu.memory_space<vmem>>
      %dma_start3A_116 = tpu.memref_squeeze %dma_start3A_115 : memref<1x128xi32, #tpu.memory_space<vmem>> -> memref<128xi32, #tpu.memory_space<vmem>>
      %dma_start3A_117 = arith.constant 0 : i32
      %dma_start3A_118 = arith.constant 0 : i32
      %dma_start3A_119 = tpu.memref_slice %arg8[%dma_start3A_117, %dma_start3A_118] : memref<10240x16xf32, #tpu.memory_space<vmem_shared>> -> memref<10240x16xf32, #tpu.memory_space<vmem_shared>>
      tpu.enqueue_indirect_dma source(%dma_start3A_113 : memref<128x16xf32, #tpu.memory_space<vmem>>) target(%dma_start3A_119 : memref<10240x16xf32, #tpu.memory_space<vmem_shared>>) offsets(%dma_start3A_116 : memref<128xi32, #tpu.memory_space<vmem>>) semaphore(%arg9 : memref<!tpu.dma_semaphore, #tpu.memory_space<semaphore_mem>>) {add = true}
      %mul3A_120 = arith.constant 8 : i32
      %mul3A_121 = arith.muli %scan3A_22, %mul3A_120 : i32
      %add3A_122 = arith.constant 7 : i32
      %add3A_123 = arith.addi %mul3A_121, %add3A_122 : i32
      %mul3A_124 = arith.constant 128 : i32
      %mul3A_125 = arith.muli %add3A_123, %mul3A_124 : i32
      %dma_start3A_126 = arith.constant 0 : i32
      %dma_start3A_127 = tpu.memref_slice %arg6[%mul3A_125, %dma_start3A_126] : memref<5120x16xf32, #tpu.memory_space<vmem>> -> memref<128x16xf32, #tpu.memory_space<vmem>>
      %dma_start3A_128 = arith.constant 0 : i32
      %dma_start3A_129 = tpu.memref_slice %arg5[%add3A_123, %dma_start3A_128] : memref<40x128xi32, #tpu.memory_space<vmem>> -> memref<1x128xi32, #tpu.memory_space<vmem>>
      %dma_start3A_130 = tpu.memref_squeeze %dma_start3A_129 : memref<1x128xi32, #tpu.memory_space<vmem>> -> memref<128xi32, #tpu.memory_space<vmem>>
      %dma_start3A_131 = arith.constant 0 : i32
      %dma_start3A_132 = arith.constant 0 : i32
      %dma_start3A_133 = tpu.memref_slice %arg8[%dma_start3A_131, %dma_start3A_132] : memref<10240x16xf32, #tpu.memory_space<vmem_shared>> -> memref<10240x16xf32, #tpu.memory_space<vmem_shared>>
      tpu.enqueue_indirect_dma source(%dma_start3A_127 : memref<128x16xf32, #tpu.memory_space<vmem>>) target(%dma_start3A_133 : memref<10240x16xf32, #tpu.memory_space<vmem_shared>>) offsets(%dma_start3A_130 : memref<128xi32, #tpu.memory_space<vmem>>) semaphore(%arg9 : memref<!tpu.dma_semaphore, #tpu.memory_space<semaphore_mem>>) {add = true}
      %dma_wait3A = arith.constant 0 : i32
      %dma_wait3A_134 = tpu.memref_slice %arg6[%mul3A_28, %dma_wait3A] : memref<5120x16xf32, #tpu.memory_space<vmem>> -> memref<128x16xf32, #tpu.memory_space<vmem>>
      %dma_wait3A_135 = arith.constant 0 : i32
      %dma_wait3A_136 = tpu.memref_slice %arg5[%add3A_26, %dma_wait3A_135] : memref<40x128xi32, #tpu.memory_space<vmem>> -> memref<1x128xi32, #tpu.memory_space<vmem>>
      %dma_wait3A_137 = tpu.memref_squeeze %dma_wait3A_136 : memref<1x128xi32, #tpu.memory_space<vmem>> -> memref<128xi32, #tpu.memory_space<vmem>>
      %dma_wait3A_138 = arith.constant 0 : i32
      %dma_wait3A_139 = arith.constant 0 : i32
      %dma_wait3A_140 = tpu.memref_slice %arg8[%dma_wait3A_138, %dma_wait3A_139] : memref<10240x16xf32, #tpu.memory_space<vmem_shared>> -> memref<10240x16xf32, #tpu.memory_space<vmem_shared>>
      tpu.wait_indirect_dma semaphore(%arg9 : memref<!tpu.dma_semaphore, #tpu.memory_space<semaphore_mem>>) src(%dma_wait3A_134 : memref<128x16xf32, #tpu.memory_space<vmem>>) dst(%dma_wait3A_140 : memref<10240x16xf32, #tpu.memory_space<vmem_shared>>)
      %dma_wait3A_141 = arith.constant 0 : i32
      %dma_wait3A_142 = tpu.memref_slice %arg6[%mul3A_41, %dma_wait3A_141] : memref<5120x16xf32, #tpu.memory_space<vmem>> -> memref<128x16xf32, #tpu.memory_space<vmem>>
      %dma_wait3A_143 = arith.constant 0 : i32
      %dma_wait3A_144 = tpu.memref_slice %arg5[%add3A_39, %dma_wait3A_143] : memref<40x128xi32, #tpu.memory_space<vmem>> -> memref<1x128xi32, #tpu.memory_space<vmem>>
      %dma_wait3A_145 = tpu.memref_squeeze %dma_wait3A_144 : memref<1x128xi32, #tpu.memory_space<vmem>> -> memref<128xi32, #tpu.memory_space<vmem>>
      %dma_wait3A_146 = arith.constant 0 : i32
      %dma_wait3A_147 = arith.constant 0 : i32
      %dma_wait3A_148 = tpu.memref_slice %arg8[%dma_wait3A_146, %dma_wait3A_147] : memref<10240x16xf32, #tpu.memory_space<vmem_shared>> -> memref<10240x16xf32, #tpu.memory_space<vmem_shared>>
      tpu.wait_indirect_dma semaphore(%arg9 : memref<!tpu.dma_semaphore, #tpu.memory_space<semaphore_mem>>) src(%dma_wait3A_142 : memref<128x16xf32, #tpu.memory_space<vmem>>) dst(%dma_wait3A_148 : memref<10240x16xf32, #tpu.memory_space<vmem_shared>>)
      %dma_wait3A_149 = arith.constant 0 : i32
      %dma_wait3A_150 = tpu.memref_slice %arg6[%mul3A_55, %dma_wait3A_149] : memref<5120x16xf32, #tpu.memory_space<vmem>> -> memref<128x16xf32, #tpu.memory_space<vmem>>
      %dma_wait3A_151 = arith.constant 0 : i32
      %dma_wait3A_152 = tpu.memref_slice %arg5[%add3A_53, %dma_wait3A_151] : memref<40x128xi32, #tpu.memory_space<vmem>> -> memref<1x128xi32, #tpu.memory_space<vmem>>
      %dma_wait3A_153 = tpu.memref_squeeze %dma_wait3A_152 : memref<1x128xi32, #tpu.memory_space<vmem>> -> memref<128xi32, #tpu.memory_space<vmem>>
      %dma_wait3A_154 = arith.constant 0 : i32
      %dma_wait3A_155 = arith.constant 0 : i32
      %dma_wait3A_156 = tpu.memref_slice %arg8[%dma_wait3A_154, %dma_wait3A_155] : memref<10240x16xf32, #tpu.memory_space<vmem_shared>> -> memref<10240x16xf32, #tpu.memory_space<vmem_shared>>
      tpu.wait_indirect_dma semaphore(%arg9 : memref<!tpu.dma_semaphore, #tpu.memory_space<semaphore_mem>>) src(%dma_wait3A_150 : memref<128x16xf32, #tpu.memory_space<vmem>>) dst(%dma_wait3A_156 : memref<10240x16xf32, #tpu.memory_space<vmem_shared>>)
      %dma_wait3A_157 = arith.constant 0 : i32
      %dma_wait3A_158 = tpu.memref_slice %arg6[%mul3A_69, %dma_wait3A_157] : memref<5120x16xf32, #tpu.memory_space<vmem>> -> memref<128x16xf32, #tpu.memory_space<vmem>>
      %dma_wait3A_159 = arith.constant 0 : i32
      %dma_wait3A_160 = tpu.memref_slice %arg5[%add3A_67, %dma_wait3A_159] : memref<40x128xi32, #tpu.memory_space<vmem>> -> memref<1x128xi32, #tpu.memory_space<vmem>>
      %dma_wait3A_161 = tpu.memref_squeeze %dma_wait3A_160 : memref<1x128xi32, #tpu.memory_space<vmem>> -> memref<128xi32, #tpu.memory_space<vmem>>
      %dma_wait3A_162 = arith.constant 0 : i32
      %dma_wait3A_163 = arith.constant 0 : i32
      %dma_wait3A_164 = tpu.memref_slice %arg8[%dma_wait3A_162, %dma_wait3A_163] : memref<10240x16xf32, #tpu.memory_space<vmem_shared>> -> memref<10240x16xf32, #tpu.memory_space<vmem_shared>>
      tpu.wait_indirect_dma semaphore(%arg9 : memref<!tpu.dma_semaphore, #tpu.memory_space<semaphore_mem>>) src(%dma_wait3A_158 : memref<128x16xf32, #tpu.memory_space<vmem>>) dst(%dma_wait3A_164 : memref<10240x16xf32, #tpu.memory_space<vmem_shared>>)
      %dma_wait3A_165 = arith.constant 0 : i32
      %dma_wait3A_166 = tpu.memref_slice %arg6[%mul3A_83, %dma_wait3A_165] : memref<5120x16xf32, #tpu.memory_space<vmem>> -> memref<128x16xf32, #tpu.memory_space<vmem>>
      %dma_wait3A_167 = arith.constant 0 : i32
      %dma_wait3A_168 = tpu.memref_slice %arg5[%add3A_81, %dma_wait3A_167] : memref<40x128xi32, #tpu.memory_space<vmem>> -> memref<1x128xi32, #tpu.memory_space<vmem>>
      %dma_wait3A_169 = tpu.memref_squeeze %dma_wait3A_168 : memref<1x128xi32, #tpu.memory_space<vmem>> -> memref<128xi32, #tpu.memory_space<vmem>>
      %dma_wait3A_170 = arith.constant 0 : i32
      %dma_wait3A_171 = arith.constant 0 : i32
      %dma_wait3A_172 = tpu.memref_slice %arg8[%dma_wait3A_170, %dma_wait3A_171] : memref<10240x16xf32, #tpu.memory_space<vmem_shared>> -> memref<10240x16xf32, #tpu.memory_space<vmem_shared>>
      tpu.wait_indirect_dma semaphore(%arg9 : memref<!tpu.dma_semaphore, #tpu.memory_space<semaphore_mem>>) src(%dma_wait3A_166 : memref<128x16xf32, #tpu.memory_space<vmem>>) dst(%dma_wait3A_172 : memref<10240x16xf32, #tpu.memory_space<vmem_shared>>)
      %dma_wait3A_173 = arith.constant 0 : i32
      %dma_wait3A_174 = tpu.memref_slice %arg6[%mul3A_97, %dma_wait3A_173] : memref<5120x16xf32, #tpu.memory_space<vmem>> -> memref<128x16xf32, #tpu.memory_space<vmem>>
      %dma_wait3A_175 = arith.constant 0 : i32
      %dma_wait3A_176 = tpu.memref_slice %arg5[%add3A_95, %dma_wait3A_175] : memref<40x128xi32, #tpu.memory_space<vmem>> -> memref<1x128xi32, #tpu.memory_space<vmem>>
      %dma_wait3A_177 = tpu.memref_squeeze %dma_wait3A_176 : memref<1x128xi32, #tpu.memory_space<vmem>> -> memref<128xi32, #tpu.memory_space<vmem>>
      %dma_wait3A_178 = arith.constant 0 : i32
      %dma_wait3A_179 = arith.constant 0 : i32
      %dma_wait3A_180 = tpu.memref_slice %arg8[%dma_wait3A_178, %dma_wait3A_179] : memref<10240x16xf32, #tpu.memory_space<vmem_shared>> -> memref<10240x16xf32, #tpu.memory_space<vmem_shared>>
      tpu.wait_indirect_dma semaphore(%arg9 : memref<!tpu.dma_semaphore, #tpu.memory_space<semaphore_mem>>) src(%dma_wait3A_174 : memref<128x16xf32, #tpu.memory_space<vmem>>) dst(%dma_wait3A_180 : memref<10240x16xf32, #tpu.memory_space<vmem_shared>>)
      %dma_wait3A_181 = arith.constant 0 : i32
      %dma_wait3A_182 = tpu.memref_slice %arg6[%mul3A_111, %dma_wait3A_181] : memref<5120x16xf32, #tpu.memory_space<vmem>> -> memref<128x16xf32, #tpu.memory_space<vmem>>
      %dma_wait3A_183 = arith.constant 0 : i32
      %dma_wait3A_184 = tpu.memref_slice %arg5[%add3A_109, %dma_wait3A_183] : memref<40x128xi32, #tpu.memory_space<vmem>> -> memref<1x128xi32, #tpu.memory_space<vmem>>
      %dma_wait3A_185 = tpu.memref_squeeze %dma_wait3A_184 : memref<1x128xi32, #tpu.memory_space<vmem>> -> memref<128xi32, #tpu.memory_space<vmem>>
      %dma_wait3A_186 = arith.constant 0 : i32
      %dma_wait3A_187 = arith.constant 0 : i32
      %dma_wait3A_188 = tpu.memref_slice %arg8[%dma_wait3A_186, %dma_wait3A_187] : memref<10240x16xf32, #tpu.memory_space<vmem_shared>> -> memref<10240x16xf32, #tpu.memory_space<vmem_shared>>
      tpu.wait_indirect_dma semaphore(%arg9 : memref<!tpu.dma_semaphore, #tpu.memory_space<semaphore_mem>>) src(%dma_wait3A_182 : memref<128x16xf32, #tpu.memory_space<vmem>>) dst(%dma_wait3A_188 : memref<10240x16xf32, #tpu.memory_space<vmem_shared>>)
      %dma_wait3A_189 = arith.constant 0 : i32
      %dma_wait3A_190 = tpu.memref_slice %arg6[%mul3A_125, %dma_wait3A_189] : memref<5120x16xf32, #tpu.memory_space<vmem>> -> memref<128x16xf32, #tpu.memory_space<vmem>>
      %dma_wait3A_191 = arith.constant 0 : i32
      %dma_wait3A_192 = tpu.memref_slice %arg5[%add3A_123, %dma_wait3A_191] : memref<40x128xi32, #tpu.memory_space<vmem>> -> memref<1x128xi32, #tpu.memory_space<vmem>>
      %dma_wait3A_193 = tpu.memref_squeeze %dma_wait3A_192 : memref<1x128xi32, #tpu.memory_space<vmem>> -> memref<128xi32, #tpu.memory_space<vmem>>
      %dma_wait3A_194 = arith.constant 0 : i32
      %dma_wait3A_195 = arith.constant 0 : i32
      %dma_wait3A_196 = tpu.memref_slice %arg8[%dma_wait3A_194, %dma_wait3A_195] : memref<10240x16xf32, #tpu.memory_space<vmem_shared>> -> memref<10240x16xf32, #tpu.memory_space<vmem_shared>>
      tpu.wait_indirect_dma semaphore(%arg9 : memref<!tpu.dma_semaphore, #tpu.memory_space<semaphore_mem>>) src(%dma_wait3A_190 : memref<128x16xf32, #tpu.memory_space<vmem>>) dst(%dma_wait3A_196 : memref<10240x16xf32, #tpu.memory_space<vmem_shared>>)
    }
    %scan3A_16 = arith.constant 5 : i32
    %barrier3A_17 = arith.constant 0 : index
    tpu.barrier barrier_id(%barrier3A_17)
    %mul3A_18 = arith.constant 640 : i32
    %mul3A_19 = arith.muli %arg1, %mul3A_18 : i32
    "tpu.region"() ({
      %run_scoped3A = tpu.sem_alloc : memref<!tpu.dma_semaphore, #tpu.memory_space<semaphore_mem>>
      %dma_start3A = arith.constant 0 : i32
      %dma_start3A_22 = tpu.memref_slice %arg8[%mul3A_19, %dma_start3A] : memref<10240x16xf32, #tpu.memory_space<vmem_shared>> -> memref<640x16xf32, #tpu.memory_space<vmem_shared>>
      %dma_start3A_23 = arith.constant 0 : i32
      %dma_start3A_24 = tpu.memref_slice %arg8[%mul3A_19, %dma_start3A_23] : memref<10240x16xf32, #tpu.memory_space<vmem_shared>> -> memref<640x16xf32, #tpu.memory_space<vmem_shared>>
      tpu.enqueue_dma source(%dma_start3A_24 : memref<640x16xf32, #tpu.memory_space<vmem_shared>>) target(%arg7 : memref<640x16xf32, #tpu.memory_space<vmem>>) target_semaphore(%run_scoped3A : memref<!tpu.dma_semaphore, #tpu.memory_space<semaphore_mem>>)
      %dma_wait3A = arith.constant 0 : i32
      %dma_wait3A_25 = tpu.memref_slice %arg8[%mul3A_19, %dma_wait3A] : memref<10240x16xf32, #tpu.memory_space<vmem_shared>> -> memref<640x16xf32, #tpu.memory_space<vmem_shared>>
      %dma_wait3A_26 = arith.constant 0 : i32
      %dma_wait3A_27 = tpu.memref_slice %arg8[%mul3A_19, %dma_wait3A_26] : memref<10240x16xf32, #tpu.memory_space<vmem_shared>> -> memref<640x16xf32, #tpu.memory_space<vmem_shared>>
      tpu.wait_dma2 semaphore(%run_scoped3A : memref<!tpu.dma_semaphore, #tpu.memory_space<semaphore_mem>>) src(%dma_wait3A_27 : memref<640x16xf32, #tpu.memory_space<vmem_shared>>) dst(%arg7 : memref<640x16xf32, #tpu.memory_space<vmem>>)
      tpu.yield
    }) : () -> ()
    %mul3A_20 = arith.constant 640 : i32
    %mul3A_21 = arith.muli %arg1, %mul3A_20 : i32
    "tpu.region"() ({
      %run_scoped3A = tpu.sem_alloc : memref<!tpu.dma_semaphore, #tpu.memory_space<semaphore_mem>>
      %dma_start3A = arith.constant 0 : i32
      %dma_start3A_22 = tpu.memref_slice %arg4[%arg0, %mul3A_21, %dma_start3A] : memref<2x10240x16xf32, #tpu.memory_space<hbm>> -> memref<1x640x16xf32, #tpu.memory_space<hbm>>
      %dma_start3A_23 = tpu.memref_squeeze %dma_start3A_22 : memref<1x640x16xf32, #tpu.memory_space<hbm>> -> memref<640x16xf32, #tpu.memory_space<hbm>>
      %dma_start3A_24 = arith.constant 0 : i32
      %dma_start3A_25 = tpu.memref_slice %arg4[%arg0, %mul3A_21, %dma_start3A_24] : memref<2x10240x16xf32, #tpu.memory_space<hbm>> -> memref<1x640x16xf32, #tpu.memory_space<hbm>>
      %dma_start3A_26 = tpu.memref_squeeze %dma_start3A_25 : memref<1x640x16xf32, #tpu.memory_space<hbm>> -> memref<640x16xf32, #tpu.memory_space<hbm>>
      tpu.enqueue_dma source(%arg7 : memref<640x16xf32, #tpu.memory_space<vmem>>) target(%dma_start3A_26 : memref<640x16xf32, #tpu.memory_space<hbm>>) target_semaphore(%run_scoped3A : memref<!tpu.dma_semaphore, #tpu.memory_space<semaphore_mem>>)
      %dma_wait3A = arith.constant 0 : i32
      %dma_wait3A_27 = tpu.memref_slice %arg4[%arg0, %mul3A_21, %dma_wait3A] : memref<2x10240x16xf32, #tpu.memory_space<hbm>> -> memref<1x640x16xf32, #tpu.memory_space<hbm>>
      %dma_wait3A_28 = tpu.memref_squeeze %dma_wait3A_27 : memref<1x640x16xf32, #tpu.memory_space<hbm>> -> memref<640x16xf32, #tpu.memory_space<hbm>>
      %dma_wait3A_29 = arith.constant 0 : i32
      %dma_wait3A_30 = tpu.memref_slice %arg4[%arg0, %mul3A_21, %dma_wait3A_29] : memref<2x10240x16xf32, #tpu.memory_space<hbm>> -> memref<1x640x16xf32, #tpu.memory_space<hbm>>
      %dma_wait3A_31 = tpu.memref_squeeze %dma_wait3A_30 : memref<1x640x16xf32, #tpu.memory_space<hbm>> -> memref<640x16xf32, #tpu.memory_space<hbm>>
      tpu.wait_dma2 semaphore(%run_scoped3A : memref<!tpu.dma_semaphore, #tpu.memory_space<semaphore_mem>>) src(%arg7 : memref<640x16xf32, #tpu.memory_space<vmem>>) dst(%dma_wait3A_31 : memref<640x16xf32, #tpu.memory_space<hbm>>)
      tpu.yield
    }) : () -> ()
    return
  }
}

#map = affine_map<(d0, d1) -> (0, 0)>
#map1 = affine_map<(d0, d1) -> (0, 0, 0)>
module attributes {stable_mosaic.version = 14 : i64} {
  func.func @_sc_gather_body(%arg0: i32, %arg1: i32, %arg2: memref<10000x16xf32, #tpu.memory_space<hbm>>, %arg3: memref<32x40x128xi32, #tpu.memory_space<hbm>>, %arg4: memref<163840x16xf32, #tpu.memory_space<hbm>>, %arg5: memref<40x128xi32, #tpu.memory_space<vmem>>, %arg6: memref<5120x16xf32, #tpu.memory_space<vmem>>, %arg7: memref<10000x16xf32, #tpu.memory_space<vmem_shared>>, %arg8: memref<!tpu.dma_semaphore, #tpu.memory_space<semaphore_mem>>) attributes {dimension_semantics = [#tpu.dimension_semantics<core_parallel>, #tpu.dimension_semantics<subcore_parallel>], iteration_bounds = array<i64: 2, 16>, scalar_prefetch = 0 : i64, scratch_operands = 4 : i64, tpu.core_type = #tpu.core_type<sc_vector_subcore>, window_params = [{transform_indices = #map}, {transform_indices = #map1}, {transform_indices = #map}]} {
    %mul3A = arith.constant 2 : i32
    %mul3A_0 = arith.muli %arg1, %mul3A : i32
    %add3A = arith.addi %mul3A_0, %arg0 : i32
    %mul3A_1 = arith.constant 625 : i32
    %mul3A_2 = arith.muli %arg1, %mul3A_1 : i32
    %mul3A_3 = arith.constant 625 : i32
    %mul3A_4 = arith.muli %arg1, %mul3A_3 : i32
    "tpu.region"() ({
      %run_scoped3A = tpu.sem_alloc : memref<!tpu.dma_semaphore, #tpu.memory_space<semaphore_mem>>
      %dma_start3A = arith.constant 0 : i32
      %dma_start3A_12 = tpu.memref_slice %arg7[%mul3A_4, %dma_start3A] : memref<10000x16xf32, #tpu.memory_space<vmem_shared>> -> memref<625x16xf32, #tpu.memory_space<vmem_shared>>
      %dma_start3A_13 = arith.constant 0 : i32
      %dma_start3A_14 = tpu.memref_slice %arg2[%mul3A_2, %dma_start3A_13] : memref<10000x16xf32, #tpu.memory_space<hbm>> -> memref<625x16xf32, #tpu.memory_space<hbm>>
      tpu.enqueue_dma source(%dma_start3A_14 : memref<625x16xf32, #tpu.memory_space<hbm>>) target(%dma_start3A_12 : memref<625x16xf32, #tpu.memory_space<vmem_shared>>) target_semaphore(%run_scoped3A : memref<!tpu.dma_semaphore, #tpu.memory_space<semaphore_mem>>)
      %dma_wait3A = arith.constant 0 : i32
      %dma_wait3A_15 = tpu.memref_slice %arg7[%mul3A_4, %dma_wait3A] : memref<10000x16xf32, #tpu.memory_space<vmem_shared>> -> memref<625x16xf32, #tpu.memory_space<vmem_shared>>
      %dma_wait3A_16 = arith.constant 0 : i32
      %dma_wait3A_17 = tpu.memref_slice %arg2[%mul3A_2, %dma_wait3A_16] : memref<10000x16xf32, #tpu.memory_space<hbm>> -> memref<625x16xf32, #tpu.memory_space<hbm>>
      tpu.wait_dma2 semaphore(%run_scoped3A : memref<!tpu.dma_semaphore, #tpu.memory_space<semaphore_mem>>) src(%dma_wait3A_17 : memref<625x16xf32, #tpu.memory_space<hbm>>) dst(%dma_wait3A_15 : memref<625x16xf32, #tpu.memory_space<vmem_shared>>)
      tpu.yield
    }) : () -> ()
    "tpu.region"() ({
      %run_scoped3A = tpu.sem_alloc : memref<!tpu.dma_semaphore, #tpu.memory_space<semaphore_mem>>
      %dma_start3A = arith.constant 0 : i32
      %dma_start3A_12 = arith.constant 0 : i32
      %dma_start3A_13 = tpu.memref_slice %arg3[%add3A, %dma_start3A, %dma_start3A_12] : memref<32x40x128xi32, #tpu.memory_space<hbm>> -> memref<1x40x128xi32, #tpu.memory_space<hbm>>
      %dma_start3A_14 = tpu.memref_squeeze %dma_start3A_13 : memref<1x40x128xi32, #tpu.memory_space<hbm>> -> memref<40x128xi32, #tpu.memory_space<hbm>>
      %dma_start3A_15 = arith.constant 0 : i32
      %dma_start3A_16 = arith.constant 0 : i32
      %dma_start3A_17 = tpu.memref_slice %arg3[%add3A, %dma_start3A_15, %dma_start3A_16] : memref<32x40x128xi32, #tpu.memory_space<hbm>> -> memref<1x40x128xi32, #tpu.memory_space<hbm>>
      %dma_start3A_18 = tpu.memref_squeeze %dma_start3A_17 : memref<1x40x128xi32, #tpu.memory_space<hbm>> -> memref<40x128xi32, #tpu.memory_space<hbm>>
      tpu.enqueue_dma source(%dma_start3A_18 : memref<40x128xi32, #tpu.memory_space<hbm>>) target(%arg5 : memref<40x128xi32, #tpu.memory_space<vmem>>) target_semaphore(%run_scoped3A : memref<!tpu.dma_semaphore, #tpu.memory_space<semaphore_mem>>)
      %dma_wait3A = arith.constant 0 : i32
      %dma_wait3A_19 = arith.constant 0 : i32
      %dma_wait3A_20 = tpu.memref_slice %arg3[%add3A, %dma_wait3A, %dma_wait3A_19] : memref<32x40x128xi32, #tpu.memory_space<hbm>> -> memref<1x40x128xi32, #tpu.memory_space<hbm>>
      %dma_wait3A_21 = tpu.memref_squeeze %dma_wait3A_20 : memref<1x40x128xi32, #tpu.memory_space<hbm>> -> memref<40x128xi32, #tpu.memory_space<hbm>>
      %dma_wait3A_22 = arith.constant 0 : i32
      %dma_wait3A_23 = arith.constant 0 : i32
      %dma_wait3A_24 = tpu.memref_slice %arg3[%add3A, %dma_wait3A_22, %dma_wait3A_23] : memref<32x40x128xi32, #tpu.memory_space<hbm>> -> memref<1x40x128xi32, #tpu.memory_space<hbm>>
      %dma_wait3A_25 = tpu.memref_squeeze %dma_wait3A_24 : memref<1x40x128xi32, #tpu.memory_space<hbm>> -> memref<40x128xi32, #tpu.memory_space<hbm>>
      tpu.wait_dma2 semaphore(%run_scoped3A : memref<!tpu.dma_semaphore, #tpu.memory_space<semaphore_mem>>) src(%dma_wait3A_25 : memref<40x128xi32, #tpu.memory_space<hbm>>) dst(%arg5 : memref<40x128xi32, #tpu.memory_space<vmem>>)
      tpu.yield
    }) : () -> ()
    %barrier3A = arith.constant 0 : index
    tpu.barrier barrier_id(%barrier3A)
    %scan3A = arith.constant 0 : i32
    %scan3A_5 = arith.constant 0 : i32
    %scan3A_6 = arith.constant 5 : i32
    %scan3A_7 = arith.addi %scan3A_5, %scan3A_6 : i32
    %scan3A_8 = arith.constant 1 : i32
    scf.for %scan3A_12 = %scan3A_5 to %scan3A_7 step %scan3A_8  : i32 {
      %mul3A_13 = arith.constant 8 : i32
      %mul3A_14 = arith.muli %scan3A_12, %mul3A_13 : i32
      %add3A_15 = arith.constant 0 : i32
      %add3A_16 = arith.addi %mul3A_14, %add3A_15 : i32
      %mul3A_17 = arith.constant 128 : i32
      %mul3A_18 = arith.muli %add3A_16, %mul3A_17 : i32
      %dma_start3A = arith.constant 0 : i32
      %dma_start3A_19 = tpu.memref_slice %arg6[%mul3A_18, %dma_start3A] : memref<5120x16xf32, #tpu.memory_space<vmem>> -> memref<128x16xf32, #tpu.memory_space<vmem>>
      %dma_start3A_20 = arith.constant 0 : i32
      %dma_start3A_21 = tpu.memref_slice %arg5[%add3A_16, %dma_start3A_20] : memref<40x128xi32, #tpu.memory_space<vmem>> -> memref<1x128xi32, #tpu.memory_space<vmem>>
      %dma_start3A_22 = tpu.memref_squeeze %dma_start3A_21 : memref<1x128xi32, #tpu.memory_space<vmem>> -> memref<128xi32, #tpu.memory_space<vmem>>
      %dma_start3A_23 = arith.constant 0 : i32
      %dma_start3A_24 = arith.constant 0 : i32
      %dma_start3A_25 = tpu.memref_slice %arg7[%dma_start3A_23, %dma_start3A_24] : memref<10000x16xf32, #tpu.memory_space<vmem_shared>> -> memref<10000x16xf32, #tpu.memory_space<vmem_shared>>
      tpu.enqueue_indirect_dma source(%dma_start3A_25 : memref<10000x16xf32, #tpu.memory_space<vmem_shared>>) target(%dma_start3A_19 : memref<128x16xf32, #tpu.memory_space<vmem>>) offsets(%dma_start3A_22 : memref<128xi32, #tpu.memory_space<vmem>>) semaphore(%arg8 : memref<!tpu.dma_semaphore, #tpu.memory_space<semaphore_mem>>)
      %mul3A_26 = arith.constant 8 : i32
      %mul3A_27 = arith.muli %scan3A_12, %mul3A_26 : i32
      %add3A_28 = arith.constant 1 : i32
      %add3A_29 = arith.addi %mul3A_27, %add3A_28 : i32
      %mul3A_30 = arith.constant 128 : i32
      %mul3A_31 = arith.muli %add3A_29, %mul3A_30 : i32
      %dma_start3A_32 = arith.constant 0 : i32
      %dma_start3A_33 = tpu.memref_slice %arg6[%mul3A_31, %dma_start3A_32] : memref<5120x16xf32, #tpu.memory_space<vmem>> -> memref<128x16xf32, #tpu.memory_space<vmem>>
      %dma_start3A_34 = arith.constant 0 : i32
      %dma_start3A_35 = tpu.memref_slice %arg5[%add3A_29, %dma_start3A_34] : memref<40x128xi32, #tpu.memory_space<vmem>> -> memref<1x128xi32, #tpu.memory_space<vmem>>
      %dma_start3A_36 = tpu.memref_squeeze %dma_start3A_35 : memref<1x128xi32, #tpu.memory_space<vmem>> -> memref<128xi32, #tpu.memory_space<vmem>>
      %dma_start3A_37 = arith.constant 0 : i32
      %dma_start3A_38 = arith.constant 0 : i32
      %dma_start3A_39 = tpu.memref_slice %arg7[%dma_start3A_37, %dma_start3A_38] : memref<10000x16xf32, #tpu.memory_space<vmem_shared>> -> memref<10000x16xf32, #tpu.memory_space<vmem_shared>>
      tpu.enqueue_indirect_dma source(%dma_start3A_39 : memref<10000x16xf32, #tpu.memory_space<vmem_shared>>) target(%dma_start3A_33 : memref<128x16xf32, #tpu.memory_space<vmem>>) offsets(%dma_start3A_36 : memref<128xi32, #tpu.memory_space<vmem>>) semaphore(%arg8 : memref<!tpu.dma_semaphore, #tpu.memory_space<semaphore_mem>>)
      %mul3A_40 = arith.constant 8 : i32
      %mul3A_41 = arith.muli %scan3A_12, %mul3A_40 : i32
      %add3A_42 = arith.constant 2 : i32
      %add3A_43 = arith.addi %mul3A_41, %add3A_42 : i32
      %mul3A_44 = arith.constant 128 : i32
      %mul3A_45 = arith.muli %add3A_43, %mul3A_44 : i32
      %dma_start3A_46 = arith.constant 0 : i32
      %dma_start3A_47 = tpu.memref_slice %arg6[%mul3A_45, %dma_start3A_46] : memref<5120x16xf32, #tpu.memory_space<vmem>> -> memref<128x16xf32, #tpu.memory_space<vmem>>
      %dma_start3A_48 = arith.constant 0 : i32
      %dma_start3A_49 = tpu.memref_slice %arg5[%add3A_43, %dma_start3A_48] : memref<40x128xi32, #tpu.memory_space<vmem>> -> memref<1x128xi32, #tpu.memory_space<vmem>>
      %dma_start3A_50 = tpu.memref_squeeze %dma_start3A_49 : memref<1x128xi32, #tpu.memory_space<vmem>> -> memref<128xi32, #tpu.memory_space<vmem>>
      %dma_start3A_51 = arith.constant 0 : i32
      %dma_start3A_52 = arith.constant 0 : i32
      %dma_start3A_53 = tpu.memref_slice %arg7[%dma_start3A_51, %dma_start3A_52] : memref<10000x16xf32, #tpu.memory_space<vmem_shared>> -> memref<10000x16xf32, #tpu.memory_space<vmem_shared>>
      tpu.enqueue_indirect_dma source(%dma_start3A_53 : memref<10000x16xf32, #tpu.memory_space<vmem_shared>>) target(%dma_start3A_47 : memref<128x16xf32, #tpu.memory_space<vmem>>) offsets(%dma_start3A_50 : memref<128xi32, #tpu.memory_space<vmem>>) semaphore(%arg8 : memref<!tpu.dma_semaphore, #tpu.memory_space<semaphore_mem>>)
      %mul3A_54 = arith.constant 8 : i32
      %mul3A_55 = arith.muli %scan3A_12, %mul3A_54 : i32
      %add3A_56 = arith.constant 3 : i32
      %add3A_57 = arith.addi %mul3A_55, %add3A_56 : i32
      %mul3A_58 = arith.constant 128 : i32
      %mul3A_59 = arith.muli %add3A_57, %mul3A_58 : i32
      %dma_start3A_60 = arith.constant 0 : i32
      %dma_start3A_61 = tpu.memref_slice %arg6[%mul3A_59, %dma_start3A_60] : memref<5120x16xf32, #tpu.memory_space<vmem>> -> memref<128x16xf32, #tpu.memory_space<vmem>>
      %dma_start3A_62 = arith.constant 0 : i32
      %dma_start3A_63 = tpu.memref_slice %arg5[%add3A_57, %dma_start3A_62] : memref<40x128xi32, #tpu.memory_space<vmem>> -> memref<1x128xi32, #tpu.memory_space<vmem>>
      %dma_start3A_64 = tpu.memref_squeeze %dma_start3A_63 : memref<1x128xi32, #tpu.memory_space<vmem>> -> memref<128xi32, #tpu.memory_space<vmem>>
      %dma_start3A_65 = arith.constant 0 : i32
      %dma_start3A_66 = arith.constant 0 : i32
      %dma_start3A_67 = tpu.memref_slice %arg7[%dma_start3A_65, %dma_start3A_66] : memref<10000x16xf32, #tpu.memory_space<vmem_shared>> -> memref<10000x16xf32, #tpu.memory_space<vmem_shared>>
      tpu.enqueue_indirect_dma source(%dma_start3A_67 : memref<10000x16xf32, #tpu.memory_space<vmem_shared>>) target(%dma_start3A_61 : memref<128x16xf32, #tpu.memory_space<vmem>>) offsets(%dma_start3A_64 : memref<128xi32, #tpu.memory_space<vmem>>) semaphore(%arg8 : memref<!tpu.dma_semaphore, #tpu.memory_space<semaphore_mem>>)
      %mul3A_68 = arith.constant 8 : i32
      %mul3A_69 = arith.muli %scan3A_12, %mul3A_68 : i32
      %add3A_70 = arith.constant 4 : i32
      %add3A_71 = arith.addi %mul3A_69, %add3A_70 : i32
      %mul3A_72 = arith.constant 128 : i32
      %mul3A_73 = arith.muli %add3A_71, %mul3A_72 : i32
      %dma_start3A_74 = arith.constant 0 : i32
      %dma_start3A_75 = tpu.memref_slice %arg6[%mul3A_73, %dma_start3A_74] : memref<5120x16xf32, #tpu.memory_space<vmem>> -> memref<128x16xf32, #tpu.memory_space<vmem>>
      %dma_start3A_76 = arith.constant 0 : i32
      %dma_start3A_77 = tpu.memref_slice %arg5[%add3A_71, %dma_start3A_76] : memref<40x128xi32, #tpu.memory_space<vmem>> -> memref<1x128xi32, #tpu.memory_space<vmem>>
      %dma_start3A_78 = tpu.memref_squeeze %dma_start3A_77 : memref<1x128xi32, #tpu.memory_space<vmem>> -> memref<128xi32, #tpu.memory_space<vmem>>
      %dma_start3A_79 = arith.constant 0 : i32
      %dma_start3A_80 = arith.constant 0 : i32
      %dma_start3A_81 = tpu.memref_slice %arg7[%dma_start3A_79, %dma_start3A_80] : memref<10000x16xf32, #tpu.memory_space<vmem_shared>> -> memref<10000x16xf32, #tpu.memory_space<vmem_shared>>
      tpu.enqueue_indirect_dma source(%dma_start3A_81 : memref<10000x16xf32, #tpu.memory_space<vmem_shared>>) target(%dma_start3A_75 : memref<128x16xf32, #tpu.memory_space<vmem>>) offsets(%dma_start3A_78 : memref<128xi32, #tpu.memory_space<vmem>>) semaphore(%arg8 : memref<!tpu.dma_semaphore, #tpu.memory_space<semaphore_mem>>)
      %mul3A_82 = arith.constant 8 : i32
      %mul3A_83 = arith.muli %scan3A_12, %mul3A_82 : i32
      %add3A_84 = arith.constant 5 : i32
      %add3A_85 = arith.addi %mul3A_83, %add3A_84 : i32
      %mul3A_86 = arith.constant 128 : i32
      %mul3A_87 = arith.muli %add3A_85, %mul3A_86 : i32
      %dma_start3A_88 = arith.constant 0 : i32
      %dma_start3A_89 = tpu.memref_slice %arg6[%mul3A_87, %dma_start3A_88] : memref<5120x16xf32, #tpu.memory_space<vmem>> -> memref<128x16xf32, #tpu.memory_space<vmem>>
      %dma_start3A_90 = arith.constant 0 : i32
      %dma_start3A_91 = tpu.memref_slice %arg5[%add3A_85, %dma_start3A_90] : memref<40x128xi32, #tpu.memory_space<vmem>> -> memref<1x128xi32, #tpu.memory_space<vmem>>
      %dma_start3A_92 = tpu.memref_squeeze %dma_start3A_91 : memref<1x128xi32, #tpu.memory_space<vmem>> -> memref<128xi32, #tpu.memory_space<vmem>>
      %dma_start3A_93 = arith.constant 0 : i32
      %dma_start3A_94 = arith.constant 0 : i32
      %dma_start3A_95 = tpu.memref_slice %arg7[%dma_start3A_93, %dma_start3A_94] : memref<10000x16xf32, #tpu.memory_space<vmem_shared>> -> memref<10000x16xf32, #tpu.memory_space<vmem_shared>>
      tpu.enqueue_indirect_dma source(%dma_start3A_95 : memref<10000x16xf32, #tpu.memory_space<vmem_shared>>) target(%dma_start3A_89 : memref<128x16xf32, #tpu.memory_space<vmem>>) offsets(%dma_start3A_92 : memref<128xi32, #tpu.memory_space<vmem>>) semaphore(%arg8 : memref<!tpu.dma_semaphore, #tpu.memory_space<semaphore_mem>>)
      %mul3A_96 = arith.constant 8 : i32
      %mul3A_97 = arith.muli %scan3A_12, %mul3A_96 : i32
      %add3A_98 = arith.constant 6 : i32
      %add3A_99 = arith.addi %mul3A_97, %add3A_98 : i32
      %mul3A_100 = arith.constant 128 : i32
      %mul3A_101 = arith.muli %add3A_99, %mul3A_100 : i32
      %dma_start3A_102 = arith.constant 0 : i32
      %dma_start3A_103 = tpu.memref_slice %arg6[%mul3A_101, %dma_start3A_102] : memref<5120x16xf32, #tpu.memory_space<vmem>> -> memref<128x16xf32, #tpu.memory_space<vmem>>
      %dma_start3A_104 = arith.constant 0 : i32
      %dma_start3A_105 = tpu.memref_slice %arg5[%add3A_99, %dma_start3A_104] : memref<40x128xi32, #tpu.memory_space<vmem>> -> memref<1x128xi32, #tpu.memory_space<vmem>>
      %dma_start3A_106 = tpu.memref_squeeze %dma_start3A_105 : memref<1x128xi32, #tpu.memory_space<vmem>> -> memref<128xi32, #tpu.memory_space<vmem>>
      %dma_start3A_107 = arith.constant 0 : i32
      %dma_start3A_108 = arith.constant 0 : i32
      %dma_start3A_109 = tpu.memref_slice %arg7[%dma_start3A_107, %dma_start3A_108] : memref<10000x16xf32, #tpu.memory_space<vmem_shared>> -> memref<10000x16xf32, #tpu.memory_space<vmem_shared>>
      tpu.enqueue_indirect_dma source(%dma_start3A_109 : memref<10000x16xf32, #tpu.memory_space<vmem_shared>>) target(%dma_start3A_103 : memref<128x16xf32, #tpu.memory_space<vmem>>) offsets(%dma_start3A_106 : memref<128xi32, #tpu.memory_space<vmem>>) semaphore(%arg8 : memref<!tpu.dma_semaphore, #tpu.memory_space<semaphore_mem>>)
      %mul3A_110 = arith.constant 8 : i32
      %mul3A_111 = arith.muli %scan3A_12, %mul3A_110 : i32
      %add3A_112 = arith.constant 7 : i32
      %add3A_113 = arith.addi %mul3A_111, %add3A_112 : i32
      %mul3A_114 = arith.constant 128 : i32
      %mul3A_115 = arith.muli %add3A_113, %mul3A_114 : i32
      %dma_start3A_116 = arith.constant 0 : i32
      %dma_start3A_117 = tpu.memref_slice %arg6[%mul3A_115, %dma_start3A_116] : memref<5120x16xf32, #tpu.memory_space<vmem>> -> memref<128x16xf32, #tpu.memory_space<vmem>>
      %dma_start3A_118 = arith.constant 0 : i32
      %dma_start3A_119 = tpu.memref_slice %arg5[%add3A_113, %dma_start3A_118] : memref<40x128xi32, #tpu.memory_space<vmem>> -> memref<1x128xi32, #tpu.memory_space<vmem>>
      %dma_start3A_120 = tpu.memref_squeeze %dma_start3A_119 : memref<1x128xi32, #tpu.memory_space<vmem>> -> memref<128xi32, #tpu.memory_space<vmem>>
      %dma_start3A_121 = arith.constant 0 : i32
      %dma_start3A_122 = arith.constant 0 : i32
      %dma_start3A_123 = tpu.memref_slice %arg7[%dma_start3A_121, %dma_start3A_122] : memref<10000x16xf32, #tpu.memory_space<vmem_shared>> -> memref<10000x16xf32, #tpu.memory_space<vmem_shared>>
      tpu.enqueue_indirect_dma source(%dma_start3A_123 : memref<10000x16xf32, #tpu.memory_space<vmem_shared>>) target(%dma_start3A_117 : memref<128x16xf32, #tpu.memory_space<vmem>>) offsets(%dma_start3A_120 : memref<128xi32, #tpu.memory_space<vmem>>) semaphore(%arg8 : memref<!tpu.dma_semaphore, #tpu.memory_space<semaphore_mem>>)
      %dma_wait3A = arith.constant 0 : i32
      %dma_wait3A_124 = tpu.memref_slice %arg6[%mul3A_18, %dma_wait3A] : memref<5120x16xf32, #tpu.memory_space<vmem>> -> memref<128x16xf32, #tpu.memory_space<vmem>>
      %dma_wait3A_125 = arith.constant 0 : i32
      %dma_wait3A_126 = tpu.memref_slice %arg5[%add3A_16, %dma_wait3A_125] : memref<40x128xi32, #tpu.memory_space<vmem>> -> memref<1x128xi32, #tpu.memory_space<vmem>>
      %dma_wait3A_127 = tpu.memref_squeeze %dma_wait3A_126 : memref<1x128xi32, #tpu.memory_space<vmem>> -> memref<128xi32, #tpu.memory_space<vmem>>
      %dma_wait3A_128 = arith.constant 0 : i32
      %dma_wait3A_129 = arith.constant 0 : i32
      %dma_wait3A_130 = tpu.memref_slice %arg7[%dma_wait3A_128, %dma_wait3A_129] : memref<10000x16xf32, #tpu.memory_space<vmem_shared>> -> memref<10000x16xf32, #tpu.memory_space<vmem_shared>>
      tpu.wait_indirect_dma semaphore(%arg8 : memref<!tpu.dma_semaphore, #tpu.memory_space<semaphore_mem>>) src(%dma_wait3A_130 : memref<10000x16xf32, #tpu.memory_space<vmem_shared>>) dst(%dma_wait3A_124 : memref<128x16xf32, #tpu.memory_space<vmem>>)
      %dma_wait3A_131 = arith.constant 0 : i32
      %dma_wait3A_132 = tpu.memref_slice %arg6[%mul3A_31, %dma_wait3A_131] : memref<5120x16xf32, #tpu.memory_space<vmem>> -> memref<128x16xf32, #tpu.memory_space<vmem>>
      %dma_wait3A_133 = arith.constant 0 : i32
      %dma_wait3A_134 = tpu.memref_slice %arg5[%add3A_29, %dma_wait3A_133] : memref<40x128xi32, #tpu.memory_space<vmem>> -> memref<1x128xi32, #tpu.memory_space<vmem>>
      %dma_wait3A_135 = tpu.memref_squeeze %dma_wait3A_134 : memref<1x128xi32, #tpu.memory_space<vmem>> -> memref<128xi32, #tpu.memory_space<vmem>>
      %dma_wait3A_136 = arith.constant 0 : i32
      %dma_wait3A_137 = arith.constant 0 : i32
      %dma_wait3A_138 = tpu.memref_slice %arg7[%dma_wait3A_136, %dma_wait3A_137] : memref<10000x16xf32, #tpu.memory_space<vmem_shared>> -> memref<10000x16xf32, #tpu.memory_space<vmem_shared>>
      tpu.wait_indirect_dma semaphore(%arg8 : memref<!tpu.dma_semaphore, #tpu.memory_space<semaphore_mem>>) src(%dma_wait3A_138 : memref<10000x16xf32, #tpu.memory_space<vmem_shared>>) dst(%dma_wait3A_132 : memref<128x16xf32, #tpu.memory_space<vmem>>)
      %dma_wait3A_139 = arith.constant 0 : i32
      %dma_wait3A_140 = tpu.memref_slice %arg6[%mul3A_45, %dma_wait3A_139] : memref<5120x16xf32, #tpu.memory_space<vmem>> -> memref<128x16xf32, #tpu.memory_space<vmem>>
      %dma_wait3A_141 = arith.constant 0 : i32
      %dma_wait3A_142 = tpu.memref_slice %arg5[%add3A_43, %dma_wait3A_141] : memref<40x128xi32, #tpu.memory_space<vmem>> -> memref<1x128xi32, #tpu.memory_space<vmem>>
      %dma_wait3A_143 = tpu.memref_squeeze %dma_wait3A_142 : memref<1x128xi32, #tpu.memory_space<vmem>> -> memref<128xi32, #tpu.memory_space<vmem>>
      %dma_wait3A_144 = arith.constant 0 : i32
      %dma_wait3A_145 = arith.constant 0 : i32
      %dma_wait3A_146 = tpu.memref_slice %arg7[%dma_wait3A_144, %dma_wait3A_145] : memref<10000x16xf32, #tpu.memory_space<vmem_shared>> -> memref<10000x16xf32, #tpu.memory_space<vmem_shared>>
      tpu.wait_indirect_dma semaphore(%arg8 : memref<!tpu.dma_semaphore, #tpu.memory_space<semaphore_mem>>) src(%dma_wait3A_146 : memref<10000x16xf32, #tpu.memory_space<vmem_shared>>) dst(%dma_wait3A_140 : memref<128x16xf32, #tpu.memory_space<vmem>>)
      %dma_wait3A_147 = arith.constant 0 : i32
      %dma_wait3A_148 = tpu.memref_slice %arg6[%mul3A_59, %dma_wait3A_147] : memref<5120x16xf32, #tpu.memory_space<vmem>> -> memref<128x16xf32, #tpu.memory_space<vmem>>
      %dma_wait3A_149 = arith.constant 0 : i32
      %dma_wait3A_150 = tpu.memref_slice %arg5[%add3A_57, %dma_wait3A_149] : memref<40x128xi32, #tpu.memory_space<vmem>> -> memref<1x128xi32, #tpu.memory_space<vmem>>
      %dma_wait3A_151 = tpu.memref_squeeze %dma_wait3A_150 : memref<1x128xi32, #tpu.memory_space<vmem>> -> memref<128xi32, #tpu.memory_space<vmem>>
      %dma_wait3A_152 = arith.constant 0 : i32
      %dma_wait3A_153 = arith.constant 0 : i32
      %dma_wait3A_154 = tpu.memref_slice %arg7[%dma_wait3A_152, %dma_wait3A_153] : memref<10000x16xf32, #tpu.memory_space<vmem_shared>> -> memref<10000x16xf32, #tpu.memory_space<vmem_shared>>
      tpu.wait_indirect_dma semaphore(%arg8 : memref<!tpu.dma_semaphore, #tpu.memory_space<semaphore_mem>>) src(%dma_wait3A_154 : memref<10000x16xf32, #tpu.memory_space<vmem_shared>>) dst(%dma_wait3A_148 : memref<128x16xf32, #tpu.memory_space<vmem>>)
      %dma_wait3A_155 = arith.constant 0 : i32
      %dma_wait3A_156 = tpu.memref_slice %arg6[%mul3A_73, %dma_wait3A_155] : memref<5120x16xf32, #tpu.memory_space<vmem>> -> memref<128x16xf32, #tpu.memory_space<vmem>>
      %dma_wait3A_157 = arith.constant 0 : i32
      %dma_wait3A_158 = tpu.memref_slice %arg5[%add3A_71, %dma_wait3A_157] : memref<40x128xi32, #tpu.memory_space<vmem>> -> memref<1x128xi32, #tpu.memory_space<vmem>>
      %dma_wait3A_159 = tpu.memref_squeeze %dma_wait3A_158 : memref<1x128xi32, #tpu.memory_space<vmem>> -> memref<128xi32, #tpu.memory_space<vmem>>
      %dma_wait3A_160 = arith.constant 0 : i32
      %dma_wait3A_161 = arith.constant 0 : i32
      %dma_wait3A_162 = tpu.memref_slice %arg7[%dma_wait3A_160, %dma_wait3A_161] : memref<10000x16xf32, #tpu.memory_space<vmem_shared>> -> memref<10000x16xf32, #tpu.memory_space<vmem_shared>>
      tpu.wait_indirect_dma semaphore(%arg8 : memref<!tpu.dma_semaphore, #tpu.memory_space<semaphore_mem>>) src(%dma_wait3A_162 : memref<10000x16xf32, #tpu.memory_space<vmem_shared>>) dst(%dma_wait3A_156 : memref<128x16xf32, #tpu.memory_space<vmem>>)
      %dma_wait3A_163 = arith.constant 0 : i32
      %dma_wait3A_164 = tpu.memref_slice %arg6[%mul3A_87, %dma_wait3A_163] : memref<5120x16xf32, #tpu.memory_space<vmem>> -> memref<128x16xf32, #tpu.memory_space<vmem>>
      %dma_wait3A_165 = arith.constant 0 : i32
      %dma_wait3A_166 = tpu.memref_slice %arg5[%add3A_85, %dma_wait3A_165] : memref<40x128xi32, #tpu.memory_space<vmem>> -> memref<1x128xi32, #tpu.memory_space<vmem>>
      %dma_wait3A_167 = tpu.memref_squeeze %dma_wait3A_166 : memref<1x128xi32, #tpu.memory_space<vmem>> -> memref<128xi32, #tpu.memory_space<vmem>>
      %dma_wait3A_168 = arith.constant 0 : i32
      %dma_wait3A_169 = arith.constant 0 : i32
      %dma_wait3A_170 = tpu.memref_slice %arg7[%dma_wait3A_168, %dma_wait3A_169] : memref<10000x16xf32, #tpu.memory_space<vmem_shared>> -> memref<10000x16xf32, #tpu.memory_space<vmem_shared>>
      tpu.wait_indirect_dma semaphore(%arg8 : memref<!tpu.dma_semaphore, #tpu.memory_space<semaphore_mem>>) src(%dma_wait3A_170 : memref<10000x16xf32, #tpu.memory_space<vmem_shared>>) dst(%dma_wait3A_164 : memref<128x16xf32, #tpu.memory_space<vmem>>)
      %dma_wait3A_171 = arith.constant 0 : i32
      %dma_wait3A_172 = tpu.memref_slice %arg6[%mul3A_101, %dma_wait3A_171] : memref<5120x16xf32, #tpu.memory_space<vmem>> -> memref<128x16xf32, #tpu.memory_space<vmem>>
      %dma_wait3A_173 = arith.constant 0 : i32
      %dma_wait3A_174 = tpu.memref_slice %arg5[%add3A_99, %dma_wait3A_173] : memref<40x128xi32, #tpu.memory_space<vmem>> -> memref<1x128xi32, #tpu.memory_space<vmem>>
      %dma_wait3A_175 = tpu.memref_squeeze %dma_wait3A_174 : memref<1x128xi32, #tpu.memory_space<vmem>> -> memref<128xi32, #tpu.memory_space<vmem>>
      %dma_wait3A_176 = arith.constant 0 : i32
      %dma_wait3A_177 = arith.constant 0 : i32
      %dma_wait3A_178 = tpu.memref_slice %arg7[%dma_wait3A_176, %dma_wait3A_177] : memref<10000x16xf32, #tpu.memory_space<vmem_shared>> -> memref<10000x16xf32, #tpu.memory_space<vmem_shared>>
      tpu.wait_indirect_dma semaphore(%arg8 : memref<!tpu.dma_semaphore, #tpu.memory_space<semaphore_mem>>) src(%dma_wait3A_178 : memref<10000x16xf32, #tpu.memory_space<vmem_shared>>) dst(%dma_wait3A_172 : memref<128x16xf32, #tpu.memory_space<vmem>>)
      %dma_wait3A_179 = arith.constant 0 : i32
      %dma_wait3A_180 = tpu.memref_slice %arg6[%mul3A_115, %dma_wait3A_179] : memref<5120x16xf32, #tpu.memory_space<vmem>> -> memref<128x16xf32, #tpu.memory_space<vmem>>
      %dma_wait3A_181 = arith.constant 0 : i32
      %dma_wait3A_182 = tpu.memref_slice %arg5[%add3A_113, %dma_wait3A_181] : memref<40x128xi32, #tpu.memory_space<vmem>> -> memref<1x128xi32, #tpu.memory_space<vmem>>
      %dma_wait3A_183 = tpu.memref_squeeze %dma_wait3A_182 : memref<1x128xi32, #tpu.memory_space<vmem>> -> memref<128xi32, #tpu.memory_space<vmem>>
      %dma_wait3A_184 = arith.constant 0 : i32
      %dma_wait3A_185 = arith.constant 0 : i32
      %dma_wait3A_186 = tpu.memref_slice %arg7[%dma_wait3A_184, %dma_wait3A_185] : memref<10000x16xf32, #tpu.memory_space<vmem_shared>> -> memref<10000x16xf32, #tpu.memory_space<vmem_shared>>
      tpu.wait_indirect_dma semaphore(%arg8 : memref<!tpu.dma_semaphore, #tpu.memory_space<semaphore_mem>>) src(%dma_wait3A_186 : memref<10000x16xf32, #tpu.memory_space<vmem_shared>>) dst(%dma_wait3A_180 : memref<128x16xf32, #tpu.memory_space<vmem>>)
    }
    %scan3A_9 = arith.constant 5 : i32
    %mul3A_10 = arith.constant 5120 : i32
    %mul3A_11 = arith.muli %add3A, %mul3A_10 : i32
    "tpu.region"() ({
      %run_scoped3A = tpu.sem_alloc : memref<!tpu.dma_semaphore, #tpu.memory_space<semaphore_mem>>
      %dma_start3A = arith.constant 0 : i32
      %dma_start3A_12 = tpu.memref_slice %arg4[%mul3A_11, %dma_start3A] : memref<163840x16xf32, #tpu.memory_space<hbm>> -> memref<5120x16xf32, #tpu.memory_space<hbm>>
      %dma_start3A_13 = arith.constant 0 : i32
      %dma_start3A_14 = tpu.memref_slice %arg4[%mul3A_11, %dma_start3A_13] : memref<163840x16xf32, #tpu.memory_space<hbm>> -> memref<5120x16xf32, #tpu.memory_space<hbm>>
      tpu.enqueue_dma source(%arg6 : memref<5120x16xf32, #tpu.memory_space<vmem>>) target(%dma_start3A_14 : memref<5120x16xf32, #tpu.memory_space<hbm>>) target_semaphore(%run_scoped3A : memref<!tpu.dma_semaphore, #tpu.memory_space<semaphore_mem>>)
      %dma_wait3A = arith.constant 0 : i32
      %dma_wait3A_15 = tpu.memref_slice %arg4[%mul3A_11, %dma_wait3A] : memref<163840x16xf32, #tpu.memory_space<hbm>> -> memref<5120x16xf32, #tpu.memory_space<hbm>>
      %dma_wait3A_16 = arith.constant 0 : i32
      %dma_wait3A_17 = tpu.memref_slice %arg4[%mul3A_11, %dma_wait3A_16] : memref<163840x16xf32, #tpu.memory_space<hbm>> -> memref<5120x16xf32, #tpu.memory_space<hbm>>
      tpu.wait_dma2 semaphore(%run_scoped3A : memref<!tpu.dma_semaphore, #tpu.memory_space<semaphore_mem>>) src(%arg6 : memref<5120x16xf32, #tpu.memory_space<vmem>>) dst(%dma_wait3A_17 : memref<5120x16xf32, #tpu.memory_space<hbm>>)
      tpu.yield
    }) : () -> ()
    return
  }
}

#map = affine_map<(d0, d1) -> (0, 0)>
#map1 = affine_map<(d0, d1) -> (0, 0, 0)>
module attributes {stable_mosaic.version = 14 : i64} {
  func.func @_sc_gather_body(%arg0: i32, %arg1: i32, %arg2: memref<10000x16xf32, #tpu.memory_space<hbm>>, %arg3: memref<32x40x128xi32, #tpu.memory_space<hbm>>, %arg4: memref<163840x16xf32, #tpu.memory_space<hbm>>, %arg5: memref<40x128xi32, #tpu.memory_space<vmem>>, %arg6: memref<5120x16xf32, #tpu.memory_space<vmem>>, %arg7: memref<10000x16xf32, #tpu.memory_space<vmem_shared>>, %arg8: memref<!tpu.dma_semaphore, #tpu.memory_space<semaphore_mem>>) attributes {dimension_semantics = [#tpu.dimension_semantics<core_parallel>, #tpu.dimension_semantics<subcore_parallel>], iteration_bounds = array<i64: 2, 16>, scalar_prefetch = 0 : i64, scratch_operands = 4 : i64, tpu.core_type = #tpu.core_type<sc_vector_subcore>, window_params = [{transform_indices = #map}, {transform_indices = #map1}, {transform_indices = #map}]} {
    %mul3A = arith.constant 2 : i32
    %mul3A_0 = arith.muli %arg1, %mul3A : i32
    %add3A = arith.addi %mul3A_0, %arg0 : i32
    %mul3A_1 = arith.constant 625 : i32
    %mul3A_2 = arith.muli %arg1, %mul3A_1 : i32
    %mul3A_3 = arith.constant 625 : i32
    %mul3A_4 = arith.muli %arg1, %mul3A_3 : i32
    "tpu.region"() ({
      %run_scoped3A = tpu.sem_alloc : memref<!tpu.dma_semaphore, #tpu.memory_space<semaphore_mem>>
      %dma_start3A = arith.constant 0 : i32
      %dma_start3A_12 = tpu.memref_slice %arg7[%mul3A_4, %dma_start3A] : memref<10000x16xf32, #tpu.memory_space<vmem_shared>> -> memref<625x16xf32, #tpu.memory_space<vmem_shared>>
      %dma_start3A_13 = arith.constant 0 : i32
      %dma_start3A_14 = tpu.memref_slice %arg2[%mul3A_2, %dma_start3A_13] : memref<10000x16xf32, #tpu.memory_space<hbm>> -> memref<625x16xf32, #tpu.memory_space<hbm>>
      tpu.enqueue_dma source(%dma_start3A_14 : memref<625x16xf32, #tpu.memory_space<hbm>>) target(%dma_start3A_12 : memref<625x16xf32, #tpu.memory_space<vmem_shared>>) target_semaphore(%run_scoped3A : memref<!tpu.dma_semaphore, #tpu.memory_space<semaphore_mem>>)
      %dma_wait3A = arith.constant 0 : i32
      %dma_wait3A_15 = tpu.memref_slice %arg7[%mul3A_4, %dma_wait3A] : memref<10000x16xf32, #tpu.memory_space<vmem_shared>> -> memref<625x16xf32, #tpu.memory_space<vmem_shared>>
      %dma_wait3A_16 = arith.constant 0 : i32
      %dma_wait3A_17 = tpu.memref_slice %arg2[%mul3A_2, %dma_wait3A_16] : memref<10000x16xf32, #tpu.memory_space<hbm>> -> memref<625x16xf32, #tpu.memory_space<hbm>>
      tpu.wait_dma2 semaphore(%run_scoped3A : memref<!tpu.dma_semaphore, #tpu.memory_space<semaphore_mem>>) src(%dma_wait3A_17 : memref<625x16xf32, #tpu.memory_space<hbm>>) dst(%dma_wait3A_15 : memref<625x16xf32, #tpu.memory_space<vmem_shared>>)
      tpu.yield
    }) : () -> ()
    "tpu.region"() ({
      %run_scoped3A = tpu.sem_alloc : memref<!tpu.dma_semaphore, #tpu.memory_space<semaphore_mem>>
      %dma_start3A = arith.constant 0 : i32
      %dma_start3A_12 = arith.constant 0 : i32
      %dma_start3A_13 = tpu.memref_slice %arg3[%add3A, %dma_start3A, %dma_start3A_12] : memref<32x40x128xi32, #tpu.memory_space<hbm>> -> memref<1x40x128xi32, #tpu.memory_space<hbm>>
      %dma_start3A_14 = tpu.memref_squeeze %dma_start3A_13 : memref<1x40x128xi32, #tpu.memory_space<hbm>> -> memref<40x128xi32, #tpu.memory_space<hbm>>
      %dma_start3A_15 = arith.constant 0 : i32
      %dma_start3A_16 = arith.constant 0 : i32
      %dma_start3A_17 = tpu.memref_slice %arg3[%add3A, %dma_start3A_15, %dma_start3A_16] : memref<32x40x128xi32, #tpu.memory_space<hbm>> -> memref<1x40x128xi32, #tpu.memory_space<hbm>>
      %dma_start3A_18 = tpu.memref_squeeze %dma_start3A_17 : memref<1x40x128xi32, #tpu.memory_space<hbm>> -> memref<40x128xi32, #tpu.memory_space<hbm>>
      tpu.enqueue_dma source(%dma_start3A_18 : memref<40x128xi32, #tpu.memory_space<hbm>>) target(%arg5 : memref<40x128xi32, #tpu.memory_space<vmem>>) target_semaphore(%run_scoped3A : memref<!tpu.dma_semaphore, #tpu.memory_space<semaphore_mem>>)
      %dma_wait3A = arith.constant 0 : i32
      %dma_wait3A_19 = arith.constant 0 : i32
      %dma_wait3A_20 = tpu.memref_slice %arg3[%add3A, %dma_wait3A, %dma_wait3A_19] : memref<32x40x128xi32, #tpu.memory_space<hbm>> -> memref<1x40x128xi32, #tpu.memory_space<hbm>>
      %dma_wait3A_21 = tpu.memref_squeeze %dma_wait3A_20 : memref<1x40x128xi32, #tpu.memory_space<hbm>> -> memref<40x128xi32, #tpu.memory_space<hbm>>
      %dma_wait3A_22 = arith.constant 0 : i32
      %dma_wait3A_23 = arith.constant 0 : i32
      %dma_wait3A_24 = tpu.memref_slice %arg3[%add3A, %dma_wait3A_22, %dma_wait3A_23] : memref<32x40x128xi32, #tpu.memory_space<hbm>> -> memref<1x40x128xi32, #tpu.memory_space<hbm>>
      %dma_wait3A_25 = tpu.memref_squeeze %dma_wait3A_24 : memref<1x40x128xi32, #tpu.memory_space<hbm>> -> memref<40x128xi32, #tpu.memory_space<hbm>>
      tpu.wait_dma2 semaphore(%run_scoped3A : memref<!tpu.dma_semaphore, #tpu.memory_space<semaphore_mem>>) src(%dma_wait3A_25 : memref<40x128xi32, #tpu.memory_space<hbm>>) dst(%arg5 : memref<40x128xi32, #tpu.memory_space<vmem>>)
      tpu.yield
    }) : () -> ()
    %barrier3A = arith.constant 0 : index
    tpu.barrier barrier_id(%barrier3A)
    %scan3A = arith.constant 0 : i32
    %scan3A_5 = arith.constant 0 : i32
    %scan3A_6 = arith.constant 5 : i32
    %scan3A_7 = arith.addi %scan3A_5, %scan3A_6 : i32
    %scan3A_8 = arith.constant 1 : i32
    scf.for %scan3A_12 = %scan3A_5 to %scan3A_7 step %scan3A_8  : i32 {
      %mul3A_13 = arith.constant 8 : i32
      %mul3A_14 = arith.muli %scan3A_12, %mul3A_13 : i32
      %add3A_15 = arith.constant 0 : i32
      %add3A_16 = arith.addi %mul3A_14, %add3A_15 : i32
      %mul3A_17 = arith.constant 128 : i32
      %mul3A_18 = arith.muli %add3A_16, %mul3A_17 : i32
      %dma_start3A = arith.constant 0 : i32
      %dma_start3A_19 = tpu.memref_slice %arg6[%mul3A_18, %dma_start3A] : memref<5120x16xf32, #tpu.memory_space<vmem>> -> memref<128x16xf32, #tpu.memory_space<vmem>>
      %dma_start3A_20 = arith.constant 0 : i32
      %dma_start3A_21 = tpu.memref_slice %arg5[%add3A_16, %dma_start3A_20] : memref<40x128xi32, #tpu.memory_space<vmem>> -> memref<1x128xi32, #tpu.memory_space<vmem>>
      %dma_start3A_22 = tpu.memref_squeeze %dma_start3A_21 : memref<1x128xi32, #tpu.memory_space<vmem>> -> memref<128xi32, #tpu.memory_space<vmem>>
      %dma_start3A_23 = arith.constant 0 : i32
      %dma_start3A_24 = arith.constant 0 : i32
      %dma_start3A_25 = tpu.memref_slice %arg7[%dma_start3A_23, %dma_start3A_24] : memref<10000x16xf32, #tpu.memory_space<vmem_shared>> -> memref<10000x16xf32, #tpu.memory_space<vmem_shared>>
      tpu.enqueue_indirect_dma source(%dma_start3A_25 : memref<10000x16xf32, #tpu.memory_space<vmem_shared>>) target(%dma_start3A_19 : memref<128x16xf32, #tpu.memory_space<vmem>>) offsets(%dma_start3A_22 : memref<128xi32, #tpu.memory_space<vmem>>) semaphore(%arg8 : memref<!tpu.dma_semaphore, #tpu.memory_space<semaphore_mem>>)
      %mul3A_26 = arith.constant 8 : i32
      %mul3A_27 = arith.muli %scan3A_12, %mul3A_26 : i32
      %add3A_28 = arith.constant 1 : i32
      %add3A_29 = arith.addi %mul3A_27, %add3A_28 : i32
      %mul3A_30 = arith.constant 128 : i32
      %mul3A_31 = arith.muli %add3A_29, %mul3A_30 : i32
      %dma_start3A_32 = arith.constant 0 : i32
      %dma_start3A_33 = tpu.memref_slice %arg6[%mul3A_31, %dma_start3A_32] : memref<5120x16xf32, #tpu.memory_space<vmem>> -> memref<128x16xf32, #tpu.memory_space<vmem>>
      %dma_start3A_34 = arith.constant 0 : i32
      %dma_start3A_35 = tpu.memref_slice %arg5[%add3A_29, %dma_start3A_34] : memref<40x128xi32, #tpu.memory_space<vmem>> -> memref<1x128xi32, #tpu.memory_space<vmem>>
      %dma_start3A_36 = tpu.memref_squeeze %dma_start3A_35 : memref<1x128xi32, #tpu.memory_space<vmem>> -> memref<128xi32, #tpu.memory_space<vmem>>
      %dma_start3A_37 = arith.constant 0 : i32
      %dma_start3A_38 = arith.constant 0 : i32
      %dma_start3A_39 = tpu.memref_slice %arg7[%dma_start3A_37, %dma_start3A_38] : memref<10000x16xf32, #tpu.memory_space<vmem_shared>> -> memref<10000x16xf32, #tpu.memory_space<vmem_shared>>
      tpu.enqueue_indirect_dma source(%dma_start3A_39 : memref<10000x16xf32, #tpu.memory_space<vmem_shared>>) target(%dma_start3A_33 : memref<128x16xf32, #tpu.memory_space<vmem>>) offsets(%dma_start3A_36 : memref<128xi32, #tpu.memory_space<vmem>>) semaphore(%arg8 : memref<!tpu.dma_semaphore, #tpu.memory_space<semaphore_mem>>)
      %mul3A_40 = arith.constant 8 : i32
      %mul3A_41 = arith.muli %scan3A_12, %mul3A_40 : i32
      %add3A_42 = arith.constant 2 : i32
      %add3A_43 = arith.addi %mul3A_41, %add3A_42 : i32
      %mul3A_44 = arith.constant 128 : i32
      %mul3A_45 = arith.muli %add3A_43, %mul3A_44 : i32
      %dma_start3A_46 = arith.constant 0 : i32
      %dma_start3A_47 = tpu.memref_slice %arg6[%mul3A_45, %dma_start3A_46] : memref<5120x16xf32, #tpu.memory_space<vmem>> -> memref<128x16xf32, #tpu.memory_space<vmem>>
      %dma_start3A_48 = arith.constant 0 : i32
      %dma_start3A_49 = tpu.memref_slice %arg5[%add3A_43, %dma_start3A_48] : memref<40x128xi32, #tpu.memory_space<vmem>> -> memref<1x128xi32, #tpu.memory_space<vmem>>
      %dma_start3A_50 = tpu.memref_squeeze %dma_start3A_49 : memref<1x128xi32, #tpu.memory_space<vmem>> -> memref<128xi32, #tpu.memory_space<vmem>>
      %dma_start3A_51 = arith.constant 0 : i32
      %dma_start3A_52 = arith.constant 0 : i32
      %dma_start3A_53 = tpu.memref_slice %arg7[%dma_start3A_51, %dma_start3A_52] : memref<10000x16xf32, #tpu.memory_space<vmem_shared>> -> memref<10000x16xf32, #tpu.memory_space<vmem_shared>>
      tpu.enqueue_indirect_dma source(%dma_start3A_53 : memref<10000x16xf32, #tpu.memory_space<vmem_shared>>) target(%dma_start3A_47 : memref<128x16xf32, #tpu.memory_space<vmem>>) offsets(%dma_start3A_50 : memref<128xi32, #tpu.memory_space<vmem>>) semaphore(%arg8 : memref<!tpu.dma_semaphore, #tpu.memory_space<semaphore_mem>>)
      %mul3A_54 = arith.constant 8 : i32
      %mul3A_55 = arith.muli %scan3A_12, %mul3A_54 : i32
      %add3A_56 = arith.constant 3 : i32
      %add3A_57 = arith.addi %mul3A_55, %add3A_56 : i32
      %mul3A_58 = arith.constant 128 : i32
      %mul3A_59 = arith.muli %add3A_57, %mul3A_58 : i32
      %dma_start3A_60 = arith.constant 0 : i32
      %dma_start3A_61 = tpu.memref_slice %arg6[%mul3A_59, %dma_start3A_60] : memref<5120x16xf32, #tpu.memory_space<vmem>> -> memref<128x16xf32, #tpu.memory_space<vmem>>
      %dma_start3A_62 = arith.constant 0 : i32
      %dma_start3A_63 = tpu.memref_slice %arg5[%add3A_57, %dma_start3A_62] : memref<40x128xi32, #tpu.memory_space<vmem>> -> memref<1x128xi32, #tpu.memory_space<vmem>>
      %dma_start3A_64 = tpu.memref_squeeze %dma_start3A_63 : memref<1x128xi32, #tpu.memory_space<vmem>> -> memref<128xi32, #tpu.memory_space<vmem>>
      %dma_start3A_65 = arith.constant 0 : i32
      %dma_start3A_66 = arith.constant 0 : i32
      %dma_start3A_67 = tpu.memref_slice %arg7[%dma_start3A_65, %dma_start3A_66] : memref<10000x16xf32, #tpu.memory_space<vmem_shared>> -> memref<10000x16xf32, #tpu.memory_space<vmem_shared>>
      tpu.enqueue_indirect_dma source(%dma_start3A_67 : memref<10000x16xf32, #tpu.memory_space<vmem_shared>>) target(%dma_start3A_61 : memref<128x16xf32, #tpu.memory_space<vmem>>) offsets(%dma_start3A_64 : memref<128xi32, #tpu.memory_space<vmem>>) semaphore(%arg8 : memref<!tpu.dma_semaphore, #tpu.memory_space<semaphore_mem>>)
      %mul3A_68 = arith.constant 8 : i32
      %mul3A_69 = arith.muli %scan3A_12, %mul3A_68 : i32
      %add3A_70 = arith.constant 4 : i32
      %add3A_71 = arith.addi %mul3A_69, %add3A_70 : i32
      %mul3A_72 = arith.constant 128 : i32
      %mul3A_73 = arith.muli %add3A_71, %mul3A_72 : i32
      %dma_start3A_74 = arith.constant 0 : i32
      %dma_start3A_75 = tpu.memref_slice %arg6[%mul3A_73, %dma_start3A_74] : memref<5120x16xf32, #tpu.memory_space<vmem>> -> memref<128x16xf32, #tpu.memory_space<vmem>>
      %dma_start3A_76 = arith.constant 0 : i32
      %dma_start3A_77 = tpu.memref_slice %arg5[%add3A_71, %dma_start3A_76] : memref<40x128xi32, #tpu.memory_space<vmem>> -> memref<1x128xi32, #tpu.memory_space<vmem>>
      %dma_start3A_78 = tpu.memref_squeeze %dma_start3A_77 : memref<1x128xi32, #tpu.memory_space<vmem>> -> memref<128xi32, #tpu.memory_space<vmem>>
      %dma_start3A_79 = arith.constant 0 : i32
      %dma_start3A_80 = arith.constant 0 : i32
      %dma_start3A_81 = tpu.memref_slice %arg7[%dma_start3A_79, %dma_start3A_80] : memref<10000x16xf32, #tpu.memory_space<vmem_shared>> -> memref<10000x16xf32, #tpu.memory_space<vmem_shared>>
      tpu.enqueue_indirect_dma source(%dma_start3A_81 : memref<10000x16xf32, #tpu.memory_space<vmem_shared>>) target(%dma_start3A_75 : memref<128x16xf32, #tpu.memory_space<vmem>>) offsets(%dma_start3A_78 : memref<128xi32, #tpu.memory_space<vmem>>) semaphore(%arg8 : memref<!tpu.dma_semaphore, #tpu.memory_space<semaphore_mem>>)
      %mul3A_82 = arith.constant 8 : i32
      %mul3A_83 = arith.muli %scan3A_12, %mul3A_82 : i32
      %add3A_84 = arith.constant 5 : i32
      %add3A_85 = arith.addi %mul3A_83, %add3A_84 : i32
      %mul3A_86 = arith.constant 128 : i32
      %mul3A_87 = arith.muli %add3A_85, %mul3A_86 : i32
      %dma_start3A_88 = arith.constant 0 : i32
      %dma_start3A_89 = tpu.memref_slice %arg6[%mul3A_87, %dma_start3A_88] : memref<5120x16xf32, #tpu.memory_space<vmem>> -> memref<128x16xf32, #tpu.memory_space<vmem>>
      %dma_start3A_90 = arith.constant 0 : i32
      %dma_start3A_91 = tpu.memref_slice %arg5[%add3A_85, %dma_start3A_90] : memref<40x128xi32, #tpu.memory_space<vmem>> -> memref<1x128xi32, #tpu.memory_space<vmem>>
      %dma_start3A_92 = tpu.memref_squeeze %dma_start3A_91 : memref<1x128xi32, #tpu.memory_space<vmem>> -> memref<128xi32, #tpu.memory_space<vmem>>
      %dma_start3A_93 = arith.constant 0 : i32
      %dma_start3A_94 = arith.constant 0 : i32
      %dma_start3A_95 = tpu.memref_slice %arg7[%dma_start3A_93, %dma_start3A_94] : memref<10000x16xf32, #tpu.memory_space<vmem_shared>> -> memref<10000x16xf32, #tpu.memory_space<vmem_shared>>
      tpu.enqueue_indirect_dma source(%dma_start3A_95 : memref<10000x16xf32, #tpu.memory_space<vmem_shared>>) target(%dma_start3A_89 : memref<128x16xf32, #tpu.memory_space<vmem>>) offsets(%dma_start3A_92 : memref<128xi32, #tpu.memory_space<vmem>>) semaphore(%arg8 : memref<!tpu.dma_semaphore, #tpu.memory_space<semaphore_mem>>)
      %mul3A_96 = arith.constant 8 : i32
      %mul3A_97 = arith.muli %scan3A_12, %mul3A_96 : i32
      %add3A_98 = arith.constant 6 : i32
      %add3A_99 = arith.addi %mul3A_97, %add3A_98 : i32
      %mul3A_100 = arith.constant 128 : i32
      %mul3A_101 = arith.muli %add3A_99, %mul3A_100 : i32
      %dma_start3A_102 = arith.constant 0 : i32
      %dma_start3A_103 = tpu.memref_slice %arg6[%mul3A_101, %dma_start3A_102] : memref<5120x16xf32, #tpu.memory_space<vmem>> -> memref<128x16xf32, #tpu.memory_space<vmem>>
      %dma_start3A_104 = arith.constant 0 : i32
      %dma_start3A_105 = tpu.memref_slice %arg5[%add3A_99, %dma_start3A_104] : memref<40x128xi32, #tpu.memory_space<vmem>> -> memref<1x128xi32, #tpu.memory_space<vmem>>
      %dma_start3A_106 = tpu.memref_squeeze %dma_start3A_105 : memref<1x128xi32, #tpu.memory_space<vmem>> -> memref<128xi32, #tpu.memory_space<vmem>>
      %dma_start3A_107 = arith.constant 0 : i32
      %dma_start3A_108 = arith.constant 0 : i32
      %dma_start3A_109 = tpu.memref_slice %arg7[%dma_start3A_107, %dma_start3A_108] : memref<10000x16xf32, #tpu.memory_space<vmem_shared>> -> memref<10000x16xf32, #tpu.memory_space<vmem_shared>>
      tpu.enqueue_indirect_dma source(%dma_start3A_109 : memref<10000x16xf32, #tpu.memory_space<vmem_shared>>) target(%dma_start3A_103 : memref<128x16xf32, #tpu.memory_space<vmem>>) offsets(%dma_start3A_106 : memref<128xi32, #tpu.memory_space<vmem>>) semaphore(%arg8 : memref<!tpu.dma_semaphore, #tpu.memory_space<semaphore_mem>>)
      %mul3A_110 = arith.constant 8 : i32
      %mul3A_111 = arith.muli %scan3A_12, %mul3A_110 : i32
      %add3A_112 = arith.constant 7 : i32
      %add3A_113 = arith.addi %mul3A_111, %add3A_112 : i32
      %mul3A_114 = arith.constant 128 : i32
      %mul3A_115 = arith.muli %add3A_113, %mul3A_114 : i32
      %dma_start3A_116 = arith.constant 0 : i32
      %dma_start3A_117 = tpu.memref_slice %arg6[%mul3A_115, %dma_start3A_116] : memref<5120x16xf32, #tpu.memory_space<vmem>> -> memref<128x16xf32, #tpu.memory_space<vmem>>
      %dma_start3A_118 = arith.constant 0 : i32
      %dma_start3A_119 = tpu.memref_slice %arg5[%add3A_113, %dma_start3A_118] : memref<40x128xi32, #tpu.memory_space<vmem>> -> memref<1x128xi32, #tpu.memory_space<vmem>>
      %dma_start3A_120 = tpu.memref_squeeze %dma_start3A_119 : memref<1x128xi32, #tpu.memory_space<vmem>> -> memref<128xi32, #tpu.memory_space<vmem>>
      %dma_start3A_121 = arith.constant 0 : i32
      %dma_start3A_122 = arith.constant 0 : i32
      %dma_start3A_123 = tpu.memref_slice %arg7[%dma_start3A_121, %dma_start3A_122] : memref<10000x16xf32, #tpu.memory_space<vmem_shared>> -> memref<10000x16xf32, #tpu.memory_space<vmem_shared>>
      tpu.enqueue_indirect_dma source(%dma_start3A_123 : memref<10000x16xf32, #tpu.memory_space<vmem_shared>>) target(%dma_start3A_117 : memref<128x16xf32, #tpu.memory_space<vmem>>) offsets(%dma_start3A_120 : memref<128xi32, #tpu.memory_space<vmem>>) semaphore(%arg8 : memref<!tpu.dma_semaphore, #tpu.memory_space<semaphore_mem>>)
      %dma_wait3A = arith.constant 0 : i32
      %dma_wait3A_124 = tpu.memref_slice %arg6[%mul3A_18, %dma_wait3A] : memref<5120x16xf32, #tpu.memory_space<vmem>> -> memref<128x16xf32, #tpu.memory_space<vmem>>
      %dma_wait3A_125 = arith.constant 0 : i32
      %dma_wait3A_126 = tpu.memref_slice %arg5[%add3A_16, %dma_wait3A_125] : memref<40x128xi32, #tpu.memory_space<vmem>> -> memref<1x128xi32, #tpu.memory_space<vmem>>
      %dma_wait3A_127 = tpu.memref_squeeze %dma_wait3A_126 : memref<1x128xi32, #tpu.memory_space<vmem>> -> memref<128xi32, #tpu.memory_space<vmem>>
      %dma_wait3A_128 = arith.constant 0 : i32
      %dma_wait3A_129 = arith.constant 0 : i32
      %dma_wait3A_130 = tpu.memref_slice %arg7[%dma_wait3A_128, %dma_wait3A_129] : memref<10000x16xf32, #tpu.memory_space<vmem_shared>> -> memref<10000x16xf32, #tpu.memory_space<vmem_shared>>
      tpu.wait_indirect_dma semaphore(%arg8 : memref<!tpu.dma_semaphore, #tpu.memory_space<semaphore_mem>>) src(%dma_wait3A_130 : memref<10000x16xf32, #tpu.memory_space<vmem_shared>>) dst(%dma_wait3A_124 : memref<128x16xf32, #tpu.memory_space<vmem>>)
      %dma_wait3A_131 = arith.constant 0 : i32
      %dma_wait3A_132 = tpu.memref_slice %arg6[%mul3A_31, %dma_wait3A_131] : memref<5120x16xf32, #tpu.memory_space<vmem>> -> memref<128x16xf32, #tpu.memory_space<vmem>>
      %dma_wait3A_133 = arith.constant 0 : i32
      %dma_wait3A_134 = tpu.memref_slice %arg5[%add3A_29, %dma_wait3A_133] : memref<40x128xi32, #tpu.memory_space<vmem>> -> memref<1x128xi32, #tpu.memory_space<vmem>>
      %dma_wait3A_135 = tpu.memref_squeeze %dma_wait3A_134 : memref<1x128xi32, #tpu.memory_space<vmem>> -> memref<128xi32, #tpu.memory_space<vmem>>
      %dma_wait3A_136 = arith.constant 0 : i32
      %dma_wait3A_137 = arith.constant 0 : i32
      %dma_wait3A_138 = tpu.memref_slice %arg7[%dma_wait3A_136, %dma_wait3A_137] : memref<10000x16xf32, #tpu.memory_space<vmem_shared>> -> memref<10000x16xf32, #tpu.memory_space<vmem_shared>>
      tpu.wait_indirect_dma semaphore(%arg8 : memref<!tpu.dma_semaphore, #tpu.memory_space<semaphore_mem>>) src(%dma_wait3A_138 : memref<10000x16xf32, #tpu.memory_space<vmem_shared>>) dst(%dma_wait3A_132 : memref<128x16xf32, #tpu.memory_space<vmem>>)
      %dma_wait3A_139 = arith.constant 0 : i32
      %dma_wait3A_140 = tpu.memref_slice %arg6[%mul3A_45, %dma_wait3A_139] : memref<5120x16xf32, #tpu.memory_space<vmem>> -> memref<128x16xf32, #tpu.memory_space<vmem>>
      %dma_wait3A_141 = arith.constant 0 : i32
      %dma_wait3A_142 = tpu.memref_slice %arg5[%add3A_43, %dma_wait3A_141] : memref<40x128xi32, #tpu.memory_space<vmem>> -> memref<1x128xi32, #tpu.memory_space<vmem>>
      %dma_wait3A_143 = tpu.memref_squeeze %dma_wait3A_142 : memref<1x128xi32, #tpu.memory_space<vmem>> -> memref<128xi32, #tpu.memory_space<vmem>>
      %dma_wait3A_144 = arith.constant 0 : i32
      %dma_wait3A_145 = arith.constant 0 : i32
      %dma_wait3A_146 = tpu.memref_slice %arg7[%dma_wait3A_144, %dma_wait3A_145] : memref<10000x16xf32, #tpu.memory_space<vmem_shared>> -> memref<10000x16xf32, #tpu.memory_space<vmem_shared>>
      tpu.wait_indirect_dma semaphore(%arg8 : memref<!tpu.dma_semaphore, #tpu.memory_space<semaphore_mem>>) src(%dma_wait3A_146 : memref<10000x16xf32, #tpu.memory_space<vmem_shared>>) dst(%dma_wait3A_140 : memref<128x16xf32, #tpu.memory_space<vmem>>)
      %dma_wait3A_147 = arith.constant 0 : i32
      %dma_wait3A_148 = tpu.memref_slice %arg6[%mul3A_59, %dma_wait3A_147] : memref<5120x16xf32, #tpu.memory_space<vmem>> -> memref<128x16xf32, #tpu.memory_space<vmem>>
      %dma_wait3A_149 = arith.constant 0 : i32
      %dma_wait3A_150 = tpu.memref_slice %arg5[%add3A_57, %dma_wait3A_149] : memref<40x128xi32, #tpu.memory_space<vmem>> -> memref<1x128xi32, #tpu.memory_space<vmem>>
      %dma_wait3A_151 = tpu.memref_squeeze %dma_wait3A_150 : memref<1x128xi32, #tpu.memory_space<vmem>> -> memref<128xi32, #tpu.memory_space<vmem>>
      %dma_wait3A_152 = arith.constant 0 : i32
      %dma_wait3A_153 = arith.constant 0 : i32
      %dma_wait3A_154 = tpu.memref_slice %arg7[%dma_wait3A_152, %dma_wait3A_153] : memref<10000x16xf32, #tpu.memory_space<vmem_shared>> -> memref<10000x16xf32, #tpu.memory_space<vmem_shared>>
      tpu.wait_indirect_dma semaphore(%arg8 : memref<!tpu.dma_semaphore, #tpu.memory_space<semaphore_mem>>) src(%dma_wait3A_154 : memref<10000x16xf32, #tpu.memory_space<vmem_shared>>) dst(%dma_wait3A_148 : memref<128x16xf32, #tpu.memory_space<vmem>>)
      %dma_wait3A_155 = arith.constant 0 : i32
      %dma_wait3A_156 = tpu.memref_slice %arg6[%mul3A_73, %dma_wait3A_155] : memref<5120x16xf32, #tpu.memory_space<vmem>> -> memref<128x16xf32, #tpu.memory_space<vmem>>
      %dma_wait3A_157 = arith.constant 0 : i32
      %dma_wait3A_158 = tpu.memref_slice %arg5[%add3A_71, %dma_wait3A_157] : memref<40x128xi32, #tpu.memory_space<vmem>> -> memref<1x128xi32, #tpu.memory_space<vmem>>
      %dma_wait3A_159 = tpu.memref_squeeze %dma_wait3A_158 : memref<1x128xi32, #tpu.memory_space<vmem>> -> memref<128xi32, #tpu.memory_space<vmem>>
      %dma_wait3A_160 = arith.constant 0 : i32
      %dma_wait3A_161 = arith.constant 0 : i32
      %dma_wait3A_162 = tpu.memref_slice %arg7[%dma_wait3A_160, %dma_wait3A_161] : memref<10000x16xf32, #tpu.memory_space<vmem_shared>> -> memref<10000x16xf32, #tpu.memory_space<vmem_shared>>
      tpu.wait_indirect_dma semaphore(%arg8 : memref<!tpu.dma_semaphore, #tpu.memory_space<semaphore_mem>>) src(%dma_wait3A_162 : memref<10000x16xf32, #tpu.memory_space<vmem_shared>>) dst(%dma_wait3A_156 : memref<128x16xf32, #tpu.memory_space<vmem>>)
      %dma_wait3A_163 = arith.constant 0 : i32
      %dma_wait3A_164 = tpu.memref_slice %arg6[%mul3A_87, %dma_wait3A_163] : memref<5120x16xf32, #tpu.memory_space<vmem>> -> memref<128x16xf32, #tpu.memory_space<vmem>>
      %dma_wait3A_165 = arith.constant 0 : i32
      %dma_wait3A_166 = tpu.memref_slice %arg5[%add3A_85, %dma_wait3A_165] : memref<40x128xi32, #tpu.memory_space<vmem>> -> memref<1x128xi32, #tpu.memory_space<vmem>>
      %dma_wait3A_167 = tpu.memref_squeeze %dma_wait3A_166 : memref<1x128xi32, #tpu.memory_space<vmem>> -> memref<128xi32, #tpu.memory_space<vmem>>
      %dma_wait3A_168 = arith.constant 0 : i32
      %dma_wait3A_169 = arith.constant 0 : i32
      %dma_wait3A_170 = tpu.memref_slice %arg7[%dma_wait3A_168, %dma_wait3A_169] : memref<10000x16xf32, #tpu.memory_space<vmem_shared>> -> memref<10000x16xf32, #tpu.memory_space<vmem_shared>>
      tpu.wait_indirect_dma semaphore(%arg8 : memref<!tpu.dma_semaphore, #tpu.memory_space<semaphore_mem>>) src(%dma_wait3A_170 : memref<10000x16xf32, #tpu.memory_space<vmem_shared>>) dst(%dma_wait3A_164 : memref<128x16xf32, #tpu.memory_space<vmem>>)
      %dma_wait3A_171 = arith.constant 0 : i32
      %dma_wait3A_172 = tpu.memref_slice %arg6[%mul3A_101, %dma_wait3A_171] : memref<5120x16xf32, #tpu.memory_space<vmem>> -> memref<128x16xf32, #tpu.memory_space<vmem>>
      %dma_wait3A_173 = arith.constant 0 : i32
      %dma_wait3A_174 = tpu.memref_slice %arg5[%add3A_99, %dma_wait3A_173] : memref<40x128xi32, #tpu.memory_space<vmem>> -> memref<1x128xi32, #tpu.memory_space<vmem>>
      %dma_wait3A_175 = tpu.memref_squeeze %dma_wait3A_174 : memref<1x128xi32, #tpu.memory_space<vmem>> -> memref<128xi32, #tpu.memory_space<vmem>>
      %dma_wait3A_176 = arith.constant 0 : i32
      %dma_wait3A_177 = arith.constant 0 : i32
      %dma_wait3A_178 = tpu.memref_slice %arg7[%dma_wait3A_176, %dma_wait3A_177] : memref<10000x16xf32, #tpu.memory_space<vmem_shared>> -> memref<10000x16xf32, #tpu.memory_space<vmem_shared>>
      tpu.wait_indirect_dma semaphore(%arg8 : memref<!tpu.dma_semaphore, #tpu.memory_space<semaphore_mem>>) src(%dma_wait3A_178 : memref<10000x16xf32, #tpu.memory_space<vmem_shared>>) dst(%dma_wait3A_172 : memref<128x16xf32, #tpu.memory_space<vmem>>)
      %dma_wait3A_179 = arith.constant 0 : i32
      %dma_wait3A_180 = tpu.memref_slice %arg6[%mul3A_115, %dma_wait3A_179] : memref<5120x16xf32, #tpu.memory_space<vmem>> -> memref<128x16xf32, #tpu.memory_space<vmem>>
      %dma_wait3A_181 = arith.constant 0 : i32
      %dma_wait3A_182 = tpu.memref_slice %arg5[%add3A_113, %dma_wait3A_181] : memref<40x128xi32, #tpu.memory_space<vmem>> -> memref<1x128xi32, #tpu.memory_space<vmem>>
      %dma_wait3A_183 = tpu.memref_squeeze %dma_wait3A_182 : memref<1x128xi32, #tpu.memory_space<vmem>> -> memref<128xi32, #tpu.memory_space<vmem>>
      %dma_wait3A_184 = arith.constant 0 : i32
      %dma_wait3A_185 = arith.constant 0 : i32
      %dma_wait3A_186 = tpu.memref_slice %arg7[%dma_wait3A_184, %dma_wait3A_185] : memref<10000x16xf32, #tpu.memory_space<vmem_shared>> -> memref<10000x16xf32, #tpu.memory_space<vmem_shared>>
      tpu.wait_indirect_dma semaphore(%arg8 : memref<!tpu.dma_semaphore, #tpu.memory_space<semaphore_mem>>) src(%dma_wait3A_186 : memref<10000x16xf32, #tpu.memory_space<vmem_shared>>) dst(%dma_wait3A_180 : memref<128x16xf32, #tpu.memory_space<vmem>>)
    }
    %scan3A_9 = arith.constant 5 : i32
    %mul3A_10 = arith.constant 5120 : i32
    %mul3A_11 = arith.muli %add3A, %mul3A_10 : i32
    "tpu.region"() ({
      %run_scoped3A = tpu.sem_alloc : memref<!tpu.dma_semaphore, #tpu.memory_space<semaphore_mem>>
      %dma_start3A = arith.constant 0 : i32
      %dma_start3A_12 = tpu.memref_slice %arg4[%mul3A_11, %dma_start3A] : memref<163840x16xf32, #tpu.memory_space<hbm>> -> memref<5120x16xf32, #tpu.memory_space<hbm>>
      %dma_start3A_13 = arith.constant 0 : i32
      %dma_start3A_14 = tpu.memref_slice %arg4[%mul3A_11, %dma_start3A_13] : memref<163840x16xf32, #tpu.memory_space<hbm>> -> memref<5120x16xf32, #tpu.memory_space<hbm>>
      tpu.enqueue_dma source(%arg6 : memref<5120x16xf32, #tpu.memory_space<vmem>>) target(%dma_start3A_14 : memref<5120x16xf32, #tpu.memory_space<hbm>>) target_semaphore(%run_scoped3A : memref<!tpu.dma_semaphore, #tpu.memory_space<semaphore_mem>>)
      %dma_wait3A = arith.constant 0 : i32
      %dma_wait3A_15 = tpu.memref_slice %arg4[%mul3A_11, %dma_wait3A] : memref<163840x16xf32, #tpu.memory_space<hbm>> -> memref<5120x16xf32, #tpu.memory_space<hbm>>
      %dma_wait3A_16 = arith.constant 0 : i32
      %dma_wait3A_17 = tpu.memref_slice %arg4[%mul3A_11, %dma_wait3A_16] : memref<163840x16xf32, #tpu.memory_space<hbm>> -> memref<5120x16xf32, #tpu.memory_space<hbm>>
      tpu.wait_dma2 semaphore(%run_scoped3A : memref<!tpu.dma_semaphore, #tpu.memory_space<semaphore_mem>>) src(%arg6 : memref<5120x16xf32, #tpu.memory_space<vmem>>) dst(%dma_wait3A_17 : memref<5120x16xf32, #tpu.memory_space<hbm>>)
      tpu.yield
    }) : () -> ()
    return
  }
}

#map = affine_map<(d0, d1) -> (0, 0)>
#map1 = affine_map<(d0, d1) -> (0, 0, 0)>
module attributes {stable_mosaic.version = 14 : i64} {
  func.func @_sc_scatter_body(%arg0: i32, %arg1: i32, %arg2: memref<163840x16xf32, #tpu.memory_space<hbm>>, %arg3: memref<32x40x128xi32, #tpu.memory_space<hbm>>, %arg4: memref<2x10240x16xf32, #tpu.memory_space<hbm>>, %arg5: memref<40x128xi32, #tpu.memory_space<vmem>>, %arg6: memref<5120x16xf32, #tpu.memory_space<vmem>>, %arg7: memref<640x16xf32, #tpu.memory_space<vmem>>, %arg8: memref<10240x16xf32, #tpu.memory_space<vmem_shared>>, %arg9: memref<!tpu.dma_semaphore, #tpu.memory_space<semaphore_mem>>) attributes {dimension_semantics = [#tpu.dimension_semantics<core_parallel>, #tpu.dimension_semantics<subcore_parallel>], iteration_bounds = array<i64: 2, 16>, scalar_prefetch = 0 : i64, scratch_operands = 5 : i64, tpu.core_type = #tpu.core_type<sc_vector_subcore>, window_params = [{transform_indices = #map}, {transform_indices = #map1}, {transform_indices = #map1}]} {
    %mul3A = arith.constant 2 : i32
    %mul3A_0 = arith.muli %arg1, %mul3A : i32
    %add3A = arith.addi %mul3A_0, %arg0 : i32
    %broadcast_in_dim3A = arith.constant 0.000000e+00 : f32
    %broadcast_in_dim3A_1 = vector.broadcast %broadcast_in_dim3A : f32 to vector<16xf32>
    %scan3A = arith.constant 0 : i32
    %scan3A_2 = arith.constant 0 : i32
    %scan3A_3 = arith.constant 640 : i32
    %scan3A_4 = arith.addi %scan3A_2, %scan3A_3 : i32
    %scan3A_5 = arith.constant 1 : i32
    scf.for %scan3A_22 = %scan3A_2 to %scan3A_4 step %scan3A_5  : i32 {
      %swap3A = arith.index_cast %scan3A_22 : i32 to index
      %swap3A_23 = arith.constant 0 : index
      %swap3A_24 = tpu.vector_load %arg7[%swap3A, %swap3A_23] {strides = array<i32>} : memref<640x16xf32, #tpu.memory_space<vmem>>, vector<1x16xf32>,
      %swap3A_25 = vector.shape_cast %swap3A_24 : vector<1x16xf32> to vector<16xf32>
      %swap3A_26 = vector.shape_cast %broadcast_in_dim3A_1 : vector<16xf32> to vector<1x16xf32>
      tpu.vector_store %arg7[%swap3A, %swap3A_23], %swap3A_26 {strides = array<i32>} : memref<640x16xf32, #tpu.memory_space<vmem>>, vector<1x16xf32>,
    }
    %scan3A_6 = arith.constant 640 : i32
    %mul3A_7 = arith.constant 640 : i32
    %mul3A_8 = arith.muli %arg1, %mul3A_7 : i32
    "tpu.region"() ({
      %run_scoped3A = tpu.sem_alloc : memref<!tpu.dma_semaphore, #tpu.memory_space<semaphore_mem>>
      %dma_start3A = arith.constant 0 : i32
      %dma_start3A_22 = tpu.memref_slice %arg8[%mul3A_8, %dma_start3A] : memref<10240x16xf32, #tpu.memory_space<vmem_shared>> -> memref<640x16xf32, #tpu.memory_space<vmem_shared>>
      %dma_start3A_23 = arith.constant 0 : i32
      %dma_start3A_24 = tpu.memref_slice %arg8[%mul3A_8, %dma_start3A_23] : memref<10240x16xf32, #tpu.memory_space<vmem_shared>> -> memref<640x16xf32, #tpu.memory_space<vmem_shared>>
      tpu.enqueue_dma source(%arg7 : memref<640x16xf32, #tpu.memory_space<vmem>>) target(%dma_start3A_24 : memref<640x16xf32, #tpu.memory_space<vmem_shared>>) target_semaphore(%run_scoped3A : memref<!tpu.dma_semaphore, #tpu.memory_space<semaphore_mem>>)
      %dma_wait3A = arith.constant 0 : i32
      %dma_wait3A_25 = tpu.memref_slice %arg8[%mul3A_8, %dma_wait3A] : memref<10240x16xf32, #tpu.memory_space<vmem_shared>> -> memref<640x16xf32, #tpu.memory_space<vmem_shared>>
      %dma_wait3A_26 = arith.constant 0 : i32
      %dma_wait3A_27 = tpu.memref_slice %arg8[%mul3A_8, %dma_wait3A_26] : memref<10240x16xf32, #tpu.memory_space<vmem_shared>> -> memref<640x16xf32, #tpu.memory_space<vmem_shared>>
      tpu.wait_dma2 semaphore(%run_scoped3A : memref<!tpu.dma_semaphore, #tpu.memory_space<semaphore_mem>>) src(%arg7 : memref<640x16xf32, #tpu.memory_space<vmem>>) dst(%dma_wait3A_27 : memref<640x16xf32, #tpu.memory_space<vmem_shared>>)
      tpu.yield
    }) : () -> ()
    %barrier3A = arith.constant 0 : index
    tpu.barrier barrier_id(%barrier3A)
    "tpu.region"() ({
      %run_scoped3A = tpu.sem_alloc : memref<!tpu.dma_semaphore, #tpu.memory_space<semaphore_mem>>
      %dma_start3A = arith.constant 0 : i32
      %dma_start3A_22 = arith.constant 0 : i32
      %dma_start3A_23 = tpu.memref_slice %arg3[%add3A, %dma_start3A, %dma_start3A_22] : memref<32x40x128xi32, #tpu.memory_space<hbm>> -> memref<1x40x128xi32, #tpu.memory_space<hbm>>
      %dma_start3A_24 = tpu.memref_squeeze %dma_start3A_23 : memref<1x40x128xi32, #tpu.memory_space<hbm>> -> memref<40x128xi32, #tpu.memory_space<hbm>>
      %dma_start3A_25 = arith.constant 0 : i32
      %dma_start3A_26 = arith.constant 0 : i32
      %dma_start3A_27 = tpu.memref_slice %arg3[%add3A, %dma_start3A_25, %dma_start3A_26] : memref<32x40x128xi32, #tpu.memory_space<hbm>> -> memref<1x40x128xi32, #tpu.memory_space<hbm>>
      %dma_start3A_28 = tpu.memref_squeeze %dma_start3A_27 : memref<1x40x128xi32, #tpu.memory_space<hbm>> -> memref<40x128xi32, #tpu.memory_space<hbm>>
      tpu.enqueue_dma source(%dma_start3A_28 : memref<40x128xi32, #tpu.memory_space<hbm>>) target(%arg5 : memref<40x128xi32, #tpu.memory_space<vmem>>) target_semaphore(%run_scoped3A : memref<!tpu.dma_semaphore, #tpu.memory_space<semaphore_mem>>)
      %dma_wait3A = arith.constant 0 : i32
      %dma_wait3A_29 = arith.constant 0 : i32
      %dma_wait3A_30 = tpu.memref_slice %arg3[%add3A, %dma_wait3A, %dma_wait3A_29] : memref<32x40x128xi32, #tpu.memory_space<hbm>> -> memref<1x40x128xi32, #tpu.memory_space<hbm>>
      %dma_wait3A_31 = tpu.memref_squeeze %dma_wait3A_30 : memref<1x40x128xi32, #tpu.memory_space<hbm>> -> memref<40x128xi32, #tpu.memory_space<hbm>>
      %dma_wait3A_32 = arith.constant 0 : i32
      %dma_wait3A_33 = arith.constant 0 : i32
      %dma_wait3A_34 = tpu.memref_slice %arg3[%add3A, %dma_wait3A_32, %dma_wait3A_33] : memref<32x40x128xi32, #tpu.memory_space<hbm>> -> memref<1x40x128xi32, #tpu.memory_space<hbm>>
      %dma_wait3A_35 = tpu.memref_squeeze %dma_wait3A_34 : memref<1x40x128xi32, #tpu.memory_space<hbm>> -> memref<40x128xi32, #tpu.memory_space<hbm>>
      tpu.wait_dma2 semaphore(%run_scoped3A : memref<!tpu.dma_semaphore, #tpu.memory_space<semaphore_mem>>) src(%dma_wait3A_35 : memref<40x128xi32, #tpu.memory_space<hbm>>) dst(%arg5 : memref<40x128xi32, #tpu.memory_space<vmem>>)
      tpu.yield
    }) : () -> ()
    %mul3A_9 = arith.constant 5120 : i32
    %mul3A_10 = arith.muli %add3A, %mul3A_9 : i32
    "tpu.region"() ({
      %run_scoped3A = tpu.sem_alloc : memref<!tpu.dma_semaphore, #tpu.memory_space<semaphore_mem>>
      %dma_start3A = arith.constant 0 : i32
      %dma_start3A_22 = tpu.memref_slice %arg2[%mul3A_10, %dma_start3A] : memref<163840x16xf32, #tpu.memory_space<hbm>> -> memref<5120x16xf32, #tpu.memory_space<hbm>>
      %dma_start3A_23 = arith.constant 0 : i32
      %dma_start3A_24 = tpu.memref_slice %arg2[%mul3A_10, %dma_start3A_23] : memref<163840x16xf32, #tpu.memory_space<hbm>> -> memref<5120x16xf32, #tpu.memory_space<hbm>>
      tpu.enqueue_dma source(%dma_start3A_24 : memref<5120x16xf32, #tpu.memory_space<hbm>>) target(%arg6 : memref<5120x16xf32, #tpu.memory_space<vmem>>) target_semaphore(%run_scoped3A : memref<!tpu.dma_semaphore, #tpu.memory_space<semaphore_mem>>)
      %dma_wait3A = arith.constant 0 : i32
      %dma_wait3A_25 = tpu.memref_slice %arg2[%mul3A_10, %dma_wait3A] : memref<163840x16xf32, #tpu.memory_space<hbm>> -> memref<5120x16xf32, #tpu.memory_space<hbm>>
      %dma_wait3A_26 = arith.constant 0 : i32
      %dma_wait3A_27 = tpu.memref_slice %arg2[%mul3A_10, %dma_wait3A_26] : memref<163840x16xf32, #tpu.memory_space<hbm>> -> memref<5120x16xf32, #tpu.memory_space<hbm>>
      tpu.wait_dma2 semaphore(%run_scoped3A : memref<!tpu.dma_semaphore, #tpu.memory_space<semaphore_mem>>) src(%dma_wait3A_27 : memref<5120x16xf32, #tpu.memory_space<hbm>>) dst(%arg6 : memref<5120x16xf32, #tpu.memory_space<vmem>>)
      tpu.yield
    }) : () -> ()
    %scan3A_11 = arith.constant 0 : i32
    %scan3A_12 = arith.constant 0 : i32
    %scan3A_13 = arith.constant 5 : i32
    %scan3A_14 = arith.addi %scan3A_12, %scan3A_13 : i32
    %scan3A_15 = arith.constant 1 : i32
    scf.for %scan3A_22 = %scan3A_12 to %scan3A_14 step %scan3A_15  : i32 {
      %mul3A_23 = arith.constant 8 : i32
      %mul3A_24 = arith.muli %scan3A_22, %mul3A_23 : i32
      %add3A_25 = arith.constant 0 : i32
      %add3A_26 = arith.addi %mul3A_24, %add3A_25 : i32
      %mul3A_27 = arith.constant 128 : i32
      %mul3A_28 = arith.muli %add3A_26, %mul3A_27 : i32
      %dma_start3A = arith.constant 0 : i32
      %dma_start3A_29 = tpu.memref_slice %arg6[%mul3A_28, %dma_start3A] : memref<5120x16xf32, #tpu.memory_space<vmem>> -> memref<128x16xf32, #tpu.memory_space<vmem>>
      %dma_start3A_30 = arith.constant 0 : i32
      %dma_start3A_31 = tpu.memref_slice %arg5[%add3A_26, %dma_start3A_30] : memref<40x128xi32, #tpu.memory_space<vmem>> -> memref<1x128xi32, #tpu.memory_space<vmem>>
      %dma_start3A_32 = tpu.memref_squeeze %dma_start3A_31 : memref<1x128xi32, #tpu.memory_space<vmem>> -> memref<128xi32, #tpu.memory_space<vmem>>
      %dma_start3A_33 = arith.constant 0 : i32
      %dma_start3A_34 = arith.constant 0 : i32
      %dma_start3A_35 = tpu.memref_slice %arg8[%dma_start3A_33, %dma_start3A_34] : memref<10240x16xf32, #tpu.memory_space<vmem_shared>> -> memref<10240x16xf32, #tpu.memory_space<vmem_shared>>
      tpu.enqueue_indirect_dma source(%dma_start3A_29 : memref<128x16xf32, #tpu.memory_space<vmem>>) target(%dma_start3A_35 : memref<10240x16xf32, #tpu.memory_space<vmem_shared>>) offsets(%dma_start3A_32 : memref<128xi32, #tpu.memory_space<vmem>>) semaphore(%arg9 : memref<!tpu.dma_semaphore, #tpu.memory_space<semaphore_mem>>) {add = true}
      %mul3A_36 = arith.constant 8 : i32
      %mul3A_37 = arith.muli %scan3A_22, %mul3A_36 : i32
      %add3A_38 = arith.constant 1 : i32
      %add3A_39 = arith.addi %mul3A_37, %add3A_38 : i32
      %mul3A_40 = arith.constant 128 : i32
      %mul3A_41 = arith.muli %add3A_39, %mul3A_40 : i32
      %dma_start3A_42 = arith.constant 0 : i32
      %dma_start3A_43 = tpu.memref_slice %arg6[%mul3A_41, %dma_start3A_42] : memref<5120x16xf32, #tpu.memory_space<vmem>> -> memref<128x16xf32, #tpu.memory_space<vmem>>
      %dma_start3A_44 = arith.constant 0 : i32
      %dma_start3A_45 = tpu.memref_slice %arg5[%add3A_39, %dma_start3A_44] : memref<40x128xi32, #tpu.memory_space<vmem>> -> memref<1x128xi32, #tpu.memory_space<vmem>>
      %dma_start3A_46 = tpu.memref_squeeze %dma_start3A_45 : memref<1x128xi32, #tpu.memory_space<vmem>> -> memref<128xi32, #tpu.memory_space<vmem>>
      %dma_start3A_47 = arith.constant 0 : i32
      %dma_start3A_48 = arith.constant 0 : i32
      %dma_start3A_49 = tpu.memref_slice %arg8[%dma_start3A_47, %dma_start3A_48] : memref<10240x16xf32, #tpu.memory_space<vmem_shared>> -> memref<10240x16xf32, #tpu.memory_space<vmem_shared>>
      tpu.enqueue_indirect_dma source(%dma_start3A_43 : memref<128x16xf32, #tpu.memory_space<vmem>>) target(%dma_start3A_49 : memref<10240x16xf32, #tpu.memory_space<vmem_shared>>) offsets(%dma_start3A_46 : memref<128xi32, #tpu.memory_space<vmem>>) semaphore(%arg9 : memref<!tpu.dma_semaphore, #tpu.memory_space<semaphore_mem>>) {add = true}
      %mul3A_50 = arith.constant 8 : i32
      %mul3A_51 = arith.muli %scan3A_22, %mul3A_50 : i32
      %add3A_52 = arith.constant 2 : i32
      %add3A_53 = arith.addi %mul3A_51, %add3A_52 : i32
      %mul3A_54 = arith.constant 128 : i32
      %mul3A_55 = arith.muli %add3A_53, %mul3A_54 : i32
      %dma_start3A_56 = arith.constant 0 : i32
      %dma_start3A_57 = tpu.memref_slice %arg6[%mul3A_55, %dma_start3A_56] : memref<5120x16xf32, #tpu.memory_space<vmem>> -> memref<128x16xf32, #tpu.memory_space<vmem>>
      %dma_start3A_58 = arith.constant 0 : i32
      %dma_start3A_59 = tpu.memref_slice %arg5[%add3A_53, %dma_start3A_58] : memref<40x128xi32, #tpu.memory_space<vmem>> -> memref<1x128xi32, #tpu.memory_space<vmem>>
      %dma_start3A_60 = tpu.memref_squeeze %dma_start3A_59 : memref<1x128xi32, #tpu.memory_space<vmem>> -> memref<128xi32, #tpu.memory_space<vmem>>
      %dma_start3A_61 = arith.constant 0 : i32
      %dma_start3A_62 = arith.constant 0 : i32
      %dma_start3A_63 = tpu.memref_slice %arg8[%dma_start3A_61, %dma_start3A_62] : memref<10240x16xf32, #tpu.memory_space<vmem_shared>> -> memref<10240x16xf32, #tpu.memory_space<vmem_shared>>
      tpu.enqueue_indirect_dma source(%dma_start3A_57 : memref<128x16xf32, #tpu.memory_space<vmem>>) target(%dma_start3A_63 : memref<10240x16xf32, #tpu.memory_space<vmem_shared>>) offsets(%dma_start3A_60 : memref<128xi32, #tpu.memory_space<vmem>>) semaphore(%arg9 : memref<!tpu.dma_semaphore, #tpu.memory_space<semaphore_mem>>) {add = true}
      %mul3A_64 = arith.constant 8 : i32
      %mul3A_65 = arith.muli %scan3A_22, %mul3A_64 : i32
      %add3A_66 = arith.constant 3 : i32
      %add3A_67 = arith.addi %mul3A_65, %add3A_66 : i32
      %mul3A_68 = arith.constant 128 : i32
      %mul3A_69 = arith.muli %add3A_67, %mul3A_68 : i32
      %dma_start3A_70 = arith.constant 0 : i32
      %dma_start3A_71 = tpu.memref_slice %arg6[%mul3A_69, %dma_start3A_70] : memref<5120x16xf32, #tpu.memory_space<vmem>> -> memref<128x16xf32, #tpu.memory_space<vmem>>
      %dma_start3A_72 = arith.constant 0 : i32
      %dma_start3A_73 = tpu.memref_slice %arg5[%add3A_67, %dma_start3A_72] : memref<40x128xi32, #tpu.memory_space<vmem>> -> memref<1x128xi32, #tpu.memory_space<vmem>>
      %dma_start3A_74 = tpu.memref_squeeze %dma_start3A_73 : memref<1x128xi32, #tpu.memory_space<vmem>> -> memref<128xi32, #tpu.memory_space<vmem>>
      %dma_start3A_75 = arith.constant 0 : i32
      %dma_start3A_76 = arith.constant 0 : i32
      %dma_start3A_77 = tpu.memref_slice %arg8[%dma_start3A_75, %dma_start3A_76] : memref<10240x16xf32, #tpu.memory_space<vmem_shared>> -> memref<10240x16xf32, #tpu.memory_space<vmem_shared>>
      tpu.enqueue_indirect_dma source(%dma_start3A_71 : memref<128x16xf32, #tpu.memory_space<vmem>>) target(%dma_start3A_77 : memref<10240x16xf32, #tpu.memory_space<vmem_shared>>) offsets(%dma_start3A_74 : memref<128xi32, #tpu.memory_space<vmem>>) semaphore(%arg9 : memref<!tpu.dma_semaphore, #tpu.memory_space<semaphore_mem>>) {add = true}
      %mul3A_78 = arith.constant 8 : i32
      %mul3A_79 = arith.muli %scan3A_22, %mul3A_78 : i32
      %add3A_80 = arith.constant 4 : i32
      %add3A_81 = arith.addi %mul3A_79, %add3A_80 : i32
      %mul3A_82 = arith.constant 128 : i32
      %mul3A_83 = arith.muli %add3A_81, %mul3A_82 : i32
      %dma_start3A_84 = arith.constant 0 : i32
      %dma_start3A_85 = tpu.memref_slice %arg6[%mul3A_83, %dma_start3A_84] : memref<5120x16xf32, #tpu.memory_space<vmem>> -> memref<128x16xf32, #tpu.memory_space<vmem>>
      %dma_start3A_86 = arith.constant 0 : i32
      %dma_start3A_87 = tpu.memref_slice %arg5[%add3A_81, %dma_start3A_86] : memref<40x128xi32, #tpu.memory_space<vmem>> -> memref<1x128xi32, #tpu.memory_space<vmem>>
      %dma_start3A_88 = tpu.memref_squeeze %dma_start3A_87 : memref<1x128xi32, #tpu.memory_space<vmem>> -> memref<128xi32, #tpu.memory_space<vmem>>
      %dma_start3A_89 = arith.constant 0 : i32
      %dma_start3A_90 = arith.constant 0 : i32
      %dma_start3A_91 = tpu.memref_slice %arg8[%dma_start3A_89, %dma_start3A_90] : memref<10240x16xf32, #tpu.memory_space<vmem_shared>> -> memref<10240x16xf32, #tpu.memory_space<vmem_shared>>
      tpu.enqueue_indirect_dma source(%dma_start3A_85 : memref<128x16xf32, #tpu.memory_space<vmem>>) target(%dma_start3A_91 : memref<10240x16xf32, #tpu.memory_space<vmem_shared>>) offsets(%dma_start3A_88 : memref<128xi32, #tpu.memory_space<vmem>>) semaphore(%arg9 : memref<!tpu.dma_semaphore, #tpu.memory_space<semaphore_mem>>) {add = true}
      %mul3A_92 = arith.constant 8 : i32
      %mul3A_93 = arith.muli %scan3A_22, %mul3A_92 : i32
      %add3A_94 = arith.constant 5 : i32
      %add3A_95 = arith.addi %mul3A_93, %add3A_94 : i32
      %mul3A_96 = arith.constant 128 : i32
      %mul3A_97 = arith.muli %add3A_95, %mul3A_96 : i32
      %dma_start3A_98 = arith.constant 0 : i32
      %dma_start3A_99 = tpu.memref_slice %arg6[%mul3A_97, %dma_start3A_98] : memref<5120x16xf32, #tpu.memory_space<vmem>> -> memref<128x16xf32, #tpu.memory_space<vmem>>
      %dma_start3A_100 = arith.constant 0 : i32
      %dma_start3A_101 = tpu.memref_slice %arg5[%add3A_95, %dma_start3A_100] : memref<40x128xi32, #tpu.memory_space<vmem>> -> memref<1x128xi32, #tpu.memory_space<vmem>>
      %dma_start3A_102 = tpu.memref_squeeze %dma_start3A_101 : memref<1x128xi32, #tpu.memory_space<vmem>> -> memref<128xi32, #tpu.memory_space<vmem>>
      %dma_start3A_103 = arith.constant 0 : i32
      %dma_start3A_104 = arith.constant 0 : i32
      %dma_start3A_105 = tpu.memref_slice %arg8[%dma_start3A_103, %dma_start3A_104] : memref<10240x16xf32, #tpu.memory_space<vmem_shared>> -> memref<10240x16xf32, #tpu.memory_space<vmem_shared>>
      tpu.enqueue_indirect_dma source(%dma_start3A_99 : memref<128x16xf32, #tpu.memory_space<vmem>>) target(%dma_start3A_105 : memref<10240x16xf32, #tpu.memory_space<vmem_shared>>) offsets(%dma_start3A_102 : memref<128xi32, #tpu.memory_space<vmem>>) semaphore(%arg9 : memref<!tpu.dma_semaphore, #tpu.memory_space<semaphore_mem>>) {add = true}
      %mul3A_106 = arith.constant 8 : i32
      %mul3A_107 = arith.muli %scan3A_22, %mul3A_106 : i32
      %add3A_108 = arith.constant 6 : i32
      %add3A_109 = arith.addi %mul3A_107, %add3A_108 : i32
      %mul3A_110 = arith.constant 128 : i32
      %mul3A_111 = arith.muli %add3A_109, %mul3A_110 : i32
      %dma_start3A_112 = arith.constant 0 : i32
      %dma_start3A_113 = tpu.memref_slice %arg6[%mul3A_111, %dma_start3A_112] : memref<5120x16xf32, #tpu.memory_space<vmem>> -> memref<128x16xf32, #tpu.memory_space<vmem>>
      %dma_start3A_114 = arith.constant 0 : i32
      %dma_start3A_115 = tpu.memref_slice %arg5[%add3A_109, %dma_start3A_114] : memref<40x128xi32, #tpu.memory_space<vmem>> -> memref<1x128xi32, #tpu.memory_space<vmem>>
      %dma_start3A_116 = tpu.memref_squeeze %dma_start3A_115 : memref<1x128xi32, #tpu.memory_space<vmem>> -> memref<128xi32, #tpu.memory_space<vmem>>
      %dma_start3A_117 = arith.constant 0 : i32
      %dma_start3A_118 = arith.constant 0 : i32
      %dma_start3A_119 = tpu.memref_slice %arg8[%dma_start3A_117, %dma_start3A_118] : memref<10240x16xf32, #tpu.memory_space<vmem_shared>> -> memref<10240x16xf32, #tpu.memory_space<vmem_shared>>
      tpu.enqueue_indirect_dma source(%dma_start3A_113 : memref<128x16xf32, #tpu.memory_space<vmem>>) target(%dma_start3A_119 : memref<10240x16xf32, #tpu.memory_space<vmem_shared>>) offsets(%dma_start3A_116 : memref<128xi32, #tpu.memory_space<vmem>>) semaphore(%arg9 : memref<!tpu.dma_semaphore, #tpu.memory_space<semaphore_mem>>) {add = true}
      %mul3A_120 = arith.constant 8 : i32
      %mul3A_121 = arith.muli %scan3A_22, %mul3A_120 : i32
      %add3A_122 = arith.constant 7 : i32
      %add3A_123 = arith.addi %mul3A_121, %add3A_122 : i32
      %mul3A_124 = arith.constant 128 : i32
      %mul3A_125 = arith.muli %add3A_123, %mul3A_124 : i32
      %dma_start3A_126 = arith.constant 0 : i32
      %dma_start3A_127 = tpu.memref_slice %arg6[%mul3A_125, %dma_start3A_126] : memref<5120x16xf32, #tpu.memory_space<vmem>> -> memref<128x16xf32, #tpu.memory_space<vmem>>
      %dma_start3A_128 = arith.constant 0 : i32
      %dma_start3A_129 = tpu.memref_slice %arg5[%add3A_123, %dma_start3A_128] : memref<40x128xi32, #tpu.memory_space<vmem>> -> memref<1x128xi32, #tpu.memory_space<vmem>>
      %dma_start3A_130 = tpu.memref_squeeze %dma_start3A_129 : memref<1x128xi32, #tpu.memory_space<vmem>> -> memref<128xi32, #tpu.memory_space<vmem>>
      %dma_start3A_131 = arith.constant 0 : i32
      %dma_start3A_132 = arith.constant 0 : i32
      %dma_start3A_133 = tpu.memref_slice %arg8[%dma_start3A_131, %dma_start3A_132] : memref<10240x16xf32, #tpu.memory_space<vmem_shared>> -> memref<10240x16xf32, #tpu.memory_space<vmem_shared>>
      tpu.enqueue_indirect_dma source(%dma_start3A_127 : memref<128x16xf32, #tpu.memory_space<vmem>>) target(%dma_start3A_133 : memref<10240x16xf32, #tpu.memory_space<vmem_shared>>) offsets(%dma_start3A_130 : memref<128xi32, #tpu.memory_space<vmem>>) semaphore(%arg9 : memref<!tpu.dma_semaphore, #tpu.memory_space<semaphore_mem>>) {add = true}
      %dma_wait3A = arith.constant 0 : i32
      %dma_wait3A_134 = tpu.memref_slice %arg6[%mul3A_28, %dma_wait3A] : memref<5120x16xf32, #tpu.memory_space<vmem>> -> memref<128x16xf32, #tpu.memory_space<vmem>>
      %dma_wait3A_135 = arith.constant 0 : i32
      %dma_wait3A_136 = tpu.memref_slice %arg5[%add3A_26, %dma_wait3A_135] : memref<40x128xi32, #tpu.memory_space<vmem>> -> memref<1x128xi32, #tpu.memory_space<vmem>>
      %dma_wait3A_137 = tpu.memref_squeeze %dma_wait3A_136 : memref<1x128xi32, #tpu.memory_space<vmem>> -> memref<128xi32, #tpu.memory_space<vmem>>
      %dma_wait3A_138 = arith.constant 0 : i32
      %dma_wait3A_139 = arith.constant 0 : i32
      %dma_wait3A_140 = tpu.memref_slice %arg8[%dma_wait3A_138, %dma_wait3A_139] : memref<10240x16xf32, #tpu.memory_space<vmem_shared>> -> memref<10240x16xf32, #tpu.memory_space<vmem_shared>>
      tpu.wait_indirect_dma semaphore(%arg9 : memref<!tpu.dma_semaphore, #tpu.memory_space<semaphore_mem>>) src(%dma_wait3A_134 : memref<128x16xf32, #tpu.memory_space<vmem>>) dst(%dma_wait3A_140 : memref<10240x16xf32, #tpu.memory_space<vmem_shared>>)
      %dma_wait3A_141 = arith.constant 0 : i32
      %dma_wait3A_142 = tpu.memref_slice %arg6[%mul3A_41, %dma_wait3A_141] : memref<5120x16xf32, #tpu.memory_space<vmem>> -> memref<128x16xf32, #tpu.memory_space<vmem>>
      %dma_wait3A_143 = arith.constant 0 : i32
      %dma_wait3A_144 = tpu.memref_slice %arg5[%add3A_39, %dma_wait3A_143] : memref<40x128xi32, #tpu.memory_space<vmem>> -> memref<1x128xi32, #tpu.memory_space<vmem>>
      %dma_wait3A_145 = tpu.memref_squeeze %dma_wait3A_144 : memref<1x128xi32, #tpu.memory_space<vmem>> -> memref<128xi32, #tpu.memory_space<vmem>>
      %dma_wait3A_146 = arith.constant 0 : i32
      %dma_wait3A_147 = arith.constant 0 : i32
      %dma_wait3A_148 = tpu.memref_slice %arg8[%dma_wait3A_146, %dma_wait3A_147] : memref<10240x16xf32, #tpu.memory_space<vmem_shared>> -> memref<10240x16xf32, #tpu.memory_space<vmem_shared>>
      tpu.wait_indirect_dma semaphore(%arg9 : memref<!tpu.dma_semaphore, #tpu.memory_space<semaphore_mem>>) src(%dma_wait3A_142 : memref<128x16xf32, #tpu.memory_space<vmem>>) dst(%dma_wait3A_148 : memref<10240x16xf32, #tpu.memory_space<vmem_shared>>)
      %dma_wait3A_149 = arith.constant 0 : i32
      %dma_wait3A_150 = tpu.memref_slice %arg6[%mul3A_55, %dma_wait3A_149] : memref<5120x16xf32, #tpu.memory_space<vmem>> -> memref<128x16xf32, #tpu.memory_space<vmem>>
      %dma_wait3A_151 = arith.constant 0 : i32
      %dma_wait3A_152 = tpu.memref_slice %arg5[%add3A_53, %dma_wait3A_151] : memref<40x128xi32, #tpu.memory_space<vmem>> -> memref<1x128xi32, #tpu.memory_space<vmem>>
      %dma_wait3A_153 = tpu.memref_squeeze %dma_wait3A_152 : memref<1x128xi32, #tpu.memory_space<vmem>> -> memref<128xi32, #tpu.memory_space<vmem>>
      %dma_wait3A_154 = arith.constant 0 : i32
      %dma_wait3A_155 = arith.constant 0 : i32
      %dma_wait3A_156 = tpu.memref_slice %arg8[%dma_wait3A_154, %dma_wait3A_155] : memref<10240x16xf32, #tpu.memory_space<vmem_shared>> -> memref<10240x16xf32, #tpu.memory_space<vmem_shared>>
      tpu.wait_indirect_dma semaphore(%arg9 : memref<!tpu.dma_semaphore, #tpu.memory_space<semaphore_mem>>) src(%dma_wait3A_150 : memref<128x16xf32, #tpu.memory_space<vmem>>) dst(%dma_wait3A_156 : memref<10240x16xf32, #tpu.memory_space<vmem_shared>>)
      %dma_wait3A_157 = arith.constant 0 : i32
      %dma_wait3A_158 = tpu.memref_slice %arg6[%mul3A_69, %dma_wait3A_157] : memref<5120x16xf32, #tpu.memory_space<vmem>> -> memref<128x16xf32, #tpu.memory_space<vmem>>
      %dma_wait3A_159 = arith.constant 0 : i32
      %dma_wait3A_160 = tpu.memref_slice %arg5[%add3A_67, %dma_wait3A_159] : memref<40x128xi32, #tpu.memory_space<vmem>> -> memref<1x128xi32, #tpu.memory_space<vmem>>
      %dma_wait3A_161 = tpu.memref_squeeze %dma_wait3A_160 : memref<1x128xi32, #tpu.memory_space<vmem>> -> memref<128xi32, #tpu.memory_space<vmem>>
      %dma_wait3A_162 = arith.constant 0 : i32
      %dma_wait3A_163 = arith.constant 0 : i32
      %dma_wait3A_164 = tpu.memref_slice %arg8[%dma_wait3A_162, %dma_wait3A_163] : memref<10240x16xf32, #tpu.memory_space<vmem_shared>> -> memref<10240x16xf32, #tpu.memory_space<vmem_shared>>
      tpu.wait_indirect_dma semaphore(%arg9 : memref<!tpu.dma_semaphore, #tpu.memory_space<semaphore_mem>>) src(%dma_wait3A_158 : memref<128x16xf32, #tpu.memory_space<vmem>>) dst(%dma_wait3A_164 : memref<10240x16xf32, #tpu.memory_space<vmem_shared>>)
      %dma_wait3A_165 = arith.constant 0 : i32
      %dma_wait3A_166 = tpu.memref_slice %arg6[%mul3A_83, %dma_wait3A_165] : memref<5120x16xf32, #tpu.memory_space<vmem>> -> memref<128x16xf32, #tpu.memory_space<vmem>>
      %dma_wait3A_167 = arith.constant 0 : i32
      %dma_wait3A_168 = tpu.memref_slice %arg5[%add3A_81, %dma_wait3A_167] : memref<40x128xi32, #tpu.memory_space<vmem>> -> memref<1x128xi32, #tpu.memory_space<vmem>>
      %dma_wait3A_169 = tpu.memref_squeeze %dma_wait3A_168 : memref<1x128xi32, #tpu.memory_space<vmem>> -> memref<128xi32, #tpu.memory_space<vmem>>
      %dma_wait3A_170 = arith.constant 0 : i32
      %dma_wait3A_171 = arith.constant 0 : i32
      %dma_wait3A_172 = tpu.memref_slice %arg8[%dma_wait3A_170, %dma_wait3A_171] : memref<10240x16xf32, #tpu.memory_space<vmem_shared>> -> memref<10240x16xf32, #tpu.memory_space<vmem_shared>>
      tpu.wait_indirect_dma semaphore(%arg9 : memref<!tpu.dma_semaphore, #tpu.memory_space<semaphore_mem>>) src(%dma_wait3A_166 : memref<128x16xf32, #tpu.memory_space<vmem>>) dst(%dma_wait3A_172 : memref<10240x16xf32, #tpu.memory_space<vmem_shared>>)
      %dma_wait3A_173 = arith.constant 0 : i32
      %dma_wait3A_174 = tpu.memref_slice %arg6[%mul3A_97, %dma_wait3A_173] : memref<5120x16xf32, #tpu.memory_space<vmem>> -> memref<128x16xf32, #tpu.memory_space<vmem>>
      %dma_wait3A_175 = arith.constant 0 : i32
      %dma_wait3A_176 = tpu.memref_slice %arg5[%add3A_95, %dma_wait3A_175] : memref<40x128xi32, #tpu.memory_space<vmem>> -> memref<1x128xi32, #tpu.memory_space<vmem>>
      %dma_wait3A_177 = tpu.memref_squeeze %dma_wait3A_176 : memref<1x128xi32, #tpu.memory_space<vmem>> -> memref<128xi32, #tpu.memory_space<vmem>>
      %dma_wait3A_178 = arith.constant 0 : i32
      %dma_wait3A_179 = arith.constant 0 : i32
      %dma_wait3A_180 = tpu.memref_slice %arg8[%dma_wait3A_178, %dma_wait3A_179] : memref<10240x16xf32, #tpu.memory_space<vmem_shared>> -> memref<10240x16xf32, #tpu.memory_space<vmem_shared>>
      tpu.wait_indirect_dma semaphore(%arg9 : memref<!tpu.dma_semaphore, #tpu.memory_space<semaphore_mem>>) src(%dma_wait3A_174 : memref<128x16xf32, #tpu.memory_space<vmem>>) dst(%dma_wait3A_180 : memref<10240x16xf32, #tpu.memory_space<vmem_shared>>)
      %dma_wait3A_181 = arith.constant 0 : i32
      %dma_wait3A_182 = tpu.memref_slice %arg6[%mul3A_111, %dma_wait3A_181] : memref<5120x16xf32, #tpu.memory_space<vmem>> -> memref<128x16xf32, #tpu.memory_space<vmem>>
      %dma_wait3A_183 = arith.constant 0 : i32
      %dma_wait3A_184 = tpu.memref_slice %arg5[%add3A_109, %dma_wait3A_183] : memref<40x128xi32, #tpu.memory_space<vmem>> -> memref<1x128xi32, #tpu.memory_space<vmem>>
      %dma_wait3A_185 = tpu.memref_squeeze %dma_wait3A_184 : memref<1x128xi32, #tpu.memory_space<vmem>> -> memref<128xi32, #tpu.memory_space<vmem>>
      %dma_wait3A_186 = arith.constant 0 : i32
      %dma_wait3A_187 = arith.constant 0 : i32
      %dma_wait3A_188 = tpu.memref_slice %arg8[%dma_wait3A_186, %dma_wait3A_187] : memref<10240x16xf32, #tpu.memory_space<vmem_shared>> -> memref<10240x16xf32, #tpu.memory_space<vmem_shared>>
      tpu.wait_indirect_dma semaphore(%arg9 : memref<!tpu.dma_semaphore, #tpu.memory_space<semaphore_mem>>) src(%dma_wait3A_182 : memref<128x16xf32, #tpu.memory_space<vmem>>) dst(%dma_wait3A_188 : memref<10240x16xf32, #tpu.memory_space<vmem_shared>>)
      %dma_wait3A_189 = arith.constant 0 : i32
      %dma_wait3A_190 = tpu.memref_slice %arg6[%mul3A_125, %dma_wait3A_189] : memref<5120x16xf32, #tpu.memory_space<vmem>> -> memref<128x16xf32, #tpu.memory_space<vmem>>
      %dma_wait3A_191 = arith.constant 0 : i32
      %dma_wait3A_192 = tpu.memref_slice %arg5[%add3A_123, %dma_wait3A_191] : memref<40x128xi32, #tpu.memory_space<vmem>> -> memref<1x128xi32, #tpu.memory_space<vmem>>
      %dma_wait3A_193 = tpu.memref_squeeze %dma_wait3A_192 : memref<1x128xi32, #tpu.memory_space<vmem>> -> memref<128xi32, #tpu.memory_space<vmem>>
      %dma_wait3A_194 = arith.constant 0 : i32
      %dma_wait3A_195 = arith.constant 0 : i32
      %dma_wait3A_196 = tpu.memref_slice %arg8[%dma_wait3A_194, %dma_wait3A_195] : memref<10240x16xf32, #tpu.memory_space<vmem_shared>> -> memref<10240x16xf32, #tpu.memory_space<vmem_shared>>
      tpu.wait_indirect_dma semaphore(%arg9 : memref<!tpu.dma_semaphore, #tpu.memory_space<semaphore_mem>>) src(%dma_wait3A_190 : memref<128x16xf32, #tpu.memory_space<vmem>>) dst(%dma_wait3A_196 : memref<10240x16xf32, #tpu.memory_space<vmem_shared>>)
    }
    %scan3A_16 = arith.constant 5 : i32
    %barrier3A_17 = arith.constant 0 : index
    tpu.barrier barrier_id(%barrier3A_17)
    %mul3A_18 = arith.constant 640 : i32
    %mul3A_19 = arith.muli %arg1, %mul3A_18 : i32
    "tpu.region"() ({
      %run_scoped3A = tpu.sem_alloc : memref<!tpu.dma_semaphore, #tpu.memory_space<semaphore_mem>>
      %dma_start3A = arith.constant 0 : i32
      %dma_start3A_22 = tpu.memref_slice %arg8[%mul3A_19, %dma_start3A] : memref<10240x16xf32, #tpu.memory_space<vmem_shared>> -> memref<640x16xf32, #tpu.memory_space<vmem_shared>>
      %dma_start3A_23 = arith.constant 0 : i32
      %dma_start3A_24 = tpu.memref_slice %arg8[%mul3A_19, %dma_start3A_23] : memref<10240x16xf32, #tpu.memory_space<vmem_shared>> -> memref<640x16xf32, #tpu.memory_space<vmem_shared>>
      tpu.enqueue_dma source(%dma_start3A_24 : memref<640x16xf32, #tpu.memory_space<vmem_shared>>) target(%arg7 : memref<640x16xf32, #tpu.memory_space<vmem>>) target_semaphore(%run_scoped3A : memref<!tpu.dma_semaphore, #tpu.memory_space<semaphore_mem>>)
      %dma_wait3A = arith.constant 0 : i32
      %dma_wait3A_25 = tpu.memref_slice %arg8[%mul3A_19, %dma_wait3A] : memref<10240x16xf32, #tpu.memory_space<vmem_shared>> -> memref<640x16xf32, #tpu.memory_space<vmem_shared>>
      %dma_wait3A_26 = arith.constant 0 : i32
      %dma_wait3A_27 = tpu.memref_slice %arg8[%mul3A_19, %dma_wait3A_26] : memref<10240x16xf32, #tpu.memory_space<vmem_shared>> -> memref<640x16xf32, #tpu.memory_space<vmem_shared>>
      tpu.wait_dma2 semaphore(%run_scoped3A : memref<!tpu.dma_semaphore, #tpu.memory_space<semaphore_mem>>) src(%dma_wait3A_27 : memref<640x16xf32, #tpu.memory_space<vmem_shared>>) dst(%arg7 : memref<640x16xf32, #tpu.memory_space<vmem>>)
      tpu.yield
    }) : () -> ()
    %mul3A_20 = arith.constant 640 : i32
    %mul3A_21 = arith.muli %arg1, %mul3A_20 : i32
    "tpu.region"() ({
      %run_scoped3A = tpu.sem_alloc : memref<!tpu.dma_semaphore, #tpu.memory_space<semaphore_mem>>
      %dma_start3A = arith.constant 0 : i32
      %dma_start3A_22 = tpu.memref_slice %arg4[%arg0, %mul3A_21, %dma_start3A] : memref<2x10240x16xf32, #tpu.memory_space<hbm>> -> memref<1x640x16xf32, #tpu.memory_space<hbm>>
      %dma_start3A_23 = tpu.memref_squeeze %dma_start3A_22 : memref<1x640x16xf32, #tpu.memory_space<hbm>> -> memref<640x16xf32, #tpu.memory_space<hbm>>
      %dma_start3A_24 = arith.constant 0 : i32
      %dma_start3A_25 = tpu.memref_slice %arg4[%arg0, %mul3A_21, %dma_start3A_24] : memref<2x10240x16xf32, #tpu.memory_space<hbm>> -> memref<1x640x16xf32, #tpu.memory_space<hbm>>
      %dma_start3A_26 = tpu.memref_squeeze %dma_start3A_25 : memref<1x640x16xf32, #tpu.memory_space<hbm>> -> memref<640x16xf32, #tpu.memory_space<hbm>>
      tpu.enqueue_dma source(%arg7 : memref<640x16xf32, #tpu.memory_space<vmem>>) target(%dma_start3A_26 : memref<640x16xf32, #tpu.memory_space<hbm>>) target_semaphore(%run_scoped3A : memref<!tpu.dma_semaphore, #tpu.memory_space<semaphore_mem>>)
      %dma_wait3A = arith.constant 0 : i32
      %dma_wait3A_27 = tpu.memref_slice %arg4[%arg0, %mul3A_21, %dma_wait3A] : memref<2x10240x16xf32, #tpu.memory_space<hbm>> -> memref<1x640x16xf32, #tpu.memory_space<hbm>>
      %dma_wait3A_28 = tpu.memref_squeeze %dma_wait3A_27 : memref<1x640x16xf32, #tpu.memory_space<hbm>> -> memref<640x16xf32, #tpu.memory_space<hbm>>
      %dma_wait3A_29 = arith.constant 0 : i32
      %dma_wait3A_30 = tpu.memref_slice %arg4[%arg0, %mul3A_21, %dma_wait3A_29] : memref<2x10240x16xf32, #tpu.memory_space<hbm>> -> memref<1x640x16xf32, #tpu.memory_space<hbm>>
      %dma_wait3A_31 = tpu.memref_squeeze %dma_wait3A_30 : memref<1x640x16xf32, #tpu.memory_space<hbm>> -> memref<640x16xf32, #tpu.memory_space<hbm>>
      tpu.wait_dma2 semaphore(%run_scoped3A : memref<!tpu.dma_semaphore, #tpu.memory_space<semaphore_mem>>) src(%arg7 : memref<640x16xf32, #tpu.memory_space<vmem>>) dst(%dma_wait3A_31 : memref<640x16xf32, #tpu.memory_space<hbm>>)
      tpu.yield
    }) : () -> ()
    return
  }
}

module attributes {stable_mosaic.version = 14 : i64} {
  func.func @_tc_msg_body(%arg0: i32, %arg1: memref<160x128xf32, #tpu.memory_space<vmem>>, %arg2: memref<160x128xf32, #tpu.memory_space<vmem>>, %arg3: memref<128x512xbf16, #tpu.memory_space<vmem>>, %arg4: memref<1x512xf32, #tpu.memory_space<vmem>>, %arg5: memref<512x512xbf16, #tpu.memory_space<vmem>>, %arg6: memref<1x512xf32, #tpu.memory_space<vmem>>, %arg7: memref<512x2048xbf16, #tpu.memory_space<vmem>>, %arg8: memref<1x2048xf32, #tpu.memory_space<vmem>>, %arg9: memref<128x2048xbf16, #tpu.memory_space<vmem>>, %arg10: memref<2048x128xbf16, #tpu.memory_space<vmem>>, %arg11: memref<160x128xf32, #tpu.memory_space<vmem>>) attributes {dimension_semantics = [#tpu.dimension_semantics<arbitrary>], iteration_bounds = array<i64: 125>, scalar_prefetch = 0 : i64, scratch_operands = 0 : i64, tpu.core_type = #tpu.core_type<tc>, window_params = [{transform_indices = @transform_0, window_bounds = array<i64: 160, 128>}, {transform_indices = @transform_1, window_bounds = array<i64: 160, 128>}, {pipeline_mode = #tpu.pipeline_mode<synchronous>, transform_indices = @transform_2, window_bounds = array<i64: 128, 512>}, {pipeline_mode = #tpu.pipeline_mode<synchronous>, transform_indices = @transform_3, window_bounds = array<i64: 1, 512>}, {pipeline_mode = #tpu.pipeline_mode<synchronous>, transform_indices = @transform_4, window_bounds = array<i64: 512, 512>}, {pipeline_mode = #tpu.pipeline_mode<synchronous>, transform_indices = @transform_5, window_bounds = array<i64: 1, 512>}, {pipeline_mode = #tpu.pipeline_mode<synchronous>, transform_indices = @transform_6, window_bounds = array<i64: 512, 2048>}, {pipeline_mode = #tpu.pipeline_mode<synchronous>, transform_indices = @transform_7, window_bounds = array<i64: 1, 2048>}, {pipeline_mode = #tpu.pipeline_mode<synchronous>, transform_indices = @transform_8, window_bounds = array<i64: 128, 2048>}, {pipeline_mode = #tpu.pipeline_mode<synchronous>, transform_indices = @transform_9, window_bounds = array<i64: 2048, 128>}, {transform_indices = @transform_10, window_bounds = array<i64: 160, 128>}]} {
    %get3A = arith.constant 0 : index
    %get3A_0 = arith.constant 0 : index
    %get3A_1 = vector.load %arg1[%get3A, %get3A_0] : memref<160x128xf32, #tpu.memory_space<vmem>>, vector<160x128xf32>
    %convert_element_type3A = arith.truncf %get3A_1 : vector<160x128xf32> to vector<160x128xbf16>
    %get3A_2 = arith.constant 0 : index
    %get3A_3 = arith.constant 0 : index
    %get3A_4 = vector.load %arg3[%get3A_2, %get3A_3] : memref<128x512xbf16, #tpu.memory_space<vmem>>, vector<128x512xbf16>
    %dot_general3A = arith.constant dense<0.000000e+00> : vector<160x512xf32>
    %dot_general3A_5 = tpu.matmul %convert_element_type3A, %get3A_4, %dot_general3A {dimension_numbers = #tpu.dot_dimension_numbers<[1], [0], [0], [1], [0, 0, 1, 1], [], []>, transpose_lhs_hint = false} : vector<160x128xbf16>, vector<128x512xbf16>, vector<160x512xf32> -> vector<160x512xf32>
    %get3A_6 = arith.constant 0 : index
    %get3A_7 = arith.constant 0 : index
    %get3A_8 = vector.load %arg4[%get3A_6, %get3A_7] : memref<1x512xf32, #tpu.memory_space<vmem>>, vector<1x512xf32>
    %add3A = vector.broadcast %get3A_8 : vector<1x512xf32> to vector<160x512xf32>
    %add3A_9 = arith.addf %dot_general3A_5, %add3A : vector<160x512xf32>
    %max3A = arith.constant 0.000000e+00 : f32
    %max3A_10 = vector.broadcast %max3A : f32 to vector<160x512xf32>
    %max3A_11 = arith.maximumf %add3A_9, %max3A_10 : vector<160x512xf32>
    %convert_element_type3A_12 = arith.truncf %max3A_11 : vector<160x512xf32> to vector<160x512xbf16>
    %get3A_13 = arith.constant 0 : index
    %get3A_14 = arith.constant 0 : index
    %get3A_15 = vector.load %arg5[%get3A_13, %get3A_14] : memref<512x512xbf16, #tpu.memory_space<vmem>>, vector<512x512xbf16>
    %dot_general3A_16 = arith.constant dense<0.000000e+00> : vector<160x512xf32>
    %dot_general3A_17 = tpu.matmul %convert_element_type3A_12, %get3A_15, %dot_general3A_16 {dimension_numbers = #tpu.dot_dimension_numbers<[1], [0], [0], [1], [0, 0, 1, 1], [], []>, transpose_lhs_hint = false} : vector<160x512xbf16>, vector<512x512xbf16>, vector<160x512xf32> -> vector<160x512xf32>
    %get3A_18 = arith.constant 0 : index
    %get3A_19 = arith.constant 0 : index
    %get3A_20 = vector.load %arg6[%get3A_18, %get3A_19] : memref<1x512xf32, #tpu.memory_space<vmem>>, vector<1x512xf32>
    %add3A_21 = vector.broadcast %get3A_20 : vector<1x512xf32> to vector<160x512xf32>
    %add3A_22 = arith.addf %dot_general3A_17, %add3A_21 : vector<160x512xf32>
    %max3A_23 = arith.constant 0.000000e+00 : f32
    %max3A_24 = vector.broadcast %max3A_23 : f32 to vector<160x512xf32>
    %max3A_25 = arith.maximumf %add3A_22, %max3A_24 : vector<160x512xf32>
    %convert_element_type3A_26 = arith.truncf %max3A_25 : vector<160x512xf32> to vector<160x512xbf16>
    %get3A_27 = arith.constant 0 : index
    %get3A_28 = arith.constant 0 : index
    %get3A_29 = vector.load %arg7[%get3A_27, %get3A_28] : memref<512x2048xbf16, #tpu.memory_space<vmem>>, vector<512x2048xbf16>
    %dot_general3A_30 = arith.constant dense<0.000000e+00> : vector<160x2048xf32>
    %dot_general3A_31 = tpu.matmul %convert_element_type3A_26, %get3A_29, %dot_general3A_30 {dimension_numbers = #tpu.dot_dimension_numbers<[1], [0], [0], [1], [0, 0, 1, 1], [], []>, transpose_lhs_hint = false} : vector<160x512xbf16>, vector<512x2048xbf16>, vector<160x2048xf32> -> vector<160x2048xf32>
    %get3A_32 = arith.constant 0 : index
    %get3A_33 = arith.constant 0 : index
    %get3A_34 = vector.load %arg8[%get3A_32, %get3A_33] : memref<1x2048xf32, #tpu.memory_space<vmem>>, vector<1x2048xf32>
    %add3A_35 = vector.broadcast %get3A_34 : vector<1x2048xf32> to vector<160x2048xf32>
    %add3A_36 = arith.addf %dot_general3A_31, %add3A_35 : vector<160x2048xf32>
    %get3A_37 = arith.constant 0 : index
    %get3A_38 = arith.constant 0 : index
    %get3A_39 = vector.load %arg2[%get3A_37, %get3A_38] : memref<160x128xf32, #tpu.memory_space<vmem>>, vector<160x128xf32>
    %convert_element_type3A_40 = arith.truncf %get3A_39 : vector<160x128xf32> to vector<160x128xbf16>
    %get3A_41 = arith.constant 0 : index
    %get3A_42 = arith.constant 0 : index
    %get3A_43 = vector.load %arg9[%get3A_41, %get3A_42] : memref<128x2048xbf16, #tpu.memory_space<vmem>>, vector<128x2048xbf16>
    %dot_general3A_44 = arith.constant dense<0.000000e+00> : vector<160x2048xf32>
    %dot_general3A_45 = tpu.matmul %convert_element_type3A_40, %get3A_43, %dot_general3A_44 {dimension_numbers = #tpu.dot_dimension_numbers<[1], [0], [0], [1], [0, 0, 1, 1], [], []>, transpose_lhs_hint = false} : vector<160x128xbf16>, vector<128x2048xbf16>, vector<160x2048xf32> -> vector<160x2048xf32>
    %mul3A = arith.mulf %dot_general3A_45, %add3A_36 : vector<160x2048xf32>
    %convert_element_type3A_46 = arith.truncf %mul3A : vector<160x2048xf32> to vector<160x2048xbf16>
    %get3A_47 = arith.constant 0 : index
    %get3A_48 = arith.constant 0 : index
    %get3A_49 = vector.load %arg10[%get3A_47, %get3A_48] : memref<2048x128xbf16, #tpu.memory_space<vmem>>, vector<2048x128xbf16>
    %dot_general3A_50 = arith.constant dense<0.000000e+00> : vector<160x128xf32>
    %dot_general3A_51 = tpu.matmul %convert_element_type3A_46, %get3A_49, %dot_general3A_50 {dimension_numbers = #tpu.dot_dimension_numbers<[1], [0], [0], [1], [0, 0, 1, 1], [], []>, transpose_lhs_hint = false} : vector<160x2048xbf16>, vector<2048x128xbf16>, vector<160x128xf32> -> vector<160x128xf32>
    %swap3A = arith.constant 0 : index
    %swap3A_52 = arith.constant 0 : index
    %swap3A_53 = vector.load %arg11[%swap3A, %swap3A_52] : memref<160x128xf32, #tpu.memory_space<vmem>>, vector<160x128xf32>
    tpu.vector_store %arg11[%swap3A, %swap3A_52], %dot_general3A_51 {strides = array<i32>} : memref<160x128xf32, #tpu.memory_space<vmem>>, vector<160x128xf32>,
    return
  }
  func.func @transform_0(%arg0: i32) -> (i32, i32) {
    %c0_i32 = arith.constant 0 : i32
    %c0_i32_0 = arith.constant 0 : i32
    return %arg0, %c0_i32 : i32, i32
  }
  func.func @transform_1(%arg0: i32) -> (i32, i32) {
    %c0_i32 = arith.constant 0 : i32
    %c0_i32_0 = arith.constant 0 : i32
    return %arg0, %c0_i32 : i32, i32
  }
  func.func @transform_2(%arg0: i32) -> (i32, i32) {
    %c0_i32 = arith.constant 0 : i32
    %c0_i32_0 = arith.constant 0 : i32
    %c0_i32_1 = arith.constant 0 : i32
    return %c0_i32, %c0_i32_0 : i32, i32
  }
  func.func @transform_3(%arg0: i32) -> (i32, i32) {
    %c0_i32 = arith.constant 0 : i32
    %c0_i32_0 = arith.constant 0 : i32
    %c0_i32_1 = arith.constant 0 : i32
    return %c0_i32, %c0_i32_0 : i32, i32
  }
  func.func @transform_4(%arg0: i32) -> (i32, i32) {
    %c0_i32 = arith.constant 0 : i32
    %c0_i32_0 = arith.constant 0 : i32
    %c0_i32_1 = arith.constant 0 : i32
    return %c0_i32, %c0_i32_0 : i32, i32
  }
  func.func @transform_5(%arg0: i32) -> (i32, i32) {
    %c0_i32 = arith.constant 0 : i32
    %c0_i32_0 = arith.constant 0 : i32
    %c0_i32_1 = arith.constant 0 : i32
    return %c0_i32, %c0_i32_0 : i32, i32
  }
  func.func @transform_6(%arg0: i32) -> (i32, i32) {
    %c0_i32 = arith.constant 0 : i32
    %c0_i32_0 = arith.constant 0 : i32
    %c0_i32_1 = arith.constant 0 : i32
    return %c0_i32, %c0_i32_0 : i32, i32
  }
  func.func @transform_7(%arg0: i32) -> (i32, i32) {
    %c0_i32 = arith.constant 0 : i32
    %c0_i32_0 = arith.constant 0 : i32
    %c0_i32_1 = arith.constant 0 : i32
    return %c0_i32, %c0_i32_0 : i32, i32
  }
  func.func @transform_8(%arg0: i32) -> (i32, i32) {
    %c0_i32 = arith.constant 0 : i32
    %c0_i32_0 = arith.constant 0 : i32
    %c0_i32_1 = arith.constant 0 : i32
    return %c0_i32, %c0_i32_0 : i32, i32
  }
  func.func @transform_9(%arg0: i32) -> (i32, i32) {
    %c0_i32 = arith.constant 0 : i32
    %c0_i32_0 = arith.constant 0 : i32
    %c0_i32_1 = arith.constant 0 : i32
    return %c0_i32, %c0_i32_0 : i32, i32
  }
  func.func @transform_10(%arg0: i32) -> (i32, i32) {
    %c0_i32 = arith.constant 0 : i32
    %c0_i32_0 = arith.constant 0 : i32
    return %arg0, %c0_i32 : i32, i32
  }
}

module attributes {stable_mosaic.version = 14 : i64} {
  func.func @_tc_update_body(%arg0: i32, %arg1: memref<2x10000x16xf32, #tpu.memory_space<vmem>>, %arg2: memref<10000x16xf32, #tpu.memory_space<vmem>>, %arg3: memref<16x16xf32, #tpu.memory_space<vmem>>, %arg4: memref<1x16xf32, #tpu.memory_space<vmem>>, %arg5: memref<10000x16xf32, #tpu.memory_space<vmem>>) attributes {dimension_semantics = [#tpu.dimension_semantics<arbitrary>], iteration_bounds = array<i64: 1>, scalar_prefetch = 0 : i64, scratch_operands = 0 : i64, tpu.core_type = #tpu.core_type<tc>, window_params = [{transform_indices = @transform_0, window_bounds = array<i64: 2, 10000, 16>}, {pipeline_mode = #tpu.pipeline_mode<synchronous>, transform_indices = @transform_1, window_bounds = array<i64: 10000, 16>}, {pipeline_mode = #tpu.pipeline_mode<synchronous>, transform_indices = @transform_2, window_bounds = array<i64: 16, 16>}, {pipeline_mode = #tpu.pipeline_mode<synchronous>, transform_indices = @transform_3, window_bounds = array<i64: 1, 16>}, {pipeline_mode = #tpu.pipeline_mode<synchronous>, transform_indices = @transform_4, window_bounds = array<i64: 10000, 16>}]} {
    %get3A = arith.constant 0 : index
    %get3A_0 = arith.constant 0 : index
    %get3A_1 = arith.constant 0 : index
    %get3A_2 = vector.load %arg1[%get3A, %get3A_0, %get3A_1] : memref<2x10000x16xf32, #tpu.memory_space<vmem>>, vector<1x10000x16xf32>
    %get3A_3 = vector.shape_cast %get3A_2 : vector<1x10000x16xf32> to vector<10000x16xf32>
    %get3A_4 = arith.constant 1 : index
    %get3A_5 = arith.constant 0 : index
    %get3A_6 = arith.constant 0 : index
    %get3A_7 = vector.load %arg1[%get3A_4, %get3A_5, %get3A_6] : memref<2x10000x16xf32, #tpu.memory_space<vmem>>, vector<1x10000x16xf32>
    %get3A_8 = vector.shape_cast %get3A_7 : vector<1x10000x16xf32> to vector<10000x16xf32>
    %add3A = arith.addf %get3A_3, %get3A_8 : vector<10000x16xf32>
    %get3A_9 = arith.constant 0 : index
    %get3A_10 = arith.constant 0 : index
    %get3A_11 = vector.load %arg2[%get3A_9, %get3A_10] : memref<10000x16xf32, #tpu.memory_space<vmem>>, vector<10000x16xf32>
    %get3A_12 = arith.constant 0 : index
    %get3A_13 = arith.constant 0 : index
    %get3A_14 = vector.load %arg3[%get3A_12, %get3A_13] : memref<16x16xf32, #tpu.memory_space<vmem>>, vector<16x16xf32>
    %dot_general3A = arith.constant dense<0.000000e+00> : vector<10000x16xf32>
    %dot_general3A_15 = tpu.matmul %get3A_11, %get3A_14, %dot_general3A {dimension_numbers = #tpu.dot_dimension_numbers<[1], [0], [0], [1], [0, 0, 1, 1], [], []>, transpose_lhs_hint = false} : vector<10000x16xf32>, vector<16x16xf32>, vector<10000x16xf32> -> vector<10000x16xf32>
    %add3A_16 = arith.addf %add3A, %dot_general3A_15 : vector<10000x16xf32>
    %get3A_17 = arith.constant 0 : index
    %get3A_18 = arith.constant 0 : index
    %get3A_19 = vector.load %arg4[%get3A_17, %get3A_18] : memref<1x16xf32, #tpu.memory_space<vmem>>, vector<1x16xf32>
    %add3A_20 = vector.broadcast %get3A_19 : vector<1x16xf32> to vector<10000x16xf32>
    %add3A_21 = arith.addf %add3A_16, %add3A_20 : vector<10000x16xf32>
    %mul3A = arith.constant 5.000000e-01 : f32
    %mul3A_22 = vector.broadcast %mul3A : f32 to vector<10000x16xf32>
    %mul3A_23 = arith.mulf %mul3A_22, %add3A_21 : vector<10000x16xf32>
    %mul3A_24 = arith.constant 0.707106769 : f32
    %mul3A_25 = vector.broadcast %mul3A_24 : f32 to vector<10000x16xf32>
    %mul3A_26 = arith.mulf %add3A_21, %mul3A_25 : vector<10000x16xf32>
    %erf3A = math.erf %mul3A_26 : vector<10000x16xf32>
    %add3A_27 = arith.constant 1.000000e+00 : f32
    %add3A_28 = vector.broadcast %add3A_27 : f32 to vector<10000x16xf32>
    %add3A_29 = arith.addf %add3A_28, %erf3A : vector<10000x16xf32>
    %mul3A_30 = arith.mulf %mul3A_23, %add3A_29 : vector<10000x16xf32>
    %swap3A = arith.constant 0 : index
    %swap3A_31 = arith.constant 0 : index
    %swap3A_32 = vector.load %arg5[%swap3A, %swap3A_31] : memref<10000x16xf32, #tpu.memory_space<vmem>>, vector<10000x16xf32>
    tpu.vector_store %arg5[%swap3A, %swap3A_31], %mul3A_30 {strides = array<i32>} : memref<10000x16xf32, #tpu.memory_space<vmem>>, vector<10000x16xf32>,
    return
  }
  func.func @transform_0(%arg0: i32) -> (i32, i32, i32) {
    %c0_i32 = arith.constant 0 : i32
    %c0_i32_0 = arith.constant 0 : i32
    %c0_i32_1 = arith.constant 0 : i32
    %c0_i32_2 = arith.constant 0 : i32
    return %c0_i32, %c0_i32_0, %c0_i32_1 : i32, i32, i32
  }
  func.func @transform_1(%arg0: i32) -> (i32, i32) {
    %c0_i32 = arith.constant 0 : i32
    %c0_i32_0 = arith.constant 0 : i32
    %c0_i32_1 = arith.constant 0 : i32
    return %c0_i32, %c0_i32_0 : i32, i32
  }
  func.func @transform_2(%arg0: i32) -> (i32, i32) {
    %c0_i32 = arith.constant 0 : i32
    %c0_i32_0 = arith.constant 0 : i32
    %c0_i32_1 = arith.constant 0 : i32
    return %c0_i32, %c0_i32_0 : i32, i32
  }
  func.func @transform_3(%arg0: i32) -> (i32, i32) {
    %c0_i32 = arith.constant 0 : i32
    %c0_i32_0 = arith.constant 0 : i32
    %c0_i32_1 = arith.constant 0 : i32
    return %c0_i32, %c0_i32_0 : i32, i32
  }
  func.func @transform_4(%arg0: i32) -> (i32, i32) {
    %c0_i32 = arith.constant 0 : i32
    %c0_i32_0 = arith.constant 0 : i32
    %c0_i32_1 = arith.constant 0 : i32
    return %c0_i32, %c0_i32_0 : i32, i32
  }
}

module attributes {stable_mosaic.version = 14 : i64} {
  func.func @_tc_update_body(%arg0: i32, %arg1: memref<2x10000x16xf32, #tpu.memory_space<vmem>>, %arg2: memref<10000x16xf32, #tpu.memory_space<vmem>>, %arg3: memref<16x16xf32, #tpu.memory_space<vmem>>, %arg4: memref<1x16xf32, #tpu.memory_space<vmem>>, %arg5: memref<10000x16xf32, #tpu.memory_space<vmem>>) attributes {dimension_semantics = [#tpu.dimension_semantics<arbitrary>], iteration_bounds = array<i64: 1>, scalar_prefetch = 0 : i64, scratch_operands = 0 : i64, tpu.core_type = #tpu.core_type<tc>, window_params = [{transform_indices = @transform_0, window_bounds = array<i64: 2, 10000, 16>}, {pipeline_mode = #tpu.pipeline_mode<synchronous>, transform_indices = @transform_1, window_bounds = array<i64: 10000, 16>}, {pipeline_mode = #tpu.pipeline_mode<synchronous>, transform_indices = @transform_2, window_bounds = array<i64: 16, 16>}, {pipeline_mode = #tpu.pipeline_mode<synchronous>, transform_indices = @transform_3, window_bounds = array<i64: 1, 16>}, {pipeline_mode = #tpu.pipeline_mode<synchronous>, transform_indices = @transform_4, window_bounds = array<i64: 10000, 16>}]} {
    %get3A = arith.constant 0 : index
    %get3A_0 = arith.constant 0 : index
    %get3A_1 = arith.constant 0 : index
    %get3A_2 = vector.load %arg1[%get3A, %get3A_0, %get3A_1] : memref<2x10000x16xf32, #tpu.memory_space<vmem>>, vector<1x10000x16xf32>
    %get3A_3 = vector.shape_cast %get3A_2 : vector<1x10000x16xf32> to vector<10000x16xf32>
    %get3A_4 = arith.constant 1 : index
    %get3A_5 = arith.constant 0 : index
    %get3A_6 = arith.constant 0 : index
    %get3A_7 = vector.load %arg1[%get3A_4, %get3A_5, %get3A_6] : memref<2x10000x16xf32, #tpu.memory_space<vmem>>, vector<1x10000x16xf32>
    %get3A_8 = vector.shape_cast %get3A_7 : vector<1x10000x16xf32> to vector<10000x16xf32>
    %add3A = arith.addf %get3A_3, %get3A_8 : vector<10000x16xf32>
    %get3A_9 = arith.constant 0 : index
    %get3A_10 = arith.constant 0 : index
    %get3A_11 = vector.load %arg2[%get3A_9, %get3A_10] : memref<10000x16xf32, #tpu.memory_space<vmem>>, vector<10000x16xf32>
    %get3A_12 = arith.constant 0 : index
    %get3A_13 = arith.constant 0 : index
    %get3A_14 = vector.load %arg3[%get3A_12, %get3A_13] : memref<16x16xf32, #tpu.memory_space<vmem>>, vector<16x16xf32>
    %dot_general3A = arith.constant dense<0.000000e+00> : vector<10000x16xf32>
    %dot_general3A_15 = tpu.matmul %get3A_11, %get3A_14, %dot_general3A {dimension_numbers = #tpu.dot_dimension_numbers<[1], [0], [0], [1], [0, 0, 1, 1], [], []>, transpose_lhs_hint = false} : vector<10000x16xf32>, vector<16x16xf32>, vector<10000x16xf32> -> vector<10000x16xf32>
    %add3A_16 = arith.addf %add3A, %dot_general3A_15 : vector<10000x16xf32>
    %get3A_17 = arith.constant 0 : index
    %get3A_18 = arith.constant 0 : index
    %get3A_19 = vector.load %arg4[%get3A_17, %get3A_18] : memref<1x16xf32, #tpu.memory_space<vmem>>, vector<1x16xf32>
    %add3A_20 = vector.broadcast %get3A_19 : vector<1x16xf32> to vector<10000x16xf32>
    %add3A_21 = arith.addf %add3A_16, %add3A_20 : vector<10000x16xf32>
    %swap3A = arith.constant 0 : index
    %swap3A_22 = arith.constant 0 : index
    %swap3A_23 = vector.load %arg5[%swap3A, %swap3A_22] : memref<10000x16xf32, #tpu.memory_space<vmem>>, vector<10000x16xf32>
    tpu.vector_store %arg5[%swap3A, %swap3A_22], %add3A_21 {strides = array<i32>} : memref<10000x16xf32, #tpu.memory_space<vmem>>, vector<10000x16xf32>,
    return
  }
  func.func @transform_0(%arg0: i32) -> (i32, i32, i32) {
    %c0_i32 = arith.constant 0 : i32
    %c0_i32_0 = arith.constant 0 : i32
    %c0_i32_1 = arith.constant 0 : i32
    %c0_i32_2 = arith.constant 0 : i32
    return %c0_i32, %c0_i32_0, %c0_i32_1 : i32, i32, i32
  }
  func.func @transform_1(%arg0: i32) -> (i32, i32) {
    %c0_i32 = arith.constant 0 : i32
    %c0_i32_0 = arith.constant 0 : i32
    %c0_i32_1 = arith.constant 0 : i32
    return %c0_i32, %c0_i32_0 : i32, i32
  }
  func.func @transform_2(%arg0: i32) -> (i32, i32) {
    %c0_i32 = arith.constant 0 : i32
    %c0_i32_0 = arith.constant 0 : i32
    %c0_i32_1 = arith.constant 0 : i32
    return %c0_i32, %c0_i32_0 : i32, i32
  }
  func.func @transform_3(%arg0: i32) -> (i32, i32) {
    %c0_i32 = arith.constant 0 : i32
    %c0_i32_0 = arith.constant 0 : i32
    %c0_i32_1 = arith.constant 0 : i32
    return %c0_i32, %c0_i32_0 : i32, i32
  }
  func.func @transform_4(%arg0: i32) -> (i32, i32) {
    %c0_i32 = arith.constant 0 : i32
    %c0_i32_0 = arith.constant 0 : i32
    %c0_i32_1 = arith.constant 0 : i32
    return %c0_i32, %c0_i32_0 : i32, i32
  }
}

</mosaic_0001>

<sc_bundles>
// kernel: kernel.10.cloned.1.call-start
scs
__scs_entry_jumppad:
0x0: {  	(pc) =	sbr.rel $0x88, $3  }
0x1: {  	(tag) =	ssettag $0x0;
	lr =	simm.s32 $0x1  }
0x2: {  	[smem:$0x3F94] =	sst lr;
	_ =	strace $0xD0000000  }
0x3: {  	_ = 	snop  }
0x4: {  	_ = 	snop  }
0x5: {  	_ = 	snop  }
0x6: {  	_ = 	snop  }
0x7: {  	_ = 	snop  }
__scs_overlays_trampoline_lowered:
0x8: {  	[smem:$0x3FA3] =	sst s0  }
0x9: {  	[smem:$0x3FA4] =	sst s1  }
0xa: {  	[smem:$0x3FA5] =	sst s2  }
0xb: {  	[smem:$0x3FA6] =	sst s3  }
0xc: {  	[smem:$0x3FA7] =	sst s4  }
0xd: {  	[smem:$0x3FA8] =	sst s5  }
0xe: {  	[smem:$0x3FA9] =	sst s6  }
0xf: {  	[smem:$0x3FAA] =	sst s7  }
0x10: {  	[smem:$0x3FAB] =	sst s8  }
0x11: {  	[smem:$0x3FAC] =	sst s9;
	s0 =	simm.s32 @!p0 $0x0  }
0x12: {  	s1 =	sld [smem:$0x3F92];
	s0 =	simm.s32 @p0 $0x1  }
0x13: {  	[smem:$0x3FAD] =	sst s0;
	s0 =	simm.s32 @!p1 $0x0  }
0x14: {  	s2 =	sld [smem:$0x3F91];
	s0 =	simm.s32 @p1 $0x1  }
0x15: {  	[smem:$0x3FAE] =	sst s0;
	s0 =	simm.s32 @!p2 $0x0  }
0x16: {  	s3 =	sld [smem:$0x3FDB];
	s0 =	simm.s32 @p2 $0x1  }
0x17: {  	s4 =	simm.s32 $0x1BF5;
	[smem:$0x3FB0] =	sst s0  }
0x18: {  	s0 =	sld [smem:$0x3F93];
	_ =	swait.ge [sflag:s4], $0x0  }
0x19: {  	s7 =	sld [smem:$0x3F94]  }
0x1a: {  	s8 =	sadd.s32 $0xFFFFE003, lr  }
0x1b: {  	s9 =	sadd.s32 $0xFFFFFEF7, lr;
	s5 =	simm.s32 $0xFFFFFFFF;
	p2 =	slt.u32 s8, $0xFFFFF086  }
0x1c: {  	p1 =	slt.u32 s9, $0xF7A;
	s5 =	simm.s32 @!p2 $0x0  }
0x1d: {  	s5 =	simm.s32 @p1 $0x1;
	p0 =	seq.s32 s7, s2  }
0x1e: {  	s7 =	smul.u32 @!p0 $0xF7A, s2;
	p2 =	seq.s32 @!p0 s5, $0x0  }
0x1f: {  	s9 =	smul.u32 $0xF7A, s1;
	s8 =	simm.s32 @!p0 $0x1BF5;
	p2 =	por !p2, p0  }
0x20: {  	[sflag:s8] =	ssyncset.s32 @!p0 $0xFFFFF086;
	s6 =	sadd.s32 @!p0 s3, s7;
	s7 =	simm.s32 @!p0 $0x108  }
0x21: {  	s3 =	sadd.s32 s3, s9;
	s6 =	sadd.s32 @!p0 $0x88, s6;
	s7 =	simm.s32 @p2 $0x1082  }
0x22: {  	[simem:s7], [sflag:s8] =	dma.local @!p0 [hbm:s6], $0xF7A  }
0x23: {  	s9 =	sor.u32 $0xD0000000, s2;
	s6 =	simm.s32 $0x108;
	_ =	swait.ge @!p0 [sflag:s8], $0x0  }
0x24: {  	s3 =	sadd.s32 $0x88, s3;
	s6 =	simm.s32 @!p1 $0x1082;
	[sflag:s4] =	ssyncset.s32 $0xFFFFF086  }
0x25: {  	[simem:s6], [sflag:s4] =	dma.local [hbm:s3], $0xF7A  }
0x26: {  	[smem:$0x3F94] =	sst s1;
	(tag) =	ssettag s2;
	_ =	strace s9  }
0x27: {  	s1 =	sld [smem:$0x3FA4]  }
0x28: {  	s2 =	sld [smem:$0x3FA5]  }
0x29: {  	s4 =	sld [smem:$0x3FA7]  }
0x2a: {  	p0 =	seq.s32 s5, $0x0;
	s5 =	sld [smem:$0x3FA8]  }
0x2b: {  	s6 =	sld [smem:$0x3FA9]  }
0x2c: {  	s7 =	sld [smem:$0x3FAA]  }
0x2d: {  	s3 =	simm.s32 $0x108;
	s8 =	sld [smem:$0x3FAB]  }
0x2e: {  	s3 =	simm.s32 @!p0 $0x1082;
	s9 =	sld [smem:$0x3FAC]  }
0x2f: {  	lr =	sadd.s32 s0, s3;
	s0 =	sld [smem:$0x3FA3]  }
0x30: {  	s3 =	sld [smem:$0x3FA6]  }
0x31: {  	[smem:$0x3FAF] =	sst s10  }
0x32: {  	s10 =	sld [smem:$0x3FAD];
	_ =	sdelay $0x3  }
0x33: {  	p0 =	seq.s32 s10, $0x1;
	s10 =	sld [smem:$0x3FAF];
	_ =	sdelay $0x3  }
0x34: {  	[smem:$0x3FAF] =	sst s10  }
0x35: {  	s10 =	sld [smem:$0x3FAE];
	_ =	sdelay $0x3  }
0x36: {  	p1 =	seq.s32 s10, $0x1;
	s10 =	sld [smem:$0x3FAF];
	_ =	sdelay $0x3  }
0x37: {  	[smem:$0x3FAF] =	sst s10  }
0x38: {  	s10 =	sld [smem:$0x3FB0]  }
0x39: {  	_ = 	snop;
	(pc) =	sbr.ind lr, $3  }
0x3a: {  	_ = 	snop  }
0x3b: {  	_ = 	snop  }
0x3c: {  	p2 =	seq.s32 s10, $0x1;
	s10 =	sld [smem:$0x3FAF]  }
0x3d: {  	_ =	shalt  }
0x3e: {  	_ =	shalt  }
0x3f: {  	_ =	shalt  }
0x40: {  	_ =	shalt  }
0x41: {  	_ =	shalt  }
0x42: {  	_ =	shalt  }
0x43: {  	_ =	shalt  }
0x44: {  	_ =	shalt  }
0x45: {  	_ =	shalt  }
0x46: {  	_ =	shalt  }
0x47: {  	_ =	shalt  }
0x48: {  	_ =	shalt  }
0x49: {  	_ =	shalt  }
0x4a: {  	_ =	shalt  }
0x4b: {  	_ =	shalt  }
0x4c: {  	_ =	shalt  }
0x4d: {  	_ =	shalt  }
0x4e: {  	_ =	shalt  }
0x4f: {  	_ =	shalt  }
0x50: {  	_ =	shalt  }
0x51: {  	_ =	shalt  }
0x52: {  	_ =	shalt  }
0x53: {  	_ =	shalt  }
0x54: {  	_ =	shalt  }
0x55: {  	_ =	shalt  }
0x56: {  	_ =	shalt  }
0x57: {  	_ =	shalt  }
0x58: {  	_ =	shalt  }
0x59: {  	_ =	shalt  }
0x5a: {  	_ =	shalt  }
0x5b: {  	_ =	shalt  }
0x5c: {  	_ =	shalt  }
0x5d: {  	_ =	shalt  }
0x5e: {  	_ =	shalt  }
0x5f: {  	_ =	shalt  }
0x60: {  	_ =	shalt  }
0x61: {  	_ =	shalt  }
0x62: {  	_ =	shalt  }
0x63: {  	_ =	shalt  }
0x64: {  	_ =	shalt  }
0x65: {  	_ =	shalt  }
0x66: {  	_ =	shalt  }
0x67: {  	_ =	shalt  }
0x68: {  	_ =	shalt  }
0x69: {  	_ =	shalt  }
0x6a: {  	_ =	shalt  }
0x6b: {  	_ =	shalt  }
0x6c: {  	_ =	shalt  }
0x6d: {  	_ =	shalt  }
0x6e: {  	_ =	shalt  }
0x6f: {  	_ =	shalt  }
0x70: {  	_ =	shalt  }
0x71: {  	_ =	shalt  }
0x72: {  	_ =	shalt  }
0x73: {  	_ =	shalt  }
0x74: {  	_ =	shalt  }
0x75: {  	_ =	shalt  }
0x76: {  	_ =	shalt  }
0x77: {  	_ =	shalt  }
0x78: {  	_ =	shalt  }
0x79: {  	_ =	shalt  }
0x7a: {  	_ =	shalt  }
0x7b: {  	_ =	shalt  }
0x7c: {  	_ =	shalt  }
0x7d: {  	_ =	shalt  }
0x7e: {  	_ =	shalt  }
0x7f: {  	_ =	shalt  }
0x80: {  	_ =	shalt  }
0x81: {  	_ =	shalt  }
0x82: {  	_ =	shalt  }
0x83: {  	_ =	shalt  }
0x84: {  	_ =	shalt  }
0x85: {  	_ =	shalt  }
0x86: {  	_ =	shalt  }
0x87: {  	_ =	shalt  }
.Lfunc_end0:
.L_simem_size_0:
called_computation_lowered:
.L_overlay_start_0:
0x88: {  	s2 =	sld [smem:$0x3FD9]  }
0x89: {  	s3 =	sld [smem:$0x3FFE];
	_ =	sdelay $0x1  }
0x8a: {  	s1 =	srdreg.scid  }
0x8b: {  	s0 =	sand.u32 $0x1, s1  }
0x8c: {  	s17 =	sshll.u32 s0, $0xA;
	s2 =	sadd.s32 s3, s2  }
0x8d: {  	s2 =	sadd.s32 s2, s17  }
0x8e: {  	[smem:$0x3FBB] =	sst s2  }
0x8f: {  	_ = 	snop  }
0x90: {  	s2 =	sld [smem:$0x3FD0];
	(tm) =	ssettm $0x1  }
0x91: {  	s18 =	sld [smem:$0x3FFB];
	_ =	sdelay $0x3  }
0x92: {  	_ =	strace s18  }
0x93: {  	s3 =	sld [smem:$0x3FFC];
	_ =	sdelay $0x3  }
0x94: {  	_ =	strace s3  }
0x95: {  	s3 =	sld [smem:$0x3FFD];
	_ =	sdelay $0x3  }
0x96: {  	_ =	strace s3  }
0x97: {  	_ =	strace $0x8FFFFFFF  }
0x98: {  	s19 =	sld [smem:$0x3FDB];
	_ =	sdelay $0x1  }
0x99: {  	s4 =	simm.s32 $_scs_section_size  }
0x9a: {  	s5 =	simm.s32 $_size__tile_overlayer_lowered;
	s6 =	simm.s32 $_tile_overlayer_lowered  }
0x9b: {  	s22 =	simm.s32 $0x1BFF;
	s21 =	sshll.u32 s6, $0x1;
	s3 =	sadd.s32 s4, s19  }
0x9c: {  	s7 =	simm.s32 $0x0;
	s20 =	sshll.u32 s5, $0x1;
	s5 =	sadd.s32 s21, s3  }
0x9d: {  	[timem:s7], [sflag:s22] =	dma.local [hbm:s5], s20  }
0x9e: {  	_ =	swait.ge [sflag:s22], s20  }
0x9f: {  	s4 =	ssub.s32 $0x0, s20;
	[sflag:s22] =	ssyncset.done $0x0  }
0xa0: {  	[sflag:s22] =	ssyncadd.s32 s4;
	_ =	sdelay $0x1  }
0xa1: {  	s23 =	simm.s32 $0x1B8B  }
0xa2: {  	_ =	swait.ge [sflag:s23], $0x1  }
0xa3: {  	[sflag:s23] =	ssyncset.done $0x0  }
0xa4: {  	s25 =	simm.s32 $0x1B8E;
	s24 =	sld [smem:$0x3FFE];
	[sflag:s23] =	ssyncadd.s32 $0xFFFFFFFF  }
0xa5: {  	s26 =	simm.s32 $execute0_lowered;
	[smem:$0x3FD2] =	sst s25  }
0xa6: {  	s5 =	sshll.u32 s26, $0x1;
	_ =	strace $0x80000046;
	[dreg:$0x1] =	wrdreg $0xFFFFFFFF  }
0xa7: {  	s28 =	simm.s32 $_size_execute0_lowered;
	s3 =	sadd.s32 s3, s5;
	[dreg:$0x0] =	wrdreg $0x0  }
0xa8: {  	s5 =	sshll.u32 s28, $0x1;
	[dreg:$0x2] =	wrdreg s3  }
0xa9: {  	[dreg:$0x3] =	wrdreg s5  }
0xaa: {  	[dreg:$0x4] =	wrdreg $0xC0  }
0xab: {  	_ =	task [dreg:s7], $0x5FFFF  }
0xac: {  	[dreg:$0x1] =	wrdreg $0xFFFFFFFF  }
0xad: {  	[dreg:$0x0] =	wrdreg $0x60  }
0xae: {  	[dreg:$0x2] =	wrdreg s2  }
0xaf: {  	[dreg:$0x3] =	wrdreg s24  }
0xb0: {  	[dreg:$0x4] =	wrdreg $0x154000  }
0xb1: {  	[dreg:$0x5] =	wrdreg $0x9  }
0xb2: {  	_ =	task.clear_ibuf [dreg:s7], $0x6FFFF;
	_ =	strace $0x90000046  }
0xb3: {  	s29 =	simm.s32 $0x9;
	_ =	strace $0x80000048  }
0xb4: {  	_ =	swait.ge [sflag:s29], $0x1  }
0xb5: {  	[sflag:s29] =	ssyncadd.s32 $0xFFFFFFFF  }
0xb6: {  	_ =	strace $0x90000048  }
0xb7: {  	_ =	sfence  }
0xb8: {  	s30 =	sld [smem:$0x0];
	_ =	sdelay $0x2  }
0xb9: {  	s31 =	sshll.u32 s1, $0xD;
	s1 =	sshrl.u32 s1, $0x2  }
0xba: {  	s3 =	sand.u32 $0x4000, s31;
	s1 =	sadd.s32 s1, s30  }
0xbb: {  	s0 =	sor.u32 s3, s0;
	s1 =	sshll.u32 s1, $0x11  }
0xbc: {  	s0 =	sor.u32 s1, s0  }
0xbd: {  	s0 =	sadd.s32 $0x8F2B, s0  }
0xbe: {  	[sflag:s0] =	ssyncadd.remote.s32 $0x1  }
0xbf: {  	_ =	sfence.sel $0xFFFF  }
0xc0: {  	[dreg:$0x0] =	wrdreg $0xFFFFFFFF;
	(pc) =	sbr.abs _section_cstart, $3  }
0xc1: {  	[dreg:$0x1] =	wrdreg $0xFFFFFFFF  }
0xc2: {  	_ =	task.clear_ibuf [dreg:s7], $0x2FFFF;
	_ =	strace $0x9FFFFFFF  }
0xc3: {  	(tm) =	ssettm $0x7FFFFFFF  }
tec
execute0_lowered:
.L_overlay_start_1:
0x0: {  	(tag) =	ssettag $0x1  }
0x1: {  	s4 =	rddreg [dreg:$0x0]  }
0x2: {  	s5 =	rddreg [dreg:$0x1]  }
0x3: {  	s3 =	rddreg [dreg:$0x2];
	s1 =	stileid.u32  }
0x4: {  	s2 =	simm.s32 $0x0;
	s26 =	simm.s32 $0x1C00;
	s6 =	sshll.u32 s1, $0x1  }
0x5: {  	s7 =	smul.u32 $0x2710, s1;
	[smem:$0x7FF] =	sst s2;
	s20 =	sshll.u32 s1, $0x6  }
0x6: {  	s1 =	simm.s32 $0x100;
	_ =	strace $0x80000047;
	[dreg:$0x9] =	wrdreg s26  }
0x7: {  	s10 =	simm.s32 $0x280;
	[dreg:$0xa] =	wrdreg s1  }
0x8: {  	s11 =	simm.s32 $0x3C00;
	[dreg:$0x10] =	wrdreg s10  }
0x9: {  	s12 =	simm.s32 $0x300;
	[dreg:$0x11] =	wrdreg s11  }
0xa: {  	s13 =	simm.s32 $0x4400;
	[dreg:$0x12] =	wrdreg s12  }
0xb: {  	s14 =	simm.s32 $0x380;
	[dreg:$0x13] =	wrdreg s13  }
0xc: {  	s15 =	simm.s32 $0x4C00;
	[dreg:$0x14] =	wrdreg s14  }
0xd: {  	s16 =	simm.s32 $0x400;
	[dreg:$0x15] =	wrdreg s15  }
0xe: {  	s17 =	simm.s32 $0x5400;
	[dreg:$0x16] =	wrdreg s16  }
0xf: {  	s18 =	simm.s32 $0x480;
	[dreg:$0x17] =	wrdreg s17  }
0x10: {  	s19 =	simm.s32 $0x5C00;
	[dreg:$0x18] =	wrdreg s18  }
0x11: {  	s21 =	sor.u32 $0x1C02, s20;
	[dreg:$0x19] =	wrdreg s19  }
0x12: {  	s20 =	simm.s32 $0x500;
	[dreg:$0x5] =	wrdreg s21  }
0x13: {  	s26 =	simm.s32 $0x680;
	[dreg:$0x1a] =	wrdreg s20  }
0x14: {  	s1 =	simm.s32 $0x7C00;
	[smem:$0x7E2] =	sst s26  }
0x15: {  	s10 =	simm.s32 $0x9400;
	[smem:$0x7E1] =	sst s1  }
0x16: {  	s11 =	simm.s32 $0x880;
	[smem:$0x7E6] =	sst s10  }
0x17: {  	s12 =	simm.s32 $0x9C00;
	[smem:$0x7E8] =	sst s11  }
0x18: {  	s13 =	simm.s32 $0x900;
	[smem:$0x7E9] =	sst s12  }
0x19: {  	s14 =	simm.s32 $0xA400;
	[smem:$0x7E5] =	sst s13  }
0x1a: {  	s15 =	simm.s32 $0x980;
	[smem:$0x7EA] =	sst s14  }
0x1b: {  	s16 =	simm.s32 $0xAC00;
	[smem:$0x7F0] =	sst s15  }
0x1c: {  	s17 =	simm.s32 $0xA00;
	[smem:$0x7E7] =	sst s16  }
0x1d: {  	s18 =	simm.s32 $0xB400;
	[smem:$0x7EB] =	sst s17  }
0x1e: {  	s19 =	simm.s32 $0xA80;
	s9 =	sshrl.u32 s7, $0x3;
	[smem:$0x7ED] =	sst s18  }
0x1f: {  	s23 =	sadd.s32 s7, s3;
	s7 =	simm.s32 $0x2C00;
	[smem:$0x7F2] =	sst s19  }
0x20: {  	s21 =	simm.s32 $0x6400;
	[dreg:$0xd] =	wrdreg s7  }
0x21: {  	s20 =	simm.s32 $0xBC00;
	[dreg:$0x1b] =	wrdreg s21  }
0x22: {  	s26 =	simm.s32 $0xD400;
	[smem:$0x7F1] =	sst s20  }
0x23: {  	s1 =	simm.s32 $0xC80;
	[smem:$0x7F6] =	sst s26  }
0x24: {  	s11 =	simm.s32 $0xEC00;
	[smem:$0x7F8] =	sst s1  }
0x25: {  	s13 =	simm.s32 $0xE00;
	[smem:$0x7FB] =	sst s11  }
0x26: {  	s0 =	srdreg.scid;
	s4 =	sadd.s32 s4, s9;
	[smem:$0x7FD] =	sst s13  }
0x27: {  	s0 =	sand.u32 $0x1, s0;
	s25 =	sshrl.u32 s23, $0x3;
	[dreg:$0x4] =	wrdreg s4  }
0x28: {  	s6 =	sor.u32 s0, s6;
	s9 =	simm.s32 $0x3400;
	[dreg:$0x8] =	wrdreg s25  }
0x29: {  	s8 =	smul.u32 $0x280, s6;
	s23 =	simm.s32 $0x6C00;
	[dreg:$0xf] =	wrdreg s9  }
0x2a: {  	s6 =	smul.u32 $0x2800, s6;
	s7 =	simm.s32 $0x780;
	[dreg:$0x1d] =	wrdreg s23  }
0x2b: {  	s21 =	simm.s32 $0xB00;
	s8 =	sadd.s32 s8, s5;
	[smem:$0x7E4] =	sst s7  }
0x2c: {  	s5 =	sadd.s32 s6, s5;
	s6 =	simm.s32 $0x180;
	[smem:$0x7F3] =	sst s21  }
0x2d: {  	s25 =	simm.s32 $0x7400;
	[dreg:$0xc] =	wrdreg s6  }
0x2e: {  	s9 =	simm.s32 $0x800;
	[dreg:$0x1f] =	wrdreg s25  }
0x2f: {  	s23 =	simm.s32 $0xB80;
	[smem:$0x7EC] =	sst s9  }
0x30: {  	s7 =	simm.s32 $0xE400;
	[smem:$0x7F4] =	sst s23  }
0x31: {  	[smem:$0x7FA] =	sst s7  }
0x32: {  	s9 =	rddreg [dreg:$0x5]  }
0x33: {  	s10 =	rddreg [dreg:$0x8]  }
0x34: {  	s22 =	sadd.s32 $0x2BE00, s8;
	s12 =	rddreg [dreg:$0x4]  }
0x35: {  	s24 =	sadd.s32 $0x30E00, s5;
	[dreg:$0x6] =	wrdreg s22  }
0x36: {  	s5 =	simm.s32 $0x2400;
	[dreg:$0x7] =	wrdreg s24  }
0x37: {  	s8 =	simm.s32 $0x200;
	[dreg:$0xb] =	wrdreg s5  }
0x38: {  	s6 =	simm.s32 $0x8400;
	[dreg:$0xe] =	wrdreg s8  }
0x39: {  	s25 =	simm.s32 $0xC00;
	[smem:$0x7E0] =	sst s6  }
0x3a: {  	s22 =	simm.s32 $0x580;
	[smem:$0x7F5] =	sst s25  }
0x3b: {  	s24 =	simm.s32 $0x600;
	[dreg:$0x1c] =	wrdreg s22  }
0x3c: {  	s5 =	simm.s32 $0x700;
	[dreg:$0x1e] =	wrdreg s24  }
0x3d: {  	s8 =	simm.s32 $0x8C00;
	[smem:$0x7E3] =	sst s5  }
0x3e: {  	s6 =	simm.s32 $0xD00;
	[smem:$0x7DF] =	sst s8  }
0x3f: {  	s22 =	simm.s32 $0xC400;
	[smem:$0x7F9] =	sst s6  }
0x40: {  	s24 =	simm.s32 $0xCC00;
	[smem:$0x7EF] =	sst s22  }
0x41: {  	s5 =	simm.s32 $0xDC00;
	[smem:$0x7EE] =	sst s24  }
0x42: {  	s8 =	simm.s32 $0xD80;
	[smem:$0x7F7] =	sst s5  }
0x43: {  	s4 =	simm.s32 $0x2;
	[smem:$0x7FC] =	sst s8  }
0x44: {  	[spmem:s10], [sflag:s9] =	dma.local [hbm:s12], $0x4E2  }
0x45: {  	_ =	swait.ge [sflag:s4], $0x4E2  }
0x46: {  	[sflag:s4] =	ssyncset.done $0x0  }
0x47: {  	s14 =	rddreg [dreg:$0x6];
	[sflag:s4] =	ssyncadd.s32 $0xFFFFFB1E  }
0x48: {  	[tilespmem:s2], [sflag:$0x2] =	stream.linear.gather [hbm4b:s14+s2], $0x1400, $0x38;
	[tilespmem:$0x17B10] =	vst v63  }
0x49: {  	_ =	swait.ge [sflag:s4], $0x1400  }
0x4a: {  	[sflag:s4] =	ssyncset.done $0x0  }
0x4b: {  	[sflag:s4] =	ssyncadd.s32 $0xFFFFEC00  }
0x4c: {  	[bflag:$0x0] =	sbarrier.arrive $0xFFFF  }
0x4d: {  	s15 =	rddreg [dreg:$0xc]  }
0x4e: {  	s16 =	rddreg [dreg:$0xb]  }
0x4f: {  	s17 =	rddreg [dreg:$0xa]  }
0x50: {  	s10 =	rddreg [dreg:$0xd]  }
0x51: {  	s7 =	simm.s32 $0x80;
	s5 =	simm.s32 $0x1400;
	s11 =	rddreg [dreg:$0xf]  }
0x52: {  	[tilespmem:s5], [sflag:$0x1] =	stream.indirect.gather [spmem:s3], $0x10, s2, s7, $0xb8;
	[tilespmem:$0x17B10] =	vst v63  }
0x53: {  	s12 =	rddreg [dreg:$0x9]  }
0x54: {  	s13 =	rddreg [dreg:$0xe]  }
0x55: {  	[tilespmem:s12], [sflag:$0x1] =	stream.indirect.gather [spmem:s3], $0x10, s7, s7, $0xb8;
	[tilespmem:$0x17B10] =	vst v63  }
0x56: {  	s14 =	rddreg [dreg:$0x12]  }
0x57: {  	[tilespmem:s16], [sflag:$0x1] =	stream.indirect.gather [spmem:s3], $0x10, s17, s7, $0xb8;
	[tilespmem:$0x17B10] =	vst v63  }
0x58: {  	s18 =	rddreg [dreg:$0x13]  }
0x59: {  	[tilespmem:s10], [sflag:$0x1] =	stream.indirect.gather [spmem:s3], $0x10, s15, s7, $0xb8;
	[tilespmem:$0x17B10] =	vst v63  }
0x5a: {  	s19 =	rddreg [dreg:$0x11]  }
0x5b: {  	[tilespmem:s11], [sflag:$0x1] =	stream.indirect.gather [spmem:s3], $0x10, s13, s7, $0xb8;
	[tilespmem:$0x17B10] =	vst v63  }
0x5c: {  	s20 =	rddreg [dreg:$0x10]  }
0x5d: {  	[tilespmem:s19], [sflag:$0x1] =	stream.indirect.gather [spmem:s3], $0x10, s20, s7, $0xb8;
	[tilespmem:$0x17B10] =	vst v63  }
0x5e: {  	s21 =	rddreg [dreg:$0x15]  }
0x5f: {  	[tilespmem:s18], [sflag:$0x1] =	stream.indirect.gather [spmem:s3], $0x10, s14, s7, $0xb8;
	[tilespmem:$0x17B10] =	vst v63  }
0x60: {  	s6 =	simm.s32 $0x1;
	s22 =	rddreg [dreg:$0x14]  }
0x61: {  	[tilespmem:s21], [sflag:$0x1] =	stream.indirect.gather [spmem:s3], $0x10, s22, s7, $0xb8;
	[tilespmem:$0x17B10] =	vst v63  }
0x62: {  	_ =	swait.ge [sflag:s6], $0x800  }
0x63: {  	[sflag:s6] =	ssyncset.done $0x0  }
0x64: {  	[sflag:s6] =	ssyncadd.s32 $0xFFFFF800  }
0x65: {  	_ =	swait.ge [sflag:s6], $0x800  }
0x66: {  	[sflag:s6] =	ssyncset.done $0x0  }
0x67: {  	[sflag:s6] =	ssyncadd.s32 $0xFFFFF800  }
0x68: {  	_ =	swait.ge [sflag:s6], $0x800  }
0x69: {  	[sflag:s6] =	ssyncset.done $0x0  }
0x6a: {  	[sflag:s6] =	ssyncadd.s32 $0xFFFFF800  }
0x6b: {  	_ =	swait.ge [sflag:s6], $0x800  }
0x6c: {  	[sflag:s6] =	ssyncset.done $0x0  }
0x6d: {  	[sflag:s6] =	ssyncadd.s32 $0xFFFFF800  }
0x6e: {  	_ =	swait.ge [sflag:s6], $0x800  }
0x6f: {  	[sflag:s6] =	ssyncset.done $0x0  }
0x70: {  	[sflag:s6] =	ssyncadd.s32 $0xFFFFF800  }
0x71: {  	_ =	swait.ge [sflag:s6], $0x800  }
0x72: {  	[sflag:s6] =	ssyncset.done $0x0  }
0x73: {  	[sflag:s6] =	ssyncadd.s32 $0xFFFFF800  }
0x74: {  	_ =	swait.ge [sflag:s6], $0x800  }
0x75: {  	[sflag:s6] =	ssyncset.done $0x0  }
0x76: {  	[sflag:s6] =	ssyncadd.s32 $0xFFFFF800  }
0x77: {  	_ =	swait.ge [sflag:s6], $0x800  }
0x78: {  	s23 =	rddreg [dreg:$0x16]  }
0x79: {  	s24 =	rddreg [dreg:$0x19]  }
0x7a: {  	s25 =	rddreg [dreg:$0x1a]  }
0x7b: {  	s26 =	rddreg [dreg:$0x1d]  }
0x7c: {  	s1 =	sld [smem:$0x7DF]  }
0x7d: {  	s14 =	rddreg [dreg:$0x1b]  }
0x7e: {  	s18 =	sld [smem:$0x7E0]  }
0x7f: {  	s15 =	rddreg [dreg:$0x17]  }
0x80: {  	[sflag:s6] =	ssyncset.done $0x0;
	s16 =	sld [smem:$0x7E1]  }
0x81: {  	s17 =	rddreg [dreg:$0x18];
	[sflag:s6] =	ssyncadd.s32 $0xFFFFF800  }
0x82: {  	[tilespmem:s15], [sflag:$0x1] =	stream.indirect.gather [spmem:s3], $0x10, s23, s7, $0xb8;
	[tilespmem:$0x17B10] =	vst v63  }
0x83: {  	s19 =	rddreg [dreg:$0x1f]  }
0x84: {  	[tilespmem:s24], [sflag:$0x1] =	stream.indirect.gather [spmem:s3], $0x10, s17, s7, $0xb8;
	[tilespmem:$0x17B10] =	vst v63  }
0x85: {  	s20 =	rddreg [dreg:$0x1c]  }
0x86: {  	[tilespmem:s14], [sflag:$0x1] =	stream.indirect.gather [spmem:s3], $0x10, s25, s7, $0xb8;
	[tilespmem:$0x17B10] =	vst v63  }
0x87: {  	s21 =	rddreg [dreg:$0x1e]  }
0x88: {  	[tilespmem:s26], [sflag:$0x1] =	stream.indirect.gather [spmem:s3], $0x10, s20, s7, $0xb8;
	[tilespmem:$0x17B10] =	vst v63  }
0x89: {  	s22 =	sld [smem:$0x7E2]  }
0x8a: {  	[tilespmem:s19], [sflag:$0x1] =	stream.indirect.gather [spmem:s3], $0x10, s21, s7, $0xb8;
	[tilespmem:$0x17B10] =	vst v63  }
0x8b: {  	s23 =	sld [smem:$0x7E3]  }
0x8c: {  	[tilespmem:s16], [sflag:$0x1] =	stream.indirect.gather [spmem:s3], $0x10, s22, s7, $0xb8;
	[tilespmem:$0x17B10] =	vst v63  }
0x8d: {  	s24 =	sld [smem:$0x7E4]  }
0x8e: {  	[tilespmem:s18], [sflag:$0x1] =	stream.indirect.gather [spmem:s3], $0x10, s23, s7, $0xb8;
	[tilespmem:$0x17B10] =	vst v63  }
0x8f: {  	_ = 	snop  }
0x90: {  	[tilespmem:s1], [sflag:$0x1] =	stream.indirect.gather [spmem:s3], $0x10, s24, s7, $0xb8;
	[tilespmem:$0x17B10] =	vst v63  }
0x91: {  	_ =	swait.ge [sflag:s6], $0x800  }
0x92: {  	[sflag:s6] =	ssyncset.done $0x0  }
0x93: {  	[sflag:s6] =	ssyncadd.s32 $0xFFFFF800  }
0x94: {  	_ =	swait.ge [sflag:s6], $0x800  }
0x95: {  	[sflag:s6] =	ssyncset.done $0x0  }
0x96: {  	[sflag:s6] =	ssyncadd.s32 $0xFFFFF800  }
0x97: {  	_ =	swait.ge [sflag:s6], $0x800  }
0x98: {  	[sflag:s6] =	ssyncset.done $0x0  }
0x99: {  	[sflag:s6] =	ssyncadd.s32 $0xFFFFF800  }
0x9a: {  	_ =	swait.ge [sflag:s6], $0x800  }
0x9b: {  	[sflag:s6] =	ssyncset.done $0x0  }
0x9c: {  	[sflag:s6] =	ssyncadd.s32 $0xFFFFF800  }
0x9d: {  	_ =	swait.ge [sflag:s6], $0x800  }
0x9e: {  	[sflag:s6] =	ssyncset.done $0x0  }
0x9f: {  	[sflag:s6] =	ssyncadd.s32 $0xFFFFF800  }
0xa0: {  	_ =	swait.ge [sflag:s6], $0x800  }
0xa1: {  	[sflag:s6] =	ssyncset.done $0x0  }
0xa2: {  	[sflag:s6] =	ssyncadd.s32 $0xFFFFF800  }
0xa3: {  	_ =	swait.ge [sflag:s6], $0x800  }
0xa4: {  	[sflag:s6] =	ssyncset.done $0x0  }
0xa5: {  	[sflag:s6] =	ssyncadd.s32 $0xFFFFF800  }
0xa6: {  	_ =	swait.ge [sflag:s6], $0x800  }
0xa7: {  	s25 =	sld [smem:$0x7E5]  }
0xa8: {  	s26 =	sld [smem:$0x7E6]  }
0xa9: {  	s1 =	sld [smem:$0x7E7]  }
0xaa: {  	s14 =	sld [smem:$0x7E8]  }
0xab: {  	s16 =	sld [smem:$0x7E9]  }
0xac: {  	s17 =	sld [smem:$0x7EA]  }
0xad: {  	s18 =	sld [smem:$0x7EB]  }
0xae: {  	s19 =	sld [smem:$0x7EC]  }
0xaf: {  	[sflag:s6] =	ssyncset.done $0x0;
	s20 =	sld [smem:$0x7ED]  }
0xb0: {  	s21 =	sld [smem:$0x7EE];
	[sflag:s6] =	ssyncadd.s32 $0xFFFFF800  }
0xb1: {  	[tilespmem:s26], [sflag:$0x1] =	stream.indirect.gather [spmem:s3], $0x10, s19, s7, $0xb8;
	[tilespmem:$0x17B10] =	vst v63  }
0xb2: {  	s22 =	sld [smem:$0x7EF]  }
0xb3: {  	[tilespmem:s16], [sflag:$0x1] =	stream.indirect.gather [spmem:s3], $0x10, s14, s7, $0xb8;
	[tilespmem:$0x17B10] =	vst v63  }
0xb4: {  	s23 =	sld [smem:$0x7F0]  }
0xb5: {  	[tilespmem:s17], [sflag:$0x1] =	stream.indirect.gather [spmem:s3], $0x10, s25, s7, $0xb8;
	[tilespmem:$0x17B10] =	vst v63  }
0xb6: {  	s24 =	sld [smem:$0x7F1]  }
0xb7: {  	[tilespmem:s1], [sflag:$0x1] =	stream.indirect.gather [spmem:s3], $0x10, s23, s7, $0xb8;
	[tilespmem:$0x17B10] =	vst v63  }
0xb8: {  	s25 =	sld [smem:$0x7F2]  }
0xb9: {  	[tilespmem:s20], [sflag:$0x1] =	stream.indirect.gather [spmem:s3], $0x10, s18, s7, $0xb8;
	[tilespmem:$0x17B10] =	vst v63  }
0xba: {  	s26 =	sld [smem:$0x7F3]  }
0xbb: {  	[tilespmem:s24], [sflag:$0x1] =	stream.indirect.gather [spmem:s3], $0x10, s25, s7, $0xb8;
	[tilespmem:$0x17B10] =	vst v63  }
0xbc: {  	s1 =	sld [smem:$0x7F4]  }
0xbd: {  	[tilespmem:s22], [sflag:$0x1] =	stream.indirect.gather [spmem:s3], $0x10, s26, s7, $0xb8;
	[tilespmem:$0x17B10] =	vst v63  }
0xbe: {  	_ = 	snop  }
0xbf: {  	[tilespmem:s21], [sflag:$0x1] =	stream.indirect.gather [spmem:s3], $0x10, s1, s7, $0xb8;
	[tilespmem:$0x17B10] =	vst v63  }
0xc0: {  	_ =	swait.ge [sflag:s6], $0x800  }
0xc1: {  	[sflag:s6] =	ssyncset.done $0x0  }
0xc2: {  	[sflag:s6] =	ssyncadd.s32 $0xFFFFF800  }
0xc3: {  	_ =	swait.ge [sflag:s6], $0x800  }
0xc4: {  	[sflag:s6] =	ssyncset.done $0x0  }
0xc5: {  	[sflag:s6] =	ssyncadd.s32 $0xFFFFF800  }
0xc6: {  	_ =	swait.ge [sflag:s6], $0x800  }
0xc7: {  	[sflag:s6] =	ssyncset.done $0x0  }
0xc8: {  	[sflag:s6] =	ssyncadd.s32 $0xFFFFF800  }
0xc9: {  	_ =	swait.ge [sflag:s6], $0x800  }
0xca: {  	[sflag:s6] =	ssyncset.done $0x0  }
0xcb: {  	[sflag:s6] =	ssyncadd.s32 $0xFFFFF800  }
0xcc: {  	_ =	swait.ge [sflag:s6], $0x800  }
0xcd: {  	[sflag:s6] =	ssyncset.done $0x0  }
0xce: {  	[sflag:s6] =	ssyncadd.s32 $0xFFFFF800  }
0xcf: {  	_ =	swait.ge [sflag:s6], $0x800  }
0xd0: {  	[sflag:s6] =	ssyncset.done $0x0  }
0xd1: {  	[sflag:s6] =	ssyncadd.s32 $0xFFFFF800  }
0xd2: {  	_ =	swait.ge [sflag:s6], $0x800  }
0xd3: {  	[sflag:s6] =	ssyncset.done $0x0  }
0xd4: {  	[sflag:s6] =	ssyncadd.s32 $0xFFFFF800  }
0xd5: {  	_ =	swait.ge [sflag:s6], $0x800  }
0xd6: {  	s9 =	sld [smem:$0x7F5]  }
0xd7: {  	s10 =	sld [smem:$0x7F6]  }
0xd8: {  	s11 =	sld [smem:$0x7F7]  }
0xd9: {  	s12 =	sld [smem:$0x7F8]  }
0xda: {  	[sflag:s6] =	ssyncset.done $0x0;
	s13 =	sld [smem:$0x7F9]  }
0xdb: {  	s14 =	sld [smem:$0x7FA];
	[sflag:s6] =	ssyncadd.s32 $0xFFFFF800  }
0xdc: {  	[tilespmem:s10], [sflag:$0x1] =	stream.indirect.gather [spmem:s3], $0x10, s9, s7, $0xb8;
	[tilespmem:$0x17B10] =	vst v63  }
0xdd: {  	s15 =	sld [smem:$0x7FB]  }
0xde: {  	[tilespmem:s11], [sflag:$0x1] =	stream.indirect.gather [spmem:s3], $0x10, s12, s7, $0xb8;
	[tilespmem:$0x17B10] =	vst v63  }
0xdf: {  	s16 =	sld [smem:$0x7FC]  }
0xe0: {  	[tilespmem:s14], [sflag:$0x1] =	stream.indirect.gather [spmem:s3], $0x10, s13, s7, $0xb8;
	[tilespmem:$0x17B10] =	vst v63  }
0xe1: {  	s17 =	sld [smem:$0x7FD]  }
0xe2: {  	[tilespmem:s15], [sflag:$0x1] =	stream.indirect.gather [spmem:s3], $0x10, s16, s7, $0xb8;
	[tilespmem:$0x17B10] =	vst v63  }
0xe3: {  	s18 =	simm.s32 $0xF400  }
0xe4: {  	[tilespmem:s18], [sflag:$0x1] =	stream.indirect.gather [spmem:s3], $0x10, s17, s7, $0xb8;
	[tilespmem:$0x17B10] =	vst v63  }
0xe5: {  	s19 =	simm.s32 $0xE80;
	s20 =	simm.s32 $0xFC00  }
0xe6: {  	[tilespmem:s20], [sflag:$0x1] =	stream.indirect.gather [spmem:s3], $0x10, s19, s7, $0xb8;
	[tilespmem:$0x17B10] =	vst v63  }
0xe7: {  	s22 =	simm.s32 $0x10400;
	s21 =	simm.s32 $0xF00  }
0xe8: {  	[tilespmem:s22], [sflag:$0x1] =	stream.indirect.gather [spmem:s3], $0x10, s21, s7, $0xb8;
	[tilespmem:$0x17B10] =	vst v63  }
0xe9: {  	s23 =	simm.s32 $0xF80;
	s24 =	simm.s32 $0x10C00  }
0xea: {  	[tilespmem:s24], [sflag:$0x1] =	stream.indirect.gather [spmem:s3], $0x10, s23, s7, $0xb8;
	[tilespmem:$0x17B10] =	vst v63  }
0xeb: {  	_ =	swait.ge [sflag:s6], $0x800  }
0xec: {  	[sflag:s6] =	ssyncset.done $0x0  }
0xed: {  	[sflag:s6] =	ssyncadd.s32 $0xFFFFF800  }
0xee: {  	_ =	swait.ge [sflag:s6], $0x800  }
0xef: {  	[sflag:s6] =	ssyncset.done $0x0  }
0xf0: {  	[sflag:s6] =	ssyncadd.s32 $0xFFFFF800  }
0xf1: {  	_ =	swait.ge [sflag:s6], $0x800  }
0xf2: {  	[sflag:s6] =	ssyncset.done $0x0  }
0xf3: {  	[sflag:s6] =	ssyncadd.s32 $0xFFFFF800  }
0xf4: {  	_ =	swait.ge [sflag:s6], $0x800  }
0xf5: {  	[sflag:s6] =	ssyncset.done $0x0  }
0xf6: {  	[sflag:s6] =	ssyncadd.s32 $0xFFFFF800  }
0xf7: {  	_ =	swait.ge [sflag:s6], $0x800  }
0xf8: {  	[sflag:s6] =	ssyncset.done $0x0  }
0xf9: {  	[sflag:s6] =	ssyncadd.s32 $0xFFFFF800  }
0xfa: {  	_ =	swait.ge [sflag:s6], $0x800  }
0xfb: {  	[sflag:s6] =	ssyncset.done $0x0  }
0xfc: {  	[sflag:s6] =	ssyncadd.s32 $0xFFFFF800  }
0xfd: {  	_ =	swait.ge [sflag:s6], $0x800  }
0xfe: {  	[sflag:s6] =	ssyncset.done $0x0  }
0xff: {  	[sflag:s6] =	ssyncadd.s32 $0xFFFFF800  }
0x100: {  	_ =	swait.ge [sflag:s6], $0x800  }
0x101: {  	[sflag:s6] =	ssyncset.done $0x0  }
0x102: {  	s25 =	simm.s32 $0x1000;
	s26 =	simm.s32 $0x11400;
	[sflag:s6] =	ssyncadd.s32 $0xFFFFF800  }
0x103: {  	[tilespmem:s26], [sflag:$0x1] =	stream.indirect.gather [spmem:s3], $0x10, s25, s7, $0xb8;
	[tilespmem:$0x17B10] =	vst v63  }
0x104: {  	s0 =	ssub.s32 $0x2, s0;
	s17 =	simm.s32 $0x1080;
	s18 =	simm.s32 $0x11C00  }
0x105: {  	[tilespmem:s18], [sflag:$0x1] =	stream.indirect.gather [spmem:s3], $0x10, s17, s7, $0xb8;
	[tilespmem:$0x17B10] =	vst v63  }
0x106: {  	s28 =	sshrl.u32 s0, $0x1;
	s19 =	simm.s32 $0x1100;
	s20 =	simm.s32 $0x12400  }
0x107: {  	[tilespmem:s20], [sflag:$0x1] =	stream.indirect.gather [spmem:s3], $0x10, s19, s7, $0xb8;
	[tilespmem:$0x17B10] =	vst v63  }
0x108: {  	s0 =	ssub.s32 s0, s28;
	s21 =	simm.s32 $0x1180;
	s22 =	simm.s32 $0x12C00  }
0x109: {  	[tilespmem:s22], [sflag:$0x1] =	stream.indirect.gather [spmem:s3], $0x10, s21, s7, $0xb8;
	[tilespmem:$0x17B10] =	vst v63  }
0x10a: {  	s0 =	smax.u32 s0, $0x1;
	s23 =	simm.s32 $0x1200;
	s24 =	simm.s32 $0x13400  }
0x10b: {  	[tilespmem:s24], [sflag:$0x1] =	stream.indirect.gather [spmem:s3], $0x10, s23, s7, $0xb8;
	[tilespmem:$0x17B10] =	vst v63  }
0x10c: {  	p0 =	sne.s32 s0, $0x1;
	s25 =	simm.s32 $0x1280;
	s26 =	simm.s32 $0x13C00  }
0x10d: {  	[tilespmem:s26], [sflag:$0x1] =	stream.indirect.gather [spmem:s3], $0x10, s25, s7, $0xb8;
	[tilespmem:$0x17B10] =	vst v63  }
.Ltmp0:
0x10e: {  	s29 =	simm.s32 $0x14400;
	s28 =	simm.s32 $0x1300;
	(pc) =	sbr.rel @!p0 .LBB2_2-.Ltmp0, $4  }
0x10f: {  	[tilespmem:s29], [sflag:$0x1] =	stream.indirect.gather [spmem:s3], $0x10, s28, s7, $0xb8;
	[tilespmem:$0x17B10] =	vst v63  }
0x110: {  	s30 =	simm.s32 $0x1380;
	s31 =	simm.s32 $0x14C00  }
0x111: {  	[tilespmem:s31], [sflag:$0x1] =	stream.indirect.gather [spmem:s3], $0x10, s30, s7, $0xb8;
	[tilespmem:$0x17B10] =	vst v63  }
0x112: {  	s0 =	sadd.s32 $0xFFFFFFFF, s0;
	_ =	swait.ge [sflag:s6], $0x800  }
.LBB2_1:
0x113: {  	[sflag:s6] =	ssyncset.done $0x0  }
0x114: {  	[sflag:s6] =	ssyncadd.s32 $0xFFFFF800  }
0x115: {  	_ =	swait.ge [sflag:s6], $0x800  }
0x116: {  	[sflag:s6] =	ssyncset.done $0x0  }
0x117: {  	[sflag:s6] =	ssyncadd.s32 $0xFFFFF800  }
0x118: {  	_ =	swait.ge [sflag:s6], $0x800  }
0x119: {  	[sflag:s6] =	ssyncset.done $0x0  }
0x11a: {  	[sflag:s6] =	ssyncadd.s32 $0xFFFFF800  }
0x11b: {  	_ =	swait.ge [sflag:s6], $0x800  }
0x11c: {  	[sflag:s6] =	ssyncset.done $0x0  }
0x11d: {  	[sflag:s6] =	ssyncadd.s32 $0xFFFFF800  }
0x11e: {  	_ =	swait.ge [sflag:s6], $0x800  }
0x11f: {  	[sflag:s6] =	ssyncset.done $0x0  }
0x120: {  	[sflag:s6] =	ssyncadd.s32 $0xFFFFF800  }
0x121: {  	_ =	swait.ge [sflag:s6], $0x800  }
0x122: {  	[sflag:s6] =	ssyncset.done $0x0  }
0x123: {  	[sflag:s6] =	ssyncadd.s32 $0xFFFFF800  }
0x124: {  	_ =	swait.ge [sflag:s6], $0x800  }
0x125: {  	[sflag:s6] =	ssyncset.done $0x0  }
0x126: {  	[sflag:s6] =	ssyncadd.s32 $0xFFFFF800  }
0x127: {  	_ =	swait.ge [sflag:s6], $0x800  }
0x128: {  	[sflag:s6] =	ssyncset.done $0x0  }
0x129: {  	s1 =	rddreg [dreg:$0x7];
	[sflag:s6] =	ssyncadd.s32 $0xFFFFF800  }
0x12a: {  	[hbm4b:s1+s2] =	stream.linear.scatter [tilespmem:s5], [sflag:$0x2], $0x14000, $0x38;
	[tilespmem:$0x17B10] =	vst v63  }
0x12b: {  	_ =	swait.ge [sflag:s4], $0x14000  }
0x12c: {  	s16 =	rddreg [dreg:$0x5]  }
0x12d: {  	[sflag:s4] =	ssyncset.done $0x0;
	s8 =	rddreg [dreg:$0x8]  }
0x12e: {  	s9 =	rddreg [dreg:$0x4];
	[sflag:s4] =	ssyncadd.s32 $0xFFFEC000  }
0x12f: {  	[spmem:s8], [sflag:s16] =	dma.local [hbm:s9], $0x4E2  }
0x130: {  	_ =	swait.ge [sflag:s4], $0x4E2  }
0x131: {  	[sflag:s4] =	ssyncset.done $0x0  }
0x132: {  	s8 =	rddreg [dreg:$0x6];
	[sflag:s4] =	ssyncadd.s32 $0xFFFFFB1E  }
0x133: {  	[tilespmem:s2], [sflag:$0x2] =	stream.linear.gather [hbm4b:s8+s2], $0x1400, $0x38;
	[tilespmem:$0x17B10] =	vst v63  }
0x134: {  	_ =	swait.ge [sflag:s4], $0x1400  }
0x135: {  	[sflag:s4] =	ssyncset.done $0x0  }
0x136: {  	[sflag:s4] =	ssyncadd.s32 $0xFFFFEC00  }
0x137: {  	[bflag:$0x0] =	sbarrier.arrive $0xFFFF  }
0x138: {  	s1 =	rddreg [dreg:$0xc]  }
0x139: {  	s9 =	rddreg [dreg:$0xb]  }
0x13a: {  	s15 =	rddreg [dreg:$0xa]  }
0x13b: {  	s10 =	rddreg [dreg:$0xd]  }
0x13c: {  	s11 =	rddreg [dreg:$0xf]  }
0x13d: {  	[tilespmem:s5], [sflag:$0x1] =	stream.indirect.gather [spmem:s3], $0x10, s2, s7, $0xb8;
	[tilespmem:$0x17B10] =	vst v63  }
0x13e: {  	s12 =	rddreg [dreg:$0x9]  }
0x13f: {  	s13 =	rddreg [dreg:$0xe]  }
0x140: {  	[tilespmem:s12], [sflag:$0x1] =	stream.indirect.gather [spmem:s3], $0x10, s7, s7, $0xb8;
	[tilespmem:$0x17B10] =	vst v63  }
0x141: {  	s14 =	rddreg [dreg:$0x12]  }
0x142: {  	[tilespmem:s9], [sflag:$0x1] =	stream.indirect.gather [spmem:s3], $0x10, s15, s7, $0xb8;
	[tilespmem:$0x17B10] =	vst v63  }
0x143: {  	s16 =	rddreg [dreg:$0x13]  }
0x144: {  	[tilespmem:s10], [sflag:$0x1] =	stream.indirect.gather [spmem:s3], $0x10, s1, s7, $0xb8;
	[tilespmem:$0x17B10] =	vst v63  }
0x145: {  	s9 =	rddreg [dreg:$0x11]  }
0x146: {  	[tilespmem:s11], [sflag:$0x1] =	stream.indirect.gather [spmem:s3], $0x10, s13, s7, $0xb8;
	[tilespmem:$0x17B10] =	vst v63  }
0x147: {  	s10 =	rddreg [dreg:$0x10]  }
0x148: {  	[tilespmem:s9], [sflag:$0x1] =	stream.indirect.gather [spmem:s3], $0x10, s10, s7, $0xb8;
	[tilespmem:$0x17B10] =	vst v63  }
0x149: {  	s15 =	rddreg [dreg:$0x14]  }
0x14a: {  	[tilespmem:s16], [sflag:$0x1] =	stream.indirect.gather [spmem:s3], $0x10, s14, s7, $0xb8;
	[tilespmem:$0x17B10] =	vst v63  }
0x14b: {  	s13 =	rddreg [dreg:$0x15]  }
0x14c: {  	[tilespmem:s13], [sflag:$0x1] =	stream.indirect.gather [spmem:s3], $0x10, s15, s7, $0xb8;
	[tilespmem:$0x17B10] =	vst v63  }
0x14d: {  	_ =	swait.ge [sflag:s6], $0x800  }
0x14e: {  	[sflag:s6] =	ssyncset.done $0x0  }
0x14f: {  	[sflag:s6] =	ssyncadd.s32 $0xFFFFF800  }
0x150: {  	_ =	swait.ge [sflag:s6], $0x800  }
0x151: {  	[sflag:s6] =	ssyncset.done $0x0  }
0x152: {  	[sflag:s6] =	ssyncadd.s32 $0xFFFFF800  }
0x153: {  	_ =	swait.ge [sflag:s6], $0x800  }
0x154: {  	[sflag:s6] =	ssyncset.done $0x0  }
0x155: {  	[sflag:s6] =	ssyncadd.s32 $0xFFFFF800  }
0x156: {  	_ =	swait.ge [sflag:s6], $0x800  }
0x157: {  	[sflag:s6] =	ssyncset.done $0x0  }
0x158: {  	[sflag:s6] =	ssyncadd.s32 $0xFFFFF800  }
0x159: {  	_ =	swait.ge [sflag:s6], $0x800  }
0x15a: {  	[sflag:s6] =	ssyncset.done $0x0  }
0x15b: {  	[sflag:s6] =	ssyncadd.s32 $0xFFFFF800  }
0x15c: {  	_ =	swait.ge [sflag:s6], $0x800  }
0x15d: {  	[sflag:s6] =	ssyncset.done $0x0  }
0x15e: {  	[sflag:s6] =	ssyncadd.s32 $0xFFFFF800  }
0x15f: {  	_ =	swait.ge [sflag:s6], $0x800  }
0x160: {  	[sflag:s6] =	ssyncset.done $0x0  }
0x161: {  	[sflag:s6] =	ssyncadd.s32 $0xFFFFF800  }
0x162: {  	_ =	swait.ge [sflag:s6], $0x800  }
0x163: {  	s1 =	rddreg [dreg:$0x16]  }
0x164: {  	s8 =	rddreg [dreg:$0x19]  }
0x165: {  	s9 =	rddreg [dreg:$0x1a]  }
0x166: {  	s10 =	rddreg [dreg:$0x1d]  }
0x167: {  	s11 =	sld [smem:$0x7DF]  }
0x168: {  	s12 =	rddreg [dreg:$0x1b]  }
0x169: {  	s13 =	sld [smem:$0x7E0]  }
0x16a: {  	s14 =	rddreg [dreg:$0x17]  }
0x16b: {  	[sflag:s6] =	ssyncset.done $0x0;
	s15 =	sld [smem:$0x7E1]  }
0x16c: {  	s16 =	rddreg [dreg:$0x18];
	[sflag:s6] =	ssyncadd.s32 $0xFFFFF800  }
0x16d: {  	[tilespmem:s14], [sflag:$0x1] =	stream.indirect.gather [spmem:s3], $0x10, s1, s7, $0xb8;
	[tilespmem:$0x17B10] =	vst v63  }
0x16e: {  	s1 =	rddreg [dreg:$0x1f]  }
0x16f: {  	[tilespmem:s8], [sflag:$0x1] =	stream.indirect.gather [spmem:s3], $0x10, s16, s7, $0xb8;
	[tilespmem:$0x17B10] =	vst v63  }
0x170: {  	s14 =	rddreg [dreg:$0x1e]  }
0x171: {  	[tilespmem:s12], [sflag:$0x1] =	stream.indirect.gather [spmem:s3], $0x10, s9, s7, $0xb8;
	[tilespmem:$0x17B10] =	vst v63  }
0x172: {  	s16 =	rddreg [dreg:$0x1c]  }
0x173: {  	[tilespmem:s10], [sflag:$0x1] =	stream.indirect.gather [spmem:s3], $0x10, s16, s7, $0xb8;
	[tilespmem:$0x17B10] =	vst v63  }
0x174: {  	s16 =	sld [smem:$0x7E2]  }
0x175: {  	[tilespmem:s1], [sflag:$0x1] =	stream.indirect.gather [spmem:s3], $0x10, s14, s7, $0xb8;
	[tilespmem:$0x17B10] =	vst v63  }
0x176: {  	s9 =	sld [smem:$0x7E3]  }
0x177: {  	[tilespmem:s15], [sflag:$0x1] =	stream.indirect.gather [spmem:s3], $0x10, s16, s7, $0xb8;
	[tilespmem:$0x17B10] =	vst v63  }
0x178: {  	s10 =	sld [smem:$0x7E4]  }
0x179: {  	[tilespmem:s13], [sflag:$0x1] =	stream.indirect.gather [spmem:s3], $0x10, s9, s7, $0xb8;
	[tilespmem:$0x17B10] =	vst v63  }
0x17a: {  	_ = 	snop  }
0x17b: {  	[tilespmem:s11], [sflag:$0x1] =	stream.indirect.gather [spmem:s3], $0x10, s10, s7, $0xb8;
	[tilespmem:$0x17B10] =	vst v63  }
0x17c: {  	_ =	swait.ge [sflag:s6], $0x800  }
0x17d: {  	[sflag:s6] =	ssyncset.done $0x0  }
0x17e: {  	[sflag:s6] =	ssyncadd.s32 $0xFFFFF800  }
0x17f: {  	_ =	swait.ge [sflag:s6], $0x800  }
0x180: {  	[sflag:s6] =	ssyncset.done $0x0  }
0x181: {  	[sflag:s6] =	ssyncadd.s32 $0xFFFFF800  }
0x182: {  	_ =	swait.ge [sflag:s6], $0x800  }
0x183: {  	[sflag:s6] =	ssyncset.done $0x0  }
0x184: {  	[sflag:s6] =	ssyncadd.s32 $0xFFFFF800  }
0x185: {  	_ =	swait.ge [sflag:s6], $0x800  }
0x186: {  	[sflag:s6] =	ssyncset.done $0x0  }
0x187: {  	[sflag:s6] =	ssyncadd.s32 $0xFFFFF800  }
0x188: {  	_ =	swait.ge [sflag:s6], $0x800  }
0x189: {  	[sflag:s6] =	ssyncset.done $0x0  }
0x18a: {  	[sflag:s6] =	ssyncadd.s32 $0xFFFFF800  }
0x18b: {  	_ =	swait.ge [sflag:s6], $0x800  }
0x18c: {  	[sflag:s6] =	ssyncset.done $0x0  }
0x18d: {  	[sflag:s6] =	ssyncadd.s32 $0xFFFFF800  }
0x18e: {  	_ =	swait.ge [sflag:s6], $0x800  }
0x18f: {  	[sflag:s6] =	ssyncset.done $0x0  }
0x190: {  	[sflag:s6] =	ssyncadd.s32 $0xFFFFF800  }
0x191: {  	_ =	swait.ge [sflag:s6], $0x800  }
0x192: {  	s1 =	sld [smem:$0x7E5]  }
0x193: {  	s8 =	sld [smem:$0x7E6]  }
0x194: {  	s9 =	sld [smem:$0x7E7]  }
0x195: {  	s10 =	sld [smem:$0x7E8]  }
0x196: {  	s11 =	sld [smem:$0x7E9]  }
0x197: {  	s12 =	sld [smem:$0x7EA]  }
0x198: {  	s13 =	sld [smem:$0x7EB]  }
0x199: {  	s14 =	sld [smem:$0x7EC]  }
0x19a: {  	[sflag:s6] =	ssyncset.done $0x0;
	s15 =	sld [smem:$0x7ED]  }
0x19b: {  	s16 =	sld [smem:$0x7EE];
	[sflag:s6] =	ssyncadd.s32 $0xFFFFF800  }
0x19c: {  	[tilespmem:s8], [sflag:$0x1] =	stream.indirect.gather [spmem:s3], $0x10, s14, s7, $0xb8;
	[tilespmem:$0x17B10] =	vst v63  }
0x19d: {  	s8 =	sld [smem:$0x7EF]  }
0x19e: {  	[tilespmem:s11], [sflag:$0x1] =	stream.indirect.gather [spmem:s3], $0x10, s10, s7, $0xb8;
	[tilespmem:$0x17B10] =	vst v63  }
0x19f: {  	s11 =	sld [smem:$0x7F0]  }
0x1a0: {  	[tilespmem:s12], [sflag:$0x1] =	stream.indirect.gather [spmem:s3], $0x10, s1, s7, $0xb8;
	[tilespmem:$0x17B10] =	vst v63  }
0x1a1: {  	s14 =	sld [smem:$0x7F1]  }
0x1a2: {  	[tilespmem:s9], [sflag:$0x1] =	stream.indirect.gather [spmem:s3], $0x10, s11, s7, $0xb8;
	[tilespmem:$0x17B10] =	vst v63  }
0x1a3: {  	s10 =	sld [smem:$0x7F2]  }
0x1a4: {  	[tilespmem:s15], [sflag:$0x1] =	stream.indirect.gather [spmem:s3], $0x10, s13, s7, $0xb8;
	[tilespmem:$0x17B10] =	vst v63  }
0x1a5: {  	s11 =	sld [smem:$0x7F3]  }
0x1a6: {  	[tilespmem:s14], [sflag:$0x1] =	stream.indirect.gather [spmem:s3], $0x10, s10, s7, $0xb8;
	[tilespmem:$0x17B10] =	vst v63  }
0x1a7: {  	s12 =	sld [smem:$0x7F4]  }
0x1a8: {  	[tilespmem:s8], [sflag:$0x1] =	stream.indirect.gather [spmem:s3], $0x10, s11, s7, $0xb8;
	[tilespmem:$0x17B10] =	vst v63  }
0x1a9: {  	_ = 	snop  }
0x1aa: {  	[tilespmem:s16], [sflag:$0x1] =	stream.indirect.gather [spmem:s3], $0x10, s12, s7, $0xb8;
	[tilespmem:$0x17B10] =	vst v63  }
0x1ab: {  	_ =	swait.ge [sflag:s6], $0x800  }
0x1ac: {  	[sflag:s6] =	ssyncset.done $0x0  }
0x1ad: {  	[sflag:s6] =	ssyncadd.s32 $0xFFFFF800  }
0x1ae: {  	_ =	swait.ge [sflag:s6], $0x800  }
0x1af: {  	[sflag:s6] =	ssyncset.done $0x0  }
0x1b0: {  	[sflag:s6] =	ssyncadd.s32 $0xFFFFF800  }
0x1b1: {  	_ =	swait.ge [sflag:s6], $0x800  }
0x1b2: {  	[sflag:s6] =	ssyncset.done $0x0  }
0x1b3: {  	[sflag:s6] =	ssyncadd.s32 $0xFFFFF800  }
0x1b4: {  	_ =	swait.ge [sflag:s6], $0x800  }
0x1b5: {  	[sflag:s6] =	ssyncset.done $0x0  }
0x1b6: {  	[sflag:s6] =	ssyncadd.s32 $0xFFFFF800  }
0x1b7: {  	_ =	swait.ge [sflag:s6], $0x800  }
0x1b8: {  	[sflag:s6] =	ssyncset.done $0x0  }
0x1b9: {  	[sflag:s6] =	ssyncadd.s32 $0xFFFFF800  }
0x1ba: {  	_ =	swait.ge [sflag:s6], $0x800  }
0x1bb: {  	[sflag:s6] =	ssyncset.done $0x0  }
0x1bc: {  	[sflag:s6] =	ssyncadd.s32 $0xFFFFF800  }
0x1bd: {  	_ =	swait.ge [sflag:s6], $0x800  }
0x1be: {  	[sflag:s6] =	ssyncset.done $0x0  }
0x1bf: {  	[sflag:s6] =	ssyncadd.s32 $0xFFFFF800  }
0x1c0: {  	_ =	swait.ge [sflag:s6], $0x800  }
0x1c1: {  	s13 =	sld [smem:$0x7F5]  }
0x1c2: {  	s14 =	sld [smem:$0x7F6]  }
0x1c3: {  	s15 =	sld [smem:$0x7F7]  }
0x1c4: {  	s16 =	sld [smem:$0x7F8]  }
0x1c5: {  	[sflag:s6] =	ssyncset.done $0x0;
	s11 =	sld [smem:$0x7F9]  }
0x1c6: {  	s12 =	sld [smem:$0x7FA];
	[sflag:s6] =	ssyncadd.s32 $0xFFFFF800  }
0x1c7: {  	[tilespmem:s14], [sflag:$0x1] =	stream.indirect.gather [spmem:s3], $0x10, s13, s7, $0xb8;
	[tilespmem:$0x17B10] =	vst v63  }
0x1c8: {  	s13 =	sld [smem:$0x7FB]  }
0x1c9: {  	[tilespmem:s15], [sflag:$0x1] =	stream.indirect.gather [spmem:s3], $0x10, s16, s7, $0xb8;
	[tilespmem:$0x17B10] =	vst v63  }
0x1ca: {  	s14 =	sld [smem:$0x7FC]  }
0x1cb: {  	[tilespmem:s12], [sflag:$0x1] =	stream.indirect.gather [spmem:s3], $0x10, s11, s7, $0xb8;
	[tilespmem:$0x17B10] =	vst v63  }
0x1cc: {  	s15 =	sld [smem:$0x7FD]  }
0x1cd: {  	[tilespmem:s13], [sflag:$0x1] =	stream.indirect.gather [spmem:s3], $0x10, s14, s7, $0xb8;
	[tilespmem:$0x17B10] =	vst v63  }
0x1ce: {  	s16 =	simm.s32 $0xF400  }
0x1cf: {  	[tilespmem:s16], [sflag:$0x1] =	stream.indirect.gather [spmem:s3], $0x10, s15, s7, $0xb8;
	[tilespmem:$0x17B10] =	vst v63  }
0x1d0: {  	s9 =	simm.s32 $0xE80;
	s10 =	simm.s32 $0xFC00  }
0x1d1: {  	[tilespmem:s10], [sflag:$0x1] =	stream.indirect.gather [spmem:s3], $0x10, s9, s7, $0xb8;
	[tilespmem:$0x17B10] =	vst v63  }
0x1d2: {  	s11 =	simm.s32 $0xF00;
	s12 =	simm.s32 $0x10400  }
0x1d3: {  	[tilespmem:s12], [sflag:$0x1] =	stream.indirect.gather [spmem:s3], $0x10, s11, s7, $0xb8;
	[tilespmem:$0x17B10] =	vst v63  }
0x1d4: {  	s13 =	simm.s32 $0xF80;
	s14 =	simm.s32 $0x10C00  }
0x1d5: {  	[tilespmem:s14], [sflag:$0x1] =	stream.indirect.gather [spmem:s3], $0x10, s13, s7, $0xb8;
	[tilespmem:$0x17B10] =	vst v63  }
0x1d6: {  	_ =	swait.ge [sflag:s6], $0x800  }
0x1d7: {  	[sflag:s6] =	ssyncset.done $0x0  }
0x1d8: {  	[sflag:s6] =	ssyncadd.s32 $0xFFFFF800  }
0x1d9: {  	_ =	swait.ge [sflag:s6], $0x800  }
0x1da: {  	[sflag:s6] =	ssyncset.done $0x0  }
0x1db: {  	[sflag:s6] =	ssyncadd.s32 $0xFFFFF800  }
0x1dc: {  	_ =	swait.ge [sflag:s6], $0x800  }
0x1dd: {  	[sflag:s6] =	ssyncset.done $0x0  }
0x1de: {  	[sflag:s6] =	ssyncadd.s32 $0xFFFFF800  }
0x1df: {  	_ =	swait.ge [sflag:s6], $0x800  }
0x1e0: {  	[sflag:s6] =	ssyncset.done $0x0  }
0x1e1: {  	[sflag:s6] =	ssyncadd.s32 $0xFFFFF800  }
0x1e2: {  	_ =	swait.ge [sflag:s6], $0x800  }
0x1e3: {  	[sflag:s6] =	ssyncset.done $0x0  }
0x1e4: {  	[sflag:s6] =	ssyncadd.s32 $0xFFFFF800  }
0x1e5: {  	_ =	swait.ge [sflag:s6], $0x800  }
0x1e6: {  	[sflag:s6] =	ssyncset.done $0x0  }
0x1e7: {  	[sflag:s6] =	ssyncadd.s32 $0xFFFFF800  }
0x1e8: {  	_ =	swait.ge [sflag:s6], $0x800  }
0x1e9: {  	[sflag:s6] =	ssyncset.done $0x0  }
0x1ea: {  	[sflag:s6] =	ssyncadd.s32 $0xFFFFF800  }
0x1eb: {  	_ =	swait.ge [sflag:s6], $0x800  }
0x1ec: {  	[sflag:s6] =	ssyncset.done $0x0  }
0x1ed: {  	s15 =	simm.s32 $0x1000;
	s16 =	simm.s32 $0x11400;
	[sflag:s6] =	ssyncadd.s32 $0xFFFFF800  }
0x1ee: {  	[tilespmem:s16], [sflag:$0x1] =	stream.indirect.gather [spmem:s3], $0x10, s15, s7, $0xb8;
	[tilespmem:$0x17B10] =	vst v63  }
0x1ef: {  	_ = 	snop  }
0x1f0: {  	[tilespmem:s18], [sflag:$0x1] =	stream.indirect.gather [spmem:s3], $0x10, s17, s7, $0xb8;
	[tilespmem:$0x17B10] =	vst v63  }
0x1f1: {  	_ = 	snop  }
0x1f2: {  	[tilespmem:s20], [sflag:$0x1] =	stream.indirect.gather [spmem:s3], $0x10, s19, s7, $0xb8;
	[tilespmem:$0x17B10] =	vst v63  }
0x1f3: {  	_ = 	snop  }
0x1f4: {  	[tilespmem:s22], [sflag:$0x1] =	stream.indirect.gather [spmem:s3], $0x10, s21, s7, $0xb8;
	[tilespmem:$0x17B10] =	vst v63  }
0x1f5: {  	_ = 	snop  }
0x1f6: {  	[tilespmem:s24], [sflag:$0x1] =	stream.indirect.gather [spmem:s3], $0x10, s23, s7, $0xb8;
	[tilespmem:$0x17B10] =	vst v63  }
0x1f7: {  	p0 =	sne.s32 s0, $0x1  }
0x1f8: {  	[tilespmem:s26], [sflag:$0x1] =	stream.indirect.gather [spmem:s3], $0x10, s25, s7, $0xb8;
	[tilespmem:$0x17B10] =	vst v63  }
.Ltmp1:
0x1f9: {  	_ = 	snop;
	(pc) =	sbr.rel @p0 .LBB2_1-.Ltmp1, $4  }
0x1fa: {  	[tilespmem:s29], [sflag:$0x1] =	stream.indirect.gather [spmem:s3], $0x10, s28, s7, $0xb8;
	[tilespmem:$0x17B10] =	vst v63  }
0x1fb: {  	_ = 	snop  }
0x1fc: {  	[tilespmem:s31], [sflag:$0x1] =	stream.indirect.gather [spmem:s3], $0x10, s30, s7, $0xb8;
	[tilespmem:$0x17B10] =	vst v63  }
0x1fd: {  	s0 =	sadd.s32 $0xFFFFFFFF, s0;
	_ =	swait.ge [sflag:s6], $0x800  }
.LBB2_2:
0x1fe: {  	[sflag:s6] =	ssyncset.done $0x0  }
0x1ff: {  	[sflag:s6] =	ssyncadd.s32 $0xFFFFF800  }
0x200: {  	_ =	swait.ge [sflag:s6], $0x800  }
0x201: {  	[sflag:s6] =	ssyncset.done $0x0  }
0x202: {  	[sflag:s6] =	ssyncadd.s32 $0xFFFFF800  }
0x203: {  	_ =	swait.ge [sflag:s6], $0x800  }
0x204: {  	[sflag:s6] =	ssyncset.done $0x0  }
0x205: {  	[sflag:s6] =	ssyncadd.s32 $0xFFFFF800  }
0x206: {  	_ =	swait.ge [sflag:s6], $0x800  }
0x207: {  	[sflag:s6] =	ssyncset.done $0x0  }
0x208: {  	[sflag:s6] =	ssyncadd.s32 $0xFFFFF800  }
0x209: {  	_ =	swait.ge [sflag:s6], $0x800  }
0x20a: {  	[sflag:s6] =	ssyncset.done $0x0  }
0x20b: {  	[sflag:s6] =	ssyncadd.s32 $0xFFFFF800  }
0x20c: {  	_ =	swait.ge [sflag:s6], $0x800  }
0x20d: {  	[sflag:s6] =	ssyncset.done $0x0  }
0x20e: {  	[sflag:s6] =	ssyncadd.s32 $0xFFFFF800  }
0x20f: {  	_ =	swait.ge [sflag:s6], $0x800  }
0x210: {  	[sflag:s6] =	ssyncset.done $0x0  }
0x211: {  	[sflag:s6] =	ssyncadd.s32 $0xFFFFF800  }
0x212: {  	_ =	swait.ge [sflag:s6], $0x800  }
0x213: {  	[sflag:s6] =	ssyncset.done $0x0  }
0x214: {  	s0 =	rddreg [dreg:$0x7];
	[sflag:s6] =	ssyncadd.s32 $0xFFFFF800  }
0x215: {  	[hbm4b:s0+s2] =	stream.linear.scatter [tilespmem:s5], [sflag:$0x2], $0x14000, $0x38;
	[tilespmem:$0x17B10] =	vst v63  }
0x216: {  	_ =	swait.ge [sflag:s4], $0x14000  }
0x217: {  	[sflag:s4] =	ssyncset.done $0x0  }
0x218: {  	[sflag:s4] =	ssyncadd.s32 $0xFFFEC000  }
0x219: {  	_ =	sfence.sel $0x180000  }
0x21a: {  	[bflag:$0x0] =	sbarrier.arrive $0xFFFF  }
0x21b: {  	_ =	strace $0x90000047  }
0x21c: {  	s31 =	stileid.u32;
	[bflag:$0x2] =	sbarrier.arrive $0xFFFF  }
0x21d: {  	p0 =	sne.s32 s31, $0x0;
	s0 =	rddreg [dreg:$0x3]  }
0x21e: {  	s0 =	sadd.s32 @!p0 $0x100000, s0  }
0x21f: {  	[sflag:s0] =	ssyncadd.tile.s32 @!p0 $0x1;
	_ =	shalt  }
.Lfunc_end2:
_tile_overlayer_lowered:
.L_overlay_start_2:
0x220: {  	(tag) =	ssettag $0x2  }
0x221: {  	s0 =	rddreg [dreg:$0x0];
	s2 =	stileid.u32  }
0x222: {  	s1 =	rddreg [dreg:$0x1];
	p0 =	sne.s32 s2, $0x0  }
0x223: {  	s3 =	rddreg [dreg:$0x2];
	[bflag:$0x3] =	sbarrier.arrive $0xFFFF;
	s2 =	simm.s32 @!p0 $0x1C02  }
0x224: {  	[timem:s3], [sflag:s2] =	dma.local @!p0 [hbm:s0], s1  }
0x225: {  	s0 =	simm.s32 @!p0 $0x2  }
0x226: {  	_ =	swait.ge @!p0 [sflag:s0], s1  }
0x227: {  	s1 =	ssub.s32 @!p0 $0x0, s1;
	[sflag:s0] =	ssyncset.done @!p0 $0x0  }
0x228: {  	[sflag:s0] =	ssyncadd.s32 @!p0 s1  }
0x229: {  	[bflag:$0x3] =	sbarrier.arrive $0xFFFF  }
0x22a: {  	_ =	shalt  }

// kernel: kernel.13.cloned.1.call-start
scs
__scs_entry_jumppad:
0x0: {  	(pc) =	sbr.rel $0x88, $3  }
0x1: {  	(tag) =	ssettag $0x0;
	lr =	simm.s32 $0x1  }
0x2: {  	[smem:$0x3F94] =	sst lr;
	_ =	strace $0xD0000000  }
0x3: {  	_ = 	snop  }
0x4: {  	_ = 	snop  }
0x5: {  	_ = 	snop  }
0x6: {  	_ = 	snop  }
0x7: {  	_ = 	snop  }
__scs_overlays_trampoline_lowered:
0x8: {  	[smem:$0x3FA3] =	sst s0  }
0x9: {  	[smem:$0x3FA4] =	sst s1  }
0xa: {  	[smem:$0x3FA5] =	sst s2  }
0xb: {  	[smem:$0x3FA6] =	sst s3  }
0xc: {  	[smem:$0x3FA7] =	sst s4  }
0xd: {  	[smem:$0x3FA8] =	sst s5  }
0xe: {  	[smem:$0x3FA9] =	sst s6  }
0xf: {  	[smem:$0x3FAA] =	sst s7  }
0x10: {  	[smem:$0x3FAB] =	sst s8  }
0x11: {  	[smem:$0x3FAC] =	sst s9;
	s0 =	simm.s32 @!p0 $0x0  }
0x12: {  	s1 =	sld [smem:$0x3F92];
	s0 =	simm.s32 @p0 $0x1  }
0x13: {  	[smem:$0x3FAD] =	sst s0;
	s0 =	simm.s32 @!p1 $0x0  }
0x14: {  	s2 =	sld [smem:$0x3F91];
	s0 =	simm.s32 @p1 $0x1  }
0x15: {  	[smem:$0x3FAE] =	sst s0;
	s0 =	simm.s32 @!p2 $0x0  }
0x16: {  	s3 =	sld [smem:$0x3FDB];
	s0 =	simm.s32 @p2 $0x1  }
0x17: {  	s4 =	simm.s32 $0x1BF5;
	[smem:$0x3FB0] =	sst s0  }
0x18: {  	s0 =	sld [smem:$0x3F93];
	_ =	swait.ge [sflag:s4], $0x0  }
0x19: {  	s7 =	sld [smem:$0x3F94]  }
0x1a: {  	s8 =	sadd.s32 $0xFFFFE003, lr  }
0x1b: {  	s9 =	sadd.s32 $0xFFFFFEF7, lr;
	s5 =	simm.s32 $0xFFFFFFFF;
	p2 =	slt.u32 s8, $0xFFFFF086  }
0x1c: {  	p1 =	slt.u32 s9, $0xF7A;
	s5 =	simm.s32 @!p2 $0x0  }
0x1d: {  	s5 =	simm.s32 @p1 $0x1;
	p0 =	seq.s32 s7, s2  }
0x1e: {  	s7 =	smul.u32 @!p0 $0xF7A, s2;
	p2 =	seq.s32 @!p0 s5, $0x0  }
0x1f: {  	s9 =	smul.u32 $0xF7A, s1;
	s8 =	simm.s32 @!p0 $0x1BF5;
	p2 =	por !p2, p0  }
0x20: {  	[sflag:s8] =	ssyncset.s32 @!p0 $0xFFFFF086;
	s6 =	sadd.s32 @!p0 s3, s7;
	s7 =	simm.s32 @!p0 $0x108  }
0x21: {  	s3 =	sadd.s32 s3, s9;
	s6 =	sadd.s32 @!p0 $0x88, s6;
	s7 =	simm.s32 @p2 $0x1082  }
0x22: {  	[simem:s7], [sflag:s8] =	dma.local @!p0 [hbm:s6], $0xF7A  }
0x23: {  	s9 =	sor.u32 $0xD0000000, s2;
	s6 =	simm.s32 $0x108;
	_ =	swait.ge @!p0 [sflag:s8], $0x0  }
0x24: {  	s3 =	sadd.s32 $0x88, s3;
	s6 =	simm.s32 @!p1 $0x1082;
	[sflag:s4] =	ssyncset.s32 $0xFFFFF086  }
0x25: {  	[simem:s6], [sflag:s4] =	dma.local [hbm:s3], $0xF7A  }
0x26: {  	[smem:$0x3F94] =	sst s1;
	(tag) =	ssettag s2;
	_ =	strace s9  }
0x27: {  	s1 =	sld [smem:$0x3FA4]  }
0x28: {  	s2 =	sld [smem:$0x3FA5]  }
0x29: {  	s4 =	sld [smem:$0x3FA7]  }
0x2a: {  	p0 =	seq.s32 s5, $0x0;
	s5 =	sld [smem:$0x3FA8]  }
0x2b: {  	s6 =	sld [smem:$0x3FA9]  }
0x2c: {  	s7 =	sld [smem:$0x3FAA]  }
0x2d: {  	s3 =	simm.s32 $0x108;
	s8 =	sld [smem:$0x3FAB]  }
0x2e: {  	s3 =	simm.s32 @!p0 $0x1082;
	s9 =	sld [smem:$0x3FAC]  }
0x2f: {  	lr =	sadd.s32 s0, s3;
	s0 =	sld [smem:$0x3FA3]  }
0x30: {  	s3 =	sld [smem:$0x3FA6]  }
0x31: {  	[smem:$0x3FAF] =	sst s10  }
0x32: {  	s10 =	sld [smem:$0x3FAD];
	_ =	sdelay $0x3  }
0x33: {  	p0 =	seq.s32 s10, $0x1;
	s10 =	sld [smem:$0x3FAF];
	_ =	sdelay $0x3  }
0x34: {  	[smem:$0x3FAF] =	sst s10  }
0x35: {  	s10 =	sld [smem:$0x3FAE];
	_ =	sdelay $0x3  }
0x36: {  	p1 =	seq.s32 s10, $0x1;
	s10 =	sld [smem:$0x3FAF];
	_ =	sdelay $0x3  }
0x37: {  	[smem:$0x3FAF] =	sst s10  }
0x38: {  	s10 =	sld [smem:$0x3FB0]  }
0x39: {  	_ = 	snop;
	(pc) =	sbr.ind lr, $3  }
0x3a: {  	_ = 	snop  }
0x3b: {  	_ = 	snop  }
0x3c: {  	p2 =	seq.s32 s10, $0x1;
	s10 =	sld [smem:$0x3FAF]  }
0x3d: {  	_ =	shalt  }
0x3e: {  	_ =	shalt  }
0x3f: {  	_ =	shalt  }
0x40: {  	_ =	shalt  }
0x41: {  	_ =	shalt  }
0x42: {  	_ =	shalt  }
0x43: {  	_ =	shalt  }
0x44: {  	_ =	shalt  }
0x45: {  	_ =	shalt  }
0x46: {  	_ =	shalt  }
0x47: {  	_ =	shalt  }
0x48: {  	_ =	shalt  }
0x49: {  	_ =	shalt  }
0x4a: {  	_ =	shalt  }
0x4b: {  	_ =	shalt  }
0x4c: {  	_ =	shalt  }
0x4d: {  	_ =	shalt  }
0x4e: {  	_ =	shalt  }
0x4f: {  	_ =	shalt  }
0x50: {  	_ =	shalt  }
0x51: {  	_ =	shalt  }
0x52: {  	_ =	shalt  }
0x53: {  	_ =	shalt  }
0x54: {  	_ =	shalt  }
0x55: {  	_ =	shalt  }
0x56: {  	_ =	shalt  }
0x57: {  	_ =	shalt  }
0x58: {  	_ =	shalt  }
0x59: {  	_ =	shalt  }
0x5a: {  	_ =	shalt  }
0x5b: {  	_ =	shalt  }
0x5c: {  	_ =	shalt  }
0x5d: {  	_ =	shalt  }
0x5e: {  	_ =	shalt  }
0x5f: {  	_ =	shalt  }
0x60: {  	_ =	shalt  }
0x61: {  	_ =	shalt  }
0x62: {  	_ =	shalt  }
0x63: {  	_ =	shalt  }
0x64: {  	_ =	shalt  }
0x65: {  	_ =	shalt  }
0x66: {  	_ =	shalt  }
0x67: {  	_ =	shalt  }
0x68: {  	_ =	shalt  }
0x69: {  	_ =	shalt  }
0x6a: {  	_ =	shalt  }
0x6b: {  	_ =	shalt  }
0x6c: {  	_ =	shalt  }
0x6d: {  	_ =	shalt  }
0x6e: {  	_ =	shalt  }
0x6f: {  	_ =	shalt  }
0x70: {  	_ =	shalt  }
0x71: {  	_ =	shalt  }
0x72: {  	_ =	shalt  }
0x73: {  	_ =	shalt  }
0x74: {  	_ =	shalt  }
0x75: {  	_ =	shalt  }
0x76: {  	_ =	shalt  }
0x77: {  	_ =	shalt  }
0x78: {  	_ =	shalt  }
0x79: {  	_ =	shalt  }
0x7a: {  	_ =	shalt  }
0x7b: {  	_ =	shalt  }
0x7c: {  	_ =	shalt  }
0x7d: {  	_ =	shalt  }
0x7e: {  	_ =	shalt  }
0x7f: {  	_ =	shalt  }
0x80: {  	_ =	shalt  }
0x81: {  	_ =	shalt  }
0x82: {  	_ =	shalt  }
0x83: {  	_ =	shalt  }
0x84: {  	_ =	shalt  }
0x85: {  	_ =	shalt  }
0x86: {  	_ =	shalt  }
0x87: {  	_ =	shalt  }
.Lfunc_end0:
.L_simem_size_0:
called_computation.1_lowered:
.L_overlay_start_0:
0x88: {  	s2 =	sld [smem:$0x3FD9]  }
0x89: {  	s3 =	sld [smem:$0x3FFE];
	_ =	sdelay $0x1  }
0x8a: {  	s1 =	srdreg.scid  }
0x8b: {  	s0 =	sand.u32 $0x1, s1  }
0x8c: {  	s16 =	sshll.u32 s0, $0xA;
	s2 =	sadd.s32 s3, s2  }
0x8d: {  	s2 =	sadd.s32 s2, s16  }
0x8e: {  	[smem:$0x3FBB] =	sst s2  }
0x8f: {  	_ = 	snop  }
0x90: {  	(tm) =	ssettm $0x1  }
0x91: {  	s17 =	sld [smem:$0x3FFB];
	_ =	sdelay $0x3  }
0x92: {  	_ =	strace s17  }
0x93: {  	s2 =	sld [smem:$0x3FFC];
	_ =	sdelay $0x3  }
0x94: {  	_ =	strace s2  }
0x95: {  	s2 =	sld [smem:$0x3FFD];
	_ =	sdelay $0x3  }
0x96: {  	_ =	strace s2  }
0x97: {  	_ =	strace $0x8FFFFFFF  }
0x98: {  	s18 =	sld [smem:$0x3FDB];
	_ =	sdelay $0x1  }
0x99: {  	s19 =	simm.s32 $_scs_section_size  }
0x9a: {  	s4 =	simm.s32 $_size__tile_overlayer_lowered;
	s5 =	simm.s32 $_tile_overlayer_lowered  }
0x9b: {  	s22 =	simm.s32 $0x1BFF;
	s21 =	sshll.u32 s5, $0x1;
	s2 =	sadd.s32 s19, s18  }
0x9c: {  	s6 =	simm.s32 $0x0;
	s20 =	sshll.u32 s4, $0x1;
	s4 =	sadd.s32 s21, s2  }
0x9d: {  	[timem:s6], [sflag:s22] =	dma.local [hbm:s4], s20  }
0x9e: {  	_ =	swait.ge [sflag:s22], s20  }
0x9f: {  	s3 =	ssub.s32 $0x0, s20;
	[sflag:s22] =	ssyncset.done $0x0  }
0xa0: {  	[sflag:s22] =	ssyncadd.s32 s3;
	_ =	sdelay $0x1  }
0xa1: {  	s23 =	simm.s32 $0x1B8B  }
0xa2: {  	_ =	swait.ge [sflag:s23], $0x1  }
0xa3: {  	[sflag:s23] =	ssyncset.done $0x0  }
0xa4: {  	s25 =	simm.s32 $0x1B8E;
	s24 =	sld [smem:$0x3FFE];
	[sflag:s23] =	ssyncadd.s32 $0xFFFFFFFF  }
0xa5: {  	s26 =	simm.s32 $execute0_lowered;
	[smem:$0x3FD2] =	sst s25  }
0xa6: {  	s4 =	sshll.u32 s26, $0x1;
	_ =	strace $0x80000049;
	[dreg:$0x1] =	wrdreg $0xFFFFFFFF  }
0xa7: {  	s28 =	simm.s32 $_size_execute0_lowered;
	s2 =	sadd.s32 s2, s4;
	[dreg:$0x0] =	wrdreg $0x0  }
0xa8: {  	s4 =	sshll.u32 s28, $0x1;
	[dreg:$0x2] =	wrdreg s2  }
0xa9: {  	[dreg:$0x3] =	wrdreg s4  }
0xaa: {  	[dreg:$0x4] =	wrdreg $0xC0  }
0xab: {  	_ =	task [dreg:s6], $0x5FFFF  }
0xac: {  	[dreg:$0x1] =	wrdreg $0xFFFFFFFF  }
0xad: {  	[dreg:$0x0] =	wrdreg $0x60  }
0xae: {  	[dreg:$0x2] =	wrdreg s24  }
0xaf: {  	[dreg:$0x3] =	wrdreg $0x17C000  }
0xb0: {  	[dreg:$0x4] =	wrdreg $0x9  }
0xb1: {  	_ =	task.clear_ibuf [dreg:s6], $0x5FFFF;
	_ =	strace $0x90000049  }
0xb2: {  	s29 =	simm.s32 $0x9;
	_ =	strace $0x8000004B  }
0xb3: {  	_ =	swait.ge [sflag:s29], $0x1  }
0xb4: {  	[sflag:s29] =	ssyncadd.s32 $0xFFFFFFFF  }
0xb5: {  	_ =	strace $0x9000004B  }
0xb6: {  	_ =	sfence  }
0xb7: {  	s30 =	sld [smem:$0x0];
	_ =	sdelay $0x2  }
0xb8: {  	s31 =	sshll.u32 s1, $0xD;
	s1 =	sshrl.u32 s1, $0x2  }
0xb9: {  	s3 =	sand.u32 $0x4000, s31;
	s1 =	sadd.s32 s1, s30  }
0xba: {  	s0 =	sor.u32 s3, s0;
	s1 =	sshll.u32 s1, $0x11  }
0xbb: {  	s0 =	sor.u32 s1, s0  }
0xbc: {  	s0 =	sadd.s32 $0x8F2B, s0  }
0xbd: {  	[sflag:s0] =	ssyncadd.remote.s32 $0x1  }
0xbe: {  	_ =	sfence.sel $0xFFFF  }
0xbf: {  	[dreg:$0x0] =	wrdreg $0xFFFFFFFF;
	(pc) =	sbr.abs _section_cstart, $3  }
0xc0: {  	[dreg:$0x1] =	wrdreg $0xFFFFFFFF  }
0xc1: {  	_ =	task.clear_ibuf [dreg:s6], $0x2FFFF;
	_ =	strace $0x9FFFFFFF  }
0xc2: {  	(tm) =	ssettm $0x7FFFFFFF  }
0xc3: {  	_ =	shalt  }
tec
execute0_lowered:
.L_overlay_start_1:
0x0: {  	(tag) =	ssettag $0x1  }
0x1: {  	s0 =	srdreg.scid;
	s4 =	rddreg [dreg:$0x0]  }
0x2: {  	s6 =	stileid.u32;
	s2 =	rddreg [dreg:$0x1]  }
0x3: {  	s3 =	simm.s32 $0x0;
	s10 =	simm.s32 $0x2;
	s11 =	simm.s32 $0x1400  }
0x4: {  	s12 =	simm.s32 $0x80;
	s17 =	simm.s32 $0x1000;
	s18 =	simm.s32 $0x11400  }
0x5: {  	s19 =	simm.s32 $0x1080;
	s20 =	simm.s32 $0x11C00;
	s21 =	simm.s32 $0x1100  }
0x6: {  	s22 =	simm.s32 $0x12400;
	s23 =	simm.s32 $0x1180;
	s24 =	simm.s32 $0x12C00  }
0x7: {  	s28 =	simm.s32 $0x13400;
	s29 =	simm.s32 $0x1280;
	s30 =	simm.s32 $0x13C00  }
0x8: {  	s31 =	simm.s32 $0x1300;
	s13 =	simm.s32 $0x14C00;
	s14 =	simm.s32 $0x0  }
0x9: {  	s0 =	sand.u32 $0x1, s0;
	s1 =	sshll.u32 s6, $0x1;
	s6 =	smul.u32 $0x2800, s6  }
0xa: {  	[smem:$0x7FF] =	sst s3;
	s1 =	sor.u32 s0, s1;
	s7 =	smul.u32 $0x28000, s0  }
0xb: {  	_ =	strace $0x8000004A;
	s0 =	ssub.s32 $0x2, s0;
	s5 =	smul.u32 $0x2800, s1  }
0xc: {  	s1 =	smul.u32 $0x280, s1;
	s26 =	sshrl.u32 s0, $0x1;
	s25 =	sadd.s32 s6, s7  }
0xd: {  	s0 =	ssub.s32 s0, s26;
	s26 =	simm.s32 $0x1;
	s8 =	sadd.s32 s5, s4  }
0xe: {  	s1 =	sadd.s32 s1, s4;
	s5 =	sshrl.u32 s25, $0x3;
	s25 =	simm.s32 $0x1200  }
0xf: {  	s9 =	sadd.s32 s5, s4;
	s4 =	sadd.s32 s6, s2;
	s5 =	sadd.s32 $0x8CE00, s1  }
0x10: {  	s6 =	sadd.s32 $0x91E00, s8;
	s8 =	smax.u32 s0, $0x1;
	s1 =	simm.s32 $0x14400  }
0x11: {  	v0 =	vimm.f32 $0.0e+00;
	s0 =	simm.s32 $0x1380;
	s7 =	sadd.s32 $0x30E00, s9;
	s9 =	simm.s32 $0x15400  }
.LBB2_1:
0x12: {  	s15 =	simm.s32 $0x40;
	s16 =	simm.s32 $0x0  }
.LBB2_2:
0x13: {  	p0 =	sne.s32 s15, $0x9FC0;
	[tilespmem:s16+$0x15400] =	vst v0;
	s16 =	smov.u32 s15;
	s15 =	sadd.s32 $0x40, s15  }
.Ltmp0:
0x14: {  	(pc) =	sbr.rel @p0 .LBB2_2-.Ltmp0, $2  }
0x15: {  	_ =	sdelay $0x2  }
0x16: {  	s16 =	sshra.s32 s16, $0x2  }
0x17: {  	[tilespmem:s16+$0x15400] =	vst v0  }
0x18: {  	[spmem:s4] =	stream.linear.scatter [tilespmem:s9], [sflag:$0x2], $0x2800, $0x38;
	[tilespmem:$0x1A400] =	vst v63  }
0x19: {  	_ =	swait.ge [sflag:s10], $0x2800  }
0x1a: {  	[sflag:s10] =	ssyncset.done $0x0  }
0x1b: {  	[sflag:s10] =	ssyncadd.s32 $0xFFFFD800  }
0x1c: {  	[bflag:$0x0] =	sbarrier.arrive $0xFFFF  }
0x1d: {  	[tilespmem:s3], [sflag:$0x2] =	stream.linear.gather [hbm4b:s5+s3], $0x1400, $0x38;
	[tilespmem:$0x1A400] =	vst v63  }
0x1e: {  	_ =	swait.ge [sflag:s10], $0x1400  }
0x1f: {  	[sflag:s10] =	ssyncset.done $0x0  }
0x20: {  	[sflag:s10] =	ssyncadd.s32 $0xFFFFEC00  }
0x21: {  	[tilespmem:s11], [sflag:$0x2] =	stream.linear.gather [hbm4b:s6+s3], $0x14000, $0x38;
	[tilespmem:$0x1A400] =	vst v63  }
0x22: {  	_ =	swait.ge [sflag:s10], $0x14000  }
0x23: {  	[sflag:s10] =	ssyncset.done $0x0  }
0x24: {  	[sflag:s10] =	ssyncadd.s32 $0xFFFEC000  }
0x25: {  	[spmem:s2] =	stream.indirect.scatter.add.f32 [tilespmem:s11], [sflag:$0x1], $0x10, s3, s12, $0xb8;
	[tilespmem:$0x1A400] =	vst v63  }
0x26: {  	s15 =	simm.s32 $0x1C00  }
0x27: {  	[spmem:s2] =	stream.indirect.scatter.add.f32 [tilespmem:s15], [sflag:$0x1], $0x10, s12, s12, $0xb8;
	[tilespmem:$0x1A400] =	vst v63  }
0x28: {  	s16 =	simm.s32 $0x2400;
	s15 =	simm.s32 $0x100  }
0x29: {  	[spmem:s2] =	stream.indirect.scatter.add.f32 [tilespmem:s16], [sflag:$0x1], $0x10, s15, s12, $0xb8;
	[tilespmem:$0x1A400] =	vst v63  }
0x2a: {  	s15 =	simm.s32 $0x180;
	s16 =	simm.s32 $0x2C00  }
0x2b: {  	[spmem:s2] =	stream.indirect.scatter.add.f32 [tilespmem:s16], [sflag:$0x1], $0x10, s15, s12, $0xb8;
	[tilespmem:$0x1A400] =	vst v63  }
0x2c: {  	s15 =	simm.s32 $0x200;
	s16 =	simm.s32 $0x3400  }
0x2d: {  	[spmem:s2] =	stream.indirect.scatter.add.f32 [tilespmem:s16], [sflag:$0x1], $0x10, s15, s12, $0xb8;
	[tilespmem:$0x1A400] =	vst v63  }
0x2e: {  	s15 =	simm.s32 $0x280;
	s16 =	simm.s32 $0x3C00  }
0x2f: {  	[spmem:s2] =	stream.indirect.scatter.add.f32 [tilespmem:s16], [sflag:$0x1], $0x10, s15, s12, $0xb8;
	[tilespmem:$0x1A400] =	vst v63  }
0x30: {  	s15 =	simm.s32 $0x300;
	s16 =	simm.s32 $0x4400  }
0x31: {  	[spmem:s2] =	stream.indirect.scatter.add.f32 [tilespmem:s16], [sflag:$0x1], $0x10, s15, s12, $0xb8;
	[tilespmem:$0x1A400] =	vst v63  }
0x32: {  	s15 =	simm.s32 $0x380;
	s16 =	simm.s32 $0x4C00  }
0x33: {  	[spmem:s2] =	stream.indirect.scatter.add.f32 [tilespmem:s16], [sflag:$0x1], $0x10, s15, s12, $0xb8;
	[tilespmem:$0x1A400] =	vst v63  }
0x34: {  	_ =	swait.ge [sflag:s26], $0x800  }
0x35: {  	[sflag:s26] =	ssyncset.done $0x0  }
0x36: {  	[sflag:s26] =	ssyncadd.s32 $0xFFFFF800  }
0x37: {  	_ =	swait.ge [sflag:s26], $0x800  }
0x38: {  	[sflag:s26] =	ssyncset.done $0x0  }
0x39: {  	[sflag:s26] =	ssyncadd.s32 $0xFFFFF800  }
0x3a: {  	_ =	swait.ge [sflag:s26], $0x800  }
0x3b: {  	[sflag:s26] =	ssyncset.done $0x0  }
0x3c: {  	[sflag:s26] =	ssyncadd.s32 $0xFFFFF800  }
0x3d: {  	_ =	swait.ge [sflag:s26], $0x800  }
0x3e: {  	[sflag:s26] =	ssyncset.done $0x0  }
0x3f: {  	[sflag:s26] =	ssyncadd.s32 $0xFFFFF800  }
0x40: {  	_ =	swait.ge [sflag:s26], $0x800  }
0x41: {  	[sflag:s26] =	ssyncset.done $0x0  }
0x42: {  	[sflag:s26] =	ssyncadd.s32 $0xFFFFF800  }
0x43: {  	_ =	swait.ge [sflag:s26], $0x800  }
0x44: {  	[sflag:s26] =	ssyncset.done $0x0  }
0x45: {  	[sflag:s26] =	ssyncadd.s32 $0xFFFFF800  }
0x46: {  	_ =	swait.ge [sflag:s26], $0x800  }
0x47: {  	[sflag:s26] =	ssyncset.done $0x0  }
0x48: {  	[sflag:s26] =	ssyncadd.s32 $0xFFFFF800  }
0x49: {  	_ =	swait.ge [sflag:s26], $0x800  }
0x4a: {  	[sflag:s26] =	ssyncset.done $0x0  }
0x4b: {  	s15 =	simm.s32 $0x400;
	s16 =	simm.s32 $0x5400;
	[sflag:s26] =	ssyncadd.s32 $0xFFFFF800  }
0x4c: {  	[spmem:s2] =	stream.indirect.scatter.add.f32 [tilespmem:s16], [sflag:$0x1], $0x10, s15, s12, $0xb8;
	[tilespmem:$0x1A400] =	vst v63  }
0x4d: {  	s15 =	simm.s32 $0x480;
	s16 =	simm.s32 $0x5C00  }
0x4e: {  	[spmem:s2] =	stream.indirect.scatter.add.f32 [tilespmem:s16], [sflag:$0x1], $0x10, s15, s12, $0xb8;
	[tilespmem:$0x1A400] =	vst v63  }
0x4f: {  	s15 =	simm.s32 $0x500;
	s16 =	simm.s32 $0x6400  }
0x50: {  	[spmem:s2] =	stream.indirect.scatter.add.f32 [tilespmem:s16], [sflag:$0x1], $0x10, s15, s12, $0xb8;
	[tilespmem:$0x1A400] =	vst v63  }
0x51: {  	s15 =	simm.s32 $0x580;
	s16 =	simm.s32 $0x6C00  }
0x52: {  	[spmem:s2] =	stream.indirect.scatter.add.f32 [tilespmem:s16], [sflag:$0x1], $0x10, s15, s12, $0xb8;
	[tilespmem:$0x1A400] =	vst v63  }
0x53: {  	s15 =	simm.s32 $0x600;
	s16 =	simm.s32 $0x7400  }
0x54: {  	[spmem:s2] =	stream.indirect.scatter.add.f32 [tilespmem:s16], [sflag:$0x1], $0x10, s15, s12, $0xb8;
	[tilespmem:$0x1A400] =	vst v63  }
0x55: {  	s15 =	simm.s32 $0x680;
	s16 =	simm.s32 $0x7C00  }
0x56: {  	[spmem:s2] =	stream.indirect.scatter.add.f32 [tilespmem:s16], [sflag:$0x1], $0x10, s15, s12, $0xb8;
	[tilespmem:$0x1A400] =	vst v63  }
0x57: {  	s15 =	simm.s32 $0x700;
	s16 =	simm.s32 $0x8400  }
0x58: {  	[spmem:s2] =	stream.indirect.scatter.add.f32 [tilespmem:s16], [sflag:$0x1], $0x10, s15, s12, $0xb8;
	[tilespmem:$0x1A400] =	vst v63  }
0x59: {  	s15 =	simm.s32 $0x780;
	s16 =	simm.s32 $0x8C00  }
0x5a: {  	[spmem:s2] =	stream.indirect.scatter.add.f32 [tilespmem:s16], [sflag:$0x1], $0x10, s15, s12, $0xb8;
	[tilespmem:$0x1A400] =	vst v63  }
0x5b: {  	_ =	swait.ge [sflag:s26], $0x800  }
0x5c: {  	[sflag:s26] =	ssyncset.done $0x0  }
0x5d: {  	[sflag:s26] =	ssyncadd.s32 $0xFFFFF800  }
0x5e: {  	_ =	swait.ge [sflag:s26], $0x800  }
0x5f: {  	[sflag:s26] =	ssyncset.done $0x0  }
0x60: {  	[sflag:s26] =	ssyncadd.s32 $0xFFFFF800  }
0x61: {  	_ =	swait.ge [sflag:s26], $0x800  }
0x62: {  	[sflag:s26] =	ssyncset.done $0x0  }
0x63: {  	[sflag:s26] =	ssyncadd.s32 $0xFFFFF800  }
0x64: {  	_ =	swait.ge [sflag:s26], $0x800  }
0x65: {  	[sflag:s26] =	ssyncset.done $0x0  }
0x66: {  	[sflag:s26] =	ssyncadd.s32 $0xFFFFF800  }
0x67: {  	_ =	swait.ge [sflag:s26], $0x800  }
0x68: {  	[sflag:s26] =	ssyncset.done $0x0  }
0x69: {  	[sflag:s26] =	ssyncadd.s32 $0xFFFFF800  }
0x6a: {  	_ =	swait.ge [sflag:s26], $0x800  }
0x6b: {  	[sflag:s26] =	ssyncset.done $0x0  }
0x6c: {  	[sflag:s26] =	ssyncadd.s32 $0xFFFFF800  }
0x6d: {  	_ =	swait.ge [sflag:s26], $0x800  }
0x6e: {  	[sflag:s26] =	ssyncset.done $0x0  }
0x6f: {  	[sflag:s26] =	ssyncadd.s32 $0xFFFFF800  }
0x70: {  	_ =	swait.ge [sflag:s26], $0x800  }
0x71: {  	[sflag:s26] =	ssyncset.done $0x0  }
0x72: {  	s15 =	simm.s32 $0x800;
	s16 =	simm.s32 $0x9400;
	[sflag:s26] =	ssyncadd.s32 $0xFFFFF800  }
0x73: {  	[spmem:s2] =	stream.indirect.scatter.add.f32 [tilespmem:s16], [sflag:$0x1], $0x10, s15, s12, $0xb8;
	[tilespmem:$0x1A400] =	vst v63  }
0x74: {  	s15 =	simm.s32 $0x880;
	s16 =	simm.s32 $0x9C00  }
0x75: {  	[spmem:s2] =	stream.indirect.scatter.add.f32 [tilespmem:s16], [sflag:$0x1], $0x10, s15, s12, $0xb8;
	[tilespmem:$0x1A400] =	vst v63  }
0x76: {  	s15 =	simm.s32 $0x900;
	s16 =	simm.s32 $0xA400  }
0x77: {  	[spmem:s2] =	stream.indirect.scatter.add.f32 [tilespmem:s16], [sflag:$0x1], $0x10, s15, s12, $0xb8;
	[tilespmem:$0x1A400] =	vst v63  }
0x78: {  	s15 =	simm.s32 $0x980;
	s16 =	simm.s32 $0xAC00  }
0x79: {  	[spmem:s2] =	stream.indirect.scatter.add.f32 [tilespmem:s16], [sflag:$0x1], $0x10, s15, s12, $0xb8;
	[tilespmem:$0x1A400] =	vst v63  }
0x7a: {  	s15 =	simm.s32 $0xA00;
	s16 =	simm.s32 $0xB400  }
0x7b: {  	[spmem:s2] =	stream.indirect.scatter.add.f32 [tilespmem:s16], [sflag:$0x1], $0x10, s15, s12, $0xb8;
	[tilespmem:$0x1A400] =	vst v63  }
0x7c: {  	s15 =	simm.s32 $0xA80;
	s16 =	simm.s32 $0xBC00  }
0x7d: {  	[spmem:s2] =	stream.indirect.scatter.add.f32 [tilespmem:s16], [sflag:$0x1], $0x10, s15, s12, $0xb8;
	[tilespmem:$0x1A400] =	vst v63  }
0x7e: {  	s15 =	simm.s32 $0xB00;
	s16 =	simm.s32 $0xC400  }
0x7f: {  	[spmem:s2] =	stream.indirect.scatter.add.f32 [tilespmem:s16], [sflag:$0x1], $0x10, s15, s12, $0xb8;
	[tilespmem:$0x1A400] =	vst v63  }
0x80: {  	s15 =	simm.s32 $0xB80;
	s16 =	simm.s32 $0xCC00  }
0x81: {  	[spmem:s2] =	stream.indirect.scatter.add.f32 [tilespmem:s16], [sflag:$0x1], $0x10, s15, s12, $0xb8;
	[tilespmem:$0x1A400] =	vst v63  }
0x82: {  	_ =	swait.ge [sflag:s26], $0x800  }
0x83: {  	[sflag:s26] =	ssyncset.done $0x0  }
0x84: {  	[sflag:s26] =	ssyncadd.s32 $0xFFFFF800  }
0x85: {  	_ =	swait.ge [sflag:s26], $0x800  }
0x86: {  	[sflag:s26] =	ssyncset.done $0x0  }
0x87: {  	[sflag:s26] =	ssyncadd.s32 $0xFFFFF800  }
0x88: {  	_ =	swait.ge [sflag:s26], $0x800  }
0x89: {  	[sflag:s26] =	ssyncset.done $0x0  }
0x8a: {  	[sflag:s26] =	ssyncadd.s32 $0xFFFFF800  }
0x8b: {  	_ =	swait.ge [sflag:s26], $0x800  }
0x8c: {  	[sflag:s26] =	ssyncset.done $0x0  }
0x8d: {  	[sflag:s26] =	ssyncadd.s32 $0xFFFFF800  }
0x8e: {  	_ =	swait.ge [sflag:s26], $0x800  }
0x8f: {  	[sflag:s26] =	ssyncset.done $0x0  }
0x90: {  	[sflag:s26] =	ssyncadd.s32 $0xFFFFF800  }
0x91: {  	_ =	swait.ge [sflag:s26], $0x800  }
0x92: {  	[sflag:s26] =	ssyncset.done $0x0  }
0x93: {  	[sflag:s26] =	ssyncadd.s32 $0xFFFFF800  }
0x94: {  	_ =	swait.ge [sflag:s26], $0x800  }
0x95: {  	[sflag:s26] =	ssyncset.done $0x0  }
0x96: {  	[sflag:s26] =	ssyncadd.s32 $0xFFFFF800  }
0x97: {  	_ =	swait.ge [sflag:s26], $0x800  }
0x98: {  	[sflag:s26] =	ssyncset.done $0x0  }
0x99: {  	s15 =	simm.s32 $0xC00;
	s16 =	simm.s32 $0xD400;
	[sflag:s26] =	ssyncadd.s32 $0xFFFFF800  }
0x9a: {  	[spmem:s2] =	stream.indirect.scatter.add.f32 [tilespmem:s16], [sflag:$0x1], $0x10, s15, s12, $0xb8;
	[tilespmem:$0x1A400] =	vst v63  }
0x9b: {  	s15 =	simm.s32 $0xC80;
	s16 =	simm.s32 $0xDC00  }
0x9c: {  	[spmem:s2] =	stream.indirect.scatter.add.f32 [tilespmem:s16], [sflag:$0x1], $0x10, s15, s12, $0xb8;
	[tilespmem:$0x1A400] =	vst v63  }
0x9d: {  	s15 =	simm.s32 $0xD00;
	s16 =	simm.s32 $0xE400  }
0x9e: {  	[spmem:s2] =	stream.indirect.scatter.add.f32 [tilespmem:s16], [sflag:$0x1], $0x10, s15, s12, $0xb8;
	[tilespmem:$0x1A400] =	vst v63  }
0x9f: {  	s15 =	simm.s32 $0xD80;
	s16 =	simm.s32 $0xEC00  }
0xa0: {  	[spmem:s2] =	stream.indirect.scatter.add.f32 [tilespmem:s16], [sflag:$0x1], $0x10, s15, s12, $0xb8;
	[tilespmem:$0x1A400] =	vst v63  }
0xa1: {  	s15 =	simm.s32 $0xE00;
	s16 =	simm.s32 $0xF400  }
0xa2: {  	[spmem:s2] =	stream.indirect.scatter.add.f32 [tilespmem:s16], [sflag:$0x1], $0x10, s15, s12, $0xb8;
	[tilespmem:$0x1A400] =	vst v63  }
0xa3: {  	s15 =	simm.s32 $0xE80;
	s16 =	simm.s32 $0xFC00  }
0xa4: {  	[spmem:s2] =	stream.indirect.scatter.add.f32 [tilespmem:s16], [sflag:$0x1], $0x10, s15, s12, $0xb8;
	[tilespmem:$0x1A400] =	vst v63  }
0xa5: {  	s15 =	simm.s32 $0xF00;
	s16 =	simm.s32 $0x10400  }
0xa6: {  	[spmem:s2] =	stream.indirect.scatter.add.f32 [tilespmem:s16], [sflag:$0x1], $0x10, s15, s12, $0xb8;
	[tilespmem:$0x1A400] =	vst v63  }
0xa7: {  	s15 =	simm.s32 $0xF80;
	s16 =	simm.s32 $0x10C00  }
0xa8: {  	[spmem:s2] =	stream.indirect.scatter.add.f32 [tilespmem:s16], [sflag:$0x1], $0x10, s15, s12, $0xb8;
	[tilespmem:$0x1A400] =	vst v63  }
0xa9: {  	_ =	swait.ge [sflag:s26], $0x800  }
0xaa: {  	[sflag:s26] =	ssyncset.done $0x0  }
0xab: {  	[sflag:s26] =	ssyncadd.s32 $0xFFFFF800  }
0xac: {  	_ =	swait.ge [sflag:s26], $0x800  }
0xad: {  	[sflag:s26] =	ssyncset.done $0x0  }
0xae: {  	[sflag:s26] =	ssyncadd.s32 $0xFFFFF800  }
0xaf: {  	_ =	swait.ge [sflag:s26], $0x800  }
0xb0: {  	[sflag:s26] =	ssyncset.done $0x0  }
0xb1: {  	[sflag:s26] =	ssyncadd.s32 $0xFFFFF800  }
0xb2: {  	_ =	swait.ge [sflag:s26], $0x800  }
0xb3: {  	[sflag:s26] =	ssyncset.done $0x0  }
0xb4: {  	[sflag:s26] =	ssyncadd.s32 $0xFFFFF800  }
0xb5: {  	_ =	swait.ge [sflag:s26], $0x800  }
0xb6: {  	[sflag:s26] =	ssyncset.done $0x0  }
0xb7: {  	[sflag:s26] =	ssyncadd.s32 $0xFFFFF800  }
0xb8: {  	_ =	swait.ge [sflag:s26], $0x800  }
0xb9: {  	[sflag:s26] =	ssyncset.done $0x0  }
0xba: {  	[sflag:s26] =	ssyncadd.s32 $0xFFFFF800  }
0xbb: {  	_ =	swait.ge [sflag:s26], $0x800  }
0xbc: {  	[sflag:s26] =	ssyncset.done $0x0  }
0xbd: {  	[sflag:s26] =	ssyncadd.s32 $0xFFFFF800  }
0xbe: {  	_ =	swait.ge [sflag:s26], $0x800  }
0xbf: {  	[sflag:s26] =	ssyncset.done $0x0  }
0xc0: {  	[sflag:s26] =	ssyncadd.s32 $0xFFFFF800  }
0xc1: {  	[spmem:s2] =	stream.indirect.scatter.add.f32 [tilespmem:s18], [sflag:$0x1], $0x10, s17, s12, $0xb8;
	[tilespmem:$0x1A400] =	vst v63  }
0xc2: {  	_ = 	snop  }
0xc3: {  	[spmem:s2] =	stream.indirect.scatter.add.f32 [tilespmem:s20], [sflag:$0x1], $0x10, s19, s12, $0xb8;
	[tilespmem:$0x1A400] =	vst v63  }
0xc4: {  	_ = 	snop  }
0xc5: {  	[spmem:s2] =	stream.indirect.scatter.add.f32 [tilespmem:s22], [sflag:$0x1], $0x10, s21, s12, $0xb8;
	[tilespmem:$0x1A400] =	vst v63  }
0xc6: {  	_ = 	snop  }
0xc7: {  	[spmem:s2] =	stream.indirect.scatter.add.f32 [tilespmem:s24], [sflag:$0x1], $0x10, s23, s12, $0xb8;
	[tilespmem:$0x1A400] =	vst v63  }
0xc8: {  	_ = 	snop  }
0xc9: {  	[spmem:s2] =	stream.indirect.scatter.add.f32 [tilespmem:s28], [sflag:$0x1], $0x10, s25, s12, $0xb8;
	[tilespmem:$0x1A400] =	vst v63  }
0xca: {  	_ = 	snop  }
0xcb: {  	[spmem:s2] =	stream.indirect.scatter.add.f32 [tilespmem:s30], [sflag:$0x1], $0x10, s29, s12, $0xb8;
	[tilespmem:$0x1A400] =	vst v63  }
0xcc: {  	_ = 	snop  }
0xcd: {  	[spmem:s2] =	stream.indirect.scatter.add.f32 [tilespmem:s1], [sflag:$0x1], $0x10, s31, s12, $0xb8;
	[tilespmem:$0x1A400] =	vst v63  }
0xce: {  	_ = 	snop  }
0xcf: {  	[spmem:s2] =	stream.indirect.scatter.add.f32 [tilespmem:s13], [sflag:$0x1], $0x10, s0, s12, $0xb8;
	[tilespmem:$0x1A400] =	vst v63  }
0xd0: {  	_ =	swait.ge [sflag:s26], $0x800  }
0xd1: {  	[sflag:s26] =	ssyncset.done $0x0  }
0xd2: {  	[sflag:s26] =	ssyncadd.s32 $0xFFFFF800  }
0xd3: {  	_ =	swait.ge [sflag:s26], $0x800  }
0xd4: {  	[sflag:s26] =	ssyncset.done $0x0  }
0xd5: {  	[sflag:s26] =	ssyncadd.s32 $0xFFFFF800  }
0xd6: {  	_ =	swait.ge [sflag:s26], $0x800  }
0xd7: {  	[sflag:s26] =	ssyncset.done $0x0  }
0xd8: {  	[sflag:s26] =	ssyncadd.s32 $0xFFFFF800  }
0xd9: {  	_ =	swait.ge [sflag:s26], $0x800  }
0xda: {  	[sflag:s26] =	ssyncset.done $0x0  }
0xdb: {  	[sflag:s26] =	ssyncadd.s32 $0xFFFFF800  }
0xdc: {  	_ =	swait.ge [sflag:s26], $0x800  }
0xdd: {  	[sflag:s26] =	ssyncset.done $0x0  }
0xde: {  	[sflag:s26] =	ssyncadd.s32 $0xFFFFF800  }
0xdf: {  	_ =	swait.ge [sflag:s26], $0x800  }
0xe0: {  	[sflag:s26] =	ssyncset.done $0x0  }
0xe1: {  	[sflag:s26] =	ssyncadd.s32 $0xFFFFF800  }
0xe2: {  	_ =	swait.ge [sflag:s26], $0x800  }
0xe3: {  	[sflag:s26] =	ssyncset.done $0x0  }
0xe4: {  	[sflag:s26] =	ssyncadd.s32 $0xFFFFF800  }
0xe5: {  	_ =	swait.ge [sflag:s26], $0x800  }
0xe6: {  	[sflag:s26] =	ssyncset.done $0x0  }
0xe7: {  	[sflag:s26] =	ssyncadd.s32 $0xFFFFF800  }
0xe8: {  	[bflag:$0x0] =	sbarrier.arrive $0xFFFF  }
0xe9: {  	[tilespmem:s9], [sflag:$0x2] =	stream.linear.gather [spmem:s4], $0x2800, $0x38;
	[tilespmem:$0x1A400] =	vst v63  }
0xea: {  	s14 =	sadd.s32 $0x1, s14;
	_ =	swait.ge [sflag:s10], $0x2800  }
0xeb: {  	p0 =	sne.s32 s14, s8;
	[sflag:s10] =	ssyncset.done $0x0  }
.Ltmp1:
0xec: {  	[sflag:s10] =	ssyncadd.s32 $0xFFFFD800;
	(pc) =	sbr.rel @p0 .LBB2_1-.Ltmp1, $4  }
0xed: {  	[hbm4b:s7+s3] =	stream.linear.scatter [tilespmem:s9], [sflag:$0x2], $0x2800, $0x38;
	[tilespmem:$0x1A400] =	vst v63  }
0xee: {  	_ =	swait.ge [sflag:s10], $0x2800  }
0xef: {  	[sflag:s10] =	ssyncset.done $0x0  }
0xf0: {  	[sflag:s10] =	ssyncadd.s32 $0xFFFFD800  }
0xf1: {  	_ =	sfence.sel $0x180000  }
0xf2: {  	[bflag:$0x0] =	sbarrier.arrive $0xFFFF  }
0xf3: {  	_ =	strace $0x9000004A  }
0xf4: {  	s0 =	stileid.u32;
	[bflag:$0x2] =	sbarrier.arrive $0xFFFF  }
0xf5: {  	p0 =	sne.s32 s0, $0x0;
	s0 =	rddreg [dreg:$0x2]  }
0xf6: {  	s0 =	sadd.s32 @!p0 $0x100000, s0  }
0xf7: {  	[sflag:s0] =	ssyncadd.tile.s32 @!p0 $0x1;
	_ =	shalt  }
.Lfunc_end2:
_tile_overlayer_lowered:
.L_overlay_start_2:
0xf8: {  	(tag) =	ssettag $0x2  }
0xf9: {  	s0 =	rddreg [dreg:$0x0];
	s2 =	stileid.u32  }
0xfa: {  	s1 =	rddreg [dreg:$0x1];
	p0 =	sne.s32 s2, $0x0  }
0xfb: {  	s3 =	rddreg [dreg:$0x2];
	[bflag:$0x3] =	sbarrier.arrive $0xFFFF;
	s2 =	simm.s32 @!p0 $0x1C02  }
0xfc: {  	[timem:s3], [sflag:s2] =	dma.local @!p0 [hbm:s0], s1  }
0xfd: {  	s0 =	simm.s32 @!p0 $0x2  }
0xfe: {  	_ =	swait.ge @!p0 [sflag:s0], s1  }
0xff: {  	s1 =	ssub.s32 @!p0 $0x0, s1;
	[sflag:s0] =	ssyncset.done @!p0 $0x0  }
0x100: {  	[sflag:s0] =	ssyncadd.s32 @!p0 s1  }
0x101: {  	[bflag:$0x3] =	sbarrier.arrive $0xFFFF  }
0x102: {  	_ =	shalt  }

// kernel: kernel.16.cloned.1.call-start
scs
__scs_entry_jumppad:
0x0: {  	(pc) =	sbr.rel $0x88, $3  }
0x1: {  	(tag) =	ssettag $0x0;
	lr =	simm.s32 $0x1  }
0x2: {  	[smem:$0x3F94] =	sst lr;
	_ =	strace $0xD0000000  }
0x3: {  	_ = 	snop  }
0x4: {  	_ = 	snop  }
0x5: {  	_ = 	snop  }
0x6: {  	_ = 	snop  }
0x7: {  	_ = 	snop  }
__scs_overlays_trampoline_lowered:
0x8: {  	[smem:$0x3FA3] =	sst s0  }
0x9: {  	[smem:$0x3FA4] =	sst s1  }
0xa: {  	[smem:$0x3FA5] =	sst s2  }
0xb: {  	[smem:$0x3FA6] =	sst s3  }
0xc: {  	[smem:$0x3FA7] =	sst s4  }
0xd: {  	[smem:$0x3FA8] =	sst s5  }
0xe: {  	[smem:$0x3FA9] =	sst s6  }
0xf: {  	[smem:$0x3FAA] =	sst s7  }
0x10: {  	[smem:$0x3FAB] =	sst s8  }
0x11: {  	[smem:$0x3FAC] =	sst s9;
	s0 =	simm.s32 @!p0 $0x0  }
0x12: {  	s1 =	sld [smem:$0x3F92];
	s0 =	simm.s32 @p0 $0x1  }
0x13: {  	[smem:$0x3FAD] =	sst s0;
	s0 =	simm.s32 @!p1 $0x0  }
0x14: {  	s2 =	sld [smem:$0x3F91];
	s0 =	simm.s32 @p1 $0x1  }
0x15: {  	[smem:$0x3FAE] =	sst s0;
	s0 =	simm.s32 @!p2 $0x0  }
0x16: {  	s3 =	sld [smem:$0x3FDB];
	s0 =	simm.s32 @p2 $0x1  }
0x17: {  	s4 =	simm.s32 $0x1BF5;
	[smem:$0x3FB0] =	sst s0  }
0x18: {  	s0 =	sld [smem:$0x3F93];
	_ =	swait.ge [sflag:s4], $0x0  }
0x19: {  	s7 =	sld [smem:$0x3F94]  }
0x1a: {  	s8 =	sadd.s32 $0xFFFFE003, lr  }
0x1b: {  	s9 =	sadd.s32 $0xFFFFFEF7, lr;
	s5 =	simm.s32 $0xFFFFFFFF;
	p2 =	slt.u32 s8, $0xFFFFF086  }
0x1c: {  	p1 =	slt.u32 s9, $0xF7A;
	s5 =	simm.s32 @!p2 $0x0  }
0x1d: {  	s5 =	simm.s32 @p1 $0x1;
	p0 =	seq.s32 s7, s2  }
0x1e: {  	s7 =	smul.u32 @!p0 $0xF7A, s2;
	p2 =	seq.s32 @!p0 s5, $0x0  }
0x1f: {  	s9 =	smul.u32 $0xF7A, s1;
	s8 =	simm.s32 @!p0 $0x1BF5;
	p2 =	por !p2, p0  }
0x20: {  	[sflag:s8] =	ssyncset.s32 @!p0 $0xFFFFF086;
	s6 =	sadd.s32 @!p0 s3, s7;
	s7 =	simm.s32 @!p0 $0x108  }
0x21: {  	s3 =	sadd.s32 s3, s9;
	s6 =	sadd.s32 @!p0 $0x88, s6;
	s7 =	simm.s32 @p2 $0x1082  }
0x22: {  	[simem:s7], [sflag:s8] =	dma.local @!p0 [hbm:s6], $0xF7A  }
0x23: {  	s9 =	sor.u32 $0xD0000000, s2;
	s6 =	simm.s32 $0x108;
	_ =	swait.ge @!p0 [sflag:s8], $0x0  }
0x24: {  	s3 =	sadd.s32 $0x88, s3;
	s6 =	simm.s32 @!p1 $0x1082;
	[sflag:s4] =	ssyncset.s32 $0xFFFFF086  }
0x25: {  	[simem:s6], [sflag:s4] =	dma.local [hbm:s3], $0xF7A  }
0x26: {  	[smem:$0x3F94] =	sst s1;
	(tag) =	ssettag s2;
	_ =	strace s9  }
0x27: {  	s1 =	sld [smem:$0x3FA4]  }
0x28: {  	s2 =	sld [smem:$0x3FA5]  }
0x29: {  	s4 =	sld [smem:$0x3FA7]  }
0x2a: {  	p0 =	seq.s32 s5, $0x0;
	s5 =	sld [smem:$0x3FA8]  }
0x2b: {  	s6 =	sld [smem:$0x3FA9]  }
0x2c: {  	s7 =	sld [smem:$0x3FAA]  }
0x2d: {  	s3 =	simm.s32 $0x108;
	s8 =	sld [smem:$0x3FAB]  }
0x2e: {  	s3 =	simm.s32 @!p0 $0x1082;
	s9 =	sld [smem:$0x3FAC]  }
0x2f: {  	lr =	sadd.s32 s0, s3;
	s0 =	sld [smem:$0x3FA3]  }
0x30: {  	s3 =	sld [smem:$0x3FA6]  }
0x31: {  	[smem:$0x3FAF] =	sst s10  }
0x32: {  	s10 =	sld [smem:$0x3FAD];
	_ =	sdelay $0x3  }
0x33: {  	p0 =	seq.s32 s10, $0x1;
	s10 =	sld [smem:$0x3FAF];
	_ =	sdelay $0x3  }
0x34: {  	[smem:$0x3FAF] =	sst s10  }
0x35: {  	s10 =	sld [smem:$0x3FAE];
	_ =	sdelay $0x3  }
0x36: {  	p1 =	seq.s32 s10, $0x1;
	s10 =	sld [smem:$0x3FAF];
	_ =	sdelay $0x3  }
0x37: {  	[smem:$0x3FAF] =	sst s10  }
0x38: {  	s10 =	sld [smem:$0x3FB0]  }
0x39: {  	_ = 	snop;
	(pc) =	sbr.ind lr, $3  }
0x3a: {  	_ = 	snop  }
0x3b: {  	_ = 	snop  }
0x3c: {  	p2 =	seq.s32 s10, $0x1;
	s10 =	sld [smem:$0x3FAF]  }
0x3d: {  	_ =	shalt  }
0x3e: {  	_ =	shalt  }
0x3f: {  	_ =	shalt  }
0x40: {  	_ =	shalt  }
0x41: {  	_ =	shalt  }
0x42: {  	_ =	shalt  }
0x43: {  	_ =	shalt  }
0x44: {  	_ =	shalt  }
0x45: {  	_ =	shalt  }
0x46: {  	_ =	shalt  }
0x47: {  	_ =	shalt  }
0x48: {  	_ =	shalt  }
0x49: {  	_ =	shalt  }
0x4a: {  	_ =	shalt  }
0x4b: {  	_ =	shalt  }
0x4c: {  	_ =	shalt  }
0x4d: {  	_ =	shalt  }
0x4e: {  	_ =	shalt  }
0x4f: {  	_ =	shalt  }
0x50: {  	_ =	shalt  }
0x51: {  	_ =	shalt  }
0x52: {  	_ =	shalt  }
0x53: {  	_ =	shalt  }
0x54: {  	_ =	shalt  }
0x55: {  	_ =	shalt  }
0x56: {  	_ =	shalt  }
0x57: {  	_ =	shalt  }
0x58: {  	_ =	shalt  }
0x59: {  	_ =	shalt  }
0x5a: {  	_ =	shalt  }
0x5b: {  	_ =	shalt  }
0x5c: {  	_ =	shalt  }
0x5d: {  	_ =	shalt  }
0x5e: {  	_ =	shalt  }
0x5f: {  	_ =	shalt  }
0x60: {  	_ =	shalt  }
0x61: {  	_ =	shalt  }
0x62: {  	_ =	shalt  }
0x63: {  	_ =	shalt  }
0x64: {  	_ =	shalt  }
0x65: {  	_ =	shalt  }
0x66: {  	_ =	shalt  }
0x67: {  	_ =	shalt  }
0x68: {  	_ =	shalt  }
0x69: {  	_ =	shalt  }
0x6a: {  	_ =	shalt  }
0x6b: {  	_ =	shalt  }
0x6c: {  	_ =	shalt  }
0x6d: {  	_ =	shalt  }
0x6e: {  	_ =	shalt  }
0x6f: {  	_ =	shalt  }
0x70: {  	_ =	shalt  }
0x71: {  	_ =	shalt  }
0x72: {  	_ =	shalt  }
0x73: {  	_ =	shalt  }
0x74: {  	_ =	shalt  }
0x75: {  	_ =	shalt  }
0x76: {  	_ =	shalt  }
0x77: {  	_ =	shalt  }
0x78: {  	_ =	shalt  }
0x79: {  	_ =	shalt  }
0x7a: {  	_ =	shalt  }
0x7b: {  	_ =	shalt  }
0x7c: {  	_ =	shalt  }
0x7d: {  	_ =	shalt  }
0x7e: {  	_ =	shalt  }
0x7f: {  	_ =	shalt  }
0x80: {  	_ =	shalt  }
0x81: {  	_ =	shalt  }
0x82: {  	_ =	shalt  }
0x83: {  	_ =	shalt  }
0x84: {  	_ =	shalt  }
0x85: {  	_ =	shalt  }
0x86: {  	_ =	shalt  }
0x87: {  	_ =	shalt  }
.Lfunc_end0:
.L_simem_size_0:
called_computation.2_lowered:
.L_overlay_start_0:
0x88: {  	s2 =	sld [smem:$0x3FD9]  }
0x89: {  	s3 =	sld [smem:$0x3FFE];
	_ =	sdelay $0x1  }
0x8a: {  	s1 =	srdreg.scid  }
0x8b: {  	s0 =	sand.u32 $0x1, s1  }
0x8c: {  	s17 =	sshll.u32 s0, $0xA;
	s2 =	sadd.s32 s3, s2  }
0x8d: {  	s2 =	sadd.s32 s2, s17  }
0x8e: {  	[smem:$0x3FBB] =	sst s2  }
0x8f: {  	_ = 	snop  }
0x90: {  	s2 =	sld [smem:$0x3FD0];
	(tm) =	ssettm $0x1  }
0x91: {  	s18 =	sld [smem:$0x3FFB];
	_ =	sdelay $0x3  }
0x92: {  	_ =	strace s18  }
0x93: {  	s3 =	sld [smem:$0x3FFC];
	_ =	sdelay $0x3  }
0x94: {  	_ =	strace s3  }
0x95: {  	s3 =	sld [smem:$0x3FFD];
	_ =	sdelay $0x3  }
0x96: {  	_ =	strace s3  }
0x97: {  	_ =	strace $0x8FFFFFFF  }
0x98: {  	s19 =	sld [smem:$0x3FDB];
	_ =	sdelay $0x1  }
0x99: {  	s4 =	simm.s32 $_scs_section_size  }
0x9a: {  	s5 =	simm.s32 $_size__tile_overlayer_lowered;
	s6 =	simm.s32 $_tile_overlayer_lowered  }
0x9b: {  	s22 =	simm.s32 $0x1BFF;
	s21 =	sshll.u32 s6, $0x1;
	s3 =	sadd.s32 s4, s19  }
0x9c: {  	s7 =	simm.s32 $0x0;
	s20 =	sshll.u32 s5, $0x1;
	s5 =	sadd.s32 s21, s3  }
0x9d: {  	[timem:s7], [sflag:s22] =	dma.local [hbm:s5], s20  }
0x9e: {  	_ =	swait.ge [sflag:s22], s20  }
0x9f: {  	s4 =	ssub.s32 $0x0, s20;
	[sflag:s22] =	ssyncset.done $0x0  }
0xa0: {  	[sflag:s22] =	ssyncadd.s32 s4;
	_ =	sdelay $0x1  }
0xa1: {  	s23 =	simm.s32 $0x1B8B  }
0xa2: {  	_ =	swait.ge [sflag:s23], $0x1  }
0xa3: {  	[sflag:s23] =	ssyncset.done $0x0  }
0xa4: {  	s25 =	simm.s32 $0x1B8E;
	s24 =	sld [smem:$0x3FFE];
	[sflag:s23] =	ssyncadd.s32 $0xFFFFFFFF  }
0xa5: {  	s26 =	simm.s32 $execute0_lowered;
	[smem:$0x3FD2] =	sst s25  }
0xa6: {  	s5 =	sshll.u32 s26, $0x1;
	_ =	strace $0x8000004C;
	[dreg:$0x1] =	wrdreg $0xFFFFFFFF  }
0xa7: {  	s28 =	simm.s32 $_size_execute0_lowered;
	s3 =	sadd.s32 s3, s5;
	[dreg:$0x0] =	wrdreg $0x0  }
0xa8: {  	s5 =	sshll.u32 s28, $0x1;
	[dreg:$0x2] =	wrdreg s3  }
0xa9: {  	[dreg:$0x3] =	wrdreg s5  }
0xaa: {  	[dreg:$0x4] =	wrdreg $0xC0  }
0xab: {  	_ =	task [dreg:s7], $0x5FFFF  }
0xac: {  	[dreg:$0x1] =	wrdreg $0xFFFFFFFF  }
0xad: {  	[dreg:$0x0] =	wrdreg $0x60  }
0xae: {  	[dreg:$0x2] =	wrdreg s2  }
0xaf: {  	[dreg:$0x3] =	wrdreg s24  }
0xb0: {  	[dreg:$0x4] =	wrdreg $0x154000  }
0xb1: {  	[dreg:$0x5] =	wrdreg $0x9  }
0xb2: {  	_ =	task.clear_ibuf [dreg:s7], $0x6FFFF;
	_ =	strace $0x9000004C  }
0xb3: {  	s29 =	simm.s32 $0x9;
	_ =	strace $0x8000004E  }
0xb4: {  	_ =	swait.ge [sflag:s29], $0x1  }
0xb5: {  	[sflag:s29] =	ssyncadd.s32 $0xFFFFFFFF  }
0xb6: {  	_ =	strace $0x9000004E  }
0xb7: {  	_ =	sfence  }
0xb8: {  	s30 =	sld [smem:$0x0];
	_ =	sdelay $0x2  }
0xb9: {  	s31 =	sshll.u32 s1, $0xD;
	s1 =	sshrl.u32 s1, $0x2  }
0xba: {  	s3 =	sand.u32 $0x4000, s31;
	s1 =	sadd.s32 s1, s30  }
0xbb: {  	s0 =	sor.u32 s3, s0;
	s1 =	sshll.u32 s1, $0x11  }
0xbc: {  	s0 =	sor.u32 s1, s0  }
0xbd: {  	s0 =	sadd.s32 $0x8F2B, s0  }
0xbe: {  	[sflag:s0] =	ssyncadd.remote.s32 $0x1  }
0xbf: {  	_ =	sfence.sel $0xFFFF  }
0xc0: {  	[dreg:$0x0] =	wrdreg $0xFFFFFFFF;
	(pc) =	sbr.abs _section_cstart, $3  }
0xc1: {  	[dreg:$0x1] =	wrdreg $0xFFFFFFFF  }
0xc2: {  	_ =	task.clear_ibuf [dreg:s7], $0x2FFFF;
	_ =	strace $0x9FFFFFFF  }
0xc3: {  	(tm) =	ssettm $0x7FFFFFFF  }
tec
execute0_lowered:
.L_overlay_start_1:
0x0: {  	(tag) =	ssettag $0x1  }
0x1: {  	s4 =	rddreg [dreg:$0x0]  }
0x2: {  	s5 =	rddreg [dreg:$0x1]  }
0x3: {  	s3 =	rddreg [dreg:$0x2];
	s1 =	stileid.u32  }
0x4: {  	s2 =	simm.s32 $0x0;
	s26 =	simm.s32 $0x1C00;
	s6 =	sshll.u32 s1, $0x1  }
0x5: {  	s7 =	smul.u32 $0x2710, s1;
	[smem:$0x7FF] =	sst s2;
	s20 =	sshll.u32 s1, $0x6  }
0x6: {  	s1 =	simm.s32 $0x100;
	_ =	strace $0x8000004D;
	[dreg:$0x9] =	wrdreg s26  }
0x7: {  	s10 =	simm.s32 $0x280;
	[dreg:$0xa] =	wrdreg s1  }
0x8: {  	s11 =	simm.s32 $0x3C00;
	[dreg:$0x10] =	wrdreg s10  }
0x9: {  	s12 =	simm.s32 $0x300;
	[dreg:$0x11] =	wrdreg s11  }
0xa: {  	s13 =	simm.s32 $0x4400;
	[dreg:$0x12] =	wrdreg s12  }
0xb: {  	s14 =	simm.s32 $0x380;
	[dreg:$0x13] =	wrdreg s13  }
0xc: {  	s15 =	simm.s32 $0x4C00;
	[dreg:$0x14] =	wrdreg s14  }
0xd: {  	s16 =	simm.s32 $0x400;
	[dreg:$0x15] =	wrdreg s15  }
0xe: {  	s17 =	simm.s32 $0x5400;
	[dreg:$0x16] =	wrdreg s16  }
0xf: {  	s18 =	simm.s32 $0x480;
	[dreg:$0x17] =	wrdreg s17  }
0x10: {  	s19 =	simm.s32 $0x5C00;
	[dreg:$0x18] =	wrdreg s18  }
0x11: {  	s21 =	sor.u32 $0x1C02, s20;
	[dreg:$0x19] =	wrdreg s19  }
0x12: {  	s20 =	simm.s32 $0x500;
	[dreg:$0x5] =	wrdreg s21  }
0x13: {  	s26 =	simm.s32 $0x680;
	[dreg:$0x1a] =	wrdreg s20  }
0x14: {  	s1 =	simm.s32 $0x7C00;
	[smem:$0x7E2] =	sst s26  }
0x15: {  	s10 =	simm.s32 $0x9400;
	[smem:$0x7E1] =	sst s1  }
0x16: {  	s11 =	simm.s32 $0x880;
	[smem:$0x7E6] =	sst s10  }
0x17: {  	s12 =	simm.s32 $0x9C00;
	[smem:$0x7E8] =	sst s11  }
0x18: {  	s13 =	simm.s32 $0x900;
	[smem:$0x7E9] =	sst s12  }
0x19: {  	s14 =	simm.s32 $0xA400;
	[smem:$0x7E5] =	sst s13  }
0x1a: {  	s15 =	simm.s32 $0x980;
	[smem:$0x7EA] =	sst s14  }
0x1b: {  	s16 =	simm.s32 $0xAC00;
	[smem:$0x7F0] =	sst s15  }
0x1c: {  	s17 =	simm.s32 $0xA00;
	[smem:$0x7E7] =	sst s16  }
0x1d: {  	s18 =	simm.s32 $0xB400;
	[smem:$0x7EB] =	sst s17  }
0x1e: {  	s19 =	simm.s32 $0xA80;
	s9 =	sshrl.u32 s7, $0x3;
	[smem:$0x7ED] =	sst s18  }
0x1f: {  	s23 =	sadd.s32 s7, s3;
	s7 =	simm.s32 $0x2C00;
	[smem:$0x7F2] =	sst s19  }
0x20: {  	s21 =	simm.s32 $0x6400;
	[dreg:$0xd] =	wrdreg s7  }
0x21: {  	s20 =	simm.s32 $0xBC00;
	[dreg:$0x1b] =	wrdreg s21  }
0x22: {  	s26 =	simm.s32 $0xD400;
	[smem:$0x7F1] =	sst s20  }
0x23: {  	s1 =	simm.s32 $0xC80;
	[smem:$0x7F6] =	sst s26  }
0x24: {  	s11 =	simm.s32 $0xEC00;
	[smem:$0x7F8] =	sst s1  }
0x25: {  	s13 =	simm.s32 $0xE00;
	[smem:$0x7FB] =	sst s11  }
0x26: {  	s0 =	srdreg.scid;
	s4 =	sadd.s32 s4, s9;
	[smem:$0x7FD] =	sst s13  }
0x27: {  	s0 =	sand.u32 $0x1, s0;
	s25 =	sshrl.u32 s23, $0x3;
	[dreg:$0x4] =	wrdreg s4  }
0x28: {  	s6 =	sor.u32 s0, s6;
	s9 =	simm.s32 $0x3400;
	[dreg:$0x8] =	wrdreg s25  }
0x29: {  	s8 =	smul.u32 $0x280, s6;
	s23 =	simm.s32 $0x6C00;
	[dreg:$0xf] =	wrdreg s9  }
0x2a: {  	s6 =	smul.u32 $0x2800, s6;
	s7 =	simm.s32 $0x780;
	[dreg:$0x1d] =	wrdreg s23  }
0x2b: {  	s21 =	simm.s32 $0xB00;
	s8 =	sadd.s32 s8, s5;
	[smem:$0x7E4] =	sst s7  }
0x2c: {  	s5 =	sadd.s32 s6, s5;
	s6 =	simm.s32 $0x180;
	[smem:$0x7F3] =	sst s21  }
0x2d: {  	s25 =	simm.s32 $0x7400;
	[dreg:$0xc] =	wrdreg s6  }
0x2e: {  	s9 =	simm.s32 $0x800;
	[dreg:$0x1f] =	wrdreg s25  }
0x2f: {  	s23 =	simm.s32 $0xB80;
	[smem:$0x7EC] =	sst s9  }
0x30: {  	s7 =	simm.s32 $0xE400;
	[smem:$0x7F4] =	sst s23  }
0x31: {  	[smem:$0x7FA] =	sst s7  }
0x32: {  	s9 =	rddreg [dreg:$0x5]  }
0x33: {  	s10 =	rddreg [dreg:$0x8]  }
0x34: {  	s22 =	sadd.s32 $0x2BE00, s8;
	s12 =	rddreg [dreg:$0x4]  }
0x35: {  	s24 =	sadd.s32 $0x30E00, s5;
	[dreg:$0x6] =	wrdreg s22  }
0x36: {  	s5 =	simm.s32 $0x2400;
	[dreg:$0x7] =	wrdreg s24  }
0x37: {  	s8 =	simm.s32 $0x200;
	[dreg:$0xb] =	wrdreg s5  }
0x38: {  	s6 =	simm.s32 $0x8400;
	[dreg:$0xe] =	wrdreg s8  }
0x39: {  	s25 =	simm.s32 $0xC00;
	[smem:$0x7E0] =	sst s6  }
0x3a: {  	s22 =	simm.s32 $0x580;
	[smem:$0x7F5] =	sst s25  }
0x3b: {  	s24 =	simm.s32 $0x600;
	[dreg:$0x1c] =	wrdreg s22  }
0x3c: {  	s5 =	simm.s32 $0x700;
	[dreg:$0x1e] =	wrdreg s24  }
0x3d: {  	s8 =	simm.s32 $0x8C00;
	[smem:$0x7E3] =	sst s5  }
0x3e: {  	s6 =	simm.s32 $0xD00;
	[smem:$0x7DF] =	sst s8  }
0x3f: {  	s22 =	simm.s32 $0xC400;
	[smem:$0x7F9] =	sst s6  }
0x40: {  	s24 =	simm.s32 $0xCC00;
	[smem:$0x7EF] =	sst s22  }
0x41: {  	s5 =	simm.s32 $0xDC00;
	[smem:$0x7EE] =	sst s24  }
0x42: {  	s8 =	simm.s32 $0xD80;
	[smem:$0x7F7] =	sst s5  }
0x43: {  	s4 =	simm.s32 $0x2;
	[smem:$0x7FC] =	sst s8  }
0x44: {  	[spmem:s10], [sflag:s9] =	dma.local [hbm:s12], $0x4E2  }
0x45: {  	_ =	swait.ge [sflag:s4], $0x4E2  }
0x46: {  	[sflag:s4] =	ssyncset.done $0x0  }
0x47: {  	s14 =	rddreg [dreg:$0x6];
	[sflag:s4] =	ssyncadd.s32 $0xFFFFFB1E  }
0x48: {  	[tilespmem:s2], [sflag:$0x2] =	stream.linear.gather [hbm4b:s14+s2], $0x1400, $0x38;
	[tilespmem:$0x17B10] =	vst v63  }
0x49: {  	_ =	swait.ge [sflag:s4], $0x1400  }
0x4a: {  	[sflag:s4] =	ssyncset.done $0x0  }
0x4b: {  	[sflag:s4] =	ssyncadd.s32 $0xFFFFEC00  }
0x4c: {  	[bflag:$0x0] =	sbarrier.arrive $0xFFFF  }
0x4d: {  	s15 =	rddreg [dreg:$0xc]  }
0x4e: {  	s16 =	rddreg [dreg:$0xb]  }
0x4f: {  	s17 =	rddreg [dreg:$0xa]  }
0x50: {  	s10 =	rddreg [dreg:$0xd]  }
0x51: {  	s7 =	simm.s32 $0x80;
	s5 =	simm.s32 $0x1400;
	s11 =	rddreg [dreg:$0xf]  }
0x52: {  	[tilespmem:s5], [sflag:$0x1] =	stream.indirect.gather [spmem:s3], $0x10, s2, s7, $0xb8;
	[tilespmem:$0x17B10] =	vst v63  }
0x53: {  	s12 =	rddreg [dreg:$0x9]  }
0x54: {  	s13 =	rddreg [dreg:$0xe]  }
0x55: {  	[tilespmem:s12], [sflag:$0x1] =	stream.indirect.gather [spmem:s3], $0x10, s7, s7, $0xb8;
	[tilespmem:$0x17B10] =	vst v63  }
0x56: {  	s14 =	rddreg [dreg:$0x12]  }
0x57: {  	[tilespmem:s16], [sflag:$0x1] =	stream.indirect.gather [spmem:s3], $0x10, s17, s7, $0xb8;
	[tilespmem:$0x17B10] =	vst v63  }
0x58: {  	s18 =	rddreg [dreg:$0x13]  }
0x59: {  	[tilespmem:s10], [sflag:$0x1] =	stream.indirect.gather [spmem:s3], $0x10, s15, s7, $0xb8;
	[tilespmem:$0x17B10] =	vst v63  }
0x5a: {  	s19 =	rddreg [dreg:$0x11]  }
0x5b: {  	[tilespmem:s11], [sflag:$0x1] =	stream.indirect.gather [spmem:s3], $0x10, s13, s7, $0xb8;
	[tilespmem:$0x17B10] =	vst v63  }
0x5c: {  	s20 =	rddreg [dreg:$0x10]  }
0x5d: {  	[tilespmem:s19], [sflag:$0x1] =	stream.indirect.gather [spmem:s3], $0x10, s20, s7, $0xb8;
	[tilespmem:$0x17B10] =	vst v63  }
0x5e: {  	s21 =	rddreg [dreg:$0x15]  }
0x5f: {  	[tilespmem:s18], [sflag:$0x1] =	stream.indirect.gather [spmem:s3], $0x10, s14, s7, $0xb8;
	[tilespmem:$0x17B10] =	vst v63  }
0x60: {  	s6 =	simm.s32 $0x1;
	s22 =	rddreg [dreg:$0x14]  }
0x61: {  	[tilespmem:s21], [sflag:$0x1] =	stream.indirect.gather [spmem:s3], $0x10, s22, s7, $0xb8;
	[tilespmem:$0x17B10] =	vst v63  }
0x62: {  	_ =	swait.ge [sflag:s6], $0x800  }
0x63: {  	[sflag:s6] =	ssyncset.done $0x0  }
0x64: {  	[sflag:s6] =	ssyncadd.s32 $0xFFFFF800  }
0x65: {  	_ =	swait.ge [sflag:s6], $0x800  }
0x66: {  	[sflag:s6] =	ssyncset.done $0x0  }
0x67: {  	[sflag:s6] =	ssyncadd.s32 $0xFFFFF800  }
0x68: {  	_ =	swait.ge [sflag:s6], $0x800  }
0x69: {  	[sflag:s6] =	ssyncset.done $0x0  }
0x6a: {  	[sflag:s6] =	ssyncadd.s32 $0xFFFFF800  }
0x6b: {  	_ =	swait.ge [sflag:s6], $0x800  }
0x6c: {  	[sflag:s6] =	ssyncset.done $0x0  }
0x6d: {  	[sflag:s6] =	ssyncadd.s32 $0xFFFFF800  }
0x6e: {  	_ =	swait.ge [sflag:s6], $0x800  }
0x6f: {  	[sflag:s6] =	ssyncset.done $0x0  }
0x70: {  	[sflag:s6] =	ssyncadd.s32 $0xFFFFF800  }
0x71: {  	_ =	swait.ge [sflag:s6], $0x800  }
0x72: {  	[sflag:s6] =	ssyncset.done $0x0  }
0x73: {  	[sflag:s6] =	ssyncadd.s32 $0xFFFFF800  }
0x74: {  	_ =	swait.ge [sflag:s6], $0x800  }
0x75: {  	[sflag:s6] =	ssyncset.done $0x0  }
0x76: {  	[sflag:s6] =	ssyncadd.s32 $0xFFFFF800  }
0x77: {  	_ =	swait.ge [sflag:s6], $0x800  }
0x78: {  	s23 =	rddreg [dreg:$0x16]  }
0x79: {  	s24 =	rddreg [dreg:$0x19]  }
0x7a: {  	s25 =	rddreg [dreg:$0x1a]  }
0x7b: {  	s26 =	rddreg [dreg:$0x1d]  }
0x7c: {  	s1 =	sld [smem:$0x7DF]  }
0x7d: {  	s14 =	rddreg [dreg:$0x1b]  }
0x7e: {  	s18 =	sld [smem:$0x7E0]  }
0x7f: {  	s15 =	rddreg [dreg:$0x17]  }
0x80: {  	[sflag:s6] =	ssyncset.done $0x0;
	s16 =	sld [smem:$0x7E1]  }
0x81: {  	s17 =	rddreg [dreg:$0x18];
	[sflag:s6] =	ssyncadd.s32 $0xFFFFF800  }
0x82: {  	[tilespmem:s15], [sflag:$0x1] =	stream.indirect.gather [spmem:s3], $0x10, s23, s7, $0xb8;
	[tilespmem:$0x17B10] =	vst v63  }
0x83: {  	s19 =	rddreg [dreg:$0x1f]  }
0x84: {  	[tilespmem:s24], [sflag:$0x1] =	stream.indirect.gather [spmem:s3], $0x10, s17, s7, $0xb8;
	[tilespmem:$0x17B10] =	vst v63  }
0x85: {  	s20 =	rddreg [dreg:$0x1c]  }
0x86: {  	[tilespmem:s14], [sflag:$0x1] =	stream.indirect.gather [spmem:s3], $0x10, s25, s7, $0xb8;
	[tilespmem:$0x17B10] =	vst v63  }
0x87: {  	s21 =	rddreg [dreg:$0x1e]  }
0x88: {  	[tilespmem:s26], [sflag:$0x1] =	stream.indirect.gather [spmem:s3], $0x10, s20, s7, $0xb8;
	[tilespmem:$0x17B10] =	vst v63  }
0x89: {  	s22 =	sld [smem:$0x7E2]  }
0x8a: {  	[tilespmem:s19], [sflag:$0x1] =	stream.indirect.gather [spmem:s3], $0x10, s21, s7, $0xb8;
	[tilespmem:$0x17B10] =	vst v63  }
0x8b: {  	s23 =	sld [smem:$0x7E3]  }
0x8c: {  	[tilespmem:s16], [sflag:$0x1] =	stream.indirect.gather [spmem:s3], $0x10, s22, s7, $0xb8;
	[tilespmem:$0x17B10] =	vst v63  }
0x8d: {  	s24 =	sld [smem:$0x7E4]  }
0x8e: {  	[tilespmem:s18], [sflag:$0x1] =	stream.indirect.gather [spmem:s3], $0x10, s23, s7, $0xb8;
	[tilespmem:$0x17B10] =	vst v63  }
0x8f: {  	_ = 	snop  }
0x90: {  	[tilespmem:s1], [sflag:$0x1] =	stream.indirect.gather [spmem:s3], $0x10, s24, s7, $0xb8;
	[tilespmem:$0x17B10] =	vst v63  }
0x91: {  	_ =	swait.ge [sflag:s6], $0x800  }
0x92: {  	[sflag:s6] =	ssyncset.done $0x0  }
0x93: {  	[sflag:s6] =	ssyncadd.s32 $0xFFFFF800  }
0x94: {  	_ =	swait.ge [sflag:s6], $0x800  }
0x95: {  	[sflag:s6] =	ssyncset.done $0x0  }
0x96: {  	[sflag:s6] =	ssyncadd.s32 $0xFFFFF800  }
0x97: {  	_ =	swait.ge [sflag:s6], $0x800  }
0x98: {  	[sflag:s6] =	ssyncset.done $0x0  }
0x99: {  	[sflag:s6] =	ssyncadd.s32 $0xFFFFF800  }
0x9a: {  	_ =	swait.ge [sflag:s6], $0x800  }
0x9b: {  	[sflag:s6] =	ssyncset.done $0x0  }
0x9c: {  	[sflag:s6] =	ssyncadd.s32 $0xFFFFF800  }
0x9d: {  	_ =	swait.ge [sflag:s6], $0x800  }
0x9e: {  	[sflag:s6] =	ssyncset.done $0x0  }
0x9f: {  	[sflag:s6] =	ssyncadd.s32 $0xFFFFF800  }
0xa0: {  	_ =	swait.ge [sflag:s6], $0x800  }
0xa1: {  	[sflag:s6] =	ssyncset.done $0x0  }
0xa2: {  	[sflag:s6] =	ssyncadd.s32 $0xFFFFF800  }
0xa3: {  	_ =	swait.ge [sflag:s6], $0x800  }
0xa4: {  	[sflag:s6] =	ssyncset.done $0x0  }
0xa5: {  	[sflag:s6] =	ssyncadd.s32 $0xFFFFF800  }
0xa6: {  	_ =	swait.ge [sflag:s6], $0x800  }
0xa7: {  	s25 =	sld [smem:$0x7E5]  }
0xa8: {  	s26 =	sld [smem:$0x7E6]  }
0xa9: {  	s1 =	sld [smem:$0x7E7]  }
0xaa: {  	s14 =	sld [smem:$0x7E8]  }
0xab: {  	s16 =	sld [smem:$0x7E9]  }
0xac: {  	s17 =	sld [smem:$0x7EA]  }
0xad: {  	s18 =	sld [smem:$0x7EB]  }
0xae: {  	s19 =	sld [smem:$0x7EC]  }
0xaf: {  	[sflag:s6] =	ssyncset.done $0x0;
	s20 =	sld [smem:$0x7ED]  }
0xb0: {  	s21 =	sld [smem:$0x7EE];
	[sflag:s6] =	ssyncadd.s32 $0xFFFFF800  }
0xb1: {  	[tilespmem:s26], [sflag:$0x1] =	stream.indirect.gather [spmem:s3], $0x10, s19, s7, $0xb8;
	[tilespmem:$0x17B10] =	vst v63  }
0xb2: {  	s22 =	sld [smem:$0x7EF]  }
0xb3: {  	[tilespmem:s16], [sflag:$0x1] =	stream.indirect.gather [spmem:s3], $0x10, s14, s7, $0xb8;
	[tilespmem:$0x17B10] =	vst v63  }
0xb4: {  	s23 =	sld [smem:$0x7F0]  }
0xb5: {  	[tilespmem:s17], [sflag:$0x1] =	stream.indirect.gather [spmem:s3], $0x10, s25, s7, $0xb8;
	[tilespmem:$0x17B10] =	vst v63  }
0xb6: {  	s24 =	sld [smem:$0x7F1]  }
0xb7: {  	[tilespmem:s1], [sflag:$0x1] =	stream.indirect.gather [spmem:s3], $0x10, s23, s7, $0xb8;
	[tilespmem:$0x17B10] =	vst v63  }
0xb8: {  	s25 =	sld [smem:$0x7F2]  }
0xb9: {  	[tilespmem:s20], [sflag:$0x1] =	stream.indirect.gather [spmem:s3], $0x10, s18, s7, $0xb8;
	[tilespmem:$0x17B10] =	vst v63  }
0xba: {  	s26 =	sld [smem:$0x7F3]  }
0xbb: {  	[tilespmem:s24], [sflag:$0x1] =	stream.indirect.gather [spmem:s3], $0x10, s25, s7, $0xb8;
	[tilespmem:$0x17B10] =	vst v63  }
0xbc: {  	s1 =	sld [smem:$0x7F4]  }
0xbd: {  	[tilespmem:s22], [sflag:$0x1] =	stream.indirect.gather [spmem:s3], $0x10, s26, s7, $0xb8;
	[tilespmem:$0x17B10] =	vst v63  }
0xbe: {  	_ = 	snop  }
0xbf: {  	[tilespmem:s21], [sflag:$0x1] =	stream.indirect.gather [spmem:s3], $0x10, s1, s7, $0xb8;
	[tilespmem:$0x17B10] =	vst v63  }
0xc0: {  	_ =	swait.ge [sflag:s6], $0x800  }
0xc1: {  	[sflag:s6] =	ssyncset.done $0x0  }
0xc2: {  	[sflag:s6] =	ssyncadd.s32 $0xFFFFF800  }
0xc3: {  	_ =	swait.ge [sflag:s6], $0x800  }
0xc4: {  	[sflag:s6] =	ssyncset.done $0x0  }
0xc5: {  	[sflag:s6] =	ssyncadd.s32 $0xFFFFF800  }
0xc6: {  	_ =	swait.ge [sflag:s6], $0x800  }
0xc7: {  	[sflag:s6] =	ssyncset.done $0x0  }
0xc8: {  	[sflag:s6] =	ssyncadd.s32 $0xFFFFF800  }
0xc9: {  	_ =	swait.ge [sflag:s6], $0x800  }
0xca: {  	[sflag:s6] =	ssyncset.done $0x0  }
0xcb: {  	[sflag:s6] =	ssyncadd.s32 $0xFFFFF800  }
0xcc: {  	_ =	swait.ge [sflag:s6], $0x800  }
0xcd: {  	[sflag:s6] =	ssyncset.done $0x0  }
0xce: {  	[sflag:s6] =	ssyncadd.s32 $0xFFFFF800  }
0xcf: {  	_ =	swait.ge [sflag:s6], $0x800  }
0xd0: {  	[sflag:s6] =	ssyncset.done $0x0  }
0xd1: {  	[sflag:s6] =	ssyncadd.s32 $0xFFFFF800  }
0xd2: {  	_ =	swait.ge [sflag:s6], $0x800  }
0xd3: {  	[sflag:s6] =	ssyncset.done $0x0  }
0xd4: {  	[sflag:s6] =	ssyncadd.s32 $0xFFFFF800  }
0xd5: {  	_ =	swait.ge [sflag:s6], $0x800  }
0xd6: {  	s9 =	sld [smem:$0x7F5]  }
0xd7: {  	s10 =	sld [smem:$0x7F6]  }
0xd8: {  	s11 =	sld [smem:$0x7F7]  }
0xd9: {  	s12 =	sld [smem:$0x7F8]  }
0xda: {  	[sflag:s6] =	ssyncset.done $0x0;
	s13 =	sld [smem:$0x7F9]  }
0xdb: {  	s14 =	sld [smem:$0x7FA];
	[sflag:s6] =	ssyncadd.s32 $0xFFFFF800  }
0xdc: {  	[tilespmem:s10], [sflag:$0x1] =	stream.indirect.gather [spmem:s3], $0x10, s9, s7, $0xb8;
	[tilespmem:$0x17B10] =	vst v63  }
0xdd: {  	s15 =	sld [smem:$0x7FB]  }
0xde: {  	[tilespmem:s11], [sflag:$0x1] =	stream.indirect.gather [spmem:s3], $0x10, s12, s7, $0xb8;
	[tilespmem:$0x17B10] =	vst v63  }
0xdf: {  	s16 =	sld [smem:$0x7FC]  }
0xe0: {  	[tilespmem:s14], [sflag:$0x1] =	stream.indirect.gather [spmem:s3], $0x10, s13, s7, $0xb8;
	[tilespmem:$0x17B10] =	vst v63  }
0xe1: {  	s17 =	sld [smem:$0x7FD]  }
0xe2: {  	[tilespmem:s15], [sflag:$0x1] =	stream.indirect.gather [spmem:s3], $0x10, s16, s7, $0xb8;
	[tilespmem:$0x17B10] =	vst v63  }
0xe3: {  	s18 =	simm.s32 $0xF400  }
0xe4: {  	[tilespmem:s18], [sflag:$0x1] =	stream.indirect.gather [spmem:s3], $0x10, s17, s7, $0xb8;
	[tilespmem:$0x17B10] =	vst v63  }
0xe5: {  	s19 =	simm.s32 $0xE80;
	s20 =	simm.s32 $0xFC00  }
0xe6: {  	[tilespmem:s20], [sflag:$0x1] =	stream.indirect.gather [spmem:s3], $0x10, s19, s7, $0xb8;
	[tilespmem:$0x17B10] =	vst v63  }
0xe7: {  	s22 =	simm.s32 $0x10400;
	s21 =	simm.s32 $0xF00  }
0xe8: {  	[tilespmem:s22], [sflag:$0x1] =	stream.indirect.gather [spmem:s3], $0x10, s21, s7, $0xb8;
	[tilespmem:$0x17B10] =	vst v63  }
0xe9: {  	s23 =	simm.s32 $0xF80;
	s24 =	simm.s32 $0x10C00  }
0xea: {  	[tilespmem:s24], [sflag:$0x1] =	stream.indirect.gather [spmem:s3], $0x10, s23, s7, $0xb8;
	[tilespmem:$0x17B10] =	vst v63  }
0xeb: {  	_ =	swait.ge [sflag:s6], $0x800  }
0xec: {  	[sflag:s6] =	ssyncset.done $0x0  }
0xed: {  	[sflag:s6] =	ssyncadd.s32 $0xFFFFF800  }
0xee: {  	_ =	swait.ge [sflag:s6], $0x800  }
0xef: {  	[sflag:s6] =	ssyncset.done $0x0  }
0xf0: {  	[sflag:s6] =	ssyncadd.s32 $0xFFFFF800  }
0xf1: {  	_ =	swait.ge [sflag:s6], $0x800  }
0xf2: {  	[sflag:s6] =	ssyncset.done $0x0  }
0xf3: {  	[sflag:s6] =	ssyncadd.s32 $0xFFFFF800  }
0xf4: {  	_ =	swait.ge [sflag:s6], $0x800  }
0xf5: {  	[sflag:s6] =	ssyncset.done $0x0  }
0xf6: {  	[sflag:s6] =	ssyncadd.s32 $0xFFFFF800  }
0xf7: {  	_ =	swait.ge [sflag:s6], $0x800  }
0xf8: {  	[sflag:s6] =	ssyncset.done $0x0  }
0xf9: {  	[sflag:s6] =	ssyncadd.s32 $0xFFFFF800  }
0xfa: {  	_ =	swait.ge [sflag:s6], $0x800  }
0xfb: {  	[sflag:s6] =	ssyncset.done $0x0  }
0xfc: {  	[sflag:s6] =	ssyncadd.s32 $0xFFFFF800  }
0xfd: {  	_ =	swait.ge [sflag:s6], $0x800  }
0xfe: {  	[sflag:s6] =	ssyncset.done $0x0  }
0xff: {  	[sflag:s6] =	ssyncadd.s32 $0xFFFFF800  }
0x100: {  	_ =	swait.ge [sflag:s6], $0x800  }
0x101: {  	[sflag:s6] =	ssyncset.done $0x0  }
0x102: {  	s25 =	simm.s32 $0x1000;
	s26 =	simm.s32 $0x11400;
	[sflag:s6] =	ssyncadd.s32 $0xFFFFF800  }
0x103: {  	[tilespmem:s26], [sflag:$0x1] =	stream.indirect.gather [spmem:s3], $0x10, s25, s7, $0xb8;
	[tilespmem:$0x17B10] =	vst v63  }
0x104: {  	s0 =	ssub.s32 $0x2, s0;
	s17 =	simm.s32 $0x1080;
	s18 =	simm.s32 $0x11C00  }
0x105: {  	[tilespmem:s18], [sflag:$0x1] =	stream.indirect.gather [spmem:s3], $0x10, s17, s7, $0xb8;
	[tilespmem:$0x17B10] =	vst v63  }
0x106: {  	s28 =	sshrl.u32 s0, $0x1;
	s19 =	simm.s32 $0x1100;
	s20 =	simm.s32 $0x12400  }
0x107: {  	[tilespmem:s20], [sflag:$0x1] =	stream.indirect.gather [spmem:s3], $0x10, s19, s7, $0xb8;
	[tilespmem:$0x17B10] =	vst v63  }
0x108: {  	s0 =	ssub.s32 s0, s28;
	s21 =	simm.s32 $0x1180;
	s22 =	simm.s32 $0x12C00  }
0x109: {  	[tilespmem:s22], [sflag:$0x1] =	stream.indirect.gather [spmem:s3], $0x10, s21, s7, $0xb8;
	[tilespmem:$0x17B10] =	vst v63  }
0x10a: {  	s0 =	smax.u32 s0, $0x1;
	s23 =	simm.s32 $0x1200;
	s24 =	simm.s32 $0x13400  }
0x10b: {  	[tilespmem:s24], [sflag:$0x1] =	stream.indirect.gather [spmem:s3], $0x10, s23, s7, $0xb8;
	[tilespmem:$0x17B10] =	vst v63  }
0x10c: {  	p0 =	sne.s32 s0, $0x1;
	s25 =	simm.s32 $0x1280;
	s26 =	simm.s32 $0x13C00  }
0x10d: {  	[tilespmem:s26], [sflag:$0x1] =	stream.indirect.gather [spmem:s3], $0x10, s25, s7, $0xb8;
	[tilespmem:$0x17B10] =	vst v63  }
.Ltmp0:
0x10e: {  	s29 =	simm.s32 $0x14400;
	s28 =	simm.s32 $0x1300;
	(pc) =	sbr.rel @!p0 .LBB2_2-.Ltmp0, $4  }
0x10f: {  	[tilespmem:s29], [sflag:$0x1] =	stream.indirect.gather [spmem:s3], $0x10, s28, s7, $0xb8;
	[tilespmem:$0x17B10] =	vst v63  }
0x110: {  	s30 =	simm.s32 $0x1380;
	s31 =	simm.s32 $0x14C00  }
0x111: {  	[tilespmem:s31], [sflag:$0x1] =	stream.indirect.gather [spmem:s3], $0x10, s30, s7, $0xb8;
	[tilespmem:$0x17B10] =	vst v63  }
0x112: {  	s0 =	sadd.s32 $0xFFFFFFFF, s0;
	_ =	swait.ge [sflag:s6], $0x800  }
.LBB2_1:
0x113: {  	[sflag:s6] =	ssyncset.done $0x0  }
0x114: {  	[sflag:s6] =	ssyncadd.s32 $0xFFFFF800  }
0x115: {  	_ =	swait.ge [sflag:s6], $0x800  }
0x116: {  	[sflag:s6] =	ssyncset.done $0x0  }
0x117: {  	[sflag:s6] =	ssyncadd.s32 $0xFFFFF800  }
0x118: {  	_ =	swait.ge [sflag:s6], $0x800  }
0x119: {  	[sflag:s6] =	ssyncset.done $0x0  }
0x11a: {  	[sflag:s6] =	ssyncadd.s32 $0xFFFFF800  }
0x11b: {  	_ =	swait.ge [sflag:s6], $0x800  }
0x11c: {  	[sflag:s6] =	ssyncset.done $0x0  }
0x11d: {  	[sflag:s6] =	ssyncadd.s32 $0xFFFFF800  }
0x11e: {  	_ =	swait.ge [sflag:s6], $0x800  }
0x11f: {  	[sflag:s6] =	ssyncset.done $0x0  }
0x120: {  	[sflag:s6] =	ssyncadd.s32 $0xFFFFF800  }
0x121: {  	_ =	swait.ge [sflag:s6], $0x800  }
0x122: {  	[sflag:s6] =	ssyncset.done $0x0  }
0x123: {  	[sflag:s6] =	ssyncadd.s32 $0xFFFFF800  }
0x124: {  	_ =	swait.ge [sflag:s6], $0x800  }
0x125: {  	[sflag:s6] =	ssyncset.done $0x0  }
0x126: {  	[sflag:s6] =	ssyncadd.s32 $0xFFFFF800  }
0x127: {  	_ =	swait.ge [sflag:s6], $0x800  }
0x128: {  	[sflag:s6] =	ssyncset.done $0x0  }
0x129: {  	s1 =	rddreg [dreg:$0x7];
	[sflag:s6] =	ssyncadd.s32 $0xFFFFF800  }
0x12a: {  	[hbm4b:s1+s2] =	stream.linear.scatter [tilespmem:s5], [sflag:$0x2], $0x14000, $0x38;
	[tilespmem:$0x17B10] =	vst v63  }
0x12b: {  	_ =	swait.ge [sflag:s4], $0x14000  }
0x12c: {  	s16 =	rddreg [dreg:$0x5]  }
0x12d: {  	[sflag:s4] =	ssyncset.done $0x0;
	s8 =	rddreg [dreg:$0x8]  }
0x12e: {  	s9 =	rddreg [dreg:$0x4];
	[sflag:s4] =	ssyncadd.s32 $0xFFFEC000  }
0x12f: {  	[spmem:s8], [sflag:s16] =	dma.local [hbm:s9], $0x4E2  }
0x130: {  	_ =	swait.ge [sflag:s4], $0x4E2  }
0x131: {  	[sflag:s4] =	ssyncset.done $0x0  }
0x132: {  	s8 =	rddreg [dreg:$0x6];
	[sflag:s4] =	ssyncadd.s32 $0xFFFFFB1E  }
0x133: {  	[tilespmem:s2], [sflag:$0x2] =	stream.linear.gather [hbm4b:s8+s2], $0x1400, $0x38;
	[tilespmem:$0x17B10] =	vst v63  }
0x134: {  	_ =	swait.ge [sflag:s4], $0x1400  }
0x135: {  	[sflag:s4] =	ssyncset.done $0x0  }
0x136: {  	[sflag:s4] =	ssyncadd.s32 $0xFFFFEC00  }
0x137: {  	[bflag:$0x0] =	sbarrier.arrive $0xFFFF  }
0x138: {  	s1 =	rddreg [dreg:$0xc]  }
0x139: {  	s9 =	rddreg [dreg:$0xb]  }
0x13a: {  	s15 =	rddreg [dreg:$0xa]  }
0x13b: {  	s10 =	rddreg [dreg:$0xd]  }
0x13c: {  	s11 =	rddreg [dreg:$0xf]  }
0x13d: {  	[tilespmem:s5], [sflag:$0x1] =	stream.indirect.gather [spmem:s3], $0x10, s2, s7, $0xb8;
	[tilespmem:$0x17B10] =	vst v63  }
0x13e: {  	s12 =	rddreg [dreg:$0x9]  }
0x13f: {  	s13 =	rddreg [dreg:$0xe]  }
0x140: {  	[tilespmem:s12], [sflag:$0x1] =	stream.indirect.gather [spmem:s3], $0x10, s7, s7, $0xb8;
	[tilespmem:$0x17B10] =	vst v63  }
0x141: {  	s14 =	rddreg [dreg:$0x12]  }
0x142: {  	[tilespmem:s9], [sflag:$0x1] =	stream.indirect.gather [spmem:s3], $0x10, s15, s7, $0xb8;
	[tilespmem:$0x17B10] =	vst v63  }
0x143: {  	s16 =	rddreg [dreg:$0x13]  }
0x144: {  	[tilespmem:s10], [sflag:$0x1] =	stream.indirect.gather [spmem:s3], $0x10, s1, s7, $0xb8;
	[tilespmem:$0x17B10] =	vst v63  }
0x145: {  	s9 =	rddreg [dreg:$0x11]  }
0x146: {  	[tilespmem:s11], [sflag:$0x1] =	stream.indirect.gather [spmem:s3], $0x10, s13, s7, $0xb8;
	[tilespmem:$0x17B10] =	vst v63  }
0x147: {  	s10 =	rddreg [dreg:$0x10]  }
0x148: {  	[tilespmem:s9], [sflag:$0x1] =	stream.indirect.gather [spmem:s3], $0x10, s10, s7, $0xb8;
	[tilespmem:$0x17B10] =	vst v63  }
0x149: {  	s15 =	rddreg [dreg:$0x14]  }
0x14a: {  	[tilespmem:s16], [sflag:$0x1] =	stream.indirect.gather [spmem:s3], $0x10, s14, s7, $0xb8;
	[tilespmem:$0x17B10] =	vst v63  }
0x14b: {  	s13 =	rddreg [dreg:$0x15]  }
0x14c: {  	[tilespmem:s13], [sflag:$0x1] =	stream.indirect.gather [spmem:s3], $0x10, s15, s7, $0xb8;
	[tilespmem:$0x17B10] =	vst v63  }
0x14d: {  	_ =	swait.ge [sflag:s6], $0x800  }
0x14e: {  	[sflag:s6] =	ssyncset.done $0x0  }
0x14f: {  	[sflag:s6] =	ssyncadd.s32 $0xFFFFF800  }
0x150: {  	_ =	swait.ge [sflag:s6], $0x800  }
0x151: {  	[sflag:s6] =	ssyncset.done $0x0  }
0x152: {  	[sflag:s6] =	ssyncadd.s32 $0xFFFFF800  }
0x153: {  	_ =	swait.ge [sflag:s6], $0x800  }
0x154: {  	[sflag:s6] =	ssyncset.done $0x0  }
0x155: {  	[sflag:s6] =	ssyncadd.s32 $0xFFFFF800  }
0x156: {  	_ =	swait.ge [sflag:s6], $0x800  }
0x157: {  	[sflag:s6] =	ssyncset.done $0x0  }
0x158: {  	[sflag:s6] =	ssyncadd.s32 $0xFFFFF800  }
0x159: {  	_ =	swait.ge [sflag:s6], $0x800  }
0x15a: {  	[sflag:s6] =	ssyncset.done $0x0  }
0x15b: {  	[sflag:s6] =	ssyncadd.s32 $0xFFFFF800  }
0x15c: {  	_ =	swait.ge [sflag:s6], $0x800  }
0x15d: {  	[sflag:s6] =	ssyncset.done $0x0  }
0x15e: {  	[sflag:s6] =	ssyncadd.s32 $0xFFFFF800  }
0x15f: {  	_ =	swait.ge [sflag:s6], $0x800  }
0x160: {  	[sflag:s6] =	ssyncset.done $0x0  }
0x161: {  	[sflag:s6] =	ssyncadd.s32 $0xFFFFF800  }
0x162: {  	_ =	swait.ge [sflag:s6], $0x800  }
0x163: {  	s1 =	rddreg [dreg:$0x16]  }
0x164: {  	s8 =	rddreg [dreg:$0x19]  }
0x165: {  	s9 =	rddreg [dreg:$0x1a]  }
0x166: {  	s10 =	rddreg [dreg:$0x1d]  }
0x167: {  	s11 =	sld [smem:$0x7DF]  }
0x168: {  	s12 =	rddreg [dreg:$0x1b]  }
0x169: {  	s13 =	sld [smem:$0x7E0]  }
0x16a: {  	s14 =	rddreg [dreg:$0x17]  }
0x16b: {  	[sflag:s6] =	ssyncset.done $0x0;
	s15 =	sld [smem:$0x7E1]  }
0x16c: {  	s16 =	rddreg [dreg:$0x18];
	[sflag:s6] =	ssyncadd.s32 $0xFFFFF800  }
0x16d: {  	[tilespmem:s14], [sflag:$0x1] =	stream.indirect.gather [spmem:s3], $0x10, s1, s7, $0xb8;
	[tilespmem:$0x17B10] =	vst v63  }
0x16e: {  	s1 =	rddreg [dreg:$0x1f]  }
0x16f: {  	[tilespmem:s8], [sflag:$0x1] =	stream.indirect.gather [spmem:s3], $0x10, s16, s7, $0xb8;
	[tilespmem:$0x17B10] =	vst v63  }
0x170: {  	s14 =	rddreg [dreg:$0x1e]  }
0x171: {  	[tilespmem:s12], [sflag:$0x1] =	stream.indirect.gather [spmem:s3], $0x10, s9, s7, $0xb8;
	[tilespmem:$0x17B10] =	vst v63  }
0x172: {  	s16 =	rddreg [dreg:$0x1c]  }
0x173: {  	[tilespmem:s10], [sflag:$0x1] =	stream.indirect.gather [spmem:s3], $0x10, s16, s7, $0xb8;
	[tilespmem:$0x17B10] =	vst v63  }
0x174: {  	s16 =	sld [smem:$0x7E2]  }
0x175: {  	[tilespmem:s1], [sflag:$0x1] =	stream.indirect.gather [spmem:s3], $0x10, s14, s7, $0xb8;
	[tilespmem:$0x17B10] =	vst v63  }
0x176: {  	s9 =	sld [smem:$0x7E3]  }
0x177: {  	[tilespmem:s15], [sflag:$0x1] =	stream.indirect.gather [spmem:s3], $0x10, s16, s7, $0xb8;
	[tilespmem:$0x17B10] =	vst v63  }
0x178: {  	s10 =	sld [smem:$0x7E4]  }
0x179: {  	[tilespmem:s13], [sflag:$0x1] =	stream.indirect.gather [spmem:s3], $0x10, s9, s7, $0xb8;
	[tilespmem:$0x17B10] =	vst v63  }
0x17a: {  	_ = 	snop  }
0x17b: {  	[tilespmem:s11], [sflag:$0x1] =	stream.indirect.gather [spmem:s3], $0x10, s10, s7, $0xb8;
	[tilespmem:$0x17B10] =	vst v63  }
0x17c: {  	_ =	swait.ge [sflag:s6], $0x800  }
0x17d: {  	[sflag:s6] =	ssyncset.done $0x0  }
0x17e: {  	[sflag:s6] =	ssyncadd.s32 $0xFFFFF800  }
0x17f: {  	_ =	swait.ge [sflag:s6], $0x800  }
0x180: {  	[sflag:s6] =	ssyncset.done $0x0  }
0x181: {  	[sflag:s6] =	ssyncadd.s32 $0xFFFFF800  }
0x182: {  	_ =	swait.ge [sflag:s6], $0x800  }
0x183: {  	[sflag:s6] =	ssyncset.done $0x0  }
0x184: {  	[sflag:s6] =	ssyncadd.s32 $0xFFFFF800  }
0x185: {  	_ =	swait.ge [sflag:s6], $0x800  }
0x186: {  	[sflag:s6] =	ssyncset.done $0x0  }
0x187: {  	[sflag:s6] =	ssyncadd.s32 $0xFFFFF800  }
0x188: {  	_ =	swait.ge [sflag:s6], $0x800  }
0x189: {  	[sflag:s6] =	ssyncset.done $0x0  }
0x18a: {  	[sflag:s6] =	ssyncadd.s32 $0xFFFFF800  }
0x18b: {  	_ =	swait.ge [sflag:s6], $0x800  }
0x18c: {  	[sflag:s6] =	ssyncset.done $0x0  }
0x18d: {  	[sflag:s6] =	ssyncadd.s32 $0xFFFFF800  }
0x18e: {  	_ =	swait.ge [sflag:s6], $0x800  }
0x18f: {  	[sflag:s6] =	ssyncset.done $0x0  }
0x190: {  	[sflag:s6] =	ssyncadd.s32 $0xFFFFF800  }
0x191: {  	_ =	swait.ge [sflag:s6], $0x800  }
0x192: {  	s1 =	sld [smem:$0x7E5]  }
0x193: {  	s8 =	sld [smem:$0x7E6]  }
0x194: {  	s9 =	sld [smem:$0x7E7]  }
0x195: {  	s10 =	sld [smem:$0x7E8]  }
0x196: {  	s11 =	sld [smem:$0x7E9]  }
0x197: {  	s12 =	sld [smem:$0x7EA]  }
0x198: {  	s13 =	sld [smem:$0x7EB]  }
0x199: {  	s14 =	sld [smem:$0x7EC]  }
0x19a: {  	[sflag:s6] =	ssyncset.done $0x0;
	s15 =	sld [smem:$0x7ED]  }
0x19b: {  	s16 =	sld [smem:$0x7EE];
	[sflag:s6] =	ssyncadd.s32 $0xFFFFF800  }
0x19c: {  	[tilespmem:s8], [sflag:$0x1] =	stream.indirect.gather [spmem:s3], $0x10, s14, s7, $0xb8;
	[tilespmem:$0x17B10] =	vst v63  }
0x19d: {  	s8 =	sld [smem:$0x7EF]  }
0x19e: {  	[tilespmem:s11], [sflag:$0x1] =	stream.indirect.gather [spmem:s3], $0x10, s10, s7, $0xb8;
	[tilespmem:$0x17B10] =	vst v63  }
0x19f: {  	s11 =	sld [smem:$0x7F0]  }
0x1a0: {  	[tilespmem:s12], [sflag:$0x1] =	stream.indirect.gather [spmem:s3], $0x10, s1, s7, $0xb8;
	[tilespmem:$0x17B10] =	vst v63  }
0x1a1: {  	s14 =	sld [smem:$0x7F1]  }
0x1a2: {  	[tilespmem:s9], [sflag:$0x1] =	stream.indirect.gather [spmem:s3], $0x10, s11, s7, $0xb8;
	[tilespmem:$0x17B10] =	vst v63  }
0x1a3: {  	s10 =	sld [smem:$0x7F2]  }
0x1a4: {  	[tilespmem:s15], [sflag:$0x1] =	stream.indirect.gather [spmem:s3], $0x10, s13, s7, $0xb8;
	[tilespmem:$0x17B10] =	vst v63  }
0x1a5: {  	s11 =	sld [smem:$0x7F3]  }
0x1a6: {  	[tilespmem:s14], [sflag:$0x1] =	stream.indirect.gather [spmem:s3], $0x10, s10, s7, $0xb8;
	[tilespmem:$0x17B10] =	vst v63  }
0x1a7: {  	s12 =	sld [smem:$0x7F4]  }
0x1a8: {  	[tilespmem:s8], [sflag:$0x1] =	stream.indirect.gather [spmem:s3], $0x10, s11, s7, $0xb8;
	[tilespmem:$0x17B10] =	vst v63  }
0x1a9: {  	_ = 	snop  }
0x1aa: {  	[tilespmem:s16], [sflag:$0x1] =	stream.indirect.gather [spmem:s3], $0x10, s12, s7, $0xb8;
	[tilespmem:$0x17B10] =	vst v63  }
0x1ab: {  	_ =	swait.ge [sflag:s6], $0x800  }
0x1ac: {  	[sflag:s6] =	ssyncset.done $0x0  }
0x1ad: {  	[sflag:s6] =	ssyncadd.s32 $0xFFFFF800  }
0x1ae: {  	_ =	swait.ge [sflag:s6], $0x800  }
0x1af: {  	[sflag:s6] =	ssyncset.done $0x0  }
0x1b0: {  	[sflag:s6] =	ssyncadd.s32 $0xFFFFF800  }
0x1b1: {  	_ =	swait.ge [sflag:s6], $0x800  }
0x1b2: {  	[sflag:s6] =	ssyncset.done $0x0  }
0x1b3: {  	[sflag:s6] =	ssyncadd.s32 $0xFFFFF800  }
0x1b4: {  	_ =	swait.ge [sflag:s6], $0x800  }
0x1b5: {  	[sflag:s6] =	ssyncset.done $0x0  }
0x1b6: {  	[sflag:s6] =	ssyncadd.s32 $0xFFFFF800  }
0x1b7: {  	_ =	swait.ge [sflag:s6], $0x800  }
0x1b8: {  	[sflag:s6] =	ssyncset.done $0x0  }
0x1b9: {  	[sflag:s6] =	ssyncadd.s32 $0xFFFFF800  }
0x1ba: {  	_ =	swait.ge [sflag:s6], $0x800  }
0x1bb: {  	[sflag:s6] =	ssyncset.done $0x0  }
0x1bc: {  	[sflag:s6] =	ssyncadd.s32 $0xFFFFF800  }
0x1bd: {  	_ =	swait.ge [sflag:s6], $0x800  }
0x1be: {  	[sflag:s6] =	ssyncset.done $0x0  }
0x1bf: {  	[sflag:s6] =	ssyncadd.s32 $0xFFFFF800  }
0x1c0: {  	_ =	swait.ge [sflag:s6], $0x800  }
0x1c1: {  	s13 =	sld [smem:$0x7F5]  }
0x1c2: {  	s14 =	sld [smem:$0x7F6]  }
0x1c3: {  	s15 =	sld [smem:$0x7F7]  }
0x1c4: {  	s16 =	sld [smem:$0x7F8]  }
0x1c5: {  	[sflag:s6] =	ssyncset.done $0x0;
	s11 =	sld [smem:$0x7F9]  }
0x1c6: {  	s12 =	sld [smem:$0x7FA];
	[sflag:s6] =	ssyncadd.s32 $0xFFFFF800  }
0x1c7: {  	[tilespmem:s14], [sflag:$0x1] =	stream.indirect.gather [spmem:s3], $0x10, s13, s7, $0xb8;
	[tilespmem:$0x17B10] =	vst v63  }
0x1c8: {  	s13 =	sld [smem:$0x7FB]  }
0x1c9: {  	[tilespmem:s15], [sflag:$0x1] =	stream.indirect.gather [spmem:s3], $0x10, s16, s7, $0xb8;
	[tilespmem:$0x17B10] =	vst v63  }
0x1ca: {  	s14 =	sld [smem:$0x7FC]  }
0x1cb: {  	[tilespmem:s12], [sflag:$0x1] =	stream.indirect.gather [spmem:s3], $0x10, s11, s7, $0xb8;
	[tilespmem:$0x17B10] =	vst v63  }
0x1cc: {  	s15 =	sld [smem:$0x7FD]  }
0x1cd: {  	[tilespmem:s13], [sflag:$0x1] =	stream.indirect.gather [spmem:s3], $0x10, s14, s7, $0xb8;
	[tilespmem:$0x17B10] =	vst v63  }
0x1ce: {  	s16 =	simm.s32 $0xF400  }
0x1cf: {  	[tilespmem:s16], [sflag:$0x1] =	stream.indirect.gather [spmem:s3], $0x10, s15, s7, $0xb8;
	[tilespmem:$0x17B10] =	vst v63  }
0x1d0: {  	s9 =	simm.s32 $0xE80;
	s10 =	simm.s32 $0xFC00  }
0x1d1: {  	[tilespmem:s10], [sflag:$0x1] =	stream.indirect.gather [spmem:s3], $0x10, s9, s7, $0xb8;
	[tilespmem:$0x17B10] =	vst v63  }
0x1d2: {  	s11 =	simm.s32 $0xF00;
	s12 =	simm.s32 $0x10400  }
0x1d3: {  	[tilespmem:s12], [sflag:$0x1] =	stream.indirect.gather [spmem:s3], $0x10, s11, s7, $0xb8;
	[tilespmem:$0x17B10] =	vst v63  }
0x1d4: {  	s13 =	simm.s32 $0xF80;
	s14 =	simm.s32 $0x10C00  }
0x1d5: {  	[tilespmem:s14], [sflag:$0x1] =	stream.indirect.gather [spmem:s3], $0x10, s13, s7, $0xb8;
	[tilespmem:$0x17B10] =	vst v63  }
0x1d6: {  	_ =	swait.ge [sflag:s6], $0x800  }
0x1d7: {  	[sflag:s6] =	ssyncset.done $0x0  }
0x1d8: {  	[sflag:s6] =	ssyncadd.s32 $0xFFFFF800  }
0x1d9: {  	_ =	swait.ge [sflag:s6], $0x800  }
0x1da: {  	[sflag:s6] =	ssyncset.done $0x0  }
0x1db: {  	[sflag:s6] =	ssyncadd.s32 $0xFFFFF800  }
0x1dc: {  	_ =	swait.ge [sflag:s6], $0x800  }
0x1dd: {  	[sflag:s6] =	ssyncset.done $0x0  }
0x1de: {  	[sflag:s6] =	ssyncadd.s32 $0xFFFFF800  }
0x1df: {  	_ =	swait.ge [sflag:s6], $0x800  }
0x1e0: {  	[sflag:s6] =	ssyncset.done $0x0  }
0x1e1: {  	[sflag:s6] =	ssyncadd.s32 $0xFFFFF800  }
0x1e2: {  	_ =	swait.ge [sflag:s6], $0x800  }
0x1e3: {  	[sflag:s6] =	ssyncset.done $0x0  }
0x1e4: {  	[sflag:s6] =	ssyncadd.s32 $0xFFFFF800  }
0x1e5: {  	_ =	swait.ge [sflag:s6], $0x800  }
0x1e6: {  	[sflag:s6] =	ssyncset.done $0x0  }
0x1e7: {  	[sflag:s6] =	ssyncadd.s32 $0xFFFFF800  }
0x1e8: {  	_ =	swait.ge [sflag:s6], $0x800  }
0x1e9: {  	[sflag:s6] =	ssyncset.done $0x0  }
0x1ea: {  	[sflag:s6] =	ssyncadd.s32 $0xFFFFF800  }
0x1eb: {  	_ =	swait.ge [sflag:s6], $0x800  }
0x1ec: {  	[sflag:s6] =	ssyncset.done $0x0  }
0x1ed: {  	s15 =	simm.s32 $0x1000;
	s16 =	simm.s32 $0x11400;
	[sflag:s6] =	ssyncadd.s32 $0xFFFFF800  }
0x1ee: {  	[tilespmem:s16], [sflag:$0x1] =	stream.indirect.gather [spmem:s3], $0x10, s15, s7, $0xb8;
	[tilespmem:$0x17B10] =	vst v63  }
0x1ef: {  	_ = 	snop  }
0x1f0: {  	[tilespmem:s18], [sflag:$0x1] =	stream.indirect.gather [spmem:s3], $0x10, s17, s7, $0xb8;
	[tilespmem:$0x17B10] =	vst v63  }
0x1f1: {  	_ = 	snop  }
0x1f2: {  	[tilespmem:s20], [sflag:$0x1] =	stream.indirect.gather [spmem:s3], $0x10, s19, s7, $0xb8;
	[tilespmem:$0x17B10] =	vst v63  }
0x1f3: {  	_ = 	snop  }
0x1f4: {  	[tilespmem:s22], [sflag:$0x1] =	stream.indirect.gather [spmem:s3], $0x10, s21, s7, $0xb8;
	[tilespmem:$0x17B10] =	vst v63  }
0x1f5: {  	_ = 	snop  }
0x1f6: {  	[tilespmem:s24], [sflag:$0x1] =	stream.indirect.gather [spmem:s3], $0x10, s23, s7, $0xb8;
	[tilespmem:$0x17B10] =	vst v63  }
0x1f7: {  	p0 =	sne.s32 s0, $0x1  }
0x1f8: {  	[tilespmem:s26], [sflag:$0x1] =	stream.indirect.gather [spmem:s3], $0x10, s25, s7, $0xb8;
	[tilespmem:$0x17B10] =	vst v63  }
.Ltmp1:
0x1f9: {  	_ = 	snop;
	(pc) =	sbr.rel @p0 .LBB2_1-.Ltmp1, $4  }
0x1fa: {  	[tilespmem:s29], [sflag:$0x1] =	stream.indirect.gather [spmem:s3], $0x10, s28, s7, $0xb8;
	[tilespmem:$0x17B10] =	vst v63  }
0x1fb: {  	_ = 	snop  }
0x1fc: {  	[tilespmem:s31], [sflag:$0x1] =	stream.indirect.gather [spmem:s3], $0x10, s30, s7, $0xb8;
	[tilespmem:$0x17B10] =	vst v63  }
0x1fd: {  	s0 =	sadd.s32 $0xFFFFFFFF, s0;
	_ =	swait.ge [sflag:s6], $0x800  }
.LBB2_2:
0x1fe: {  	[sflag:s6] =	ssyncset.done $0x0  }
0x1ff: {  	[sflag:s6] =	ssyncadd.s32 $0xFFFFF800  }
0x200: {  	_ =	swait.ge [sflag:s6], $0x800  }
0x201: {  	[sflag:s6] =	ssyncset.done $0x0  }
0x202: {  	[sflag:s6] =	ssyncadd.s32 $0xFFFFF800  }
0x203: {  	_ =	swait.ge [sflag:s6], $0x800  }
0x204: {  	[sflag:s6] =	ssyncset.done $0x0  }
0x205: {  	[sflag:s6] =	ssyncadd.s32 $0xFFFFF800  }
0x206: {  	_ =	swait.ge [sflag:s6], $0x800  }
0x207: {  	[sflag:s6] =	ssyncset.done $0x0  }
0x208: {  	[sflag:s6] =	ssyncadd.s32 $0xFFFFF800  }
0x209: {  	_ =	swait.ge [sflag:s6], $0x800  }
0x20a: {  	[sflag:s6] =	ssyncset.done $0x0  }
0x20b: {  	[sflag:s6] =	ssyncadd.s32 $0xFFFFF800  }
0x20c: {  	_ =	swait.ge [sflag:s6], $0x800  }
0x20d: {  	[sflag:s6] =	ssyncset.done $0x0  }
0x20e: {  	[sflag:s6] =	ssyncadd.s32 $0xFFFFF800  }
0x20f: {  	_ =	swait.ge [sflag:s6], $0x800  }
0x210: {  	[sflag:s6] =	ssyncset.done $0x0  }
0x211: {  	[sflag:s6] =	ssyncadd.s32 $0xFFFFF800  }
0x212: {  	_ =	swait.ge [sflag:s6], $0x800  }
0x213: {  	[sflag:s6] =	ssyncset.done $0x0  }
0x214: {  	s0 =	rddreg [dreg:$0x7];
	[sflag:s6] =	ssyncadd.s32 $0xFFFFF800  }
0x215: {  	[hbm4b:s0+s2] =	stream.linear.scatter [tilespmem:s5], [sflag:$0x2], $0x14000, $0x38;
	[tilespmem:$0x17B10] =	vst v63  }
0x216: {  	_ =	swait.ge [sflag:s4], $0x14000  }
0x217: {  	[sflag:s4] =	ssyncset.done $0x0  }
0x218: {  	[sflag:s4] =	ssyncadd.s32 $0xFFFEC000  }
0x219: {  	_ =	sfence.sel $0x180000  }
0x21a: {  	[bflag:$0x0] =	sbarrier.arrive $0xFFFF  }
0x21b: {  	_ =	strace $0x9000004D  }
0x21c: {  	s31 =	stileid.u32;
	[bflag:$0x2] =	sbarrier.arrive $0xFFFF  }
0x21d: {  	p0 =	sne.s32 s31, $0x0;
	s0 =	rddreg [dreg:$0x3]  }
0x21e: {  	s0 =	sadd.s32 @!p0 $0x100000, s0  }
0x21f: {  	[sflag:s0] =	ssyncadd.tile.s32 @!p0 $0x1;
	_ =	shalt  }
.Lfunc_end2:
_tile_overlayer_lowered:
.L_overlay_start_2:
0x220: {  	(tag) =	ssettag $0x2  }
0x221: {  	s0 =	rddreg [dreg:$0x0];
	s2 =	stileid.u32  }
0x222: {  	s1 =	rddreg [dreg:$0x1];
	p0 =	sne.s32 s2, $0x0  }
0x223: {  	s3 =	rddreg [dreg:$0x2];
	[bflag:$0x3] =	sbarrier.arrive $0xFFFF;
	s2 =	simm.s32 @!p0 $0x1C02  }
0x224: {  	[timem:s3], [sflag:s2] =	dma.local @!p0 [hbm:s0], s1  }
0x225: {  	s0 =	simm.s32 @!p0 $0x2  }
0x226: {  	_ =	swait.ge @!p0 [sflag:s0], s1  }
0x227: {  	s1 =	ssub.s32 @!p0 $0x0, s1;
	[sflag:s0] =	ssyncset.done @!p0 $0x0  }
0x228: {  	[sflag:s0] =	ssyncadd.s32 @!p0 s1  }
0x229: {  	[bflag:$0x3] =	sbarrier.arrive $0xFFFF  }
0x22a: {  	_ =	shalt  }

// kernel: kernel.19.cloned.1.call-start
scs
__scs_entry_jumppad:
0x0: {  	(pc) =	sbr.rel $0x88, $3  }
0x1: {  	(tag) =	ssettag $0x0;
	lr =	simm.s32 $0x1  }
0x2: {  	[smem:$0x3F94] =	sst lr;
	_ =	strace $0xD0000000  }
0x3: {  	_ = 	snop  }
0x4: {  	_ = 	snop  }
0x5: {  	_ = 	snop  }
0x6: {  	_ = 	snop  }
0x7: {  	_ = 	snop  }
__scs_overlays_trampoline_lowered:
0x8: {  	[smem:$0x3FA3] =	sst s0  }
0x9: {  	[smem:$0x3FA4] =	sst s1  }
0xa: {  	[smem:$0x3FA5] =	sst s2  }
0xb: {  	[smem:$0x3FA6] =	sst s3  }
0xc: {  	[smem:$0x3FA7] =	sst s4  }
0xd: {  	[smem:$0x3FA8] =	sst s5  }
0xe: {  	[smem:$0x3FA9] =	sst s6  }
0xf: {  	[smem:$0x3FAA] =	sst s7  }
0x10: {  	[smem:$0x3FAB] =	sst s8  }
0x11: {  	[smem:$0x3FAC] =	sst s9;
	s0 =	simm.s32 @!p0 $0x0  }
0x12: {  	s1 =	sld [smem:$0x3F92];
	s0 =	simm.s32 @p0 $0x1  }
0x13: {  	[smem:$0x3FAD] =	sst s0;
	s0 =	simm.s32 @!p1 $0x0  }
0x14: {  	s2 =	sld [smem:$0x3F91];
	s0 =	simm.s32 @p1 $0x1  }
0x15: {  	[smem:$0x3FAE] =	sst s0;
	s0 =	simm.s32 @!p2 $0x0  }
0x16: {  	s3 =	sld [smem:$0x3FDB];
	s0 =	simm.s32 @p2 $0x1  }
0x17: {  	s4 =	simm.s32 $0x1BF5;
	[smem:$0x3FB0] =	sst s0  }
0x18: {  	s0 =	sld [smem:$0x3F93];
	_ =	swait.ge [sflag:s4], $0x0  }
0x19: {  	s7 =	sld [smem:$0x3F94]  }
0x1a: {  	s8 =	sadd.s32 $0xFFFFE003, lr  }
0x1b: {  	s9 =	sadd.s32 $0xFFFFFEF7, lr;
	s5 =	simm.s32 $0xFFFFFFFF;
	p2 =	slt.u32 s8, $0xFFFFF086  }
0x1c: {  	p1 =	slt.u32 s9, $0xF7A;
	s5 =	simm.s32 @!p2 $0x0  }
0x1d: {  	s5 =	simm.s32 @p1 $0x1;
	p0 =	seq.s32 s7, s2  }
0x1e: {  	s7 =	smul.u32 @!p0 $0xF7A, s2;
	p2 =	seq.s32 @!p0 s5, $0x0  }
0x1f: {  	s9 =	smul.u32 $0xF7A, s1;
	s8 =	simm.s32 @!p0 $0x1BF5;
	p2 =	por !p2, p0  }
0x20: {  	[sflag:s8] =	ssyncset.s32 @!p0 $0xFFFFF086;
	s6 =	sadd.s32 @!p0 s3, s7;
	s7 =	simm.s32 @!p0 $0x108  }
0x21: {  	s3 =	sadd.s32 s3, s9;
	s6 =	sadd.s32 @!p0 $0x88, s6;
	s7 =	simm.s32 @p2 $0x1082  }
0x22: {  	[simem:s7], [sflag:s8] =	dma.local @!p0 [hbm:s6], $0xF7A  }
0x23: {  	s9 =	sor.u32 $0xD0000000, s2;
	s6 =	simm.s32 $0x108;
	_ =	swait.ge @!p0 [sflag:s8], $0x0  }
0x24: {  	s3 =	sadd.s32 $0x88, s3;
	s6 =	simm.s32 @!p1 $0x1082;
	[sflag:s4] =	ssyncset.s32 $0xFFFFF086  }
0x25: {  	[simem:s6], [sflag:s4] =	dma.local [hbm:s3], $0xF7A  }
0x26: {  	[smem:$0x3F94] =	sst s1;
	(tag) =	ssettag s2;
	_ =	strace s9  }
0x27: {  	s1 =	sld [smem:$0x3FA4]  }
0x28: {  	s2 =	sld [smem:$0x3FA5]  }
0x29: {  	s4 =	sld [smem:$0x3FA7]  }
0x2a: {  	p0 =	seq.s32 s5, $0x0;
	s5 =	sld [smem:$0x3FA8]  }
0x2b: {  	s6 =	sld [smem:$0x3FA9]  }
0x2c: {  	s7 =	sld [smem:$0x3FAA]  }
0x2d: {  	s3 =	simm.s32 $0x108;
	s8 =	sld [smem:$0x3FAB]  }
0x2e: {  	s3 =	simm.s32 @!p0 $0x1082;
	s9 =	sld [smem:$0x3FAC]  }
0x2f: {  	lr =	sadd.s32 s0, s3;
	s0 =	sld [smem:$0x3FA3]  }
0x30: {  	s3 =	sld [smem:$0x3FA6]  }
0x31: {  	[smem:$0x3FAF] =	sst s10  }
0x32: {  	s10 =	sld [smem:$0x3FAD];
	_ =	sdelay $0x3  }
0x33: {  	p0 =	seq.s32 s10, $0x1;
	s10 =	sld [smem:$0x3FAF];
	_ =	sdelay $0x3  }
0x34: {  	[smem:$0x3FAF] =	sst s10  }
0x35: {  	s10 =	sld [smem:$0x3FAE];
	_ =	sdelay $0x3  }
0x36: {  	p1 =	seq.s32 s10, $0x1;
	s10 =	sld [smem:$0x3FAF];
	_ =	sdelay $0x3  }
0x37: {  	[smem:$0x3FAF] =	sst s10  }
0x38: {  	s10 =	sld [smem:$0x3FB0]  }
0x39: {  	_ = 	snop;
	(pc) =	sbr.ind lr, $3  }
0x3a: {  	_ = 	snop  }
0x3b: {  	_ = 	snop  }
0x3c: {  	p2 =	seq.s32 s10, $0x1;
	s10 =	sld [smem:$0x3FAF]  }
0x3d: {  	_ =	shalt  }
0x3e: {  	_ =	shalt  }
0x3f: {  	_ =	shalt  }
0x40: {  	_ =	shalt  }
0x41: {  	_ =	shalt  }
0x42: {  	_ =	shalt  }
0x43: {  	_ =	shalt  }
0x44: {  	_ =	shalt  }
0x45: {  	_ =	shalt  }
0x46: {  	_ =	shalt  }
0x47: {  	_ =	shalt  }
0x48: {  	_ =	shalt  }
0x49: {  	_ =	shalt  }
0x4a: {  	_ =	shalt  }
0x4b: {  	_ =	shalt  }
0x4c: {  	_ =	shalt  }
0x4d: {  	_ =	shalt  }
0x4e: {  	_ =	shalt  }
0x4f: {  	_ =	shalt  }
0x50: {  	_ =	shalt  }
0x51: {  	_ =	shalt  }
0x52: {  	_ =	shalt  }
0x53: {  	_ =	shalt  }
0x54: {  	_ =	shalt  }
0x55: {  	_ =	shalt  }
0x56: {  	_ =	shalt  }
0x57: {  	_ =	shalt  }
0x58: {  	_ =	shalt  }
0x59: {  	_ =	shalt  }
0x5a: {  	_ =	shalt  }
0x5b: {  	_ =	shalt  }
0x5c: {  	_ =	shalt  }
0x5d: {  	_ =	shalt  }
0x5e: {  	_ =	shalt  }
0x5f: {  	_ =	shalt  }
0x60: {  	_ =	shalt  }
0x61: {  	_ =	shalt  }
0x62: {  	_ =	shalt  }
0x63: {  	_ =	shalt  }
0x64: {  	_ =	shalt  }
0x65: {  	_ =	shalt  }
0x66: {  	_ =	shalt  }
0x67: {  	_ =	shalt  }
0x68: {  	_ =	shalt  }
0x69: {  	_ =	shalt  }
0x6a: {  	_ =	shalt  }
0x6b: {  	_ =	shalt  }
0x6c: {  	_ =	shalt  }
0x6d: {  	_ =	shalt  }
0x6e: {  	_ =	shalt  }
0x6f: {  	_ =	shalt  }
0x70: {  	_ =	shalt  }
0x71: {  	_ =	shalt  }
0x72: {  	_ =	shalt  }
0x73: {  	_ =	shalt  }
0x74: {  	_ =	shalt  }
0x75: {  	_ =	shalt  }
0x76: {  	_ =	shalt  }
0x77: {  	_ =	shalt  }
0x78: {  	_ =	shalt  }
0x79: {  	_ =	shalt  }
0x7a: {  	_ =	shalt  }
0x7b: {  	_ =	shalt  }
0x7c: {  	_ =	shalt  }
0x7d: {  	_ =	shalt  }
0x7e: {  	_ =	shalt  }
0x7f: {  	_ =	shalt  }
0x80: {  	_ =	shalt  }
0x81: {  	_ =	shalt  }
0x82: {  	_ =	shalt  }
0x83: {  	_ =	shalt  }
0x84: {  	_ =	shalt  }
0x85: {  	_ =	shalt  }
0x86: {  	_ =	shalt  }
0x87: {  	_ =	shalt  }
.Lfunc_end0:
.L_simem_size_0:
called_computation.3_lowered:
.L_overlay_start_0:
0x88: {  	s2 =	sld [smem:$0x3FD9]  }
0x89: {  	s3 =	sld [smem:$0x3FFE];
	_ =	sdelay $0x1  }
0x8a: {  	s1 =	srdreg.scid  }
0x8b: {  	s0 =	sand.u32 $0x1, s1  }
0x8c: {  	s16 =	sshll.u32 s0, $0xA;
	s2 =	sadd.s32 s3, s2  }
0x8d: {  	s2 =	sadd.s32 s2, s16  }
0x8e: {  	[smem:$0x3FBB] =	sst s2  }
0x8f: {  	_ = 	snop  }
0x90: {  	(tm) =	ssettm $0x1  }
0x91: {  	s17 =	sld [smem:$0x3FFB];
	_ =	sdelay $0x3  }
0x92: {  	_ =	strace s17  }
0x93: {  	s2 =	sld [smem:$0x3FFC];
	_ =	sdelay $0x3  }
0x94: {  	_ =	strace s2  }
0x95: {  	s2 =	sld [smem:$0x3FFD];
	_ =	sdelay $0x3  }
0x96: {  	_ =	strace s2  }
0x97: {  	_ =	strace $0x8FFFFFFF  }
0x98: {  	s18 =	sld [smem:$0x3FDB];
	_ =	sdelay $0x1  }
0x99: {  	s19 =	simm.s32 $_scs_section_size  }
0x9a: {  	s4 =	simm.s32 $_size__tile_overlayer_lowered;
	s5 =	simm.s32 $_tile_overlayer_lowered  }
0x9b: {  	s22 =	simm.s32 $0x1BFF;
	s21 =	sshll.u32 s5, $0x1;
	s2 =	sadd.s32 s19, s18  }
0x9c: {  	s6 =	simm.s32 $0x0;
	s20 =	sshll.u32 s4, $0x1;
	s4 =	sadd.s32 s21, s2  }
0x9d: {  	[timem:s6], [sflag:s22] =	dma.local [hbm:s4], s20  }
0x9e: {  	_ =	swait.ge [sflag:s22], s20  }
0x9f: {  	s3 =	ssub.s32 $0x0, s20;
	[sflag:s22] =	ssyncset.done $0x0  }
0xa0: {  	[sflag:s22] =	ssyncadd.s32 s3;
	_ =	sdelay $0x1  }
0xa1: {  	s23 =	simm.s32 $0x1B8B  }
0xa2: {  	_ =	swait.ge [sflag:s23], $0x1  }
0xa3: {  	[sflag:s23] =	ssyncset.done $0x0  }
0xa4: {  	s25 =	simm.s32 $0x1B8E;
	s24 =	sld [smem:$0x3FFE];
	[sflag:s23] =	ssyncadd.s32 $0xFFFFFFFF  }
0xa5: {  	s26 =	simm.s32 $execute0_lowered;
	[smem:$0x3FD2] =	sst s25  }
0xa6: {  	s4 =	sshll.u32 s26, $0x1;
	_ =	strace $0x8000004F;
	[dreg:$0x1] =	wrdreg $0xFFFFFFFF  }
0xa7: {  	s28 =	simm.s32 $_size_execute0_lowered;
	s2 =	sadd.s32 s2, s4;
	[dreg:$0x0] =	wrdreg $0x0  }
0xa8: {  	s4 =	sshll.u32 s28, $0x1;
	[dreg:$0x2] =	wrdreg s2  }
0xa9: {  	[dreg:$0x3] =	wrdreg s4  }
0xaa: {  	[dreg:$0x4] =	wrdreg $0xC0  }
0xab: {  	_ =	task [dreg:s6], $0x5FFFF  }
0xac: {  	[dreg:$0x1] =	wrdreg $0xFFFFFFFF  }
0xad: {  	[dreg:$0x0] =	wrdreg $0x60  }
0xae: {  	[dreg:$0x2] =	wrdreg s24  }
0xaf: {  	[dreg:$0x3] =	wrdreg $0x17C000  }
0xb0: {  	[dreg:$0x4] =	wrdreg $0x9  }
0xb1: {  	_ =	task.clear_ibuf [dreg:s6], $0x5FFFF;
	_ =	strace $0x9000004F  }
0xb2: {  	s29 =	simm.s32 $0x9;
	_ =	strace $0x80000051  }
0xb3: {  	_ =	swait.ge [sflag:s29], $0x1  }
0xb4: {  	[sflag:s29] =	ssyncadd.s32 $0xFFFFFFFF  }
0xb5: {  	_ =	strace $0x90000051  }
0xb6: {  	_ =	sfence  }
0xb7: {  	s30 =	sld [smem:$0x0];
	_ =	sdelay $0x2  }
0xb8: {  	s31 =	sshll.u32 s1, $0xD;
	s1 =	sshrl.u32 s1, $0x2  }
0xb9: {  	s3 =	sand.u32 $0x4000, s31;
	s1 =	sadd.s32 s1, s30  }
0xba: {  	s0 =	sor.u32 s3, s0;
	s1 =	sshll.u32 s1, $0x11  }
0xbb: {  	s0 =	sor.u32 s1, s0  }
0xbc: {  	s0 =	sadd.s32 $0x8F2B, s0  }
0xbd: {  	[sflag:s0] =	ssyncadd.remote.s32 $0x1  }
0xbe: {  	_ =	sfence.sel $0xFFFF  }
0xbf: {  	[dreg:$0x0] =	wrdreg $0xFFFFFFFF;
	(pc) =	sbr.abs _section_cstart, $3  }
0xc0: {  	[dreg:$0x1] =	wrdreg $0xFFFFFFFF  }
0xc1: {  	_ =	task.clear_ibuf [dreg:s6], $0x2FFFF;
	_ =	strace $0x9FFFFFFF  }
0xc2: {  	(tm) =	ssettm $0x7FFFFFFF  }
0xc3: {  	_ =	shalt  }
tec
execute0_lowered:
.L_overlay_start_1:
0x0: {  	(tag) =	ssettag $0x1  }
0x1: {  	s0 =	srdreg.scid;
	s4 =	rddreg [dreg:$0x0]  }
0x2: {  	s6 =	stileid.u32;
	s2 =	rddreg [dreg:$0x1]  }
0x3: {  	s3 =	simm.s32 $0x0;
	s10 =	simm.s32 $0x2;
	s11 =	simm.s32 $0x1400  }
0x4: {  	s12 =	simm.s32 $0x80;
	s17 =	simm.s32 $0x1000;
	s18 =	simm.s32 $0x11400  }
0x5: {  	s19 =	simm.s32 $0x1080;
	s20 =	simm.s32 $0x11C00;
	s21 =	simm.s32 $0x1100  }
0x6: {  	s22 =	simm.s32 $0x12400;
	s23 =	simm.s32 $0x1180;
	s24 =	simm.s32 $0x12C00  }
0x7: {  	s28 =	simm.s32 $0x13400;
	s29 =	simm.s32 $0x1280;
	s30 =	simm.s32 $0x13C00  }
0x8: {  	s31 =	simm.s32 $0x1300;
	s13 =	simm.s32 $0x14C00;
	s14 =	simm.s32 $0x0  }
0x9: {  	s0 =	sand.u32 $0x1, s0;
	s1 =	sshll.u32 s6, $0x1;
	s6 =	smul.u32 $0x2800, s6  }
0xa: {  	[smem:$0x7FF] =	sst s3;
	s1 =	sor.u32 s0, s1;
	s7 =	smul.u32 $0x28000, s0  }
0xb: {  	_ =	strace $0x80000050;
	s0 =	ssub.s32 $0x2, s0;
	s5 =	smul.u32 $0x2800, s1  }
0xc: {  	s1 =	smul.u32 $0x280, s1;
	s26 =	sshrl.u32 s0, $0x1;
	s25 =	sadd.s32 s6, s7  }
0xd: {  	s0 =	ssub.s32 s0, s26;
	s26 =	simm.s32 $0x1;
	s8 =	sadd.s32 s5, s4  }
0xe: {  	s1 =	sadd.s32 s1, s4;
	s5 =	sshrl.u32 s25, $0x3;
	s25 =	simm.s32 $0x1200  }
0xf: {  	s9 =	sadd.s32 s5, s4;
	s4 =	sadd.s32 s6, s2;
	s5 =	sadd.s32 $0x8CE00, s1  }
0x10: {  	s6 =	sadd.s32 $0x91E00, s8;
	s8 =	smax.u32 s0, $0x1;
	s1 =	simm.s32 $0x14400  }
0x11: {  	v0 =	vimm.f32 $0.0e+00;
	s0 =	simm.s32 $0x1380;
	s7 =	sadd.s32 $0x2BE00, s9;
	s9 =	simm.s32 $0x15400  }
.LBB2_1:
0x12: {  	s15 =	simm.s32 $0x40;
	s16 =	simm.s32 $0x0  }
.LBB2_2:
0x13: {  	p0 =	sne.s32 s15, $0x9FC0;
	[tilespmem:s16+$0x15400] =	vst v0;
	s16 =	smov.u32 s15;
	s15 =	sadd.s32 $0x40, s15  }
.Ltmp0:
0x14: {  	(pc) =	sbr.rel @p0 .LBB2_2-.Ltmp0, $2  }
0x15: {  	_ =	sdelay $0x2  }
0x16: {  	s16 =	sshra.s32 s16, $0x2  }
0x17: {  	[tilespmem:s16+$0x15400] =	vst v0  }
0x18: {  	[spmem:s4] =	stream.linear.scatter [tilespmem:s9], [sflag:$0x2], $0x2800, $0x38;
	[tilespmem:$0x1A400] =	vst v63  }
0x19: {  	_ =	swait.ge [sflag:s10], $0x2800  }
0x1a: {  	[sflag:s10] =	ssyncset.done $0x0  }
0x1b: {  	[sflag:s10] =	ssyncadd.s32 $0xFFFFD800  }
0x1c: {  	[bflag:$0x0] =	sbarrier.arrive $0xFFFF  }
0x1d: {  	[tilespmem:s3], [sflag:$0x2] =	stream.linear.gather [hbm4b:s5+s3], $0x1400, $0x38;
	[tilespmem:$0x1A400] =	vst v63  }
0x1e: {  	_ =	swait.ge [sflag:s10], $0x1400  }
0x1f: {  	[sflag:s10] =	ssyncset.done $0x0  }
0x20: {  	[sflag:s10] =	ssyncadd.s32 $0xFFFFEC00  }
0x21: {  	[tilespmem:s11], [sflag:$0x2] =	stream.linear.gather [hbm4b:s6+s3], $0x14000, $0x38;
	[tilespmem:$0x1A400] =	vst v63  }
0x22: {  	_ =	swait.ge [sflag:s10], $0x14000  }
0x23: {  	[sflag:s10] =	ssyncset.done $0x0  }
0x24: {  	[sflag:s10] =	ssyncadd.s32 $0xFFFEC000  }
0x25: {  	[spmem:s2] =	stream.indirect.scatter.add.f32 [tilespmem:s11], [sflag:$0x1], $0x10, s3, s12, $0xb8;
	[tilespmem:$0x1A400] =	vst v63  }
0x26: {  	s15 =	simm.s32 $0x1C00  }
0x27: {  	[spmem:s2] =	stream.indirect.scatter.add.f32 [tilespmem:s15], [sflag:$0x1], $0x10, s12, s12, $0xb8;
	[tilespmem:$0x1A400] =	vst v63  }
0x28: {  	s16 =	simm.s32 $0x2400;
	s15 =	simm.s32 $0x100  }
0x29: {  	[spmem:s2] =	stream.indirect.scatter.add.f32 [tilespmem:s16], [sflag:$0x1], $0x10, s15, s12, $0xb8;
	[tilespmem:$0x1A400] =	vst v63  }
0x2a: {  	s15 =	simm.s32 $0x180;
	s16 =	simm.s32 $0x2C00  }
0x2b: {  	[spmem:s2] =	stream.indirect.scatter.add.f32 [tilespmem:s16], [sflag:$0x1], $0x10, s15, s12, $0xb8;
	[tilespmem:$0x1A400] =	vst v63  }
0x2c: {  	s15 =	simm.s32 $0x200;
	s16 =	simm.s32 $0x3400  }
0x2d: {  	[spmem:s2] =	stream.indirect.scatter.add.f32 [tilespmem:s16], [sflag:$0x1], $0x10, s15, s12, $0xb8;
	[tilespmem:$0x1A400] =	vst v63  }
0x2e: {  	s15 =	simm.s32 $0x280;
	s16 =	simm.s32 $0x3C00  }
0x2f: {  	[spmem:s2] =	stream.indirect.scatter.add.f32 [tilespmem:s16], [sflag:$0x1], $0x10, s15, s12, $0xb8;
	[tilespmem:$0x1A400] =	vst v63  }
0x30: {  	s15 =	simm.s32 $0x300;
	s16 =	simm.s32 $0x4400  }
0x31: {  	[spmem:s2] =	stream.indirect.scatter.add.f32 [tilespmem:s16], [sflag:$0x1], $0x10, s15, s12, $0xb8;
	[tilespmem:$0x1A400] =	vst v63  }
0x32: {  	s15 =	simm.s32 $0x380;
	s16 =	simm.s32 $0x4C00  }
0x33: {  	[spmem:s2] =	stream.indirect.scatter.add.f32 [tilespmem:s16], [sflag:$0x1], $0x10, s15, s12, $0xb8;
	[tilespmem:$0x1A400] =	vst v63  }
0x34: {  	_ =	swait.ge [sflag:s26], $0x800  }
0x35: {  	[sflag:s26] =	ssyncset.done $0x0  }
0x36: {  	[sflag:s26] =	ssyncadd.s32 $0xFFFFF800  }
0x37: {  	_ =	swait.ge [sflag:s26], $0x800  }
0x38: {  	[sflag:s26] =	ssyncset.done $0x0  }
0x39: {  	[sflag:s26] =	ssyncadd.s32 $0xFFFFF800  }
0x3a: {  	_ =	swait.ge [sflag:s26], $0x800  }
0x3b: {  	[sflag:s26] =	ssyncset.done $0x0  }
0x3c: {  	[sflag:s26] =	ssyncadd.s32 $0xFFFFF800  }
0x3d: {  	_ =	swait.ge [sflag:s26], $0x800  }
0x3e: {  	[sflag:s26] =	ssyncset.done $0x0  }
0x3f: {  	[sflag:s26] =	ssyncadd.s32 $0xFFFFF800  }
0x40: {  	_ =	swait.ge [sflag:s26], $0x800  }
0x41: {  	[sflag:s26] =	ssyncset.done $0x0  }
0x42: {  	[sflag:s26] =	ssyncadd.s32 $0xFFFFF800  }
0x43: {  	_ =	swait.ge [sflag:s26], $0x800  }
0x44: {  	[sflag:s26] =	ssyncset.done $0x0  }
0x45: {  	[sflag:s26] =	ssyncadd.s32 $0xFFFFF800  }
0x46: {  	_ =	swait.ge [sflag:s26], $0x800  }
0x47: {  	[sflag:s26] =	ssyncset.done $0x0  }
0x48: {  	[sflag:s26] =	ssyncadd.s32 $0xFFFFF800  }
0x49: {  	_ =	swait.ge [sflag:s26], $0x800  }
0x4a: {  	[sflag:s26] =	ssyncset.done $0x0  }
0x4b: {  	s15 =	simm.s32 $0x400;
	s16 =	simm.s32 $0x5400;
	[sflag:s26] =	ssyncadd.s32 $0xFFFFF800  }
0x4c: {  	[spmem:s2] =	stream.indirect.scatter.add.f32 [tilespmem:s16], [sflag:$0x1], $0x10, s15, s12, $0xb8;
	[tilespmem:$0x1A400] =	vst v63  }
0x4d: {  	s15 =	simm.s32 $0x480;
	s16 =	simm.s32 $0x5C00  }
0x4e: {  	[spmem:s2] =	stream.indirect.scatter.add.f32 [tilespmem:s16], [sflag:$0x1], $0x10, s15, s12, $0xb8;
	[tilespmem:$0x1A400] =	vst v63  }
0x4f: {  	s15 =	simm.s32 $0x500;
	s16 =	simm.s32 $0x6400  }
0x50: {  	[spmem:s2] =	stream.indirect.scatter.add.f32 [tilespmem:s16], [sflag:$0x1], $0x10, s15, s12, $0xb8;
	[tilespmem:$0x1A400] =	vst v63  }
0x51: {  	s15 =	simm.s32 $0x580;
	s16 =	simm.s32 $0x6C00  }
0x52: {  	[spmem:s2] =	stream.indirect.scatter.add.f32 [tilespmem:s16], [sflag:$0x1], $0x10, s15, s12, $0xb8;
	[tilespmem:$0x1A400] =	vst v63  }
0x53: {  	s15 =	simm.s32 $0x600;
	s16 =	simm.s32 $0x7400  }
0x54: {  	[spmem:s2] =	stream.indirect.scatter.add.f32 [tilespmem:s16], [sflag:$0x1], $0x10, s15, s12, $0xb8;
	[tilespmem:$0x1A400] =	vst v63  }
0x55: {  	s15 =	simm.s32 $0x680;
	s16 =	simm.s32 $0x7C00  }
0x56: {  	[spmem:s2] =	stream.indirect.scatter.add.f32 [tilespmem:s16], [sflag:$0x1], $0x10, s15, s12, $0xb8;
	[tilespmem:$0x1A400] =	vst v63  }
0x57: {  	s15 =	simm.s32 $0x700;
	s16 =	simm.s32 $0x8400  }
0x58: {  	[spmem:s2] =	stream.indirect.scatter.add.f32 [tilespmem:s16], [sflag:$0x1], $0x10, s15, s12, $0xb8;
	[tilespmem:$0x1A400] =	vst v63  }
0x59: {  	s15 =	simm.s32 $0x780;
	s16 =	simm.s32 $0x8C00  }
0x5a: {  	[spmem:s2] =	stream.indirect.scatter.add.f32 [tilespmem:s16], [sflag:$0x1], $0x10, s15, s12, $0xb8;
	[tilespmem:$0x1A400] =	vst v63  }
0x5b: {  	_ =	swait.ge [sflag:s26], $0x800  }
0x5c: {  	[sflag:s26] =	ssyncset.done $0x0  }
0x5d: {  	[sflag:s26] =	ssyncadd.s32 $0xFFFFF800  }
0x5e: {  	_ =	swait.ge [sflag:s26], $0x800  }
0x5f: {  	[sflag:s26] =	ssyncset.done $0x0  }
0x60: {  	[sflag:s26] =	ssyncadd.s32 $0xFFFFF800  }
0x61: {  	_ =	swait.ge [sflag:s26], $0x800  }
0x62: {  	[sflag:s26] =	ssyncset.done $0x0  }
0x63: {  	[sflag:s26] =	ssyncadd.s32 $0xFFFFF800  }
0x64: {  	_ =	swait.ge [sflag:s26], $0x800  }
0x65: {  	[sflag:s26] =	ssyncset.done $0x0  }
0x66: {  	[sflag:s26] =	ssyncadd.s32 $0xFFFFF800  }
0x67: {  	_ =	swait.ge [sflag:s26], $0x800  }
0x68: {  	[sflag:s26] =	ssyncset.done $0x0  }
0x69: {  	[sflag:s26] =	ssyncadd.s32 $0xFFFFF800  }
0x6a: {  	_ =	swait.ge [sflag:s26], $0x800  }
0x6b: {  	[sflag:s26] =	ssyncset.done $0x0  }
0x6c: {  	[sflag:s26] =	ssyncadd.s32 $0xFFFFF800  }
0x6d: {  	_ =	swait.ge [sflag:s26], $0x800  }
0x6e: {  	[sflag:s26] =	ssyncset.done $0x0  }
0x6f: {  	[sflag:s26] =	ssyncadd.s32 $0xFFFFF800  }
0x70: {  	_ =	swait.ge [sflag:s26], $0x800  }
0x71: {  	[sflag:s26] =	ssyncset.done $0x0  }
0x72: {  	s15 =	simm.s32 $0x800;
	s16 =	simm.s32 $0x9400;
	[sflag:s26] =	ssyncadd.s32 $0xFFFFF800  }
0x73: {  	[spmem:s2] =	stream.indirect.scatter.add.f32 [tilespmem:s16], [sflag:$0x1], $0x10, s15, s12, $0xb8;
	[tilespmem:$0x1A400] =	vst v63  }
0x74: {  	s15 =	simm.s32 $0x880;
	s16 =	simm.s32 $0x9C00  }
0x75: {  	[spmem:s2] =	stream.indirect.scatter.add.f32 [tilespmem:s16], [sflag:$0x1], $0x10, s15, s12, $0xb8;
	[tilespmem:$0x1A400] =	vst v63  }
0x76: {  	s15 =	simm.s32 $0x900;
	s16 =	simm.s32 $0xA400  }
0x77: {  	[spmem:s2] =	stream.indirect.scatter.add.f32 [tilespmem:s16], [sflag:$0x1], $0x10, s15, s12, $0xb8;
	[tilespmem:$0x1A400] =	vst v63  }
0x78: {  	s15 =	simm.s32 $0x980;
	s16 =	simm.s32 $0xAC00  }
0x79: {  	[spmem:s2] =	stream.indirect.scatter.add.f32 [tilespmem:s16], [sflag:$0x1], $0x10, s15, s12, $0xb8;
	[tilespmem:$0x1A400] =	vst v63  }
0x7a: {  	s15 =	simm.s32 $0xA00;
	s16 =	simm.s32 $0xB400  }
0x7b: {  	[spmem:s2] =	stream.indirect.scatter.add.f32 [tilespmem:s16], [sflag:$0x1], $0x10, s15, s12, $0xb8;
	[tilespmem:$0x1A400] =	vst v63  }
0x7c: {  	s15 =	simm.s32 $0xA80;
	s16 =	simm.s32 $0xBC00  }
0x7d: {  	[spmem:s2] =	stream.indirect.scatter.add.f32 [tilespmem:s16], [sflag:$0x1], $0x10, s15, s12, $0xb8;
	[tilespmem:$0x1A400] =	vst v63  }
0x7e: {  	s15 =	simm.s32 $0xB00;
	s16 =	simm.s32 $0xC400  }
0x7f: {  	[spmem:s2] =	stream.indirect.scatter.add.f32 [tilespmem:s16], [sflag:$0x1], $0x10, s15, s12, $0xb8;
	[tilespmem:$0x1A400] =	vst v63  }
0x80: {  	s15 =	simm.s32 $0xB80;
	s16 =	simm.s32 $0xCC00  }
0x81: {  	[spmem:s2] =	stream.indirect.scatter.add.f32 [tilespmem:s16], [sflag:$0x1], $0x10, s15, s12, $0xb8;
	[tilespmem:$0x1A400] =	vst v63  }
0x82: {  	_ =	swait.ge [sflag:s26], $0x800  }
0x83: {  	[sflag:s26] =	ssyncset.done $0x0  }
0x84: {  	[sflag:s26] =	ssyncadd.s32 $0xFFFFF800  }
0x85: {  	_ =	swait.ge [sflag:s26], $0x800  }
0x86: {  	[sflag:s26] =	ssyncset.done $0x0  }
0x87: {  	[sflag:s26] =	ssyncadd.s32 $0xFFFFF800  }
0x88: {  	_ =	swait.ge [sflag:s26], $0x800  }
0x89: {  	[sflag:s26] =	ssyncset.done $0x0  }
0x8a: {  	[sflag:s26] =	ssyncadd.s32 $0xFFFFF800  }
0x8b: {  	_ =	swait.ge [sflag:s26], $0x800  }
0x8c: {  	[sflag:s26] =	ssyncset.done $0x0  }
0x8d: {  	[sflag:s26] =	ssyncadd.s32 $0xFFFFF800  }
0x8e: {  	_ =	swait.ge [sflag:s26], $0x800  }
0x8f: {  	[sflag:s26] =	ssyncset.done $0x0  }
0x90: {  	[sflag:s26] =	ssyncadd.s32 $0xFFFFF800  }
0x91: {  	_ =	swait.ge [sflag:s26], $0x800  }
0x92: {  	[sflag:s26] =	ssyncset.done $0x0  }
0x93: {  	[sflag:s26] =	ssyncadd.s32 $0xFFFFF800  }
0x94: {  	_ =	swait.ge [sflag:s26], $0x800  }
0x95: {  	[sflag:s26] =	ssyncset.done $0x0  }
0x96: {  	[sflag:s26] =	ssyncadd.s32 $0xFFFFF800  }
0x97: {  	_ =	swait.ge [sflag:s26], $0x800  }
0x98: {  	[sflag:s26] =	ssyncset.done $0x0  }
0x99: {  	s15 =	simm.s32 $0xC00;
	s16 =	simm.s32 $0xD400;
	[sflag:s26] =	ssyncadd.s32 $0xFFFFF800  }
0x9a: {  	[spmem:s2] =	stream.indirect.scatter.add.f32 [tilespmem:s16], [sflag:$0x1], $0x10, s15, s12, $0xb8;
	[tilespmem:$0x1A400] =	vst v63  }
0x9b: {  	s15 =	simm.s32 $0xC80;
	s16 =	simm.s32 $0xDC00  }
0x9c: {  	[spmem:s2] =	stream.indirect.scatter.add.f32 [tilespmem:s16], [sflag:$0x1], $0x10, s15, s12, $0xb8;
	[tilespmem:$0x1A400] =	vst v63  }
0x9d: {  	s15 =	simm.s32 $0xD00;
	s16 =	simm.s32 $0xE400  }
0x9e: {  	[spmem:s2] =	stream.indirect.scatter.add.f32 [tilespmem:s16], [sflag:$0x1], $0x10, s15, s12, $0xb8;
	[tilespmem:$0x1A400] =	vst v63  }
0x9f: {  	s15 =	simm.s32 $0xD80;
	s16 =	simm.s32 $0xEC00  }
0xa0: {  	[spmem:s2] =	stream.indirect.scatter.add.f32 [tilespmem:s16], [sflag:$0x1], $0x10, s15, s12, $0xb8;
	[tilespmem:$0x1A400] =	vst v63  }
0xa1: {  	s15 =	simm.s32 $0xE00;
	s16 =	simm.s32 $0xF400  }
0xa2: {  	[spmem:s2] =	stream.indirect.scatter.add.f32 [tilespmem:s16], [sflag:$0x1], $0x10, s15, s12, $0xb8;
	[tilespmem:$0x1A400] =	vst v63  }
0xa3: {  	s15 =	simm.s32 $0xE80;
	s16 =	simm.s32 $0xFC00  }
0xa4: {  	[spmem:s2] =	stream.indirect.scatter.add.f32 [tilespmem:s16], [sflag:$0x1], $0x10, s15, s12, $0xb8;
	[tilespmem:$0x1A400] =	vst v63  }
0xa5: {  	s15 =	simm.s32 $0xF00;
	s16 =	simm.s32 $0x10400  }
0xa6: {  	[spmem:s2] =	stream.indirect.scatter.add.f32 [tilespmem:s16], [sflag:$0x1], $0x10, s15, s12, $0xb8;
	[tilespmem:$0x1A400] =	vst v63  }
0xa7: {  	s15 =	simm.s32 $0xF80;
	s16 =	simm.s32 $0x10C00  }
0xa8: {  	[spmem:s2] =	stream.indirect.scatter.add.f32 [tilespmem:s16], [sflag:$0x1], $0x10, s15, s12, $0xb8;
	[tilespmem:$0x1A400] =	vst v63  }
0xa9: {  	_ =	swait.ge [sflag:s26], $0x800  }
0xaa: {  	[sflag:s26] =	ssyncset.done $0x0  }
0xab: {  	[sflag:s26] =	ssyncadd.s32 $0xFFFFF800  }
0xac: {  	_ =	swait.ge [sflag:s26], $0x800  }
0xad: {  	[sflag:s26] =	ssyncset.done $0x0  }
0xae: {  	[sflag:s26] =	ssyncadd.s32 $0xFFFFF800  }
0xaf: {  	_ =	swait.ge [sflag:s26], $0x800  }
0xb0: {  	[sflag:s26] =	ssyncset.done $0x0  }
0xb1: {  	[sflag:s26] =	ssyncadd.s32 $0xFFFFF800  }
0xb2: {  	_ =	swait.ge [sflag:s26], $0x800  }
0xb3: {  	[sflag:s26] =	ssyncset.done $0x0  }
0xb4: {  	[sflag:s26] =	ssyncadd.s32 $0xFFFFF800  }
0xb5: {  	_ =	swait.ge [sflag:s26], $0x800  }
0xb6: {  	[sflag:s26] =	ssyncset.done $0x0  }
0xb7: {  	[sflag:s26] =	ssyncadd.s32 $0xFFFFF800  }
0xb8: {  	_ =	swait.ge [sflag:s26], $0x800  }
0xb9: {  	[sflag:s26] =	ssyncset.done $0x0  }
0xba: {  	[sflag:s26] =	ssyncadd.s32 $0xFFFFF800  }
0xbb: {  	_ =	swait.ge [sflag:s26], $0x800  }
0xbc: {  	[sflag:s26] =	ssyncset.done $0x0  }
0xbd: {  	[sflag:s26] =	ssyncadd.s32 $0xFFFFF800  }
0xbe: {  	_ =	swait.ge [sflag:s26], $0x800  }
0xbf: {  	[sflag:s26] =	ssyncset.done $0x0  }
0xc0: {  	[sflag:s26] =	ssyncadd.s32 $0xFFFFF800  }
0xc1: {  	[spmem:s2] =	stream.indirect.scatter.add.f32 [tilespmem:s18], [sflag:$0x1], $0x10, s17, s12, $0xb8;
	[tilespmem:$0x1A400] =	vst v63  }
0xc2: {  	_ = 	snop  }
0xc3: {  	[spmem:s2] =	stream.indirect.scatter.add.f32 [tilespmem:s20], [sflag:$0x1], $0x10, s19, s12, $0xb8;
	[tilespmem:$0x1A400] =	vst v63  }
0xc4: {  	_ = 	snop  }
0xc5: {  	[spmem:s2] =	stream.indirect.scatter.add.f32 [tilespmem:s22], [sflag:$0x1], $0x10, s21, s12, $0xb8;
	[tilespmem:$0x1A400] =	vst v63  }
0xc6: {  	_ = 	snop  }
0xc7: {  	[spmem:s2] =	stream.indirect.scatter.add.f32 [tilespmem:s24], [sflag:$0x1], $0x10, s23, s12, $0xb8;
	[tilespmem:$0x1A400] =	vst v63  }
0xc8: {  	_ = 	snop  }
0xc9: {  	[spmem:s2] =	stream.indirect.scatter.add.f32 [tilespmem:s28], [sflag:$0x1], $0x10, s25, s12, $0xb8;
	[tilespmem:$0x1A400] =	vst v63  }
0xca: {  	_ = 	snop  }
0xcb: {  	[spmem:s2] =	stream.indirect.scatter.add.f32 [tilespmem:s30], [sflag:$0x1], $0x10, s29, s12, $0xb8;
	[tilespmem:$0x1A400] =	vst v63  }
0xcc: {  	_ = 	snop  }
0xcd: {  	[spmem:s2] =	stream.indirect.scatter.add.f32 [tilespmem:s1], [sflag:$0x1], $0x10, s31, s12, $0xb8;
	[tilespmem:$0x1A400] =	vst v63  }
0xce: {  	_ = 	snop  }
0xcf: {  	[spmem:s2] =	stream.indirect.scatter.add.f32 [tilespmem:s13], [sflag:$0x1], $0x10, s0, s12, $0xb8;
	[tilespmem:$0x1A400] =	vst v63  }
0xd0: {  	_ =	swait.ge [sflag:s26], $0x800  }
0xd1: {  	[sflag:s26] =	ssyncset.done $0x0  }
0xd2: {  	[sflag:s26] =	ssyncadd.s32 $0xFFFFF800  }
0xd3: {  	_ =	swait.ge [sflag:s26], $0x800  }
0xd4: {  	[sflag:s26] =	ssyncset.done $0x0  }
0xd5: {  	[sflag:s26] =	ssyncadd.s32 $0xFFFFF800  }
0xd6: {  	_ =	swait.ge [sflag:s26], $0x800  }
0xd7: {  	[sflag:s26] =	ssyncset.done $0x0  }
0xd8: {  	[sflag:s26] =	ssyncadd.s32 $0xFFFFF800  }
0xd9: {  	_ =	swait.ge [sflag:s26], $0x800  }
0xda: {  	[sflag:s26] =	ssyncset.done $0x0  }
0xdb: {  	[sflag:s26] =	ssyncadd.s32 $0xFFFFF800  }
0xdc: {  	_ =	swait.ge [sflag:s26], $0x800  }
0xdd: {  	[sflag:s26] =	ssyncset.done $0x0  }
0xde: {  	[sflag:s26] =	ssyncadd.s32 $0xFFFFF800  }
0xdf: {  	_ =	swait.ge [sflag:s26], $0x800  }
0xe0: {  	[sflag:s26] =	ssyncset.done $0x0  }
0xe1: {  	[sflag:s26] =	ssyncadd.s32 $0xFFFFF800  }
0xe2: {  	_ =	swait.ge [sflag:s26], $0x800  }
0xe3: {  	[sflag:s26] =	ssyncset.done $0x0  }
0xe4: {  	[sflag:s26] =	ssyncadd.s32 $0xFFFFF800  }
0xe5: {  	_ =	swait.ge [sflag:s26], $0x800  }
0xe6: {  	[sflag:s26] =	ssyncset.done $0x0  }
0xe7: {  	[sflag:s26] =	ssyncadd.s32 $0xFFFFF800  }
0xe8: {  	[bflag:$0x0] =	sbarrier.arrive $0xFFFF  }
0xe9: {  	[tilespmem:s9], [sflag:$0x2] =	stream.linear.gather [spmem:s4], $0x2800, $0x38;
	[tilespmem:$0x1A400] =	vst v63  }
0xea: {  	s14 =	sadd.s32 $0x1, s14;
	_ =	swait.ge [sflag:s10], $0x2800  }
0xeb: {  	p0 =	sne.s32 s14, s8;
	[sflag:s10] =	ssyncset.done $0x0  }
.Ltmp1:
0xec: {  	[sflag:s10] =	ssyncadd.s32 $0xFFFFD800;
	(pc) =	sbr.rel @p0 .LBB2_1-.Ltmp1, $4  }
0xed: {  	[hbm4b:s7+s3] =	stream.linear.scatter [tilespmem:s9], [sflag:$0x2], $0x2800, $0x38;
	[tilespmem:$0x1A400] =	vst v63  }
0xee: {  	_ =	swait.ge [sflag:s10], $0x2800  }
0xef: {  	[sflag:s10] =	ssyncset.done $0x0  }
0xf0: {  	[sflag:s10] =	ssyncadd.s32 $0xFFFFD800  }
0xf1: {  	_ =	sfence.sel $0x180000  }
0xf2: {  	[bflag:$0x0] =	sbarrier.arrive $0xFFFF  }
0xf3: {  	_ =	strace $0x90000050  }
0xf4: {  	s0 =	stileid.u32;
	[bflag:$0x2] =	sbarrier.arrive $0xFFFF  }
0xf5: {  	p0 =	sne.s32 s0, $0x0;
	s0 =	rddreg [dreg:$0x2]  }
0xf6: {  	s0 =	sadd.s32 @!p0 $0x100000, s0  }
0xf7: {  	[sflag:s0] =	ssyncadd.tile.s32 @!p0 $0x1;
	_ =	shalt  }
.Lfunc_end2:
_tile_overlayer_lowered:
.L_overlay_start_2:
0xf8: {  	(tag) =	ssettag $0x2  }
0xf9: {  	s0 =	rddreg [dreg:$0x0];
	s2 =	stileid.u32  }
0xfa: {  	s1 =	rddreg [dreg:$0x1];
	p0 =	sne.s32 s2, $0x0  }
0xfb: {  	s3 =	rddreg [dreg:$0x2];
	[bflag:$0x3] =	sbarrier.arrive $0xFFFF;
	s2 =	simm.s32 @!p0 $0x1C02  }
0xfc: {  	[timem:s3], [sflag:s2] =	dma.local @!p0 [hbm:s0], s1  }
0xfd: {  	s0 =	simm.s32 @!p0 $0x2  }
0xfe: {  	_ =	swait.ge @!p0 [sflag:s0], s1  }
0xff: {  	s1 =	ssub.s32 @!p0 $0x0, s1;
	[sflag:s0] =	ssyncset.done @!p0 $0x0  }
0x100: {  	[sflag:s0] =	ssyncadd.s32 @!p0 s1  }
0x101: {  	[bflag:$0x3] =	sbarrier.arrive $0xFFFF  }
0x102: {  	_ =	shalt  }

</sc_bundles>
